<compile_context>
chip_gen: v7x
topology: tpu7x:2x2x1
jax: 0.10.2.dev20260603
libtpu: 0.0.44.dev20260713+nightly
codegen_flags: <defaults>
</compile_context>

<pallas_src>
import functools
import math

import jax
import jax.numpy as jnp
from jax import lax
from jax.experimental import pallas as pl
from jax.experimental.pallas import tpu as pltpu
from jax.experimental.pallas import tpu_sc as plsc

D_MODEL = 64
SCALE = math.sqrt(D_MODEL)
NC, NS, LANES = 2, 16, 16
NW = NC * NS

W = 128
SUB = 8
NBUF = 4


def _sc_embed(xT, lut_p):
    S, B0 = xT.shape
    n_blk = B0 // W
    bpw = n_blk // NW
    tpw = S * bpw
    mesh = plsc.VectorSubcoreMesh(core_axis_name="c", subcore_axis_name="s")

    @functools.partial(
        pl.kernel,
        out_type=jax.ShapeDtypeStruct((S, D_MODEL, B0), jnp.float32),
        mesh=mesh,
        compiler_params=pltpu.CompilerParams(needs_layout_passes=False),
        scratch_types=[
            pltpu.VMEM((S, bpw, W), jnp.int32),
            pltpu.VMEM((NBUF, W, W), jnp.float32),
            pltpu.VMEM((NBUF, D_MODEL // SUB, SUB, W), jnp.float32),
            [pltpu.SemaphoreType.DMA] * NBUF,
            [pltpu.SemaphoreType.DMA] * NBUF,
        ],
    )
    def k(x_hbm, lut_hbm, out_hbm, idx_v, rows_v, blk_v, gsems, wsems):
        wid = lax.axis_index("s") * NC + lax.axis_index("c")

        for ibl in range(bpw):
            pltpu.sync_copy(
                x_hbm.at[:, pl.ds((wid * bpw + ibl) * W, W)],
                idx_v.at[:, ibl],
            )

        iota = lax.iota(jnp.int32, LANES)
        d_hi = [2 * j + lax.shift_right_logical(iota, 3) for j in range(4)]
        d_lo = lax.bitwise_and(iota, SUB - 1)

        def task_sb(t):
            return t // bpw, t % bpw

        def gather_desc(t, b):
            s, ibl = task_sb(t)
            return pltpu.make_async_copy(
                lut_hbm.at[idx_v.at[s, ibl]], rows_v.at[b], gsems[b]
            )

        def write_descs(t, b):
            s, ibl = task_sb(t)
            col = (wid * bpw + ibl) * W
            return [
                pltpu.make_async_copy(
                    blk_v.at[b, dh],
                    out_hbm.at[s, pl.ds(dh * SUB, SUB), pl.ds(col, W)],
                    wsems[b],
                )
                for dh in range(D_MODEL // SUB)
            ]

        for b in range(2):
            gather_desc(b, b).start()

        @pl.loop(0, tpw // NBUF)
        def _(tt):
            t0 = tt * NBUF
            for b in range(NBUF):
                t = t0 + b
                pn = (b + 2) % NBUF

                @pl.when(t + 2 < tpw)
                def _():
                    @pl.when(t >= 2)
                    def _():
                        for d in write_descs(t - 2, pn):
                            d.wait()

                    gather_desc(t + 2, pn).start()

                gather_desc(t, b).wait()

                @plsc.parallel_loop(0, W, unroll=8)
                def _(i):
                    il = jnp.full((LANES,), i, jnp.int32)
                    for j in range(4):
                        v = rows_v[b, i, pl.ds(j * LANES, LANES)] * SCALE
                        plsc.store_scatter(
                            blk_v.at[b], [d_hi[j], d_lo, il], v
                        )

                for d in write_descs(t, b):
                    d.start()

        for d in write_descs(tpw - 2, (tpw - 2) % NBUF):
            d.wait()
        for d in write_descs(tpw - 1, (tpw - 1) % NBUF):
            d.wait()

    return k(xT, lut_p)


def kernel(x, lut):
    xT = jnp.transpose(x)
    lut_p = jnp.pad(lut, ((0, 0), (0, W - D_MODEL)))
    outT = _sc_embed(xT, lut_p)
    return jnp.transpose(outT, (2, 0, 1))

# --- scband reference (transcript-rebuilt; emitter-appended) ---
"""Pipeline reference for scband-embeddings-34385508172235 (READ-ONLY COPY).

The authoritative reference and input builder live on the scoring server;
editing this copy changes nothing except your own understanding.
"""

import jax, jax.numpy as jnp
import numpy as np
import math

D_MODEL = 64
VOCAB = 1000000

def setup_inputs(seed: int = 0) -> dict:
    key = jax.random.key(seed)
    k1, k2 = jax.random.split(key)
    x = jax.random.randint(k1, (16384, 50), 0, VOCAB, dtype=jnp.int64 if jax.config.jax_enable_x64 else jnp.int32)
    lut = jax.random.normal(k2, (VOCAB, D_MODEL), dtype=jnp.float32)
    return {"x": x, "lut": lut}

def reference(x, lut):
    # Embeddings.forward with task=None: self.lut(x) * sqrt(d_model)
    emb = jnp.take(lut, x, axis=0)
    return emb * math.sqrt(D_MODEL)

if __name__ == "__main__":
    import jax
    _d = setup_inputs()
    print(jax.jit(kernel)(*tuple(_d.values())))

</pallas_src>

<mosaic_0001>
#map = affine_map<(d0, d1) -> (0, 0)>
#map1 = affine_map<(d0, d1) -> (0, 0, 0)>
module attributes {stable_mosaic.version = 14 : i64} {
  func.func @k(%arg0: i32, %arg1: i32, %arg2: memref<50x16384xi32, #tpu.memory_space<hbm>>, %arg3: memref<1000000x128xf32, #tpu.memory_space<hbm>>, %arg4: memref<50x64x16384xf32, #tpu.memory_space<hbm>>, %arg5: memref<50x4x128xi32, #tpu.memory_space<vmem>>, %arg6: memref<4x128x128xf32, #tpu.memory_space<vmem>>, %arg7: memref<4x8x8x128xf32, #tpu.memory_space<vmem>>, %arg8: memref<!tpu.dma_semaphore, #tpu.memory_space<semaphore_mem>>, %arg9: memref<!tpu.dma_semaphore, #tpu.memory_space<semaphore_mem>>, %arg10: memref<!tpu.dma_semaphore, #tpu.memory_space<semaphore_mem>>, %arg11: memref<!tpu.dma_semaphore, #tpu.memory_space<semaphore_mem>>, %arg12: memref<!tpu.dma_semaphore, #tpu.memory_space<semaphore_mem>>, %arg13: memref<!tpu.dma_semaphore, #tpu.memory_space<semaphore_mem>>, %arg14: memref<!tpu.dma_semaphore, #tpu.memory_space<semaphore_mem>>, %arg15: memref<!tpu.dma_semaphore, #tpu.memory_space<semaphore_mem>>) attributes {dimension_semantics = [#tpu.dimension_semantics<core_parallel>, #tpu.dimension_semantics<subcore_parallel>], iteration_bounds = array<i64: 2, 16>, scalar_prefetch = 0 : i64, scratch_operands = 11 : i64, tpu.core_type = #tpu.core_type<sc_vector_subcore>, window_params = [{transform_indices = #map}, {transform_indices = #map}, {transform_indices = #map1}]} {
    %mul3A = arith.constant 2 : i32
    %mul3A_0 = arith.muli %arg1, %mul3A : i32
    %add3A = arith.addi %mul3A_0, %arg0 : i32
    %mul3A_1 = arith.constant 4 : i32
    %mul3A_2 = arith.muli %add3A, %mul3A_1 : i32
    %add3A_3 = arith.constant 0 : i32
    %add3A_4 = arith.addi %mul3A_2, %add3A_3 : i32
    %mul3A_5 = arith.constant 128 : i32
    %mul3A_6 = arith.muli %add3A_4, %mul3A_5 : i32
    %run_scoped3A = arith.constant 0 : i32
    "tpu.region"() ({
      %run_scoped3A_365 = tpu.sem_alloc : memref<!tpu.dma_semaphore, #tpu.memory_space<semaphore_mem>>
      %dma_start3A_366 = arith.constant 0 : i32
      %dma_start3A_367 = arith.constant 0 : i32
      %dma_start3A_368 = tpu.memref_slice %arg5[%dma_start3A_366, %run_scoped3A, %dma_start3A_367] : memref<50x4x128xi32, #tpu.memory_space<vmem>> -> memref<50x1x128xi32, #tpu.memory_space<vmem>>
      %dma_start3A_369 = tpu.memref_squeeze %dma_start3A_368 : memref<50x1x128xi32, #tpu.memory_space<vmem>> -> memref<50x128xi32, #tpu.memory_space<vmem>>
      %dma_start3A_370 = arith.constant 0 : i32
      %dma_start3A_371 = tpu.memref_slice %arg2[%dma_start3A_370, %mul3A_6] : memref<50x16384xi32, #tpu.memory_space<hbm>> -> memref<50x128xi32, #tpu.memory_space<hbm>>
      %dma_start3A_372 = arith.constant 0 : i32
      %dma_start3A_373 = arith.constant 0 : i32
      %dma_start3A_374 = tpu.memref_slice %arg5[%dma_start3A_372, %run_scoped3A, %dma_start3A_373] : memref<50x4x128xi32, #tpu.memory_space<vmem>> -> memref<50x1x128xi32, #tpu.memory_space<vmem>>
      %dma_start3A_375 = tpu.memref_squeeze %dma_start3A_374 : memref<50x1x128xi32, #tpu.memory_space<vmem>> -> memref<50x128xi32, #tpu.memory_space<vmem>>
      %dma_start3A_376 = arith.constant 0 : i32
      %dma_start3A_377 = tpu.memref_slice %arg2[%dma_start3A_376, %mul3A_6] : memref<50x16384xi32, #tpu.memory_space<hbm>> -> memref<50x128xi32, #tpu.memory_space<hbm>>
      tpu.enqueue_dma source(%dma_start3A_377 : memref<50x128xi32, #tpu.memory_space<hbm>>) target(%dma_start3A_375 : memref<50x128xi32, #tpu.memory_space<vmem>>) target_semaphore(%run_scoped3A_365 : memref<!tpu.dma_semaphore, #tpu.memory_space<semaphore_mem>>)
      %dma_wait3A_378 = arith.constant 0 : i32
      %dma_wait3A_379 = arith.constant 0 : i32
      %dma_wait3A_380 = tpu.memref_slice %arg5[%dma_wait3A_378, %run_scoped3A, %dma_wait3A_379] : memref<50x4x128xi32, #tpu.memory_space<vmem>> -> memref<50x1x128xi32, #tpu.memory_space<vmem>>
      %dma_wait3A_381 = tpu.memref_squeeze %dma_wait3A_380 : memref<50x1x128xi32, #tpu.memory_space<vmem>> -> memref<50x128xi32, #tpu.memory_space<vmem>>
      %dma_wait3A_382 = arith.constant 0 : i32
      %dma_wait3A_383 = tpu.memref_slice %arg2[%dma_wait3A_382, %mul3A_6] : memref<50x16384xi32, #tpu.memory_space<hbm>> -> memref<50x128xi32, #tpu.memory_space<hbm>>
      %dma_wait3A_384 = arith.constant 0 : i32
      %dma_wait3A_385 = arith.constant 0 : i32
      %dma_wait3A_386 = tpu.memref_slice %arg5[%dma_wait3A_384, %run_scoped3A, %dma_wait3A_385] : memref<50x4x128xi32, #tpu.memory_space<vmem>> -> memref<50x1x128xi32, #tpu.memory_space<vmem>>
      %dma_wait3A_387 = tpu.memref_squeeze %dma_wait3A_386 : memref<50x1x128xi32, #tpu.memory_space<vmem>> -> memref<50x128xi32, #tpu.memory_space<vmem>>
      %dma_wait3A_388 = arith.constant 0 : i32
      %dma_wait3A_389 = tpu.memref_slice %arg2[%dma_wait3A_388, %mul3A_6] : memref<50x16384xi32, #tpu.memory_space<hbm>> -> memref<50x128xi32, #tpu.memory_space<hbm>>
      tpu.wait_dma2 semaphore(%run_scoped3A_365 : memref<!tpu.dma_semaphore, #tpu.memory_space<semaphore_mem>>) src(%dma_wait3A_389 : memref<50x128xi32, #tpu.memory_space<hbm>>) dst(%dma_wait3A_387 : memref<50x128xi32, #tpu.memory_space<vmem>>)
      tpu.yield
    }) : () -> ()
    %mul3A_7 = arith.constant 4 : i32
    %mul3A_8 = arith.muli %add3A, %mul3A_7 : i32
    %add3A_9 = arith.constant 1 : i32
    %add3A_10 = arith.addi %mul3A_8, %add3A_9 : i32
    %mul3A_11 = arith.constant 128 : i32
    %mul3A_12 = arith.muli %add3A_10, %mul3A_11 : i32
    %run_scoped3A_13 = arith.constant 1 : i32
    "tpu.region"() ({
      %run_scoped3A_365 = tpu.sem_alloc : memref<!tpu.dma_semaphore, #tpu.memory_space<semaphore_mem>>
      %dma_start3A_366 = arith.constant 0 : i32
      %dma_start3A_367 = arith.constant 0 : i32
      %dma_start3A_368 = tpu.memref_slice %arg5[%dma_start3A_366, %run_scoped3A_13, %dma_start3A_367] : memref<50x4x128xi32, #tpu.memory_space<vmem>> -> memref<50x1x128xi32, #tpu.memory_space<vmem>>
      %dma_start3A_369 = tpu.memref_squeeze %dma_start3A_368 : memref<50x1x128xi32, #tpu.memory_space<vmem>> -> memref<50x128xi32, #tpu.memory_space<vmem>>
      %dma_start3A_370 = arith.constant 0 : i32
      %dma_start3A_371 = tpu.memref_slice %arg2[%dma_start3A_370, %mul3A_12] : memref<50x16384xi32, #tpu.memory_space<hbm>> -> memref<50x128xi32, #tpu.memory_space<hbm>>
      %dma_start3A_372 = arith.constant 0 : i32
      %dma_start3A_373 = arith.constant 0 : i32
      %dma_start3A_374 = tpu.memref_slice %arg5[%dma_start3A_372, %run_scoped3A_13, %dma_start3A_373] : memref<50x4x128xi32, #tpu.memory_space<vmem>> -> memref<50x1x128xi32, #tpu.memory_space<vmem>>
      %dma_start3A_375 = tpu.memref_squeeze %dma_start3A_374 : memref<50x1x128xi32, #tpu.memory_space<vmem>> -> memref<50x128xi32, #tpu.memory_space<vmem>>
      %dma_start3A_376 = arith.constant 0 : i32
      %dma_start3A_377 = tpu.memref_slice %arg2[%dma_start3A_376, %mul3A_12] : memref<50x16384xi32, #tpu.memory_space<hbm>> -> memref<50x128xi32, #tpu.memory_space<hbm>>
      tpu.enqueue_dma source(%dma_start3A_377 : memref<50x128xi32, #tpu.memory_space<hbm>>) target(%dma_start3A_375 : memref<50x128xi32, #tpu.memory_space<vmem>>) target_semaphore(%run_scoped3A_365 : memref<!tpu.dma_semaphore, #tpu.memory_space<semaphore_mem>>)
      %dma_wait3A_378 = arith.constant 0 : i32
      %dma_wait3A_379 = arith.constant 0 : i32
      %dma_wait3A_380 = tpu.memref_slice %arg5[%dma_wait3A_378, %run_scoped3A_13, %dma_wait3A_379] : memref<50x4x128xi32, #tpu.memory_space<vmem>> -> memref<50x1x128xi32, #tpu.memory_space<vmem>>
      %dma_wait3A_381 = tpu.memref_squeeze %dma_wait3A_380 : memref<50x1x128xi32, #tpu.memory_space<vmem>> -> memref<50x128xi32, #tpu.memory_space<vmem>>
      %dma_wait3A_382 = arith.constant 0 : i32
      %dma_wait3A_383 = tpu.memref_slice %arg2[%dma_wait3A_382, %mul3A_12] : memref<50x16384xi32, #tpu.memory_space<hbm>> -> memref<50x128xi32, #tpu.memory_space<hbm>>
      %dma_wait3A_384 = arith.constant 0 : i32
      %dma_wait3A_385 = arith.constant 0 : i32
      %dma_wait3A_386 = tpu.memref_slice %arg5[%dma_wait3A_384, %run_scoped3A_13, %dma_wait3A_385] : memref<50x4x128xi32, #tpu.memory_space<vmem>> -> memref<50x1x128xi32, #tpu.memory_space<vmem>>
      %dma_wait3A_387 = tpu.memref_squeeze %dma_wait3A_386 : memref<50x1x128xi32, #tpu.memory_space<vmem>> -> memref<50x128xi32, #tpu.memory_space<vmem>>
      %dma_wait3A_388 = arith.constant 0 : i32
      %dma_wait3A_389 = tpu.memref_slice %arg2[%dma_wait3A_388, %mul3A_12] : memref<50x16384xi32, #tpu.memory_space<hbm>> -> memref<50x128xi32, #tpu.memory_space<hbm>>
      tpu.wait_dma2 semaphore(%run_scoped3A_365 : memref<!tpu.dma_semaphore, #tpu.memory_space<semaphore_mem>>) src(%dma_wait3A_389 : memref<50x128xi32, #tpu.memory_space<hbm>>) dst(%dma_wait3A_387 : memref<50x128xi32, #tpu.memory_space<vmem>>)
      tpu.yield
    }) : () -> ()
    %mul3A_14 = arith.constant 4 : i32
    %mul3A_15 = arith.muli %add3A, %mul3A_14 : i32
    %add3A_16 = arith.constant 2 : i32
    %add3A_17 = arith.addi %mul3A_15, %add3A_16 : i32
    %mul3A_18 = arith.constant 128 : i32
    %mul3A_19 = arith.muli %add3A_17, %mul3A_18 : i32
    %run_scoped3A_20 = arith.constant 2 : i32
    "tpu.region"() ({
      %run_scoped3A_365 = tpu.sem_alloc : memref<!tpu.dma_semaphore, #tpu.memory_space<semaphore_mem>>
      %dma_start3A_366 = arith.constant 0 : i32
      %dma_start3A_367 = arith.constant 0 : i32
      %dma_start3A_368 = tpu.memref_slice %arg5[%dma_start3A_366, %run_scoped3A_20, %dma_start3A_367] : memref<50x4x128xi32, #tpu.memory_space<vmem>> -> memref<50x1x128xi32, #tpu.memory_space<vmem>>
      %dma_start3A_369 = tpu.memref_squeeze %dma_start3A_368 : memref<50x1x128xi32, #tpu.memory_space<vmem>> -> memref<50x128xi32, #tpu.memory_space<vmem>>
      %dma_start3A_370 = arith.constant 0 : i32
      %dma_start3A_371 = tpu.memref_slice %arg2[%dma_start3A_370, %mul3A_19] : memref<50x16384xi32, #tpu.memory_space<hbm>> -> memref<50x128xi32, #tpu.memory_space<hbm>>
      %dma_start3A_372 = arith.constant 0 : i32
      %dma_start3A_373 = arith.constant 0 : i32
      %dma_start3A_374 = tpu.memref_slice %arg5[%dma_start3A_372, %run_scoped3A_20, %dma_start3A_373] : memref<50x4x128xi32, #tpu.memory_space<vmem>> -> memref<50x1x128xi32, #tpu.memory_space<vmem>>
      %dma_start3A_375 = tpu.memref_squeeze %dma_start3A_374 : memref<50x1x128xi32, #tpu.memory_space<vmem>> -> memref<50x128xi32, #tpu.memory_space<vmem>>
      %dma_start3A_376 = arith.constant 0 : i32
      %dma_start3A_377 = tpu.memref_slice %arg2[%dma_start3A_376, %mul3A_19] : memref<50x16384xi32, #tpu.memory_space<hbm>> -> memref<50x128xi32, #tpu.memory_space<hbm>>
      tpu.enqueue_dma source(%dma_start3A_377 : memref<50x128xi32, #tpu.memory_space<hbm>>) target(%dma_start3A_375 : memref<50x128xi32, #tpu.memory_space<vmem>>) target_semaphore(%run_scoped3A_365 : memref<!tpu.dma_semaphore, #tpu.memory_space<semaphore_mem>>)
      %dma_wait3A_378 = arith.constant 0 : i32
      %dma_wait3A_379 = arith.constant 0 : i32
      %dma_wait3A_380 = tpu.memref_slice %arg5[%dma_wait3A_378, %run_scoped3A_20, %dma_wait3A_379] : memref<50x4x128xi32, #tpu.memory_space<vmem>> -> memref<50x1x128xi32, #tpu.memory_space<vmem>>
      %dma_wait3A_381 = tpu.memref_squeeze %dma_wait3A_380 : memref<50x1x128xi32, #tpu.memory_space<vmem>> -> memref<50x128xi32, #tpu.memory_space<vmem>>
      %dma_wait3A_382 = arith.constant 0 : i32
      %dma_wait3A_383 = tpu.memref_slice %arg2[%dma_wait3A_382, %mul3A_19] : memref<50x16384xi32, #tpu.memory_space<hbm>> -> memref<50x128xi32, #tpu.memory_space<hbm>>
      %dma_wait3A_384 = arith.constant 0 : i32
      %dma_wait3A_385 = arith.constant 0 : i32
      %dma_wait3A_386 = tpu.memref_slice %arg5[%dma_wait3A_384, %run_scoped3A_20, %dma_wait3A_385] : memref<50x4x128xi32, #tpu.memory_space<vmem>> -> memref<50x1x128xi32, #tpu.memory_space<vmem>>
      %dma_wait3A_387 = tpu.memref_squeeze %dma_wait3A_386 : memref<50x1x128xi32, #tpu.memory_space<vmem>> -> memref<50x128xi32, #tpu.memory_space<vmem>>
      %dma_wait3A_388 = arith.constant 0 : i32
      %dma_wait3A_389 = tpu.memref_slice %arg2[%dma_wait3A_388, %mul3A_19] : memref<50x16384xi32, #tpu.memory_space<hbm>> -> memref<50x128xi32, #tpu.memory_space<hbm>>
      tpu.wait_dma2 semaphore(%run_scoped3A_365 : memref<!tpu.dma_semaphore, #tpu.memory_space<semaphore_mem>>) src(%dma_wait3A_389 : memref<50x128xi32, #tpu.memory_space<hbm>>) dst(%dma_wait3A_387 : memref<50x128xi32, #tpu.memory_space<vmem>>)
      tpu.yield
    }) : () -> ()
    %mul3A_21 = arith.constant 4 : i32
    %mul3A_22 = arith.muli %add3A, %mul3A_21 : i32
    %add3A_23 = arith.constant 3 : i32
    %add3A_24 = arith.addi %mul3A_22, %add3A_23 : i32
    %mul3A_25 = arith.constant 128 : i32
    %mul3A_26 = arith.muli %add3A_24, %mul3A_25 : i32
    %run_scoped3A_27 = arith.constant 3 : i32
    "tpu.region"() ({
      %run_scoped3A_365 = tpu.sem_alloc : memref<!tpu.dma_semaphore, #tpu.memory_space<semaphore_mem>>
      %dma_start3A_366 = arith.constant 0 : i32
      %dma_start3A_367 = arith.constant 0 : i32
      %dma_start3A_368 = tpu.memref_slice %arg5[%dma_start3A_366, %run_scoped3A_27, %dma_start3A_367] : memref<50x4x128xi32, #tpu.memory_space<vmem>> -> memref<50x1x128xi32, #tpu.memory_space<vmem>>
      %dma_start3A_369 = tpu.memref_squeeze %dma_start3A_368 : memref<50x1x128xi32, #tpu.memory_space<vmem>> -> memref<50x128xi32, #tpu.memory_space<vmem>>
      %dma_start3A_370 = arith.constant 0 : i32
      %dma_start3A_371 = tpu.memref_slice %arg2[%dma_start3A_370, %mul3A_26] : memref<50x16384xi32, #tpu.memory_space<hbm>> -> memref<50x128xi32, #tpu.memory_space<hbm>>
      %dma_start3A_372 = arith.constant 0 : i32
      %dma_start3A_373 = arith.constant 0 : i32
      %dma_start3A_374 = tpu.memref_slice %arg5[%dma_start3A_372, %run_scoped3A_27, %dma_start3A_373] : memref<50x4x128xi32, #tpu.memory_space<vmem>> -> memref<50x1x128xi32, #tpu.memory_space<vmem>>
      %dma_start3A_375 = tpu.memref_squeeze %dma_start3A_374 : memref<50x1x128xi32, #tpu.memory_space<vmem>> -> memref<50x128xi32, #tpu.memory_space<vmem>>
      %dma_start3A_376 = arith.constant 0 : i32
      %dma_start3A_377 = tpu.memref_slice %arg2[%dma_start3A_376, %mul3A_26] : memref<50x16384xi32, #tpu.memory_space<hbm>> -> memref<50x128xi32, #tpu.memory_space<hbm>>
      tpu.enqueue_dma source(%dma_start3A_377 : memref<50x128xi32, #tpu.memory_space<hbm>>) target(%dma_start3A_375 : memref<50x128xi32, #tpu.memory_space<vmem>>) target_semaphore(%run_scoped3A_365 : memref<!tpu.dma_semaphore, #tpu.memory_space<semaphore_mem>>)
      %dma_wait3A_378 = arith.constant 0 : i32
      %dma_wait3A_379 = arith.constant 0 : i32
      %dma_wait3A_380 = tpu.memref_slice %arg5[%dma_wait3A_378, %run_scoped3A_27, %dma_wait3A_379] : memref<50x4x128xi32, #tpu.memory_space<vmem>> -> memref<50x1x128xi32, #tpu.memory_space<vmem>>
      %dma_wait3A_381 = tpu.memref_squeeze %dma_wait3A_380 : memref<50x1x128xi32, #tpu.memory_space<vmem>> -> memref<50x128xi32, #tpu.memory_space<vmem>>
      %dma_wait3A_382 = arith.constant 0 : i32
      %dma_wait3A_383 = tpu.memref_slice %arg2[%dma_wait3A_382, %mul3A_26] : memref<50x16384xi32, #tpu.memory_space<hbm>> -> memref<50x128xi32, #tpu.memory_space<hbm>>
      %dma_wait3A_384 = arith.constant 0 : i32
      %dma_wait3A_385 = arith.constant 0 : i32
      %dma_wait3A_386 = tpu.memref_slice %arg5[%dma_wait3A_384, %run_scoped3A_27, %dma_wait3A_385] : memref<50x4x128xi32, #tpu.memory_space<vmem>> -> memref<50x1x128xi32, #tpu.memory_space<vmem>>
      %dma_wait3A_387 = tpu.memref_squeeze %dma_wait3A_386 : memref<50x1x128xi32, #tpu.memory_space<vmem>> -> memref<50x128xi32, #tpu.memory_space<vmem>>
      %dma_wait3A_388 = arith.constant 0 : i32
      %dma_wait3A_389 = tpu.memref_slice %arg2[%dma_wait3A_388, %mul3A_26] : memref<50x16384xi32, #tpu.memory_space<hbm>> -> memref<50x128xi32, #tpu.memory_space<hbm>>
      tpu.wait_dma2 semaphore(%run_scoped3A_365 : memref<!tpu.dma_semaphore, #tpu.memory_space<semaphore_mem>>) src(%dma_wait3A_389 : memref<50x128xi32, #tpu.memory_space<hbm>>) dst(%dma_wait3A_387 : memref<50x128xi32, #tpu.memory_space<vmem>>)
      tpu.yield
    }) : () -> ()
    %iota3A = tpu.iota {dimensions = array<i32: 0>} : vector<16xi32>
    %shift_right_logical3A = arith.constant 3 : i32
    %shift_right_logical3A_28 = vector.broadcast %shift_right_logical3A : i32 to vector<16xi32>
    %shift_right_logical3A_29 = arith.shrui %iota3A, %shift_right_logical3A_28 : vector<16xi32>
    %add3A_30 = arith.constant 0 : i32
    %add3A_31 = vector.broadcast %add3A_30 : i32 to vector<16xi32>
    %add3A_32 = arith.addi %add3A_31, %shift_right_logical3A_29 : vector<16xi32>
    %shift_right_logical3A_33 = arith.constant 3 : i32
    %shift_right_logical3A_34 = vector.broadcast %shift_right_logical3A_33 : i32 to vector<16xi32>
    %shift_right_logical3A_35 = arith.shrui %iota3A, %shift_right_logical3A_34 : vector<16xi32>
    %add3A_36 = arith.constant 2 : i32
    %add3A_37 = vector.broadcast %add3A_36 : i32 to vector<16xi32>
    %add3A_38 = arith.addi %add3A_37, %shift_right_logical3A_35 : vector<16xi32>
    %shift_right_logical3A_39 = arith.constant 3 : i32
    %shift_right_logical3A_40 = vector.broadcast %shift_right_logical3A_39 : i32 to vector<16xi32>
    %shift_right_logical3A_41 = arith.shrui %iota3A, %shift_right_logical3A_40 : vector<16xi32>
    %add3A_42 = arith.constant 4 : i32
    %add3A_43 = vector.broadcast %add3A_42 : i32 to vector<16xi32>
    %add3A_44 = arith.addi %add3A_43, %shift_right_logical3A_41 : vector<16xi32>
    %shift_right_logical3A_45 = arith.constant 3 : i32
    %shift_right_logical3A_46 = vector.broadcast %shift_right_logical3A_45 : i32 to vector<16xi32>
    %shift_right_logical3A_47 = arith.shrui %iota3A, %shift_right_logical3A_46 : vector<16xi32>
    %add3A_48 = arith.constant 6 : i32
    %add3A_49 = vector.broadcast %add3A_48 : i32 to vector<16xi32>
    %add3A_50 = arith.addi %add3A_49, %shift_right_logical3A_47 : vector<16xi32>
    %and3A = arith.constant 7 : i32
    %and3A_51 = vector.broadcast %and3A : i32 to vector<16xi32>
    %and3A_52 = arith.andi %iota3A, %and3A_51 : vector<16xi32>
    %dma_start3A = arith.constant 0 : i32
    %dma_start3A_53 = arith.constant 0 : i32
    %dma_start3A_54 = arith.constant 0 : i32
    %dma_start3A_55 = arith.constant 0 : i32
    %dma_start3A_56 = arith.constant 0 : i32
    %dma_start3A_57 = tpu.memref_slice %arg6[%dma_start3A_54, %dma_start3A_55, %dma_start3A_56] : memref<4x128x128xf32, #tpu.memory_space<vmem>> -> memref<1x128x128xf32, #tpu.memory_space<vmem>>
    %dma_start3A_58 = tpu.memref_squeeze %dma_start3A_57 : memref<1x128x128xf32, #tpu.memory_space<vmem>> -> memref<128x128xf32, #tpu.memory_space<vmem>>
    %dma_start3A_59 = arith.constant 0 : i32
    %dma_start3A_60 = tpu.memref_slice %arg5[%dma_start3A, %dma_start3A_53, %dma_start3A_59] : memref<50x4x128xi32, #tpu.memory_space<vmem>> -> memref<1x1x128xi32, #tpu.memory_space<vmem>>
    %dma_start3A_61 = tpu.memref_squeeze %dma_start3A_60 : memref<1x1x128xi32, #tpu.memory_space<vmem>> -> memref<128xi32, #tpu.memory_space<vmem>>
    %dma_start3A_62 = arith.constant 0 : i32
    %dma_start3A_63 = arith.constant 0 : i32
    %dma_start3A_64 = tpu.memref_slice %arg3[%dma_start3A_62, %dma_start3A_63] : memref<1000000x128xf32, #tpu.memory_space<hbm>> -> memref<1000000x128xf32, #tpu.memory_space<hbm>>
    tpu.enqueue_indirect_dma source(%dma_start3A_64 : memref<1000000x128xf32, #tpu.memory_space<hbm>>) target(%dma_start3A_58 : memref<128x128xf32, #tpu.memory_space<vmem>>) offsets(%dma_start3A_61 : memref<128xi32, #tpu.memory_space<vmem>>) semaphore(%arg8 : memref<!tpu.dma_semaphore, #tpu.memory_space<semaphore_mem>>)
    %dma_start3A_65 = arith.constant 0 : i32
    %dma_start3A_66 = arith.constant 1 : i32
    %dma_start3A_67 = arith.constant 1 : i32
    %dma_start3A_68 = arith.constant 0 : i32
    %dma_start3A_69 = arith.constant 0 : i32
    %dma_start3A_70 = tpu.memref_slice %arg6[%dma_start3A_67, %dma_start3A_68, %dma_start3A_69] : memref<4x128x128xf32, #tpu.memory_space<vmem>> -> memref<1x128x128xf32, #tpu.memory_space<vmem>>
    %dma_start3A_71 = tpu.memref_squeeze %dma_start3A_70 : memref<1x128x128xf32, #tpu.memory_space<vmem>> -> memref<128x128xf32, #tpu.memory_space<vmem>>
    %dma_start3A_72 = arith.constant 0 : i32
    %dma_start3A_73 = tpu.memref_slice %arg5[%dma_start3A_65, %dma_start3A_66, %dma_start3A_72] : memref<50x4x128xi32, #tpu.memory_space<vmem>> -> memref<1x1x128xi32, #tpu.memory_space<vmem>>
    %dma_start3A_74 = tpu.memref_squeeze %dma_start3A_73 : memref<1x1x128xi32, #tpu.memory_space<vmem>> -> memref<128xi32, #tpu.memory_space<vmem>>
    %dma_start3A_75 = arith.constant 0 : i32
    %dma_start3A_76 = arith.constant 0 : i32
    %dma_start3A_77 = tpu.memref_slice %arg3[%dma_start3A_75, %dma_start3A_76] : memref<1000000x128xf32, #tpu.memory_space<hbm>> -> memref<1000000x128xf32, #tpu.memory_space<hbm>>
    tpu.enqueue_indirect_dma source(%dma_start3A_77 : memref<1000000x128xf32, #tpu.memory_space<hbm>>) target(%dma_start3A_71 : memref<128x128xf32, #tpu.memory_space<vmem>>) offsets(%dma_start3A_74 : memref<128xi32, #tpu.memory_space<vmem>>) semaphore(%arg9 : memref<!tpu.dma_semaphore, #tpu.memory_space<semaphore_mem>>)
    %scan3A = arith.constant 0 : i32
    %scan3A_78 = arith.constant 50 : i32
    %scan3A_79 = arith.addi %scan3A, %scan3A_78 : i32
    %scan3A_80 = arith.constant 1 : i32
    scf.for %scan3A_365 = %scan3A to %scan3A_79 step %scan3A_80  : i32 {
      %mul3A_366 = arith.constant 1 : i32
      %mul3A_367 = arith.muli %scan3A_365, %mul3A_366 : i32
      %add3A_368 = arith.constant 0 : i32
      %add3A_369 = arith.addi %add3A_368, %mul3A_367 : i32
      %mul3A_370 = arith.constant 4 : i32
      %mul3A_371 = arith.muli %add3A_369, %mul3A_370 : i32
      %add3A_372 = arith.constant 0 : i32
      %add3A_373 = arith.addi %mul3A_371, %add3A_372 : i32
      %add3A_374 = arith.constant 2 : i32
      %add3A_375 = arith.addi %add3A_373, %add3A_374 : i32
      %lt3A = arith.constant 200 : i32
      %lt3A_376 = arith.cmpi slt, %add3A_375, %lt3A : i32
      %convert_element_type3A = arith.extui %lt3A_376 : i1 to i32
      %cond3A = arith.constant 0 : i32
      %cond3A_377 = arith.cmpi ne, %convert_element_type3A, %cond3A : i32
      scf.if %cond3A_377 {
        %ge3A = arith.constant 2 : i32
        %ge3A_1304 = arith.cmpi sge, %add3A_373, %ge3A : i32
        %convert_element_type3A_1305 = arith.extui %ge3A_1304 : i1 to i32
        %cond3A_1306 = arith.constant 0 : i32
        %cond3A_1307 = arith.cmpi ne, %convert_element_type3A_1305, %cond3A_1306 : i32
        scf.if %cond3A_1307 {
          %sub3A_1361 = arith.constant 2 : i32
          %sub3A_1362 = arith.subi %add3A_373, %sub3A_1361 : i32
          %jit3A_1363 = arith.constant 4 : i32
          %div3A_1364 = arith.divsi %sub3A_1362, %jit3A_1363 : i32
          %sign3A_1365 = arith.constant 0 : i32
          %sign3A_1366 = arith.cmpi sgt, %sub3A_1362, %sign3A_1365 : i32
          %sign3A_1367 = arith.extui %sign3A_1366 : i1 to i32
          %sign3A_1368 = arith.constant 0 : i32
          %sign3A_1369 = arith.cmpi slt, %sub3A_1362, %sign3A_1368 : i32
          %sign3A_1370 = arith.extui %sign3A_1369 : i1 to i32
          %sign3A_1371 = arith.subi %sign3A_1367, %sign3A_1370 : i32
          %sign3A_1372 = arith.constant 0 : i32
          %sign3A_1373 = arith.cmpi sgt, %jit3A_1363, %sign3A_1372 : i32
          %sign3A_1374 = arith.extui %sign3A_1373 : i1 to i32
          %sign3A_1375 = arith.constant 0 : i32
          %sign3A_1376 = arith.cmpi slt, %jit3A_1363, %sign3A_1375 : i32
          %sign3A_1377 = arith.extui %sign3A_1376 : i1 to i32
          %sign3A_1378 = arith.subi %sign3A_1374, %sign3A_1377 : i32
          %ne3A_1379 = arith.cmpi ne, %sign3A_1371, %sign3A_1378 : i32
          %rem3A_1380 = arith.remsi %sub3A_1362, %jit3A_1363 : i32
          %ne3A_1381 = arith.constant 0 : i32
          %ne3A_1382 = arith.cmpi ne, %rem3A_1380, %ne3A_1381 : i32
          %and3A_1383 = arith.andi %ne3A_1379, %ne3A_1382 : i1
          %sub3A_1384 = arith.constant 1 : i32
          %sub3A_1385 = arith.subi %div3A_1364, %sub3A_1384 : i32
          %select_n3A_1386 = arith.select %and3A_1383, %sub3A_1385, %div3A_1364 : i32
          %jit3A_1387 = arith.constant 4 : i32
          %eq3A_1388 = arith.constant 0 : i32
          %eq3A_1389 = arith.cmpi eq, %jit3A_1387, %eq3A_1388 : i32
          %jit3A_1390 = arith.constant 1 : i32
          %select_n3A_1391 = arith.select %eq3A_1389, %jit3A_1390, %jit3A_1387 : i32
          %rem3A_1392 = arith.remsi %sub3A_1362, %select_n3A_1391 : i32
          %ne3A_1393 = arith.constant 0 : i32
          %ne3A_1394 = arith.cmpi ne, %rem3A_1392, %ne3A_1393 : i32
          %lt3A_1395 = arith.constant 0 : i32
          %lt3A_1396 = arith.cmpi slt, %rem3A_1392, %lt3A_1395 : i32
          %lt3A_1397 = arith.constant 0 : i32
          %lt3A_1398 = arith.cmpi slt, %select_n3A_1391, %lt3A_1397 : i32
          %ne3A_1399 = arith.xori %lt3A_1396, %lt3A_1398 : i1
          %and3A_1400 = arith.andi %ne3A_1399, %ne3A_1394 : i1
          %add3A_1401 = arith.addi %rem3A_1392, %select_n3A_1391 : i32
          %select_n3A_1402 = arith.select %and3A_1400, %add3A_1401, %rem3A_1392 : i32
          %mul3A_1403 = arith.constant 4 : i32
          %mul3A_1404 = arith.muli %add3A, %mul3A_1403 : i32
          %add3A_1405 = arith.addi %mul3A_1404, %select_n3A_1402 : i32
          %mul3A_1406 = arith.constant 128 : i32
          %mul3A_1407 = arith.muli %add3A_1405, %mul3A_1406 : i32
          %dma_wait3A_1408 = arith.constant 2 : i32
          %dma_wait3A_1409 = arith.constant 0 : i32
          %dma_wait3A_1410 = arith.constant 0 : i32
          %dma_wait3A_1411 = arith.constant 0 : i32
          %dma_wait3A_1412 = tpu.memref_slice %arg7[%dma_wait3A_1408, %dma_wait3A_1409, %dma_wait3A_1410, %dma_wait3A_1411] : memref<4x8x8x128xf32, #tpu.memory_space<vmem>> -> memref<1x1x8x128xf32, #tpu.memory_space<vmem>>
          %dma_wait3A_1413 = tpu.memref_squeeze %dma_wait3A_1412 : memref<1x1x8x128xf32, #tpu.memory_space<vmem>> -> memref<8x128xf32, #tpu.memory_space<vmem>>
          %dma_wait3A_1414 = arith.constant 0 : i32
          %dma_wait3A_1415 = tpu.memref_slice %arg4[%select_n3A_1386, %dma_wait3A_1414, %mul3A_1407] : memref<50x64x16384xf32, #tpu.memory_space<hbm>> -> memref<1x8x128xf32, #tpu.memory_space<hbm>>
          %dma_wait3A_1416 = tpu.memref_squeeze %dma_wait3A_1415 : memref<1x8x128xf32, #tpu.memory_space<hbm>> -> memref<8x128xf32, #tpu.memory_space<hbm>>
          %dma_wait3A_1417 = arith.constant 0 : i32
          %dma_wait3A_1418 = tpu.memref_slice %arg4[%select_n3A_1386, %dma_wait3A_1417, %mul3A_1407] : memref<50x64x16384xf32, #tpu.memory_space<hbm>> -> memref<1x8x128xf32, #tpu.memory_space<hbm>>
          %dma_wait3A_1419 = tpu.memref_squeeze %dma_wait3A_1418 : memref<1x8x128xf32, #tpu.memory_space<hbm>> -> memref<8x128xf32, #tpu.memory_space<hbm>>
          %dma_wait3A_1420 = arith.constant 0 : i32
          %dma_wait3A_1421 = arith.constant 0 : i32
          %dma_wait3A_1422 = tpu.memref_slice %arg7[%dma_wait3A_1408, %dma_wait3A_1409, %dma_wait3A_1420, %dma_wait3A_1421] : memref<4x8x8x128xf32, #tpu.memory_space<vmem>> -> memref<1x1x8x128xf32, #tpu.memory_space<vmem>>
          %dma_wait3A_1423 = tpu.memref_squeeze %dma_wait3A_1422 : memref<1x1x8x128xf32, #tpu.memory_space<vmem>> -> memref<8x128xf32, #tpu.memory_space<vmem>>
          tpu.wait_dma2 semaphore(%arg14 : memref<!tpu.dma_semaphore, #tpu.memory_space<semaphore_mem>>) src(%dma_wait3A_1423 : memref<8x128xf32, #tpu.memory_space<vmem>>) dst(%dma_wait3A_1419 : memref<8x128xf32, #tpu.memory_space<hbm>>)
          %dma_wait3A_1424 = arith.constant 2 : i32
          %dma_wait3A_1425 = arith.constant 1 : i32
          %dma_wait3A_1426 = arith.constant 0 : i32
          %dma_wait3A_1427 = arith.constant 0 : i32
          %dma_wait3A_1428 = tpu.memref_slice %arg7[%dma_wait3A_1424, %dma_wait3A_1425, %dma_wait3A_1426, %dma_wait3A_1427] : memref<4x8x8x128xf32, #tpu.memory_space<vmem>> -> memref<1x1x8x128xf32, #tpu.memory_space<vmem>>
          %dma_wait3A_1429 = tpu.memref_squeeze %dma_wait3A_1428 : memref<1x1x8x128xf32, #tpu.memory_space<vmem>> -> memref<8x128xf32, #tpu.memory_space<vmem>>
          %dma_wait3A_1430 = arith.constant 8 : i32
          %dma_wait3A_1431 = tpu.memref_slice %arg4[%select_n3A_1386, %dma_wait3A_1430, %mul3A_1407] : memref<50x64x16384xf32, #tpu.memory_space<hbm>> -> memref<1x8x128xf32, #tpu.memory_space<hbm>>
          %dma_wait3A_1432 = tpu.memref_squeeze %dma_wait3A_1431 : memref<1x8x128xf32, #tpu.memory_space<hbm>> -> memref<8x128xf32, #tpu.memory_space<hbm>>
          %dma_wait3A_1433 = arith.constant 8 : i32
          %dma_wait3A_1434 = tpu.memref_slice %arg4[%select_n3A_1386, %dma_wait3A_1433, %mul3A_1407] : memref<50x64x16384xf32, #tpu.memory_space<hbm>> -> memref<1x8x128xf32, #tpu.memory_space<hbm>>
          %dma_wait3A_1435 = tpu.memref_squeeze %dma_wait3A_1434 : memref<1x8x128xf32, #tpu.memory_space<hbm>> -> memref<8x128xf32, #tpu.memory_space<hbm>>
          %dma_wait3A_1436 = arith.constant 0 : i32
          %dma_wait3A_1437 = arith.constant 0 : i32
          %dma_wait3A_1438 = tpu.memref_slice %arg7[%dma_wait3A_1424, %dma_wait3A_1425, %dma_wait3A_1436, %dma_wait3A_1437] : memref<4x8x8x128xf32, #tpu.memory_space<vmem>> -> memref<1x1x8x128xf32, #tpu.memory_space<vmem>>
          %dma_wait3A_1439 = tpu.memref_squeeze %dma_wait3A_1438 : memref<1x1x8x128xf32, #tpu.memory_space<vmem>> -> memref<8x128xf32, #tpu.memory_space<vmem>>
          tpu.wait_dma2 semaphore(%arg14 : memref<!tpu.dma_semaphore, #tpu.memory_space<semaphore_mem>>) src(%dma_wait3A_1439 : memref<8x128xf32, #tpu.memory_space<vmem>>) dst(%dma_wait3A_1435 : memref<8x128xf32, #tpu.memory_space<hbm>>)
          %dma_wait3A_1440 = arith.constant 2 : i32
          %dma_wait3A_1441 = arith.constant 2 : i32
          %dma_wait3A_1442 = arith.constant 0 : i32
          %dma_wait3A_1443 = arith.constant 0 : i32
          %dma_wait3A_1444 = tpu.memref_slice %arg7[%dma_wait3A_1440, %dma_wait3A_1441, %dma_wait3A_1442, %dma_wait3A_1443] : memref<4x8x8x128xf32, #tpu.memory_space<vmem>> -> memref<1x1x8x128xf32, #tpu.memory_space<vmem>>
          %dma_wait3A_1445 = tpu.memref_squeeze %dma_wait3A_1444 : memref<1x1x8x128xf32, #tpu.memory_space<vmem>> -> memref<8x128xf32, #tpu.memory_space<vmem>>
          %dma_wait3A_1446 = arith.constant 16 : i32
          %dma_wait3A_1447 = tpu.memref_slice %arg4[%select_n3A_1386, %dma_wait3A_1446, %mul3A_1407] : memref<50x64x16384xf32, #tpu.memory_space<hbm>> -> memref<1x8x128xf32, #tpu.memory_space<hbm>>
          %dma_wait3A_1448 = tpu.memref_squeeze %dma_wait3A_1447 : memref<1x8x128xf32, #tpu.memory_space<hbm>> -> memref<8x128xf32, #tpu.memory_space<hbm>>
          %dma_wait3A_1449 = arith.constant 16 : i32
          %dma_wait3A_1450 = tpu.memref_slice %arg4[%select_n3A_1386, %dma_wait3A_1449, %mul3A_1407] : memref<50x64x16384xf32, #tpu.memory_space<hbm>> -> memref<1x8x128xf32, #tpu.memory_space<hbm>>
          %dma_wait3A_1451 = tpu.memref_squeeze %dma_wait3A_1450 : memref<1x8x128xf32, #tpu.memory_space<hbm>> -> memref<8x128xf32, #tpu.memory_space<hbm>>
          %dma_wait3A_1452 = arith.constant 0 : i32
          %dma_wait3A_1453 = arith.constant 0 : i32
          %dma_wait3A_1454 = tpu.memref_slice %arg7[%dma_wait3A_1440, %dma_wait3A_1441, %dma_wait3A_1452, %dma_wait3A_1453] : memref<4x8x8x128xf32, #tpu.memory_space<vmem>> -> memref<1x1x8x128xf32, #tpu.memory_space<vmem>>
          %dma_wait3A_1455 = tpu.memref_squeeze %dma_wait3A_1454 : memref<1x1x8x128xf32, #tpu.memory_space<vmem>> -> memref<8x128xf32, #tpu.memory_space<vmem>>
          tpu.wait_dma2 semaphore(%arg14 : memref<!tpu.dma_semaphore, #tpu.memory_space<semaphore_mem>>) src(%dma_wait3A_1455 : memref<8x128xf32, #tpu.memory_space<vmem>>) dst(%dma_wait3A_1451 : memref<8x128xf32, #tpu.memory_space<hbm>>)
          %dma_wait3A_1456 = arith.constant 2 : i32
          %dma_wait3A_1457 = arith.constant 3 : i32
          %dma_wait3A_1458 = arith.constant 0 : i32
          %dma_wait3A_1459 = arith.constant 0 : i32
          %dma_wait3A_1460 = tpu.memref_slice %arg7[%dma_wait3A_1456, %dma_wait3A_1457, %dma_wait3A_1458, %dma_wait3A_1459] : memref<4x8x8x128xf32, #tpu.memory_space<vmem>> -> memref<1x1x8x128xf32, #tpu.memory_space<vmem>>
          %dma_wait3A_1461 = tpu.memref_squeeze %dma_wait3A_1460 : memref<1x1x8x128xf32, #tpu.memory_space<vmem>> -> memref<8x128xf32, #tpu.memory_space<vmem>>
          %dma_wait3A_1462 = arith.constant 24 : i32
          %dma_wait3A_1463 = tpu.memref_slice %arg4[%select_n3A_1386, %dma_wait3A_1462, %mul3A_1407] : memref<50x64x16384xf32, #tpu.memory_space<hbm>> -> memref<1x8x128xf32, #tpu.memory_space<hbm>>
          %dma_wait3A_1464 = tpu.memref_squeeze %dma_wait3A_1463 : memref<1x8x128xf32, #tpu.memory_space<hbm>> -> memref<8x128xf32, #tpu.memory_space<hbm>>
          %dma_wait3A_1465 = arith.constant 24 : i32
          %dma_wait3A_1466 = tpu.memref_slice %arg4[%select_n3A_1386, %dma_wait3A_1465, %mul3A_1407] : memref<50x64x16384xf32, #tpu.memory_space<hbm>> -> memref<1x8x128xf32, #tpu.memory_space<hbm>>
          %dma_wait3A_1467 = tpu.memref_squeeze %dma_wait3A_1466 : memref<1x8x128xf32, #tpu.memory_space<hbm>> -> memref<8x128xf32, #tpu.memory_space<hbm>>
          %dma_wait3A_1468 = arith.constant 0 : i32
          %dma_wait3A_1469 = arith.constant 0 : i32
          %dma_wait3A_1470 = tpu.memref_slice %arg7[%dma_wait3A_1456, %dma_wait3A_1457, %dma_wait3A_1468, %dma_wait3A_1469] : memref<4x8x8x128xf32, #tpu.memory_space<vmem>> -> memref<1x1x8x128xf32, #tpu.memory_space<vmem>>
          %dma_wait3A_1471 = tpu.memref_squeeze %dma_wait3A_1470 : memref<1x1x8x128xf32, #tpu.memory_space<vmem>> -> memref<8x128xf32, #tpu.memory_space<vmem>>
          tpu.wait_dma2 semaphore(%arg14 : memref<!tpu.dma_semaphore, #tpu.memory_space<semaphore_mem>>) src(%dma_wait3A_1471 : memref<8x128xf32, #tpu.memory_space<vmem>>) dst(%dma_wait3A_1467 : memref<8x128xf32, #tpu.memory_space<hbm>>)
          %dma_wait3A_1472 = arith.constant 2 : i32
          %dma_wait3A_1473 = arith.constant 4 : i32
          %dma_wait3A_1474 = arith.constant 0 : i32
          %dma_wait3A_1475 = arith.constant 0 : i32
          %dma_wait3A_1476 = tpu.memref_slice %arg7[%dma_wait3A_1472, %dma_wait3A_1473, %dma_wait3A_1474, %dma_wait3A_1475] : memref<4x8x8x128xf32, #tpu.memory_space<vmem>> -> memref<1x1x8x128xf32, #tpu.memory_space<vmem>>
          %dma_wait3A_1477 = tpu.memref_squeeze %dma_wait3A_1476 : memref<1x1x8x128xf32, #tpu.memory_space<vmem>> -> memref<8x128xf32, #tpu.memory_space<vmem>>
          %dma_wait3A_1478 = arith.constant 32 : i32
          %dma_wait3A_1479 = tpu.memref_slice %arg4[%select_n3A_1386, %dma_wait3A_1478, %mul3A_1407] : memref<50x64x16384xf32, #tpu.memory_space<hbm>> -> memref<1x8x128xf32, #tpu.memory_space<hbm>>
          %dma_wait3A_1480 = tpu.memref_squeeze %dma_wait3A_1479 : memref<1x8x128xf32, #tpu.memory_space<hbm>> -> memref<8x128xf32, #tpu.memory_space<hbm>>
          %dma_wait3A_1481 = arith.constant 32 : i32
          %dma_wait3A_1482 = tpu.memref_slice %arg4[%select_n3A_1386, %dma_wait3A_1481, %mul3A_1407] : memref<50x64x16384xf32, #tpu.memory_space<hbm>> -> memref<1x8x128xf32, #tpu.memory_space<hbm>>
          %dma_wait3A_1483 = tpu.memref_squeeze %dma_wait3A_1482 : memref<1x8x128xf32, #tpu.memory_space<hbm>> -> memref<8x128xf32, #tpu.memory_space<hbm>>
          %dma_wait3A_1484 = arith.constant 0 : i32
          %dma_wait3A_1485 = arith.constant 0 : i32
          %dma_wait3A_1486 = tpu.memref_slice %arg7[%dma_wait3A_1472, %dma_wait3A_1473, %dma_wait3A_1484, %dma_wait3A_1485] : memref<4x8x8x128xf32, #tpu.memory_space<vmem>> -> memref<1x1x8x128xf32, #tpu.memory_space<vmem>>
          %dma_wait3A_1487 = tpu.memref_squeeze %dma_wait3A_1486 : memref<1x1x8x128xf32, #tpu.memory_space<vmem>> -> memref<8x128xf32, #tpu.memory_space<vmem>>
          tpu.wait_dma2 semaphore(%arg14 : memref<!tpu.dma_semaphore, #tpu.memory_space<semaphore_mem>>) src(%dma_wait3A_1487 : memref<8x128xf32, #tpu.memory_space<vmem>>) dst(%dma_wait3A_1483 : memref<8x128xf32, #tpu.memory_space<hbm>>)
          %dma_wait3A_1488 = arith.constant 2 : i32
          %dma_wait3A_1489 = arith.constant 5 : i32
          %dma_wait3A_1490 = arith.constant 0 : i32
          %dma_wait3A_1491 = arith.constant 0 : i32
          %dma_wait3A_1492 = tpu.memref_slice %arg7[%dma_wait3A_1488, %dma_wait3A_1489, %dma_wait3A_1490, %dma_wait3A_1491] : memref<4x8x8x128xf32, #tpu.memory_space<vmem>> -> memref<1x1x8x128xf32, #tpu.memory_space<vmem>>
          %dma_wait3A_1493 = tpu.memref_squeeze %dma_wait3A_1492 : memref<1x1x8x128xf32, #tpu.memory_space<vmem>> -> memref<8x128xf32, #tpu.memory_space<vmem>>
          %dma_wait3A_1494 = arith.constant 40 : i32
          %dma_wait3A_1495 = tpu.memref_slice %arg4[%select_n3A_1386, %dma_wait3A_1494, %mul3A_1407] : memref<50x64x16384xf32, #tpu.memory_space<hbm>> -> memref<1x8x128xf32, #tpu.memory_space<hbm>>
          %dma_wait3A_1496 = tpu.memref_squeeze %dma_wait3A_1495 : memref<1x8x128xf32, #tpu.memory_space<hbm>> -> memref<8x128xf32, #tpu.memory_space<hbm>>
          %dma_wait3A_1497 = arith.constant 40 : i32
          %dma_wait3A_1498 = tpu.memref_slice %arg4[%select_n3A_1386, %dma_wait3A_1497, %mul3A_1407] : memref<50x64x16384xf32, #tpu.memory_space<hbm>> -> memref<1x8x128xf32, #tpu.memory_space<hbm>>
          %dma_wait3A_1499 = tpu.memref_squeeze %dma_wait3A_1498 : memref<1x8x128xf32, #tpu.memory_space<hbm>> -> memref<8x128xf32, #tpu.memory_space<hbm>>
          %dma_wait3A_1500 = arith.constant 0 : i32
          %dma_wait3A_1501 = arith.constant 0 : i32
          %dma_wait3A_1502 = tpu.memref_slice %arg7[%dma_wait3A_1488, %dma_wait3A_1489, %dma_wait3A_1500, %dma_wait3A_1501] : memref<4x8x8x128xf32, #tpu.memory_space<vmem>> -> memref<1x1x8x128xf32, #tpu.memory_space<vmem>>
          %dma_wait3A_1503 = tpu.memref_squeeze %dma_wait3A_1502 : memref<1x1x8x128xf32, #tpu.memory_space<vmem>> -> memref<8x128xf32, #tpu.memory_space<vmem>>
          tpu.wait_dma2 semaphore(%arg14 : memref<!tpu.dma_semaphore, #tpu.memory_space<semaphore_mem>>) src(%dma_wait3A_1503 : memref<8x128xf32, #tpu.memory_space<vmem>>) dst(%dma_wait3A_1499 : memref<8x128xf32, #tpu.memory_space<hbm>>)
          %dma_wait3A_1504 = arith.constant 2 : i32
          %dma_wait3A_1505 = arith.constant 6 : i32
          %dma_wait3A_1506 = arith.constant 0 : i32
          %dma_wait3A_1507 = arith.constant 0 : i32
          %dma_wait3A_1508 = tpu.memref_slice %arg7[%dma_wait3A_1504, %dma_wait3A_1505, %dma_wait3A_1506, %dma_wait3A_1507] : memref<4x8x8x128xf32, #tpu.memory_space<vmem>> -> memref<1x1x8x128xf32, #tpu.memory_space<vmem>>
          %dma_wait3A_1509 = tpu.memref_squeeze %dma_wait3A_1508 : memref<1x1x8x128xf32, #tpu.memory_space<vmem>> -> memref<8x128xf32, #tpu.memory_space<vmem>>
          %dma_wait3A_1510 = arith.constant 48 : i32
          %dma_wait3A_1511 = tpu.memref_slice %arg4[%select_n3A_1386, %dma_wait3A_1510, %mul3A_1407] : memref<50x64x16384xf32, #tpu.memory_space<hbm>> -> memref<1x8x128xf32, #tpu.memory_space<hbm>>
          %dma_wait3A_1512 = tpu.memref_squeeze %dma_wait3A_1511 : memref<1x8x128xf32, #tpu.memory_space<hbm>> -> memref<8x128xf32, #tpu.memory_space<hbm>>
          %dma_wait3A_1513 = arith.constant 48 : i32
          %dma_wait3A_1514 = tpu.memref_slice %arg4[%select_n3A_1386, %dma_wait3A_1513, %mul3A_1407] : memref<50x64x16384xf32, #tpu.memory_space<hbm>> -> memref<1x8x128xf32, #tpu.memory_space<hbm>>
          %dma_wait3A_1515 = tpu.memref_squeeze %dma_wait3A_1514 : memref<1x8x128xf32, #tpu.memory_space<hbm>> -> memref<8x128xf32, #tpu.memory_space<hbm>>
          %dma_wait3A_1516 = arith.constant 0 : i32
          %dma_wait3A_1517 = arith.constant 0 : i32
          %dma_wait3A_1518 = tpu.memref_slice %arg7[%dma_wait3A_1504, %dma_wait3A_1505, %dma_wait3A_1516, %dma_wait3A_1517] : memref<4x8x8x128xf32, #tpu.memory_space<vmem>> -> memref<1x1x8x128xf32, #tpu.memory_space<vmem>>
          %dma_wait3A_1519 = tpu.memref_squeeze %dma_wait3A_1518 : memref<1x1x8x128xf32, #tpu.memory_space<vmem>> -> memref<8x128xf32, #tpu.memory_space<vmem>>
          tpu.wait_dma2 semaphore(%arg14 : memref<!tpu.dma_semaphore, #tpu.memory_space<semaphore_mem>>) src(%dma_wait3A_1519 : memref<8x128xf32, #tpu.memory_space<vmem>>) dst(%dma_wait3A_1515 : memref<8x128xf32, #tpu.memory_space<hbm>>)
          %dma_wait3A_1520 = arith.constant 2 : i32
          %dma_wait3A_1521 = arith.constant 7 : i32
          %dma_wait3A_1522 = arith.constant 0 : i32
          %dma_wait3A_1523 = arith.constant 0 : i32
          %dma_wait3A_1524 = tpu.memref_slice %arg7[%dma_wait3A_1520, %dma_wait3A_1521, %dma_wait3A_1522, %dma_wait3A_1523] : memref<4x8x8x128xf32, #tpu.memory_space<vmem>> -> memref<1x1x8x128xf32, #tpu.memory_space<vmem>>
          %dma_wait3A_1525 = tpu.memref_squeeze %dma_wait3A_1524 : memref<1x1x8x128xf32, #tpu.memory_space<vmem>> -> memref<8x128xf32, #tpu.memory_space<vmem>>
          %dma_wait3A_1526 = arith.constant 56 : i32
          %dma_wait3A_1527 = tpu.memref_slice %arg4[%select_n3A_1386, %dma_wait3A_1526, %mul3A_1407] : memref<50x64x16384xf32, #tpu.memory_space<hbm>> -> memref<1x8x128xf32, #tpu.memory_space<hbm>>
          %dma_wait3A_1528 = tpu.memref_squeeze %dma_wait3A_1527 : memref<1x8x128xf32, #tpu.memory_space<hbm>> -> memref<8x128xf32, #tpu.memory_space<hbm>>
          %dma_wait3A_1529 = arith.constant 56 : i32
          %dma_wait3A_1530 = tpu.memref_slice %arg4[%select_n3A_1386, %dma_wait3A_1529, %mul3A_1407] : memref<50x64x16384xf32, #tpu.memory_space<hbm>> -> memref<1x8x128xf32, #tpu.memory_space<hbm>>
          %dma_wait3A_1531 = tpu.memref_squeeze %dma_wait3A_1530 : memref<1x8x128xf32, #tpu.memory_space<hbm>> -> memref<8x128xf32, #tpu.memory_space<hbm>>
          %dma_wait3A_1532 = arith.constant 0 : i32
          %dma_wait3A_1533 = arith.constant 0 : i32
          %dma_wait3A_1534 = tpu.memref_slice %arg7[%dma_wait3A_1520, %dma_wait3A_1521, %dma_wait3A_1532, %dma_wait3A_1533] : memref<4x8x8x128xf32, #tpu.memory_space<vmem>> -> memref<1x1x8x128xf32, #tpu.memory_space<vmem>>
          %dma_wait3A_1535 = tpu.memref_squeeze %dma_wait3A_1534 : memref<1x1x8x128xf32, #tpu.memory_space<vmem>> -> memref<8x128xf32, #tpu.memory_space<vmem>>
          tpu.wait_dma2 semaphore(%arg14 : memref<!tpu.dma_semaphore, #tpu.memory_space<semaphore_mem>>) src(%dma_wait3A_1535 : memref<8x128xf32, #tpu.memory_space<vmem>>) dst(%dma_wait3A_1531 : memref<8x128xf32, #tpu.memory_space<hbm>>)
        } else {
        }
        %add3A_1308 = arith.constant 2 : i32
        %add3A_1309 = arith.addi %add3A_373, %add3A_1308 : i32
        %jit3A_1310 = arith.constant 4 : i32
        %div3A_1311 = arith.divsi %add3A_1309, %jit3A_1310 : i32
        %sign3A_1312 = arith.constant 0 : i32
        %sign3A_1313 = arith.cmpi sgt, %add3A_1309, %sign3A_1312 : i32
        %sign3A_1314 = arith.extui %sign3A_1313 : i1 to i32
        %sign3A_1315 = arith.constant 0 : i32
        %sign3A_1316 = arith.cmpi slt, %add3A_1309, %sign3A_1315 : i32
        %sign3A_1317 = arith.extui %sign3A_1316 : i1 to i32
        %sign3A_1318 = arith.subi %sign3A_1314, %sign3A_1317 : i32
        %sign3A_1319 = arith.constant 0 : i32
        %sign3A_1320 = arith.cmpi sgt, %jit3A_1310, %sign3A_1319 : i32
        %sign3A_1321 = arith.extui %sign3A_1320 : i1 to i32
        %sign3A_1322 = arith.constant 0 : i32
        %sign3A_1323 = arith.cmpi slt, %jit3A_1310, %sign3A_1322 : i32
        %sign3A_1324 = arith.extui %sign3A_1323 : i1 to i32
        %sign3A_1325 = arith.subi %sign3A_1321, %sign3A_1324 : i32
        %ne3A_1326 = arith.cmpi ne, %sign3A_1318, %sign3A_1325 : i32
        %rem3A_1327 = arith.remsi %add3A_1309, %jit3A_1310 : i32
        %ne3A_1328 = arith.constant 0 : i32
        %ne3A_1329 = arith.cmpi ne, %rem3A_1327, %ne3A_1328 : i32
        %and3A_1330 = arith.andi %ne3A_1326, %ne3A_1329 : i1
        %sub3A_1331 = arith.constant 1 : i32
        %sub3A_1332 = arith.subi %div3A_1311, %sub3A_1331 : i32
        %select_n3A_1333 = arith.select %and3A_1330, %sub3A_1332, %div3A_1311 : i32
        %jit3A_1334 = arith.constant 4 : i32
        %eq3A_1335 = arith.constant 0 : i32
        %eq3A_1336 = arith.cmpi eq, %jit3A_1334, %eq3A_1335 : i32
        %jit3A_1337 = arith.constant 1 : i32
        %select_n3A_1338 = arith.select %eq3A_1336, %jit3A_1337, %jit3A_1334 : i32
        %rem3A_1339 = arith.remsi %add3A_1309, %select_n3A_1338 : i32
        %ne3A_1340 = arith.constant 0 : i32
        %ne3A_1341 = arith.cmpi ne, %rem3A_1339, %ne3A_1340 : i32
        %lt3A_1342 = arith.constant 0 : i32
        %lt3A_1343 = arith.cmpi slt, %rem3A_1339, %lt3A_1342 : i32
        %lt3A_1344 = arith.constant 0 : i32
        %lt3A_1345 = arith.cmpi slt, %select_n3A_1338, %lt3A_1344 : i32
        %ne3A_1346 = arith.xori %lt3A_1343, %lt3A_1345 : i1
        %and3A_1347 = arith.andi %ne3A_1346, %ne3A_1341 : i1
        %add3A_1348 = arith.addi %rem3A_1339, %select_n3A_1338 : i32
        %select_n3A_1349 = arith.select %and3A_1347, %add3A_1348, %rem3A_1339 : i32
        %dma_start3A_1350 = arith.constant 2 : i32
        %dma_start3A_1351 = arith.constant 0 : i32
        %dma_start3A_1352 = arith.constant 0 : i32
        %dma_start3A_1353 = tpu.memref_slice %arg6[%dma_start3A_1350, %dma_start3A_1351, %dma_start3A_1352] : memref<4x128x128xf32, #tpu.memory_space<vmem>> -> memref<1x128x128xf32, #tpu.memory_space<vmem>>
        %dma_start3A_1354 = tpu.memref_squeeze %dma_start3A_1353 : memref<1x128x128xf32, #tpu.memory_space<vmem>> -> memref<128x128xf32, #tpu.memory_space<vmem>>
        %dma_start3A_1355 = arith.constant 0 : i32
        %dma_start3A_1356 = tpu.memref_slice %arg5[%select_n3A_1333, %select_n3A_1349, %dma_start3A_1355] : memref<50x4x128xi32, #tpu.memory_space<vmem>> -> memref<1x1x128xi32, #tpu.memory_space<vmem>>
        %dma_start3A_1357 = tpu.memref_squeeze %dma_start3A_1356 : memref<1x1x128xi32, #tpu.memory_space<vmem>> -> memref<128xi32, #tpu.memory_space<vmem>>
        %dma_start3A_1358 = arith.constant 0 : i32
        %dma_start3A_1359 = arith.constant 0 : i32
        %dma_start3A_1360 = tpu.memref_slice %arg3[%dma_start3A_1358, %dma_start3A_1359] : memref<1000000x128xf32, #tpu.memory_space<hbm>> -> memref<1000000x128xf32, #tpu.memory_space<hbm>>
        tpu.enqueue_indirect_dma source(%dma_start3A_1360 : memref<1000000x128xf32, #tpu.memory_space<hbm>>) target(%dma_start3A_1354 : memref<128x128xf32, #tpu.memory_space<vmem>>) offsets(%dma_start3A_1357 : memref<128xi32, #tpu.memory_space<vmem>>) semaphore(%arg10 : memref<!tpu.dma_semaphore, #tpu.memory_space<semaphore_mem>>)
      } else {
      }
      %jit3A = arith.constant 4 : i32
      %div3A = arith.divsi %add3A_373, %jit3A : i32
      %sign3A = arith.constant 0 : i32
      %sign3A_378 = arith.cmpi sgt, %add3A_373, %sign3A : i32
      %sign3A_379 = arith.extui %sign3A_378 : i1 to i32
      %sign3A_380 = arith.constant 0 : i32
      %sign3A_381 = arith.cmpi slt, %add3A_373, %sign3A_380 : i32
      %sign3A_382 = arith.extui %sign3A_381 : i1 to i32
      %sign3A_383 = arith.subi %sign3A_379, %sign3A_382 : i32
      %sign3A_384 = arith.constant 0 : i32
      %sign3A_385 = arith.cmpi sgt, %jit3A, %sign3A_384 : i32
      %sign3A_386 = arith.extui %sign3A_385 : i1 to i32
      %sign3A_387 = arith.constant 0 : i32
      %sign3A_388 = arith.cmpi slt, %jit3A, %sign3A_387 : i32
      %sign3A_389 = arith.extui %sign3A_388 : i1 to i32
      %sign3A_390 = arith.subi %sign3A_386, %sign3A_389 : i32
      %ne3A = arith.cmpi ne, %sign3A_383, %sign3A_390 : i32
      %rem3A = arith.remsi %add3A_373, %jit3A : i32
      %ne3A_391 = arith.constant 0 : i32
      %ne3A_392 = arith.cmpi ne, %rem3A, %ne3A_391 : i32
      %and3A_393 = arith.andi %ne3A, %ne3A_392 : i1
      %sub3A = arith.constant 1 : i32
      %sub3A_394 = arith.subi %div3A, %sub3A : i32
      %select_n3A = arith.select %and3A_393, %sub3A_394, %div3A : i32
      %jit3A_395 = arith.constant 4 : i32
      %eq3A = arith.constant 0 : i32
      %eq3A_396 = arith.cmpi eq, %jit3A_395, %eq3A : i32
      %jit3A_397 = arith.constant 1 : i32
      %select_n3A_398 = arith.select %eq3A_396, %jit3A_397, %jit3A_395 : i32
      %rem3A_399 = arith.remsi %add3A_373, %select_n3A_398 : i32
      %ne3A_400 = arith.constant 0 : i32
      %ne3A_401 = arith.cmpi ne, %rem3A_399, %ne3A_400 : i32
      %lt3A_402 = arith.constant 0 : i32
      %lt3A_403 = arith.cmpi slt, %rem3A_399, %lt3A_402 : i32
      %lt3A_404 = arith.constant 0 : i32
      %lt3A_405 = arith.cmpi slt, %select_n3A_398, %lt3A_404 : i32
      %ne3A_406 = arith.xori %lt3A_403, %lt3A_405 : i1
      %and3A_407 = arith.andi %ne3A_406, %ne3A_401 : i1
      %add3A_408 = arith.addi %rem3A_399, %select_n3A_398 : i32
      %select_n3A_409 = arith.select %and3A_407, %add3A_408, %rem3A_399 : i32
      %dma_wait3A_410 = arith.constant 0 : i32
      %dma_wait3A_411 = arith.constant 0 : i32
      %dma_wait3A_412 = arith.constant 0 : i32
      %dma_wait3A_413 = tpu.memref_slice %arg6[%dma_wait3A_410, %dma_wait3A_411, %dma_wait3A_412] : memref<4x128x128xf32, #tpu.memory_space<vmem>> -> memref<1x128x128xf32, #tpu.memory_space<vmem>>
      %dma_wait3A_414 = tpu.memref_squeeze %dma_wait3A_413 : memref<1x128x128xf32, #tpu.memory_space<vmem>> -> memref<128x128xf32, #tpu.memory_space<vmem>>
      %dma_wait3A_415 = arith.constant 0 : i32
      %dma_wait3A_416 = tpu.memref_slice %arg5[%select_n3A, %select_n3A_409, %dma_wait3A_415] : memref<50x4x128xi32, #tpu.memory_space<vmem>> -> memref<1x1x128xi32, #tpu.memory_space<vmem>>
      %dma_wait3A_417 = tpu.memref_squeeze %dma_wait3A_416 : memref<1x1x128xi32, #tpu.memory_space<vmem>> -> memref<128xi32, #tpu.memory_space<vmem>>
      %dma_wait3A_418 = arith.constant 0 : i32
      %dma_wait3A_419 = arith.constant 0 : i32
      %dma_wait3A_420 = tpu.memref_slice %arg3[%dma_wait3A_418, %dma_wait3A_419] : memref<1000000x128xf32, #tpu.memory_space<hbm>> -> memref<1000000x128xf32, #tpu.memory_space<hbm>>
      tpu.wait_indirect_dma semaphore(%arg8 : memref<!tpu.dma_semaphore, #tpu.memory_space<semaphore_mem>>) src(%dma_wait3A_420 : memref<1000000x128xf32, #tpu.memory_space<hbm>>) dst(%dma_wait3A_414 : memref<128x128xf32, #tpu.memory_space<vmem>>)
      %parallel_loop3A = arith.constant 0 : i32
      %parallel_loop3A_421 = arith.constant 128 : i32
      %parallel_loop3A_422 = arith.constant 1 : i32
      scf.for %parallel_loop3A_1304 = %parallel_loop3A to %parallel_loop3A_421 step %parallel_loop3A_422  : i32 {
        %parallel_loop3A_1305 = vector.broadcast %parallel_loop3A_1304 : i32 to vector<16xi32>
        %parallel_loop3A_1306 = arith.constant 0 : i32
        %parallel_loop3A_1307 = arith.index_cast %parallel_loop3A_1306 : i32 to index
        %parallel_loop3A_1308 = arith.index_cast %parallel_loop3A_1304 : i32 to index
        %parallel_loop3A_1309 = arith.constant 0 : index
        %parallel_loop3A_1310 = tpu.vector_load %arg6[%parallel_loop3A_1307, %parallel_loop3A_1308, %parallel_loop3A_1309] {strides = array<i32>} : memref<4x128x128xf32, #tpu.memory_space<vmem>>, vector<16xf32>,
        %parallel_loop3A_1311 = arith.constant 8.000000e+00 : f32
        %parallel_loop3A_1312 = vector.broadcast %parallel_loop3A_1311 : f32 to vector<16xf32>
        %parallel_loop3A_1313 = arith.mulf %parallel_loop3A_1310, %parallel_loop3A_1312 : vector<16xf32>
        %parallel_loop3A_1314 = arith.constant 0 : i32
        %parallel_loop3A_1315 = arith.constant 0 : i32
        %parallel_loop3A_1316 = arith.constant 0 : i32
        %parallel_loop3A_1317 = arith.constant 0 : i32
        %parallel_loop3A_1318 = tpu.memref_slice %arg7[%parallel_loop3A_1314, %parallel_loop3A_1315, %parallel_loop3A_1316, %parallel_loop3A_1317] : memref<4x8x8x128xf32, #tpu.memory_space<vmem>> -> memref<1x8x8x128xf32, #tpu.memory_space<vmem>>
        %parallel_loop3A_1319 = tpu.memref_squeeze %parallel_loop3A_1318 : memref<1x8x8x128xf32, #tpu.memory_space<vmem>> -> memref<8x8x128xf32, #tpu.memory_space<vmem>>
        tpu.vector_store_idx %parallel_loop3A_1319[%add3A_32, %and3A_52, %parallel_loop3A_1305], %parallel_loop3A_1313 : memref<8x8x128xf32, #tpu.memory_space<vmem>>[vector<16xi32>, vector<16xi32>, vector<16xi32>], vector<16xf32>,
        %parallel_loop3A_1320 = arith.constant 0 : i32
        %parallel_loop3A_1321 = arith.index_cast %parallel_loop3A_1320 : i32 to index
        %parallel_loop3A_1322 = arith.index_cast %parallel_loop3A_1304 : i32 to index
        %parallel_loop3A_1323 = arith.constant 16 : index
        %parallel_loop3A_1324 = tpu.vector_load %arg6[%parallel_loop3A_1321, %parallel_loop3A_1322, %parallel_loop3A_1323] {strides = array<i32>} : memref<4x128x128xf32, #tpu.memory_space<vmem>>, vector<16xf32>,
        %parallel_loop3A_1325 = arith.constant 8.000000e+00 : f32
        %parallel_loop3A_1326 = vector.broadcast %parallel_loop3A_1325 : f32 to vector<16xf32>
        %parallel_loop3A_1327 = arith.mulf %parallel_loop3A_1324, %parallel_loop3A_1326 : vector<16xf32>
        %parallel_loop3A_1328 = arith.constant 0 : i32
        %parallel_loop3A_1329 = arith.constant 0 : i32
        %parallel_loop3A_1330 = arith.constant 0 : i32
        %parallel_loop3A_1331 = arith.constant 0 : i32
        %parallel_loop3A_1332 = tpu.memref_slice %arg7[%parallel_loop3A_1328, %parallel_loop3A_1329, %parallel_loop3A_1330, %parallel_loop3A_1331] : memref<4x8x8x128xf32, #tpu.memory_space<vmem>> -> memref<1x8x8x128xf32, #tpu.memory_space<vmem>>
        %parallel_loop3A_1333 = tpu.memref_squeeze %parallel_loop3A_1332 : memref<1x8x8x128xf32, #tpu.memory_space<vmem>> -> memref<8x8x128xf32, #tpu.memory_space<vmem>>
        tpu.vector_store_idx %parallel_loop3A_1333[%add3A_38, %and3A_52, %parallel_loop3A_1305], %parallel_loop3A_1327 : memref<8x8x128xf32, #tpu.memory_space<vmem>>[vector<16xi32>, vector<16xi32>, vector<16xi32>], vector<16xf32>,
        %parallel_loop3A_1334 = arith.constant 0 : i32
        %parallel_loop3A_1335 = arith.index_cast %parallel_loop3A_1334 : i32 to index
        %parallel_loop3A_1336 = arith.index_cast %parallel_loop3A_1304 : i32 to index
        %parallel_loop3A_1337 = arith.constant 32 : index
        %parallel_loop3A_1338 = tpu.vector_load %arg6[%parallel_loop3A_1335, %parallel_loop3A_1336, %parallel_loop3A_1337] {strides = array<i32>} : memref<4x128x128xf32, #tpu.memory_space<vmem>>, vector<16xf32>,
        %parallel_loop3A_1339 = arith.constant 8.000000e+00 : f32
        %parallel_loop3A_1340 = vector.broadcast %parallel_loop3A_1339 : f32 to vector<16xf32>
        %parallel_loop3A_1341 = arith.mulf %parallel_loop3A_1338, %parallel_loop3A_1340 : vector<16xf32>
        %parallel_loop3A_1342 = arith.constant 0 : i32
        %parallel_loop3A_1343 = arith.constant 0 : i32
        %parallel_loop3A_1344 = arith.constant 0 : i32
        %parallel_loop3A_1345 = arith.constant 0 : i32
        %parallel_loop3A_1346 = tpu.memref_slice %arg7[%parallel_loop3A_1342, %parallel_loop3A_1343, %parallel_loop3A_1344, %parallel_loop3A_1345] : memref<4x8x8x128xf32, #tpu.memory_space<vmem>> -> memref<1x8x8x128xf32, #tpu.memory_space<vmem>>
        %parallel_loop3A_1347 = tpu.memref_squeeze %parallel_loop3A_1346 : memref<1x8x8x128xf32, #tpu.memory_space<vmem>> -> memref<8x8x128xf32, #tpu.memory_space<vmem>>
        tpu.vector_store_idx %parallel_loop3A_1347[%add3A_44, %and3A_52, %parallel_loop3A_1305], %parallel_loop3A_1341 : memref<8x8x128xf32, #tpu.memory_space<vmem>>[vector<16xi32>, vector<16xi32>, vector<16xi32>], vector<16xf32>,
        %parallel_loop3A_1348 = arith.constant 0 : i32
        %parallel_loop3A_1349 = arith.index_cast %parallel_loop3A_1348 : i32 to index
        %parallel_loop3A_1350 = arith.index_cast %parallel_loop3A_1304 : i32 to index
        %parallel_loop3A_1351 = arith.constant 48 : index
        %parallel_loop3A_1352 = tpu.vector_load %arg6[%parallel_loop3A_1349, %parallel_loop3A_1350, %parallel_loop3A_1351] {strides = array<i32>} : memref<4x128x128xf32, #tpu.memory_space<vmem>>, vector<16xf32>,
        %parallel_loop3A_1353 = arith.constant 8.000000e+00 : f32
        %parallel_loop3A_1354 = vector.broadcast %parallel_loop3A_1353 : f32 to vector<16xf32>
        %parallel_loop3A_1355 = arith.mulf %parallel_loop3A_1352, %parallel_loop3A_1354 : vector<16xf32>
        %parallel_loop3A_1356 = arith.constant 0 : i32
        %parallel_loop3A_1357 = arith.constant 0 : i32
        %parallel_loop3A_1358 = arith.constant 0 : i32
        %parallel_loop3A_1359 = arith.constant 0 : i32
        %parallel_loop3A_1360 = tpu.memref_slice %arg7[%parallel_loop3A_1356, %parallel_loop3A_1357, %parallel_loop3A_1358, %parallel_loop3A_1359] : memref<4x8x8x128xf32, #tpu.memory_space<vmem>> -> memref<1x8x8x128xf32, #tpu.memory_space<vmem>>
        %parallel_loop3A_1361 = tpu.memref_squeeze %parallel_loop3A_1360 : memref<1x8x8x128xf32, #tpu.memory_space<vmem>> -> memref<8x8x128xf32, #tpu.memory_space<vmem>>
        tpu.vector_store_idx %parallel_loop3A_1361[%add3A_50, %and3A_52, %parallel_loop3A_1305], %parallel_loop3A_1355 : memref<8x8x128xf32, #tpu.memory_space<vmem>>[vector<16xi32>, vector<16xi32>, vector<16xi32>], vector<16xf32>,
      } {sc.loop_unroll_factor = 8 : i64, sc.parallel_access}
      %jit3A_423 = arith.constant 4 : i32
      %div3A_424 = arith.divsi %add3A_373, %jit3A_423 : i32
      %sign3A_425 = arith.constant 0 : i32
      %sign3A_426 = arith.cmpi sgt, %add3A_373, %sign3A_425 : i32
      %sign3A_427 = arith.extui %sign3A_426 : i1 to i32
      %sign3A_428 = arith.constant 0 : i32
      %sign3A_429 = arith.cmpi slt, %add3A_373, %sign3A_428 : i32
      %sign3A_430 = arith.extui %sign3A_429 : i1 to i32
      %sign3A_431 = arith.subi %sign3A_427, %sign3A_430 : i32
      %sign3A_432 = arith.constant 0 : i32
      %sign3A_433 = arith.cmpi sgt, %jit3A_423, %sign3A_432 : i32
      %sign3A_434 = arith.extui %sign3A_433 : i1 to i32
      %sign3A_435 = arith.constant 0 : i32
      %sign3A_436 = arith.cmpi slt, %jit3A_423, %sign3A_435 : i32
      %sign3A_437 = arith.extui %sign3A_436 : i1 to i32
      %sign3A_438 = arith.subi %sign3A_434, %sign3A_437 : i32
      %ne3A_439 = arith.cmpi ne, %sign3A_431, %sign3A_438 : i32
      %rem3A_440 = arith.remsi %add3A_373, %jit3A_423 : i32
      %ne3A_441 = arith.constant 0 : i32
      %ne3A_442 = arith.cmpi ne, %rem3A_440, %ne3A_441 : i32
      %and3A_443 = arith.andi %ne3A_439, %ne3A_442 : i1
      %sub3A_444 = arith.constant 1 : i32
      %sub3A_445 = arith.subi %div3A_424, %sub3A_444 : i32
      %select_n3A_446 = arith.select %and3A_443, %sub3A_445, %div3A_424 : i32
      %jit3A_447 = arith.constant 4 : i32
      %eq3A_448 = arith.constant 0 : i32
      %eq3A_449 = arith.cmpi eq, %jit3A_447, %eq3A_448 : i32
      %jit3A_450 = arith.constant 1 : i32
      %select_n3A_451 = arith.select %eq3A_449, %jit3A_450, %jit3A_447 : i32
      %rem3A_452 = arith.remsi %add3A_373, %select_n3A_451 : i32
      %ne3A_453 = arith.constant 0 : i32
      %ne3A_454 = arith.cmpi ne, %rem3A_452, %ne3A_453 : i32
      %lt3A_455 = arith.constant 0 : i32
      %lt3A_456 = arith.cmpi slt, %rem3A_452, %lt3A_455 : i32
      %lt3A_457 = arith.constant 0 : i32
      %lt3A_458 = arith.cmpi slt, %select_n3A_451, %lt3A_457 : i32
      %ne3A_459 = arith.xori %lt3A_456, %lt3A_458 : i1
      %and3A_460 = arith.andi %ne3A_459, %ne3A_454 : i1
      %add3A_461 = arith.addi %rem3A_452, %select_n3A_451 : i32
      %select_n3A_462 = arith.select %and3A_460, %add3A_461, %rem3A_452 : i32
      %mul3A_463 = arith.constant 4 : i32
      %mul3A_464 = arith.muli %add3A, %mul3A_463 : i32
      %add3A_465 = arith.addi %mul3A_464, %select_n3A_462 : i32
      %mul3A_466 = arith.constant 128 : i32
      %mul3A_467 = arith.muli %add3A_465, %mul3A_466 : i32
      %dma_start3A_468 = arith.constant 0 : i32
      %dma_start3A_469 = arith.constant 0 : i32
      %dma_start3A_470 = arith.constant 0 : i32
      %dma_start3A_471 = arith.constant 0 : i32
      %dma_start3A_472 = tpu.memref_slice %arg7[%dma_start3A_468, %dma_start3A_469, %dma_start3A_470, %dma_start3A_471] : memref<4x8x8x128xf32, #tpu.memory_space<vmem>> -> memref<1x1x8x128xf32, #tpu.memory_space<vmem>>
      %dma_start3A_473 = tpu.memref_squeeze %dma_start3A_472 : memref<1x1x8x128xf32, #tpu.memory_space<vmem>> -> memref<8x128xf32, #tpu.memory_space<vmem>>
      %dma_start3A_474 = arith.constant 0 : i32
      %dma_start3A_475 = tpu.memref_slice %arg4[%select_n3A_446, %dma_start3A_474, %mul3A_467] : memref<50x64x16384xf32, #tpu.memory_space<hbm>> -> memref<1x8x128xf32, #tpu.memory_space<hbm>>
      %dma_start3A_476 = tpu.memref_squeeze %dma_start3A_475 : memref<1x8x128xf32, #tpu.memory_space<hbm>> -> memref<8x128xf32, #tpu.memory_space<hbm>>
      %dma_start3A_477 = arith.constant 0 : i32
      %dma_start3A_478 = tpu.memref_slice %arg4[%select_n3A_446, %dma_start3A_477, %mul3A_467] : memref<50x64x16384xf32, #tpu.memory_space<hbm>> -> memref<1x8x128xf32, #tpu.memory_space<hbm>>
      %dma_start3A_479 = tpu.memref_squeeze %dma_start3A_478 : memref<1x8x128xf32, #tpu.memory_space<hbm>> -> memref<8x128xf32, #tpu.memory_space<hbm>>
      %dma_start3A_480 = arith.constant 0 : i32
      %dma_start3A_481 = arith.constant 0 : i32
      %dma_start3A_482 = tpu.memref_slice %arg7[%dma_start3A_468, %dma_start3A_469, %dma_start3A_480, %dma_start3A_481] : memref<4x8x8x128xf32, #tpu.memory_space<vmem>> -> memref<1x1x8x128xf32, #tpu.memory_space<vmem>>
      %dma_start3A_483 = tpu.memref_squeeze %dma_start3A_482 : memref<1x1x8x128xf32, #tpu.memory_space<vmem>> -> memref<8x128xf32, #tpu.memory_space<vmem>>
      tpu.enqueue_dma source(%dma_start3A_483 : memref<8x128xf32, #tpu.memory_space<vmem>>) target(%dma_start3A_479 : memref<8x128xf32, #tpu.memory_space<hbm>>) target_semaphore(%arg12 : memref<!tpu.dma_semaphore, #tpu.memory_space<semaphore_mem>>)
      %dma_start3A_484 = arith.constant 0 : i32
      %dma_start3A_485 = arith.constant 1 : i32
      %dma_start3A_486 = arith.constant 0 : i32
      %dma_start3A_487 = arith.constant 0 : i32
      %dma_start3A_488 = tpu.memref_slice %arg7[%dma_start3A_484, %dma_start3A_485, %dma_start3A_486, %dma_start3A_487] : memref<4x8x8x128xf32, #tpu.memory_space<vmem>> -> memref<1x1x8x128xf32, #tpu.memory_space<vmem>>
      %dma_start3A_489 = tpu.memref_squeeze %dma_start3A_488 : memref<1x1x8x128xf32, #tpu.memory_space<vmem>> -> memref<8x128xf32, #tpu.memory_space<vmem>>
      %dma_start3A_490 = arith.constant 8 : i32
      %dma_start3A_491 = tpu.memref_slice %arg4[%select_n3A_446, %dma_start3A_490, %mul3A_467] : memref<50x64x16384xf32, #tpu.memory_space<hbm>> -> memref<1x8x128xf32, #tpu.memory_space<hbm>>
      %dma_start3A_492 = tpu.memref_squeeze %dma_start3A_491 : memref<1x8x128xf32, #tpu.memory_space<hbm>> -> memref<8x128xf32, #tpu.memory_space<hbm>>
      %dma_start3A_493 = arith.constant 8 : i32
      %dma_start3A_494 = tpu.memref_slice %arg4[%select_n3A_446, %dma_start3A_493, %mul3A_467] : memref<50x64x16384xf32, #tpu.memory_space<hbm>> -> memref<1x8x128xf32, #tpu.memory_space<hbm>>
      %dma_start3A_495 = tpu.memref_squeeze %dma_start3A_494 : memref<1x8x128xf32, #tpu.memory_space<hbm>> -> memref<8x128xf32, #tpu.memory_space<hbm>>
      %dma_start3A_496 = arith.constant 0 : i32
      %dma_start3A_497 = arith.constant 0 : i32
      %dma_start3A_498 = tpu.memref_slice %arg7[%dma_start3A_484, %dma_start3A_485, %dma_start3A_496, %dma_start3A_497] : memref<4x8x8x128xf32, #tpu.memory_space<vmem>> -> memref<1x1x8x128xf32, #tpu.memory_space<vmem>>
      %dma_start3A_499 = tpu.memref_squeeze %dma_start3A_498 : memref<1x1x8x128xf32, #tpu.memory_space<vmem>> -> memref<8x128xf32, #tpu.memory_space<vmem>>
      tpu.enqueue_dma source(%dma_start3A_499 : memref<8x128xf32, #tpu.memory_space<vmem>>) target(%dma_start3A_495 : memref<8x128xf32, #tpu.memory_space<hbm>>) target_semaphore(%arg12 : memref<!tpu.dma_semaphore, #tpu.memory_space<semaphore_mem>>)
      %dma_start3A_500 = arith.constant 0 : i32
      %dma_start3A_501 = arith.constant 2 : i32
      %dma_start3A_502 = arith.constant 0 : i32
      %dma_start3A_503 = arith.constant 0 : i32
      %dma_start3A_504 = tpu.memref_slice %arg7[%dma_start3A_500, %dma_start3A_501, %dma_start3A_502, %dma_start3A_503] : memref<4x8x8x128xf32, #tpu.memory_space<vmem>> -> memref<1x1x8x128xf32, #tpu.memory_space<vmem>>
      %dma_start3A_505 = tpu.memref_squeeze %dma_start3A_504 : memref<1x1x8x128xf32, #tpu.memory_space<vmem>> -> memref<8x128xf32, #tpu.memory_space<vmem>>
      %dma_start3A_506 = arith.constant 16 : i32
      %dma_start3A_507 = tpu.memref_slice %arg4[%select_n3A_446, %dma_start3A_506, %mul3A_467] : memref<50x64x16384xf32, #tpu.memory_space<hbm>> -> memref<1x8x128xf32, #tpu.memory_space<hbm>>
      %dma_start3A_508 = tpu.memref_squeeze %dma_start3A_507 : memref<1x8x128xf32, #tpu.memory_space<hbm>> -> memref<8x128xf32, #tpu.memory_space<hbm>>
      %dma_start3A_509 = arith.constant 16 : i32
      %dma_start3A_510 = tpu.memref_slice %arg4[%select_n3A_446, %dma_start3A_509, %mul3A_467] : memref<50x64x16384xf32, #tpu.memory_space<hbm>> -> memref<1x8x128xf32, #tpu.memory_space<hbm>>
      %dma_start3A_511 = tpu.memref_squeeze %dma_start3A_510 : memref<1x8x128xf32, #tpu.memory_space<hbm>> -> memref<8x128xf32, #tpu.memory_space<hbm>>
      %dma_start3A_512 = arith.constant 0 : i32
      %dma_start3A_513 = arith.constant 0 : i32
      %dma_start3A_514 = tpu.memref_slice %arg7[%dma_start3A_500, %dma_start3A_501, %dma_start3A_512, %dma_start3A_513] : memref<4x8x8x128xf32, #tpu.memory_space<vmem>> -> memref<1x1x8x128xf32, #tpu.memory_space<vmem>>
      %dma_start3A_515 = tpu.memref_squeeze %dma_start3A_514 : memref<1x1x8x128xf32, #tpu.memory_space<vmem>> -> memref<8x128xf32, #tpu.memory_space<vmem>>
      tpu.enqueue_dma source(%dma_start3A_515 : memref<8x128xf32, #tpu.memory_space<vmem>>) target(%dma_start3A_511 : memref<8x128xf32, #tpu.memory_space<hbm>>) target_semaphore(%arg12 : memref<!tpu.dma_semaphore, #tpu.memory_space<semaphore_mem>>)
      %dma_start3A_516 = arith.constant 0 : i32
      %dma_start3A_517 = arith.constant 3 : i32
      %dma_start3A_518 = arith.constant 0 : i32
      %dma_start3A_519 = arith.constant 0 : i32
      %dma_start3A_520 = tpu.memref_slice %arg7[%dma_start3A_516, %dma_start3A_517, %dma_start3A_518, %dma_start3A_519] : memref<4x8x8x128xf32, #tpu.memory_space<vmem>> -> memref<1x1x8x128xf32, #tpu.memory_space<vmem>>
      %dma_start3A_521 = tpu.memref_squeeze %dma_start3A_520 : memref<1x1x8x128xf32, #tpu.memory_space<vmem>> -> memref<8x128xf32, #tpu.memory_space<vmem>>
      %dma_start3A_522 = arith.constant 24 : i32
      %dma_start3A_523 = tpu.memref_slice %arg4[%select_n3A_446, %dma_start3A_522, %mul3A_467] : memref<50x64x16384xf32, #tpu.memory_space<hbm>> -> memref<1x8x128xf32, #tpu.memory_space<hbm>>
      %dma_start3A_524 = tpu.memref_squeeze %dma_start3A_523 : memref<1x8x128xf32, #tpu.memory_space<hbm>> -> memref<8x128xf32, #tpu.memory_space<hbm>>
      %dma_start3A_525 = arith.constant 24 : i32
      %dma_start3A_526 = tpu.memref_slice %arg4[%select_n3A_446, %dma_start3A_525, %mul3A_467] : memref<50x64x16384xf32, #tpu.memory_space<hbm>> -> memref<1x8x128xf32, #tpu.memory_space<hbm>>
      %dma_start3A_527 = tpu.memref_squeeze %dma_start3A_526 : memref<1x8x128xf32, #tpu.memory_space<hbm>> -> memref<8x128xf32, #tpu.memory_space<hbm>>
      %dma_start3A_528 = arith.constant 0 : i32
      %dma_start3A_529 = arith.constant 0 : i32
      %dma_start3A_530 = tpu.memref_slice %arg7[%dma_start3A_516, %dma_start3A_517, %dma_start3A_528, %dma_start3A_529] : memref<4x8x8x128xf32, #tpu.memory_space<vmem>> -> memref<1x1x8x128xf32, #tpu.memory_space<vmem>>
      %dma_start3A_531 = tpu.memref_squeeze %dma_start3A_530 : memref<1x1x8x128xf32, #tpu.memory_space<vmem>> -> memref<8x128xf32, #tpu.memory_space<vmem>>
      tpu.enqueue_dma source(%dma_start3A_531 : memref<8x128xf32, #tpu.memory_space<vmem>>) target(%dma_start3A_527 : memref<8x128xf32, #tpu.memory_space<hbm>>) target_semaphore(%arg12 : memref<!tpu.dma_semaphore, #tpu.memory_space<semaphore_mem>>)
      %dma_start3A_532 = arith.constant 0 : i32
      %dma_start3A_533 = arith.constant 4 : i32
      %dma_start3A_534 = arith.constant 0 : i32
      %dma_start3A_535 = arith.constant 0 : i32
      %dma_start3A_536 = tpu.memref_slice %arg7[%dma_start3A_532, %dma_start3A_533, %dma_start3A_534, %dma_start3A_535] : memref<4x8x8x128xf32, #tpu.memory_space<vmem>> -> memref<1x1x8x128xf32, #tpu.memory_space<vmem>>
      %dma_start3A_537 = tpu.memref_squeeze %dma_start3A_536 : memref<1x1x8x128xf32, #tpu.memory_space<vmem>> -> memref<8x128xf32, #tpu.memory_space<vmem>>
      %dma_start3A_538 = arith.constant 32 : i32
      %dma_start3A_539 = tpu.memref_slice %arg4[%select_n3A_446, %dma_start3A_538, %mul3A_467] : memref<50x64x16384xf32, #tpu.memory_space<hbm>> -> memref<1x8x128xf32, #tpu.memory_space<hbm>>
      %dma_start3A_540 = tpu.memref_squeeze %dma_start3A_539 : memref<1x8x128xf32, #tpu.memory_space<hbm>> -> memref<8x128xf32, #tpu.memory_space<hbm>>
      %dma_start3A_541 = arith.constant 32 : i32
      %dma_start3A_542 = tpu.memref_slice %arg4[%select_n3A_446, %dma_start3A_541, %mul3A_467] : memref<50x64x16384xf32, #tpu.memory_space<hbm>> -> memref<1x8x128xf32, #tpu.memory_space<hbm>>
      %dma_start3A_543 = tpu.memref_squeeze %dma_start3A_542 : memref<1x8x128xf32, #tpu.memory_space<hbm>> -> memref<8x128xf32, #tpu.memory_space<hbm>>
      %dma_start3A_544 = arith.constant 0 : i32
      %dma_start3A_545 = arith.constant 0 : i32
      %dma_start3A_546 = tpu.memref_slice %arg7[%dma_start3A_532, %dma_start3A_533, %dma_start3A_544, %dma_start3A_545] : memref<4x8x8x128xf32, #tpu.memory_space<vmem>> -> memref<1x1x8x128xf32, #tpu.memory_space<vmem>>
      %dma_start3A_547 = tpu.memref_squeeze %dma_start3A_546 : memref<1x1x8x128xf32, #tpu.memory_space<vmem>> -> memref<8x128xf32, #tpu.memory_space<vmem>>
      tpu.enqueue_dma source(%dma_start3A_547 : memref<8x128xf32, #tpu.memory_space<vmem>>) target(%dma_start3A_543 : memref<8x128xf32, #tpu.memory_space<hbm>>) target_semaphore(%arg12 : memref<!tpu.dma_semaphore, #tpu.memory_space<semaphore_mem>>)
      %dma_start3A_548 = arith.constant 0 : i32
      %dma_start3A_549 = arith.constant 5 : i32
      %dma_start3A_550 = arith.constant 0 : i32
      %dma_start3A_551 = arith.constant 0 : i32
      %dma_start3A_552 = tpu.memref_slice %arg7[%dma_start3A_548, %dma_start3A_549, %dma_start3A_550, %dma_start3A_551] : memref<4x8x8x128xf32, #tpu.memory_space<vmem>> -> memref<1x1x8x128xf32, #tpu.memory_space<vmem>>
      %dma_start3A_553 = tpu.memref_squeeze %dma_start3A_552 : memref<1x1x8x128xf32, #tpu.memory_space<vmem>> -> memref<8x128xf32, #tpu.memory_space<vmem>>
      %dma_start3A_554 = arith.constant 40 : i32
      %dma_start3A_555 = tpu.memref_slice %arg4[%select_n3A_446, %dma_start3A_554, %mul3A_467] : memref<50x64x16384xf32, #tpu.memory_space<hbm>> -> memref<1x8x128xf32, #tpu.memory_space<hbm>>
      %dma_start3A_556 = tpu.memref_squeeze %dma_start3A_555 : memref<1x8x128xf32, #tpu.memory_space<hbm>> -> memref<8x128xf32, #tpu.memory_space<hbm>>
      %dma_start3A_557 = arith.constant 40 : i32
      %dma_start3A_558 = tpu.memref_slice %arg4[%select_n3A_446, %dma_start3A_557, %mul3A_467] : memref<50x64x16384xf32, #tpu.memory_space<hbm>> -> memref<1x8x128xf32, #tpu.memory_space<hbm>>
      %dma_start3A_559 = tpu.memref_squeeze %dma_start3A_558 : memref<1x8x128xf32, #tpu.memory_space<hbm>> -> memref<8x128xf32, #tpu.memory_space<hbm>>
      %dma_start3A_560 = arith.constant 0 : i32
      %dma_start3A_561 = arith.constant 0 : i32
      %dma_start3A_562 = tpu.memref_slice %arg7[%dma_start3A_548, %dma_start3A_549, %dma_start3A_560, %dma_start3A_561] : memref<4x8x8x128xf32, #tpu.memory_space<vmem>> -> memref<1x1x8x128xf32, #tpu.memory_space<vmem>>
      %dma_start3A_563 = tpu.memref_squeeze %dma_start3A_562 : memref<1x1x8x128xf32, #tpu.memory_space<vmem>> -> memref<8x128xf32, #tpu.memory_space<vmem>>
      tpu.enqueue_dma source(%dma_start3A_563 : memref<8x128xf32, #tpu.memory_space<vmem>>) target(%dma_start3A_559 : memref<8x128xf32, #tpu.memory_space<hbm>>) target_semaphore(%arg12 : memref<!tpu.dma_semaphore, #tpu.memory_space<semaphore_mem>>)
      %dma_start3A_564 = arith.constant 0 : i32
      %dma_start3A_565 = arith.constant 6 : i32
      %dma_start3A_566 = arith.constant 0 : i32
      %dma_start3A_567 = arith.constant 0 : i32
      %dma_start3A_568 = tpu.memref_slice %arg7[%dma_start3A_564, %dma_start3A_565, %dma_start3A_566, %dma_start3A_567] : memref<4x8x8x128xf32, #tpu.memory_space<vmem>> -> memref<1x1x8x128xf32, #tpu.memory_space<vmem>>
      %dma_start3A_569 = tpu.memref_squeeze %dma_start3A_568 : memref<1x1x8x128xf32, #tpu.memory_space<vmem>> -> memref<8x128xf32, #tpu.memory_space<vmem>>
      %dma_start3A_570 = arith.constant 48 : i32
      %dma_start3A_571 = tpu.memref_slice %arg4[%select_n3A_446, %dma_start3A_570, %mul3A_467] : memref<50x64x16384xf32, #tpu.memory_space<hbm>> -> memref<1x8x128xf32, #tpu.memory_space<hbm>>
      %dma_start3A_572 = tpu.memref_squeeze %dma_start3A_571 : memref<1x8x128xf32, #tpu.memory_space<hbm>> -> memref<8x128xf32, #tpu.memory_space<hbm>>
      %dma_start3A_573 = arith.constant 48 : i32
      %dma_start3A_574 = tpu.memref_slice %arg4[%select_n3A_446, %dma_start3A_573, %mul3A_467] : memref<50x64x16384xf32, #tpu.memory_space<hbm>> -> memref<1x8x128xf32, #tpu.memory_space<hbm>>
      %dma_start3A_575 = tpu.memref_squeeze %dma_start3A_574 : memref<1x8x128xf32, #tpu.memory_space<hbm>> -> memref<8x128xf32, #tpu.memory_space<hbm>>
      %dma_start3A_576 = arith.constant 0 : i32
      %dma_start3A_577 = arith.constant 0 : i32
      %dma_start3A_578 = tpu.memref_slice %arg7[%dma_start3A_564, %dma_start3A_565, %dma_start3A_576, %dma_start3A_577] : memref<4x8x8x128xf32, #tpu.memory_space<vmem>> -> memref<1x1x8x128xf32, #tpu.memory_space<vmem>>
      %dma_start3A_579 = tpu.memref_squeeze %dma_start3A_578 : memref<1x1x8x128xf32, #tpu.memory_space<vmem>> -> memref<8x128xf32, #tpu.memory_space<vmem>>
      tpu.enqueue_dma source(%dma_start3A_579 : memref<8x128xf32, #tpu.memory_space<vmem>>) target(%dma_start3A_575 : memref<8x128xf32, #tpu.memory_space<hbm>>) target_semaphore(%arg12 : memref<!tpu.dma_semaphore, #tpu.memory_space<semaphore_mem>>)
      %dma_start3A_580 = arith.constant 0 : i32
      %dma_start3A_581 = arith.constant 7 : i32
      %dma_start3A_582 = arith.constant 0 : i32
      %dma_start3A_583 = arith.constant 0 : i32
      %dma_start3A_584 = tpu.memref_slice %arg7[%dma_start3A_580, %dma_start3A_581, %dma_start3A_582, %dma_start3A_583] : memref<4x8x8x128xf32, #tpu.memory_space<vmem>> -> memref<1x1x8x128xf32, #tpu.memory_space<vmem>>
      %dma_start3A_585 = tpu.memref_squeeze %dma_start3A_584 : memref<1x1x8x128xf32, #tpu.memory_space<vmem>> -> memref<8x128xf32, #tpu.memory_space<vmem>>
      %dma_start3A_586 = arith.constant 56 : i32
      %dma_start3A_587 = tpu.memref_slice %arg4[%select_n3A_446, %dma_start3A_586, %mul3A_467] : memref<50x64x16384xf32, #tpu.memory_space<hbm>> -> memref<1x8x128xf32, #tpu.memory_space<hbm>>
      %dma_start3A_588 = tpu.memref_squeeze %dma_start3A_587 : memref<1x8x128xf32, #tpu.memory_space<hbm>> -> memref<8x128xf32, #tpu.memory_space<hbm>>
      %dma_start3A_589 = arith.constant 56 : i32
      %dma_start3A_590 = tpu.memref_slice %arg4[%select_n3A_446, %dma_start3A_589, %mul3A_467] : memref<50x64x16384xf32, #tpu.memory_space<hbm>> -> memref<1x8x128xf32, #tpu.memory_space<hbm>>
      %dma_start3A_591 = tpu.memref_squeeze %dma_start3A_590 : memref<1x8x128xf32, #tpu.memory_space<hbm>> -> memref<8x128xf32, #tpu.memory_space<hbm>>
      %dma_start3A_592 = arith.constant 0 : i32
      %dma_start3A_593 = arith.constant 0 : i32
      %dma_start3A_594 = tpu.memref_slice %arg7[%dma_start3A_580, %dma_start3A_581, %dma_start3A_592, %dma_start3A_593] : memref<4x8x8x128xf32, #tpu.memory_space<vmem>> -> memref<1x1x8x128xf32, #tpu.memory_space<vmem>>
      %dma_start3A_595 = tpu.memref_squeeze %dma_start3A_594 : memref<1x1x8x128xf32, #tpu.memory_space<vmem>> -> memref<8x128xf32, #tpu.memory_space<vmem>>
      tpu.enqueue_dma source(%dma_start3A_595 : memref<8x128xf32, #tpu.memory_space<vmem>>) target(%dma_start3A_591 : memref<8x128xf32, #tpu.memory_space<hbm>>) target_semaphore(%arg12 : memref<!tpu.dma_semaphore, #tpu.memory_space<semaphore_mem>>)
      %add3A_596 = arith.constant 1 : i32
      %add3A_597 = arith.addi %mul3A_371, %add3A_596 : i32
      %add3A_598 = arith.constant 2 : i32
      %add3A_599 = arith.addi %add3A_597, %add3A_598 : i32
      %lt3A_600 = arith.constant 200 : i32
      %lt3A_601 = arith.cmpi slt, %add3A_599, %lt3A_600 : i32
      %convert_element_type3A_602 = arith.extui %lt3A_601 : i1 to i32
      %cond3A_603 = arith.constant 0 : i32
      %cond3A_604 = arith.cmpi ne, %convert_element_type3A_602, %cond3A_603 : i32
      scf.if %cond3A_604 {
        %ge3A = arith.constant 2 : i32
        %ge3A_1304 = arith.cmpi sge, %add3A_597, %ge3A : i32
        %convert_element_type3A_1305 = arith.extui %ge3A_1304 : i1 to i32
        %cond3A_1306 = arith.constant 0 : i32
        %cond3A_1307 = arith.cmpi ne, %convert_element_type3A_1305, %cond3A_1306 : i32
        scf.if %cond3A_1307 {
          %sub3A_1361 = arith.constant 2 : i32
          %sub3A_1362 = arith.subi %add3A_597, %sub3A_1361 : i32
          %jit3A_1363 = arith.constant 4 : i32
          %div3A_1364 = arith.divsi %sub3A_1362, %jit3A_1363 : i32
          %sign3A_1365 = arith.constant 0 : i32
          %sign3A_1366 = arith.cmpi sgt, %sub3A_1362, %sign3A_1365 : i32
          %sign3A_1367 = arith.extui %sign3A_1366 : i1 to i32
          %sign3A_1368 = arith.constant 0 : i32
          %sign3A_1369 = arith.cmpi slt, %sub3A_1362, %sign3A_1368 : i32
          %sign3A_1370 = arith.extui %sign3A_1369 : i1 to i32
          %sign3A_1371 = arith.subi %sign3A_1367, %sign3A_1370 : i32
          %sign3A_1372 = arith.constant 0 : i32
          %sign3A_1373 = arith.cmpi sgt, %jit3A_1363, %sign3A_1372 : i32
          %sign3A_1374 = arith.extui %sign3A_1373 : i1 to i32
          %sign3A_1375 = arith.constant 0 : i32
          %sign3A_1376 = arith.cmpi slt, %jit3A_1363, %sign3A_1375 : i32
          %sign3A_1377 = arith.extui %sign3A_1376 : i1 to i32
          %sign3A_1378 = arith.subi %sign3A_1374, %sign3A_1377 : i32
          %ne3A_1379 = arith.cmpi ne, %sign3A_1371, %sign3A_1378 : i32
          %rem3A_1380 = arith.remsi %sub3A_1362, %jit3A_1363 : i32
          %ne3A_1381 = arith.constant 0 : i32
          %ne3A_1382 = arith.cmpi ne, %rem3A_1380, %ne3A_1381 : i32
          %and3A_1383 = arith.andi %ne3A_1379, %ne3A_1382 : i1
          %sub3A_1384 = arith.constant 1 : i32
          %sub3A_1385 = arith.subi %div3A_1364, %sub3A_1384 : i32
          %select_n3A_1386 = arith.select %and3A_1383, %sub3A_1385, %div3A_1364 : i32
          %jit3A_1387 = arith.constant 4 : i32
          %eq3A_1388 = arith.constant 0 : i32
          %eq3A_1389 = arith.cmpi eq, %jit3A_1387, %eq3A_1388 : i32
          %jit3A_1390 = arith.constant 1 : i32
          %select_n3A_1391 = arith.select %eq3A_1389, %jit3A_1390, %jit3A_1387 : i32
          %rem3A_1392 = arith.remsi %sub3A_1362, %select_n3A_1391 : i32
          %ne3A_1393 = arith.constant 0 : i32
          %ne3A_1394 = arith.cmpi ne, %rem3A_1392, %ne3A_1393 : i32
          %lt3A_1395 = arith.constant 0 : i32
          %lt3A_1396 = arith.cmpi slt, %rem3A_1392, %lt3A_1395 : i32
          %lt3A_1397 = arith.constant 0 : i32
          %lt3A_1398 = arith.cmpi slt, %select_n3A_1391, %lt3A_1397 : i32
          %ne3A_1399 = arith.xori %lt3A_1396, %lt3A_1398 : i1
          %and3A_1400 = arith.andi %ne3A_1399, %ne3A_1394 : i1
          %add3A_1401 = arith.addi %rem3A_1392, %select_n3A_1391 : i32
          %select_n3A_1402 = arith.select %and3A_1400, %add3A_1401, %rem3A_1392 : i32
          %mul3A_1403 = arith.constant 4 : i32
          %mul3A_1404 = arith.muli %add3A, %mul3A_1403 : i32
          %add3A_1405 = arith.addi %mul3A_1404, %select_n3A_1402 : i32
          %mul3A_1406 = arith.constant 128 : i32
          %mul3A_1407 = arith.muli %add3A_1405, %mul3A_1406 : i32
          %dma_wait3A_1408 = arith.constant 3 : i32
          %dma_wait3A_1409 = arith.constant 0 : i32
          %dma_wait3A_1410 = arith.constant 0 : i32
          %dma_wait3A_1411 = arith.constant 0 : i32
          %dma_wait3A_1412 = tpu.memref_slice %arg7[%dma_wait3A_1408, %dma_wait3A_1409, %dma_wait3A_1410, %dma_wait3A_1411] : memref<4x8x8x128xf32, #tpu.memory_space<vmem>> -> memref<1x1x8x128xf32, #tpu.memory_space<vmem>>
          %dma_wait3A_1413 = tpu.memref_squeeze %dma_wait3A_1412 : memref<1x1x8x128xf32, #tpu.memory_space<vmem>> -> memref<8x128xf32, #tpu.memory_space<vmem>>
          %dma_wait3A_1414 = arith.constant 0 : i32
          %dma_wait3A_1415 = tpu.memref_slice %arg4[%select_n3A_1386, %dma_wait3A_1414, %mul3A_1407] : memref<50x64x16384xf32, #tpu.memory_space<hbm>> -> memref<1x8x128xf32, #tpu.memory_space<hbm>>
          %dma_wait3A_1416 = tpu.memref_squeeze %dma_wait3A_1415 : memref<1x8x128xf32, #tpu.memory_space<hbm>> -> memref<8x128xf32, #tpu.memory_space<hbm>>
          %dma_wait3A_1417 = arith.constant 0 : i32
          %dma_wait3A_1418 = tpu.memref_slice %arg4[%select_n3A_1386, %dma_wait3A_1417, %mul3A_1407] : memref<50x64x16384xf32, #tpu.memory_space<hbm>> -> memref<1x8x128xf32, #tpu.memory_space<hbm>>
          %dma_wait3A_1419 = tpu.memref_squeeze %dma_wait3A_1418 : memref<1x8x128xf32, #tpu.memory_space<hbm>> -> memref<8x128xf32, #tpu.memory_space<hbm>>
          %dma_wait3A_1420 = arith.constant 0 : i32
          %dma_wait3A_1421 = arith.constant 0 : i32
          %dma_wait3A_1422 = tpu.memref_slice %arg7[%dma_wait3A_1408, %dma_wait3A_1409, %dma_wait3A_1420, %dma_wait3A_1421] : memref<4x8x8x128xf32, #tpu.memory_space<vmem>> -> memref<1x1x8x128xf32, #tpu.memory_space<vmem>>
          %dma_wait3A_1423 = tpu.memref_squeeze %dma_wait3A_1422 : memref<1x1x8x128xf32, #tpu.memory_space<vmem>> -> memref<8x128xf32, #tpu.memory_space<vmem>>
          tpu.wait_dma2 semaphore(%arg15 : memref<!tpu.dma_semaphore, #tpu.memory_space<semaphore_mem>>) src(%dma_wait3A_1423 : memref<8x128xf32, #tpu.memory_space<vmem>>) dst(%dma_wait3A_1419 : memref<8x128xf32, #tpu.memory_space<hbm>>)
          %dma_wait3A_1424 = arith.constant 3 : i32
          %dma_wait3A_1425 = arith.constant 1 : i32
          %dma_wait3A_1426 = arith.constant 0 : i32
          %dma_wait3A_1427 = arith.constant 0 : i32
          %dma_wait3A_1428 = tpu.memref_slice %arg7[%dma_wait3A_1424, %dma_wait3A_1425, %dma_wait3A_1426, %dma_wait3A_1427] : memref<4x8x8x128xf32, #tpu.memory_space<vmem>> -> memref<1x1x8x128xf32, #tpu.memory_space<vmem>>
          %dma_wait3A_1429 = tpu.memref_squeeze %dma_wait3A_1428 : memref<1x1x8x128xf32, #tpu.memory_space<vmem>> -> memref<8x128xf32, #tpu.memory_space<vmem>>
          %dma_wait3A_1430 = arith.constant 8 : i32
          %dma_wait3A_1431 = tpu.memref_slice %arg4[%select_n3A_1386, %dma_wait3A_1430, %mul3A_1407] : memref<50x64x16384xf32, #tpu.memory_space<hbm>> -> memref<1x8x128xf32, #tpu.memory_space<hbm>>
          %dma_wait3A_1432 = tpu.memref_squeeze %dma_wait3A_1431 : memref<1x8x128xf32, #tpu.memory_space<hbm>> -> memref<8x128xf32, #tpu.memory_space<hbm>>
          %dma_wait3A_1433 = arith.constant 8 : i32
          %dma_wait3A_1434 = tpu.memref_slice %arg4[%select_n3A_1386, %dma_wait3A_1433, %mul3A_1407] : memref<50x64x16384xf32, #tpu.memory_space<hbm>> -> memref<1x8x128xf32, #tpu.memory_space<hbm>>
          %dma_wait3A_1435 = tpu.memref_squeeze %dma_wait3A_1434 : memref<1x8x128xf32, #tpu.memory_space<hbm>> -> memref<8x128xf32, #tpu.memory_space<hbm>>
          %dma_wait3A_1436 = arith.constant 0 : i32
          %dma_wait3A_1437 = arith.constant 0 : i32
          %dma_wait3A_1438 = tpu.memref_slice %arg7[%dma_wait3A_1424, %dma_wait3A_1425, %dma_wait3A_1436, %dma_wait3A_1437] : memref<4x8x8x128xf32, #tpu.memory_space<vmem>> -> memref<1x1x8x128xf32, #tpu.memory_space<vmem>>
          %dma_wait3A_1439 = tpu.memref_squeeze %dma_wait3A_1438 : memref<1x1x8x128xf32, #tpu.memory_space<vmem>> -> memref<8x128xf32, #tpu.memory_space<vmem>>
          tpu.wait_dma2 semaphore(%arg15 : memref<!tpu.dma_semaphore, #tpu.memory_space<semaphore_mem>>) src(%dma_wait3A_1439 : memref<8x128xf32, #tpu.memory_space<vmem>>) dst(%dma_wait3A_1435 : memref<8x128xf32, #tpu.memory_space<hbm>>)
          %dma_wait3A_1440 = arith.constant 3 : i32
          %dma_wait3A_1441 = arith.constant 2 : i32
          %dma_wait3A_1442 = arith.constant 0 : i32
          %dma_wait3A_1443 = arith.constant 0 : i32
          %dma_wait3A_1444 = tpu.memref_slice %arg7[%dma_wait3A_1440, %dma_wait3A_1441, %dma_wait3A_1442, %dma_wait3A_1443] : memref<4x8x8x128xf32, #tpu.memory_space<vmem>> -> memref<1x1x8x128xf32, #tpu.memory_space<vmem>>
          %dma_wait3A_1445 = tpu.memref_squeeze %dma_wait3A_1444 : memref<1x1x8x128xf32, #tpu.memory_space<vmem>> -> memref<8x128xf32, #tpu.memory_space<vmem>>
          %dma_wait3A_1446 = arith.constant 16 : i32
          %dma_wait3A_1447 = tpu.memref_slice %arg4[%select_n3A_1386, %dma_wait3A_1446, %mul3A_1407] : memref<50x64x16384xf32, #tpu.memory_space<hbm>> -> memref<1x8x128xf32, #tpu.memory_space<hbm>>
          %dma_wait3A_1448 = tpu.memref_squeeze %dma_wait3A_1447 : memref<1x8x128xf32, #tpu.memory_space<hbm>> -> memref<8x128xf32, #tpu.memory_space<hbm>>
          %dma_wait3A_1449 = arith.constant 16 : i32
          %dma_wait3A_1450 = tpu.memref_slice %arg4[%select_n3A_1386, %dma_wait3A_1449, %mul3A_1407] : memref<50x64x16384xf32, #tpu.memory_space<hbm>> -> memref<1x8x128xf32, #tpu.memory_space<hbm>>
          %dma_wait3A_1451 = tpu.memref_squeeze %dma_wait3A_1450 : memref<1x8x128xf32, #tpu.memory_space<hbm>> -> memref<8x128xf32, #tpu.memory_space<hbm>>
          %dma_wait3A_1452 = arith.constant 0 : i32
          %dma_wait3A_1453 = arith.constant 0 : i32
          %dma_wait3A_1454 = tpu.memref_slice %arg7[%dma_wait3A_1440, %dma_wait3A_1441, %dma_wait3A_1452, %dma_wait3A_1453] : memref<4x8x8x128xf32, #tpu.memory_space<vmem>> -> memref<1x1x8x128xf32, #tpu.memory_space<vmem>>
          %dma_wait3A_1455 = tpu.memref_squeeze %dma_wait3A_1454 : memref<1x1x8x128xf32, #tpu.memory_space<vmem>> -> memref<8x128xf32, #tpu.memory_space<vmem>>
          tpu.wait_dma2 semaphore(%arg15 : memref<!tpu.dma_semaphore, #tpu.memory_space<semaphore_mem>>) src(%dma_wait3A_1455 : memref<8x128xf32, #tpu.memory_space<vmem>>) dst(%dma_wait3A_1451 : memref<8x128xf32, #tpu.memory_space<hbm>>)
          %dma_wait3A_1456 = arith.constant 3 : i32
          %dma_wait3A_1457 = arith.constant 3 : i32
          %dma_wait3A_1458 = arith.constant 0 : i32
          %dma_wait3A_1459 = arith.constant 0 : i32
          %dma_wait3A_1460 = tpu.memref_slice %arg7[%dma_wait3A_1456, %dma_wait3A_1457, %dma_wait3A_1458, %dma_wait3A_1459] : memref<4x8x8x128xf32, #tpu.memory_space<vmem>> -> memref<1x1x8x128xf32, #tpu.memory_space<vmem>>
          %dma_wait3A_1461 = tpu.memref_squeeze %dma_wait3A_1460 : memref<1x1x8x128xf32, #tpu.memory_space<vmem>> -> memref<8x128xf32, #tpu.memory_space<vmem>>
          %dma_wait3A_1462 = arith.constant 24 : i32
          %dma_wait3A_1463 = tpu.memref_slice %arg4[%select_n3A_1386, %dma_wait3A_1462, %mul3A_1407] : memref<50x64x16384xf32, #tpu.memory_space<hbm>> -> memref<1x8x128xf32, #tpu.memory_space<hbm>>
          %dma_wait3A_1464 = tpu.memref_squeeze %dma_wait3A_1463 : memref<1x8x128xf32, #tpu.memory_space<hbm>> -> memref<8x128xf32, #tpu.memory_space<hbm>>
          %dma_wait3A_1465 = arith.constant 24 : i32
          %dma_wait3A_1466 = tpu.memref_slice %arg4[%select_n3A_1386, %dma_wait3A_1465, %mul3A_1407] : memref<50x64x16384xf32, #tpu.memory_space<hbm>> -> memref<1x8x128xf32, #tpu.memory_space<hbm>>
          %dma_wait3A_1467 = tpu.memref_squeeze %dma_wait3A_1466 : memref<1x8x128xf32, #tpu.memory_space<hbm>> -> memref<8x128xf32, #tpu.memory_space<hbm>>
          %dma_wait3A_1468 = arith.constant 0 : i32
          %dma_wait3A_1469 = arith.constant 0 : i32
          %dma_wait3A_1470 = tpu.memref_slice %arg7[%dma_wait3A_1456, %dma_wait3A_1457, %dma_wait3A_1468, %dma_wait3A_1469] : memref<4x8x8x128xf32, #tpu.memory_space<vmem>> -> memref<1x1x8x128xf32, #tpu.memory_space<vmem>>
          %dma_wait3A_1471 = tpu.memref_squeeze %dma_wait3A_1470 : memref<1x1x8x128xf32, #tpu.memory_space<vmem>> -> memref<8x128xf32, #tpu.memory_space<vmem>>
          tpu.wait_dma2 semaphore(%arg15 : memref<!tpu.dma_semaphore, #tpu.memory_space<semaphore_mem>>) src(%dma_wait3A_1471 : memref<8x128xf32, #tpu.memory_space<vmem>>) dst(%dma_wait3A_1467 : memref<8x128xf32, #tpu.memory_space<hbm>>)
          %dma_wait3A_1472 = arith.constant 3 : i32
          %dma_wait3A_1473 = arith.constant 4 : i32
          %dma_wait3A_1474 = arith.constant 0 : i32
          %dma_wait3A_1475 = arith.constant 0 : i32
          %dma_wait3A_1476 = tpu.memref_slice %arg7[%dma_wait3A_1472, %dma_wait3A_1473, %dma_wait3A_1474, %dma_wait3A_1475] : memref<4x8x8x128xf32, #tpu.memory_space<vmem>> -> memref<1x1x8x128xf32, #tpu.memory_space<vmem>>
          %dma_wait3A_1477 = tpu.memref_squeeze %dma_wait3A_1476 : memref<1x1x8x128xf32, #tpu.memory_space<vmem>> -> memref<8x128xf32, #tpu.memory_space<vmem>>
          %dma_wait3A_1478 = arith.constant 32 : i32
          %dma_wait3A_1479 = tpu.memref_slice %arg4[%select_n3A_1386, %dma_wait3A_1478, %mul3A_1407] : memref<50x64x16384xf32, #tpu.memory_space<hbm>> -> memref<1x8x128xf32, #tpu.memory_space<hbm>>
          %dma_wait3A_1480 = tpu.memref_squeeze %dma_wait3A_1479 : memref<1x8x128xf32, #tpu.memory_space<hbm>> -> memref<8x128xf32, #tpu.memory_space<hbm>>
          %dma_wait3A_1481 = arith.constant 32 : i32
          %dma_wait3A_1482 = tpu.memref_slice %arg4[%select_n3A_1386, %dma_wait3A_1481, %mul3A_1407] : memref<50x64x16384xf32, #tpu.memory_space<hbm>> -> memref<1x8x128xf32, #tpu.memory_space<hbm>>
          %dma_wait3A_1483 = tpu.memref_squeeze %dma_wait3A_1482 : memref<1x8x128xf32, #tpu.memory_space<hbm>> -> memref<8x128xf32, #tpu.memory_space<hbm>>
          %dma_wait3A_1484 = arith.constant 0 : i32
          %dma_wait3A_1485 = arith.constant 0 : i32
          %dma_wait3A_1486 = tpu.memref_slice %arg7[%dma_wait3A_1472, %dma_wait3A_1473, %dma_wait3A_1484, %dma_wait3A_1485] : memref<4x8x8x128xf32, #tpu.memory_space<vmem>> -> memref<1x1x8x128xf32, #tpu.memory_space<vmem>>
          %dma_wait3A_1487 = tpu.memref_squeeze %dma_wait3A_1486 : memref<1x1x8x128xf32, #tpu.memory_space<vmem>> -> memref<8x128xf32, #tpu.memory_space<vmem>>
          tpu.wait_dma2 semaphore(%arg15 : memref<!tpu.dma_semaphore, #tpu.memory_space<semaphore_mem>>) src(%dma_wait3A_1487 : memref<8x128xf32, #tpu.memory_space<vmem>>) dst(%dma_wait3A_1483 : memref<8x128xf32, #tpu.memory_space<hbm>>)
          %dma_wait3A_1488 = arith.constant 3 : i32
          %dma_wait3A_1489 = arith.constant 5 : i32
          %dma_wait3A_1490 = arith.constant 0 : i32
          %dma_wait3A_1491 = arith.constant 0 : i32
          %dma_wait3A_1492 = tpu.memref_slice %arg7[%dma_wait3A_1488, %dma_wait3A_1489, %dma_wait3A_1490, %dma_wait3A_1491] : memref<4x8x8x128xf32, #tpu.memory_space<vmem>> -> memref<1x1x8x128xf32, #tpu.memory_space<vmem>>
          %dma_wait3A_1493 = tpu.memref_squeeze %dma_wait3A_1492 : memref<1x1x8x128xf32, #tpu.memory_space<vmem>> -> memref<8x128xf32, #tpu.memory_space<vmem>>
          %dma_wait3A_1494 = arith.constant 40 : i32
          %dma_wait3A_1495 = tpu.memref_slice %arg4[%select_n3A_1386, %dma_wait3A_1494, %mul3A_1407] : memref<50x64x16384xf32, #tpu.memory_space<hbm>> -> memref<1x8x128xf32, #tpu.memory_space<hbm>>
          %dma_wait3A_1496 = tpu.memref_squeeze %dma_wait3A_1495 : memref<1x8x128xf32, #tpu.memory_space<hbm>> -> memref<8x128xf32, #tpu.memory_space<hbm>>
          %dma_wait3A_1497 = arith.constant 40 : i32
          %dma_wait3A_1498 = tpu.memref_slice %arg4[%select_n3A_1386, %dma_wait3A_1497, %mul3A_1407] : memref<50x64x16384xf32, #tpu.memory_space<hbm>> -> memref<1x8x128xf32, #tpu.memory_space<hbm>>
          %dma_wait3A_1499 = tpu.memref_squeeze %dma_wait3A_1498 : memref<1x8x128xf32, #tpu.memory_space<hbm>> -> memref<8x128xf32, #tpu.memory_space<hbm>>
          %dma_wait3A_1500 = arith.constant 0 : i32
          %dma_wait3A_1501 = arith.constant 0 : i32
          %dma_wait3A_1502 = tpu.memref_slice %arg7[%dma_wait3A_1488, %dma_wait3A_1489, %dma_wait3A_1500, %dma_wait3A_1501] : memref<4x8x8x128xf32, #tpu.memory_space<vmem>> -> memref<1x1x8x128xf32, #tpu.memory_space<vmem>>
          %dma_wait3A_1503 = tpu.memref_squeeze %dma_wait3A_1502 : memref<1x1x8x128xf32, #tpu.memory_space<vmem>> -> memref<8x128xf32, #tpu.memory_space<vmem>>
          tpu.wait_dma2 semaphore(%arg15 : memref<!tpu.dma_semaphore, #tpu.memory_space<semaphore_mem>>) src(%dma_wait3A_1503 : memref<8x128xf32, #tpu.memory_space<vmem>>) dst(%dma_wait3A_1499 : memref<8x128xf32, #tpu.memory_space<hbm>>)
          %dma_wait3A_1504 = arith.constant 3 : i32
          %dma_wait3A_1505 = arith.constant 6 : i32
          %dma_wait3A_1506 = arith.constant 0 : i32
          %dma_wait3A_1507 = arith.constant 0 : i32
          %dma_wait3A_1508 = tpu.memref_slice %arg7[%dma_wait3A_1504, %dma_wait3A_1505, %dma_wait3A_1506, %dma_wait3A_1507] : memref<4x8x8x128xf32, #tpu.memory_space<vmem>> -> memref<1x1x8x128xf32, #tpu.memory_space<vmem>>
          %dma_wait3A_1509 = tpu.memref_squeeze %dma_wait3A_1508 : memref<1x1x8x128xf32, #tpu.memory_space<vmem>> -> memref<8x128xf32, #tpu.memory_space<vmem>>
          %dma_wait3A_1510 = arith.constant 48 : i32
          %dma_wait3A_1511 = tpu.memref_slice %arg4[%select_n3A_1386, %dma_wait3A_1510, %mul3A_1407] : memref<50x64x16384xf32, #tpu.memory_space<hbm>> -> memref<1x8x128xf32, #tpu.memory_space<hbm>>
          %dma_wait3A_1512 = tpu.memref_squeeze %dma_wait3A_1511 : memref<1x8x128xf32, #tpu.memory_space<hbm>> -> memref<8x128xf32, #tpu.memory_space<hbm>>
          %dma_wait3A_1513 = arith.constant 48 : i32
          %dma_wait3A_1514 = tpu.memref_slice %arg4[%select_n3A_1386, %dma_wait3A_1513, %mul3A_1407] : memref<50x64x16384xf32, #tpu.memory_space<hbm>> -> memref<1x8x128xf32, #tpu.memory_space<hbm>>
          %dma_wait3A_1515 = tpu.memref_squeeze %dma_wait3A_1514 : memref<1x8x128xf32, #tpu.memory_space<hbm>> -> memref<8x128xf32, #tpu.memory_space<hbm>>
          %dma_wait3A_1516 = arith.constant 0 : i32
          %dma_wait3A_1517 = arith.constant 0 : i32
          %dma_wait3A_1518 = tpu.memref_slice %arg7[%dma_wait3A_1504, %dma_wait3A_1505, %dma_wait3A_1516, %dma_wait3A_1517] : memref<4x8x8x128xf32, #tpu.memory_space<vmem>> -> memref<1x1x8x128xf32, #tpu.memory_space<vmem>>
          %dma_wait3A_1519 = tpu.memref_squeeze %dma_wait3A_1518 : memref<1x1x8x128xf32, #tpu.memory_space<vmem>> -> memref<8x128xf32, #tpu.memory_space<vmem>>
          tpu.wait_dma2 semaphore(%arg15 : memref<!tpu.dma_semaphore, #tpu.memory_space<semaphore_mem>>) src(%dma_wait3A_1519 : memref<8x128xf32, #tpu.memory_space<vmem>>) dst(%dma_wait3A_1515 : memref<8x128xf32, #tpu.memory_space<hbm>>)
          %dma_wait3A_1520 = arith.constant 3 : i32
          %dma_wait3A_1521 = arith.constant 7 : i32
          %dma_wait3A_1522 = arith.constant 0 : i32
          %dma_wait3A_1523 = arith.constant 0 : i32
          %dma_wait3A_1524 = tpu.memref_slice %arg7[%dma_wait3A_1520, %dma_wait3A_1521, %dma_wait3A_1522, %dma_wait3A_1523] : memref<4x8x8x128xf32, #tpu.memory_space<vmem>> -> memref<1x1x8x128xf32, #tpu.memory_space<vmem>>
          %dma_wait3A_1525 = tpu.memref_squeeze %dma_wait3A_1524 : memref<1x1x8x128xf32, #tpu.memory_space<vmem>> -> memref<8x128xf32, #tpu.memory_space<vmem>>
          %dma_wait3A_1526 = arith.constant 56 : i32
          %dma_wait3A_1527 = tpu.memref_slice %arg4[%select_n3A_1386, %dma_wait3A_1526, %mul3A_1407] : memref<50x64x16384xf32, #tpu.memory_space<hbm>> -> memref<1x8x128xf32, #tpu.memory_space<hbm>>
          %dma_wait3A_1528 = tpu.memref_squeeze %dma_wait3A_1527 : memref<1x8x128xf32, #tpu.memory_space<hbm>> -> memref<8x128xf32, #tpu.memory_space<hbm>>
          %dma_wait3A_1529 = arith.constant 56 : i32
          %dma_wait3A_1530 = tpu.memref_slice %arg4[%select_n3A_1386, %dma_wait3A_1529, %mul3A_1407] : memref<50x64x16384xf32, #tpu.memory_space<hbm>> -> memref<1x8x128xf32, #tpu.memory_space<hbm>>
          %dma_wait3A_1531 = tpu.memref_squeeze %dma_wait3A_1530 : memref<1x8x128xf32, #tpu.memory_space<hbm>> -> memref<8x128xf32, #tpu.memory_space<hbm>>
          %dma_wait3A_1532 = arith.constant 0 : i32
          %dma_wait3A_1533 = arith.constant 0 : i32
          %dma_wait3A_1534 = tpu.memref_slice %arg7[%dma_wait3A_1520, %dma_wait3A_1521, %dma_wait3A_1532, %dma_wait3A_1533] : memref<4x8x8x128xf32, #tpu.memory_space<vmem>> -> memref<1x1x8x128xf32, #tpu.memory_space<vmem>>
          %dma_wait3A_1535 = tpu.memref_squeeze %dma_wait3A_1534 : memref<1x1x8x128xf32, #tpu.memory_space<vmem>> -> memref<8x128xf32, #tpu.memory_space<vmem>>
          tpu.wait_dma2 semaphore(%arg15 : memref<!tpu.dma_semaphore, #tpu.memory_space<semaphore_mem>>) src(%dma_wait3A_1535 : memref<8x128xf32, #tpu.memory_space<vmem>>) dst(%dma_wait3A_1531 : memref<8x128xf32, #tpu.memory_space<hbm>>)
        } else {
        }
        %add3A_1308 = arith.constant 2 : i32
        %add3A_1309 = arith.addi %add3A_597, %add3A_1308 : i32
        %jit3A_1310 = arith.constant 4 : i32
        %div3A_1311 = arith.divsi %add3A_1309, %jit3A_1310 : i32
        %sign3A_1312 = arith.constant 0 : i32
        %sign3A_1313 = arith.cmpi sgt, %add3A_1309, %sign3A_1312 : i32
        %sign3A_1314 = arith.extui %sign3A_1313 : i1 to i32
        %sign3A_1315 = arith.constant 0 : i32
        %sign3A_1316 = arith.cmpi slt, %add3A_1309, %sign3A_1315 : i32
        %sign3A_1317 = arith.extui %sign3A_1316 : i1 to i32
        %sign3A_1318 = arith.subi %sign3A_1314, %sign3A_1317 : i32
        %sign3A_1319 = arith.constant 0 : i32
        %sign3A_1320 = arith.cmpi sgt, %jit3A_1310, %sign3A_1319 : i32
        %sign3A_1321 = arith.extui %sign3A_1320 : i1 to i32
        %sign3A_1322 = arith.constant 0 : i32
        %sign3A_1323 = arith.cmpi slt, %jit3A_1310, %sign3A_1322 : i32
        %sign3A_1324 = arith.extui %sign3A_1323 : i1 to i32
        %sign3A_1325 = arith.subi %sign3A_1321, %sign3A_1324 : i32
        %ne3A_1326 = arith.cmpi ne, %sign3A_1318, %sign3A_1325 : i32
        %rem3A_1327 = arith.remsi %add3A_1309, %jit3A_1310 : i32
        %ne3A_1328 = arith.constant 0 : i32
        %ne3A_1329 = arith.cmpi ne, %rem3A_1327, %ne3A_1328 : i32
        %and3A_1330 = arith.andi %ne3A_1326, %ne3A_1329 : i1
        %sub3A_1331 = arith.constant 1 : i32
        %sub3A_1332 = arith.subi %div3A_1311, %sub3A_1331 : i32
        %select_n3A_1333 = arith.select %and3A_1330, %sub3A_1332, %div3A_1311 : i32
        %jit3A_1334 = arith.constant 4 : i32
        %eq3A_1335 = arith.constant 0 : i32
        %eq3A_1336 = arith.cmpi eq, %jit3A_1334, %eq3A_1335 : i32
        %jit3A_1337 = arith.constant 1 : i32
        %select_n3A_1338 = arith.select %eq3A_1336, %jit3A_1337, %jit3A_1334 : i32
        %rem3A_1339 = arith.remsi %add3A_1309, %select_n3A_1338 : i32
        %ne3A_1340 = arith.constant 0 : i32
        %ne3A_1341 = arith.cmpi ne, %rem3A_1339, %ne3A_1340 : i32
        %lt3A_1342 = arith.constant 0 : i32
        %lt3A_1343 = arith.cmpi slt, %rem3A_1339, %lt3A_1342 : i32
        %lt3A_1344 = arith.constant 0 : i32
        %lt3A_1345 = arith.cmpi slt, %select_n3A_1338, %lt3A_1344 : i32
        %ne3A_1346 = arith.xori %lt3A_1343, %lt3A_1345 : i1
        %and3A_1347 = arith.andi %ne3A_1346, %ne3A_1341 : i1
        %add3A_1348 = arith.addi %rem3A_1339, %select_n3A_1338 : i32
        %select_n3A_1349 = arith.select %and3A_1347, %add3A_1348, %rem3A_1339 : i32
        %dma_start3A_1350 = arith.constant 3 : i32
        %dma_start3A_1351 = arith.constant 0 : i32
        %dma_start3A_1352 = arith.constant 0 : i32
        %dma_start3A_1353 = tpu.memref_slice %arg6[%dma_start3A_1350, %dma_start3A_1351, %dma_start3A_1352] : memref<4x128x128xf32, #tpu.memory_space<vmem>> -> memref<1x128x128xf32, #tpu.memory_space<vmem>>
        %dma_start3A_1354 = tpu.memref_squeeze %dma_start3A_1353 : memref<1x128x128xf32, #tpu.memory_space<vmem>> -> memref<128x128xf32, #tpu.memory_space<vmem>>
        %dma_start3A_1355 = arith.constant 0 : i32
        %dma_start3A_1356 = tpu.memref_slice %arg5[%select_n3A_1333, %select_n3A_1349, %dma_start3A_1355] : memref<50x4x128xi32, #tpu.memory_space<vmem>> -> memref<1x1x128xi32, #tpu.memory_space<vmem>>
        %dma_start3A_1357 = tpu.memref_squeeze %dma_start3A_1356 : memref<1x1x128xi32, #tpu.memory_space<vmem>> -> memref<128xi32, #tpu.memory_space<vmem>>
        %dma_start3A_1358 = arith.constant 0 : i32
        %dma_start3A_1359 = arith.constant 0 : i32
        %dma_start3A_1360 = tpu.memref_slice %arg3[%dma_start3A_1358, %dma_start3A_1359] : memref<1000000x128xf32, #tpu.memory_space<hbm>> -> memref<1000000x128xf32, #tpu.memory_space<hbm>>
        tpu.enqueue_indirect_dma source(%dma_start3A_1360 : memref<1000000x128xf32, #tpu.memory_space<hbm>>) target(%dma_start3A_1354 : memref<128x128xf32, #tpu.memory_space<vmem>>) offsets(%dma_start3A_1357 : memref<128xi32, #tpu.memory_space<vmem>>) semaphore(%arg11 : memref<!tpu.dma_semaphore, #tpu.memory_space<semaphore_mem>>)
      } else {
      }
      %jit3A_605 = arith.constant 4 : i32
      %div3A_606 = arith.divsi %add3A_597, %jit3A_605 : i32
      %sign3A_607 = arith.constant 0 : i32
      %sign3A_608 = arith.cmpi sgt, %add3A_597, %sign3A_607 : i32
      %sign3A_609 = arith.extui %sign3A_608 : i1 to i32
      %sign3A_610 = arith.constant 0 : i32
      %sign3A_611 = arith.cmpi slt, %add3A_597, %sign3A_610 : i32
      %sign3A_612 = arith.extui %sign3A_611 : i1 to i32
      %sign3A_613 = arith.subi %sign3A_609, %sign3A_612 : i32
      %sign3A_614 = arith.constant 0 : i32
      %sign3A_615 = arith.cmpi sgt, %jit3A_605, %sign3A_614 : i32
      %sign3A_616 = arith.extui %sign3A_615 : i1 to i32
      %sign3A_617 = arith.constant 0 : i32
      %sign3A_618 = arith.cmpi slt, %jit3A_605, %sign3A_617 : i32
      %sign3A_619 = arith.extui %sign3A_618 : i1 to i32
      %sign3A_620 = arith.subi %sign3A_616, %sign3A_619 : i32
      %ne3A_621 = arith.cmpi ne, %sign3A_613, %sign3A_620 : i32
      %rem3A_622 = arith.remsi %add3A_597, %jit3A_605 : i32
      %ne3A_623 = arith.constant 0 : i32
      %ne3A_624 = arith.cmpi ne, %rem3A_622, %ne3A_623 : i32
      %and3A_625 = arith.andi %ne3A_621, %ne3A_624 : i1
      %sub3A_626 = arith.constant 1 : i32
      %sub3A_627 = arith.subi %div3A_606, %sub3A_626 : i32
      %select_n3A_628 = arith.select %and3A_625, %sub3A_627, %div3A_606 : i32
      %jit3A_629 = arith.constant 4 : i32
      %eq3A_630 = arith.constant 0 : i32
      %eq3A_631 = arith.cmpi eq, %jit3A_629, %eq3A_630 : i32
      %jit3A_632 = arith.constant 1 : i32
      %select_n3A_633 = arith.select %eq3A_631, %jit3A_632, %jit3A_629 : i32
      %rem3A_634 = arith.remsi %add3A_597, %select_n3A_633 : i32
      %ne3A_635 = arith.constant 0 : i32
      %ne3A_636 = arith.cmpi ne, %rem3A_634, %ne3A_635 : i32
      %lt3A_637 = arith.constant 0 : i32
      %lt3A_638 = arith.cmpi slt, %rem3A_634, %lt3A_637 : i32
      %lt3A_639 = arith.constant 0 : i32
      %lt3A_640 = arith.cmpi slt, %select_n3A_633, %lt3A_639 : i32
      %ne3A_641 = arith.xori %lt3A_638, %lt3A_640 : i1
      %and3A_642 = arith.andi %ne3A_641, %ne3A_636 : i1
      %add3A_643 = arith.addi %rem3A_634, %select_n3A_633 : i32
      %select_n3A_644 = arith.select %and3A_642, %add3A_643, %rem3A_634 : i32
      %dma_wait3A_645 = arith.constant 1 : i32
      %dma_wait3A_646 = arith.constant 0 : i32
      %dma_wait3A_647 = arith.constant 0 : i32
      %dma_wait3A_648 = tpu.memref_slice %arg6[%dma_wait3A_645, %dma_wait3A_646, %dma_wait3A_647] : memref<4x128x128xf32, #tpu.memory_space<vmem>> -> memref<1x128x128xf32, #tpu.memory_space<vmem>>
      %dma_wait3A_649 = tpu.memref_squeeze %dma_wait3A_648 : memref<1x128x128xf32, #tpu.memory_space<vmem>> -> memref<128x128xf32, #tpu.memory_space<vmem>>
      %dma_wait3A_650 = arith.constant 0 : i32
      %dma_wait3A_651 = tpu.memref_slice %arg5[%select_n3A_628, %select_n3A_644, %dma_wait3A_650] : memref<50x4x128xi32, #tpu.memory_space<vmem>> -> memref<1x1x128xi32, #tpu.memory_space<vmem>>
      %dma_wait3A_652 = tpu.memref_squeeze %dma_wait3A_651 : memref<1x1x128xi32, #tpu.memory_space<vmem>> -> memref<128xi32, #tpu.memory_space<vmem>>
      %dma_wait3A_653 = arith.constant 0 : i32
      %dma_wait3A_654 = arith.constant 0 : i32
      %dma_wait3A_655 = tpu.memref_slice %arg3[%dma_wait3A_653, %dma_wait3A_654] : memref<1000000x128xf32, #tpu.memory_space<hbm>> -> memref<1000000x128xf32, #tpu.memory_space<hbm>>
      tpu.wait_indirect_dma semaphore(%arg9 : memref<!tpu.dma_semaphore, #tpu.memory_space<semaphore_mem>>) src(%dma_wait3A_655 : memref<1000000x128xf32, #tpu.memory_space<hbm>>) dst(%dma_wait3A_649 : memref<128x128xf32, #tpu.memory_space<vmem>>)
      %parallel_loop3A_656 = arith.constant 0 : i32
      %parallel_loop3A_657 = arith.constant 128 : i32
      %parallel_loop3A_658 = arith.constant 1 : i32
      scf.for %parallel_loop3A_1304 = %parallel_loop3A_656 to %parallel_loop3A_657 step %parallel_loop3A_658  : i32 {
        %parallel_loop3A_1305 = vector.broadcast %parallel_loop3A_1304 : i32 to vector<16xi32>
        %parallel_loop3A_1306 = arith.constant 1 : i32
        %parallel_loop3A_1307 = arith.index_cast %parallel_loop3A_1306 : i32 to index
        %parallel_loop3A_1308 = arith.index_cast %parallel_loop3A_1304 : i32 to index
        %parallel_loop3A_1309 = arith.constant 0 : index
        %parallel_loop3A_1310 = tpu.vector_load %arg6[%parallel_loop3A_1307, %parallel_loop3A_1308, %parallel_loop3A_1309] {strides = array<i32>} : memref<4x128x128xf32, #tpu.memory_space<vmem>>, vector<16xf32>,
        %parallel_loop3A_1311 = arith.constant 8.000000e+00 : f32
        %parallel_loop3A_1312 = vector.broadcast %parallel_loop3A_1311 : f32 to vector<16xf32>
        %parallel_loop3A_1313 = arith.mulf %parallel_loop3A_1310, %parallel_loop3A_1312 : vector<16xf32>
        %parallel_loop3A_1314 = arith.constant 1 : i32
        %parallel_loop3A_1315 = arith.constant 0 : i32
        %parallel_loop3A_1316 = arith.constant 0 : i32
        %parallel_loop3A_1317 = arith.constant 0 : i32
        %parallel_loop3A_1318 = tpu.memref_slice %arg7[%parallel_loop3A_1314, %parallel_loop3A_1315, %parallel_loop3A_1316, %parallel_loop3A_1317] : memref<4x8x8x128xf32, #tpu.memory_space<vmem>> -> memref<1x8x8x128xf32, #tpu.memory_space<vmem>>
        %parallel_loop3A_1319 = tpu.memref_squeeze %parallel_loop3A_1318 : memref<1x8x8x128xf32, #tpu.memory_space<vmem>> -> memref<8x8x128xf32, #tpu.memory_space<vmem>>
        tpu.vector_store_idx %parallel_loop3A_1319[%add3A_32, %and3A_52, %parallel_loop3A_1305], %parallel_loop3A_1313 : memref<8x8x128xf32, #tpu.memory_space<vmem>>[vector<16xi32>, vector<16xi32>, vector<16xi32>], vector<16xf32>,
        %parallel_loop3A_1320 = arith.constant 1 : i32
        %parallel_loop3A_1321 = arith.index_cast %parallel_loop3A_1320 : i32 to index
        %parallel_loop3A_1322 = arith.index_cast %parallel_loop3A_1304 : i32 to index
        %parallel_loop3A_1323 = arith.constant 16 : index
        %parallel_loop3A_1324 = tpu.vector_load %arg6[%parallel_loop3A_1321, %parallel_loop3A_1322, %parallel_loop3A_1323] {strides = array<i32>} : memref<4x128x128xf32, #tpu.memory_space<vmem>>, vector<16xf32>,
        %parallel_loop3A_1325 = arith.constant 8.000000e+00 : f32
        %parallel_loop3A_1326 = vector.broadcast %parallel_loop3A_1325 : f32 to vector<16xf32>
        %parallel_loop3A_1327 = arith.mulf %parallel_loop3A_1324, %parallel_loop3A_1326 : vector<16xf32>
        %parallel_loop3A_1328 = arith.constant 1 : i32
        %parallel_loop3A_1329 = arith.constant 0 : i32
        %parallel_loop3A_1330 = arith.constant 0 : i32
        %parallel_loop3A_1331 = arith.constant 0 : i32
        %parallel_loop3A_1332 = tpu.memref_slice %arg7[%parallel_loop3A_1328, %parallel_loop3A_1329, %parallel_loop3A_1330, %parallel_loop3A_1331] : memref<4x8x8x128xf32, #tpu.memory_space<vmem>> -> memref<1x8x8x128xf32, #tpu.memory_space<vmem>>
        %parallel_loop3A_1333 = tpu.memref_squeeze %parallel_loop3A_1332 : memref<1x8x8x128xf32, #tpu.memory_space<vmem>> -> memref<8x8x128xf32, #tpu.memory_space<vmem>>
        tpu.vector_store_idx %parallel_loop3A_1333[%add3A_38, %and3A_52, %parallel_loop3A_1305], %parallel_loop3A_1327 : memref<8x8x128xf32, #tpu.memory_space<vmem>>[vector<16xi32>, vector<16xi32>, vector<16xi32>], vector<16xf32>,
        %parallel_loop3A_1334 = arith.constant 1 : i32
        %parallel_loop3A_1335 = arith.index_cast %parallel_loop3A_1334 : i32 to index
        %parallel_loop3A_1336 = arith.index_cast %parallel_loop3A_1304 : i32 to index
        %parallel_loop3A_1337 = arith.constant 32 : index
        %parallel_loop3A_1338 = tpu.vector_load %arg6[%parallel_loop3A_1335, %parallel_loop3A_1336, %parallel_loop3A_1337] {strides = array<i32>} : memref<4x128x128xf32, #tpu.memory_space<vmem>>, vector<16xf32>,
        %parallel_loop3A_1339 = arith.constant 8.000000e+00 : f32
        %parallel_loop3A_1340 = vector.broadcast %parallel_loop3A_1339 : f32 to vector<16xf32>
        %parallel_loop3A_1341 = arith.mulf %parallel_loop3A_1338, %parallel_loop3A_1340 : vector<16xf32>
        %parallel_loop3A_1342 = arith.constant 1 : i32
        %parallel_loop3A_1343 = arith.constant 0 : i32
        %parallel_loop3A_1344 = arith.constant 0 : i32
        %parallel_loop3A_1345 = arith.constant 0 : i32
        %parallel_loop3A_1346 = tpu.memref_slice %arg7[%parallel_loop3A_1342, %parallel_loop3A_1343, %parallel_loop3A_1344, %parallel_loop3A_1345] : memref<4x8x8x128xf32, #tpu.memory_space<vmem>> -> memref<1x8x8x128xf32, #tpu.memory_space<vmem>>
        %parallel_loop3A_1347 = tpu.memref_squeeze %parallel_loop3A_1346 : memref<1x8x8x128xf32, #tpu.memory_space<vmem>> -> memref<8x8x128xf32, #tpu.memory_space<vmem>>
        tpu.vector_store_idx %parallel_loop3A_1347[%add3A_44, %and3A_52, %parallel_loop3A_1305], %parallel_loop3A_1341 : memref<8x8x128xf32, #tpu.memory_space<vmem>>[vector<16xi32>, vector<16xi32>, vector<16xi32>], vector<16xf32>,
        %parallel_loop3A_1348 = arith.constant 1 : i32
        %parallel_loop3A_1349 = arith.index_cast %parallel_loop3A_1348 : i32 to index
        %parallel_loop3A_1350 = arith.index_cast %parallel_loop3A_1304 : i32 to index
        %parallel_loop3A_1351 = arith.constant 48 : index
        %parallel_loop3A_1352 = tpu.vector_load %arg6[%parallel_loop3A_1349, %parallel_loop3A_1350, %parallel_loop3A_1351] {strides = array<i32>} : memref<4x128x128xf32, #tpu.memory_space<vmem>>, vector<16xf32>,
        %parallel_loop3A_1353 = arith.constant 8.000000e+00 : f32
        %parallel_loop3A_1354 = vector.broadcast %parallel_loop3A_1353 : f32 to vector<16xf32>
        %parallel_loop3A_1355 = arith.mulf %parallel_loop3A_1352, %parallel_loop3A_1354 : vector<16xf32>
        %parallel_loop3A_1356 = arith.constant 1 : i32
        %parallel_loop3A_1357 = arith.constant 0 : i32
        %parallel_loop3A_1358 = arith.constant 0 : i32
        %parallel_loop3A_1359 = arith.constant 0 : i32
        %parallel_loop3A_1360 = tpu.memref_slice %arg7[%parallel_loop3A_1356, %parallel_loop3A_1357, %parallel_loop3A_1358, %parallel_loop3A_1359] : memref<4x8x8x128xf32, #tpu.memory_space<vmem>> -> memref<1x8x8x128xf32, #tpu.memory_space<vmem>>
        %parallel_loop3A_1361 = tpu.memref_squeeze %parallel_loop3A_1360 : memref<1x8x8x128xf32, #tpu.memory_space<vmem>> -> memref<8x8x128xf32, #tpu.memory_space<vmem>>
        tpu.vector_store_idx %parallel_loop3A_1361[%add3A_50, %and3A_52, %parallel_loop3A_1305], %parallel_loop3A_1355 : memref<8x8x128xf32, #tpu.memory_space<vmem>>[vector<16xi32>, vector<16xi32>, vector<16xi32>], vector<16xf32>,
      } {sc.loop_unroll_factor = 8 : i64, sc.parallel_access}
      %jit3A_659 = arith.constant 4 : i32
      %div3A_660 = arith.divsi %add3A_597, %jit3A_659 : i32
      %sign3A_661 = arith.constant 0 : i32
      %sign3A_662 = arith.cmpi sgt, %add3A_597, %sign3A_661 : i32
      %sign3A_663 = arith.extui %sign3A_662 : i1 to i32
      %sign3A_664 = arith.constant 0 : i32
      %sign3A_665 = arith.cmpi slt, %add3A_597, %sign3A_664 : i32
      %sign3A_666 = arith.extui %sign3A_665 : i1 to i32
      %sign3A_667 = arith.subi %sign3A_663, %sign3A_666 : i32
      %sign3A_668 = arith.constant 0 : i32
      %sign3A_669 = arith.cmpi sgt, %jit3A_659, %sign3A_668 : i32
      %sign3A_670 = arith.extui %sign3A_669 : i1 to i32
      %sign3A_671 = arith.constant 0 : i32
      %sign3A_672 = arith.cmpi slt, %jit3A_659, %sign3A_671 : i32
      %sign3A_673 = arith.extui %sign3A_672 : i1 to i32
      %sign3A_674 = arith.subi %sign3A_670, %sign3A_673 : i32
      %ne3A_675 = arith.cmpi ne, %sign3A_667, %sign3A_674 : i32
      %rem3A_676 = arith.remsi %add3A_597, %jit3A_659 : i32
      %ne3A_677 = arith.constant 0 : i32
      %ne3A_678 = arith.cmpi ne, %rem3A_676, %ne3A_677 : i32
      %and3A_679 = arith.andi %ne3A_675, %ne3A_678 : i1
      %sub3A_680 = arith.constant 1 : i32
      %sub3A_681 = arith.subi %div3A_660, %sub3A_680 : i32
      %select_n3A_682 = arith.select %and3A_679, %sub3A_681, %div3A_660 : i32
      %jit3A_683 = arith.constant 4 : i32
      %eq3A_684 = arith.constant 0 : i32
      %eq3A_685 = arith.cmpi eq, %jit3A_683, %eq3A_684 : i32
      %jit3A_686 = arith.constant 1 : i32
      %select_n3A_687 = arith.select %eq3A_685, %jit3A_686, %jit3A_683 : i32
      %rem3A_688 = arith.remsi %add3A_597, %select_n3A_687 : i32
      %ne3A_689 = arith.constant 0 : i32
      %ne3A_690 = arith.cmpi ne, %rem3A_688, %ne3A_689 : i32
      %lt3A_691 = arith.constant 0 : i32
      %lt3A_692 = arith.cmpi slt, %rem3A_688, %lt3A_691 : i32
      %lt3A_693 = arith.constant 0 : i32
      %lt3A_694 = arith.cmpi slt, %select_n3A_687, %lt3A_693 : i32
      %ne3A_695 = arith.xori %lt3A_692, %lt3A_694 : i1
      %and3A_696 = arith.andi %ne3A_695, %ne3A_690 : i1
      %add3A_697 = arith.addi %rem3A_688, %select_n3A_687 : i32
      %select_n3A_698 = arith.select %and3A_696, %add3A_697, %rem3A_688 : i32
      %mul3A_699 = arith.constant 4 : i32
      %mul3A_700 = arith.muli %add3A, %mul3A_699 : i32
      %add3A_701 = arith.addi %mul3A_700, %select_n3A_698 : i32
      %mul3A_702 = arith.constant 128 : i32
      %mul3A_703 = arith.muli %add3A_701, %mul3A_702 : i32
      %dma_start3A_704 = arith.constant 1 : i32
      %dma_start3A_705 = arith.constant 0 : i32
      %dma_start3A_706 = arith.constant 0 : i32
      %dma_start3A_707 = arith.constant 0 : i32
      %dma_start3A_708 = tpu.memref_slice %arg7[%dma_start3A_704, %dma_start3A_705, %dma_start3A_706, %dma_start3A_707] : memref<4x8x8x128xf32, #tpu.memory_space<vmem>> -> memref<1x1x8x128xf32, #tpu.memory_space<vmem>>
      %dma_start3A_709 = tpu.memref_squeeze %dma_start3A_708 : memref<1x1x8x128xf32, #tpu.memory_space<vmem>> -> memref<8x128xf32, #tpu.memory_space<vmem>>
      %dma_start3A_710 = arith.constant 0 : i32
      %dma_start3A_711 = tpu.memref_slice %arg4[%select_n3A_682, %dma_start3A_710, %mul3A_703] : memref<50x64x16384xf32, #tpu.memory_space<hbm>> -> memref<1x8x128xf32, #tpu.memory_space<hbm>>
      %dma_start3A_712 = tpu.memref_squeeze %dma_start3A_711 : memref<1x8x128xf32, #tpu.memory_space<hbm>> -> memref<8x128xf32, #tpu.memory_space<hbm>>
      %dma_start3A_713 = arith.constant 0 : i32
      %dma_start3A_714 = tpu.memref_slice %arg4[%select_n3A_682, %dma_start3A_713, %mul3A_703] : memref<50x64x16384xf32, #tpu.memory_space<hbm>> -> memref<1x8x128xf32, #tpu.memory_space<hbm>>
      %dma_start3A_715 = tpu.memref_squeeze %dma_start3A_714 : memref<1x8x128xf32, #tpu.memory_space<hbm>> -> memref<8x128xf32, #tpu.memory_space<hbm>>
      %dma_start3A_716 = arith.constant 0 : i32
      %dma_start3A_717 = arith.constant 0 : i32
      %dma_start3A_718 = tpu.memref_slice %arg7[%dma_start3A_704, %dma_start3A_705, %dma_start3A_716, %dma_start3A_717] : memref<4x8x8x128xf32, #tpu.memory_space<vmem>> -> memref<1x1x8x128xf32, #tpu.memory_space<vmem>>
      %dma_start3A_719 = tpu.memref_squeeze %dma_start3A_718 : memref<1x1x8x128xf32, #tpu.memory_space<vmem>> -> memref<8x128xf32, #tpu.memory_space<vmem>>
      tpu.enqueue_dma source(%dma_start3A_719 : memref<8x128xf32, #tpu.memory_space<vmem>>) target(%dma_start3A_715 : memref<8x128xf32, #tpu.memory_space<hbm>>) target_semaphore(%arg13 : memref<!tpu.dma_semaphore, #tpu.memory_space<semaphore_mem>>)
      %dma_start3A_720 = arith.constant 1 : i32
      %dma_start3A_721 = arith.constant 1 : i32
      %dma_start3A_722 = arith.constant 0 : i32
      %dma_start3A_723 = arith.constant 0 : i32
      %dma_start3A_724 = tpu.memref_slice %arg7[%dma_start3A_720, %dma_start3A_721, %dma_start3A_722, %dma_start3A_723] : memref<4x8x8x128xf32, #tpu.memory_space<vmem>> -> memref<1x1x8x128xf32, #tpu.memory_space<vmem>>
      %dma_start3A_725 = tpu.memref_squeeze %dma_start3A_724 : memref<1x1x8x128xf32, #tpu.memory_space<vmem>> -> memref<8x128xf32, #tpu.memory_space<vmem>>
      %dma_start3A_726 = arith.constant 8 : i32
      %dma_start3A_727 = tpu.memref_slice %arg4[%select_n3A_682, %dma_start3A_726, %mul3A_703] : memref<50x64x16384xf32, #tpu.memory_space<hbm>> -> memref<1x8x128xf32, #tpu.memory_space<hbm>>
      %dma_start3A_728 = tpu.memref_squeeze %dma_start3A_727 : memref<1x8x128xf32, #tpu.memory_space<hbm>> -> memref<8x128xf32, #tpu.memory_space<hbm>>
      %dma_start3A_729 = arith.constant 8 : i32
      %dma_start3A_730 = tpu.memref_slice %arg4[%select_n3A_682, %dma_start3A_729, %mul3A_703] : memref<50x64x16384xf32, #tpu.memory_space<hbm>> -> memref<1x8x128xf32, #tpu.memory_space<hbm>>
      %dma_start3A_731 = tpu.memref_squeeze %dma_start3A_730 : memref<1x8x128xf32, #tpu.memory_space<hbm>> -> memref<8x128xf32, #tpu.memory_space<hbm>>
      %dma_start3A_732 = arith.constant 0 : i32
      %dma_start3A_733 = arith.constant 0 : i32
      %dma_start3A_734 = tpu.memref_slice %arg7[%dma_start3A_720, %dma_start3A_721, %dma_start3A_732, %dma_start3A_733] : memref<4x8x8x128xf32, #tpu.memory_space<vmem>> -> memref<1x1x8x128xf32, #tpu.memory_space<vmem>>
      %dma_start3A_735 = tpu.memref_squeeze %dma_start3A_734 : memref<1x1x8x128xf32, #tpu.memory_space<vmem>> -> memref<8x128xf32, #tpu.memory_space<vmem>>
      tpu.enqueue_dma source(%dma_start3A_735 : memref<8x128xf32, #tpu.memory_space<vmem>>) target(%dma_start3A_731 : memref<8x128xf32, #tpu.memory_space<hbm>>) target_semaphore(%arg13 : memref<!tpu.dma_semaphore, #tpu.memory_space<semaphore_mem>>)
      %dma_start3A_736 = arith.constant 1 : i32
      %dma_start3A_737 = arith.constant 2 : i32
      %dma_start3A_738 = arith.constant 0 : i32
      %dma_start3A_739 = arith.constant 0 : i32
      %dma_start3A_740 = tpu.memref_slice %arg7[%dma_start3A_736, %dma_start3A_737, %dma_start3A_738, %dma_start3A_739] : memref<4x8x8x128xf32, #tpu.memory_space<vmem>> -> memref<1x1x8x128xf32, #tpu.memory_space<vmem>>
      %dma_start3A_741 = tpu.memref_squeeze %dma_start3A_740 : memref<1x1x8x128xf32, #tpu.memory_space<vmem>> -> memref<8x128xf32, #tpu.memory_space<vmem>>
      %dma_start3A_742 = arith.constant 16 : i32
      %dma_start3A_743 = tpu.memref_slice %arg4[%select_n3A_682, %dma_start3A_742, %mul3A_703] : memref<50x64x16384xf32, #tpu.memory_space<hbm>> -> memref<1x8x128xf32, #tpu.memory_space<hbm>>
      %dma_start3A_744 = tpu.memref_squeeze %dma_start3A_743 : memref<1x8x128xf32, #tpu.memory_space<hbm>> -> memref<8x128xf32, #tpu.memory_space<hbm>>
      %dma_start3A_745 = arith.constant 16 : i32
      %dma_start3A_746 = tpu.memref_slice %arg4[%select_n3A_682, %dma_start3A_745, %mul3A_703] : memref<50x64x16384xf32, #tpu.memory_space<hbm>> -> memref<1x8x128xf32, #tpu.memory_space<hbm>>
      %dma_start3A_747 = tpu.memref_squeeze %dma_start3A_746 : memref<1x8x128xf32, #tpu.memory_space<hbm>> -> memref<8x128xf32, #tpu.memory_space<hbm>>
      %dma_start3A_748 = arith.constant 0 : i32
      %dma_start3A_749 = arith.constant 0 : i32
      %dma_start3A_750 = tpu.memref_slice %arg7[%dma_start3A_736, %dma_start3A_737, %dma_start3A_748, %dma_start3A_749] : memref<4x8x8x128xf32, #tpu.memory_space<vmem>> -> memref<1x1x8x128xf32, #tpu.memory_space<vmem>>
      %dma_start3A_751 = tpu.memref_squeeze %dma_start3A_750 : memref<1x1x8x128xf32, #tpu.memory_space<vmem>> -> memref<8x128xf32, #tpu.memory_space<vmem>>
      tpu.enqueue_dma source(%dma_start3A_751 : memref<8x128xf32, #tpu.memory_space<vmem>>) target(%dma_start3A_747 : memref<8x128xf32, #tpu.memory_space<hbm>>) target_semaphore(%arg13 : memref<!tpu.dma_semaphore, #tpu.memory_space<semaphore_mem>>)
      %dma_start3A_752 = arith.constant 1 : i32
      %dma_start3A_753 = arith.constant 3 : i32
      %dma_start3A_754 = arith.constant 0 : i32
      %dma_start3A_755 = arith.constant 0 : i32
      %dma_start3A_756 = tpu.memref_slice %arg7[%dma_start3A_752, %dma_start3A_753, %dma_start3A_754, %dma_start3A_755] : memref<4x8x8x128xf32, #tpu.memory_space<vmem>> -> memref<1x1x8x128xf32, #tpu.memory_space<vmem>>
      %dma_start3A_757 = tpu.memref_squeeze %dma_start3A_756 : memref<1x1x8x128xf32, #tpu.memory_space<vmem>> -> memref<8x128xf32, #tpu.memory_space<vmem>>
      %dma_start3A_758 = arith.constant 24 : i32
      %dma_start3A_759 = tpu.memref_slice %arg4[%select_n3A_682, %dma_start3A_758, %mul3A_703] : memref<50x64x16384xf32, #tpu.memory_space<hbm>> -> memref<1x8x128xf32, #tpu.memory_space<hbm>>
      %dma_start3A_760 = tpu.memref_squeeze %dma_start3A_759 : memref<1x8x128xf32, #tpu.memory_space<hbm>> -> memref<8x128xf32, #tpu.memory_space<hbm>>
      %dma_start3A_761 = arith.constant 24 : i32
      %dma_start3A_762 = tpu.memref_slice %arg4[%select_n3A_682, %dma_start3A_761, %mul3A_703] : memref<50x64x16384xf32, #tpu.memory_space<hbm>> -> memref<1x8x128xf32, #tpu.memory_space<hbm>>
      %dma_start3A_763 = tpu.memref_squeeze %dma_start3A_762 : memref<1x8x128xf32, #tpu.memory_space<hbm>> -> memref<8x128xf32, #tpu.memory_space<hbm>>
      %dma_start3A_764 = arith.constant 0 : i32
      %dma_start3A_765 = arith.constant 0 : i32
      %dma_start3A_766 = tpu.memref_slice %arg7[%dma_start3A_752, %dma_start3A_753, %dma_start3A_764, %dma_start3A_765] : memref<4x8x8x128xf32, #tpu.memory_space<vmem>> -> memref<1x1x8x128xf32, #tpu.memory_space<vmem>>
      %dma_start3A_767 = tpu.memref_squeeze %dma_start3A_766 : memref<1x1x8x128xf32, #tpu.memory_space<vmem>> -> memref<8x128xf32, #tpu.memory_space<vmem>>
      tpu.enqueue_dma source(%dma_start3A_767 : memref<8x128xf32, #tpu.memory_space<vmem>>) target(%dma_start3A_763 : memref<8x128xf32, #tpu.memory_space<hbm>>) target_semaphore(%arg13 : memref<!tpu.dma_semaphore, #tpu.memory_space<semaphore_mem>>)
      %dma_start3A_768 = arith.constant 1 : i32
      %dma_start3A_769 = arith.constant 4 : i32
      %dma_start3A_770 = arith.constant 0 : i32
      %dma_start3A_771 = arith.constant 0 : i32
      %dma_start3A_772 = tpu.memref_slice %arg7[%dma_start3A_768, %dma_start3A_769, %dma_start3A_770, %dma_start3A_771] : memref<4x8x8x128xf32, #tpu.memory_space<vmem>> -> memref<1x1x8x128xf32, #tpu.memory_space<vmem>>
      %dma_start3A_773 = tpu.memref_squeeze %dma_start3A_772 : memref<1x1x8x128xf32, #tpu.memory_space<vmem>> -> memref<8x128xf32, #tpu.memory_space<vmem>>
      %dma_start3A_774 = arith.constant 32 : i32
      %dma_start3A_775 = tpu.memref_slice %arg4[%select_n3A_682, %dma_start3A_774, %mul3A_703] : memref<50x64x16384xf32, #tpu.memory_space<hbm>> -> memref<1x8x128xf32, #tpu.memory_space<hbm>>
      %dma_start3A_776 = tpu.memref_squeeze %dma_start3A_775 : memref<1x8x128xf32, #tpu.memory_space<hbm>> -> memref<8x128xf32, #tpu.memory_space<hbm>>
      %dma_start3A_777 = arith.constant 32 : i32
      %dma_start3A_778 = tpu.memref_slice %arg4[%select_n3A_682, %dma_start3A_777, %mul3A_703] : memref<50x64x16384xf32, #tpu.memory_space<hbm>> -> memref<1x8x128xf32, #tpu.memory_space<hbm>>
      %dma_start3A_779 = tpu.memref_squeeze %dma_start3A_778 : memref<1x8x128xf32, #tpu.memory_space<hbm>> -> memref<8x128xf32, #tpu.memory_space<hbm>>
      %dma_start3A_780 = arith.constant 0 : i32
      %dma_start3A_781 = arith.constant 0 : i32
      %dma_start3A_782 = tpu.memref_slice %arg7[%dma_start3A_768, %dma_start3A_769, %dma_start3A_780, %dma_start3A_781] : memref<4x8x8x128xf32, #tpu.memory_space<vmem>> -> memref<1x1x8x128xf32, #tpu.memory_space<vmem>>
      %dma_start3A_783 = tpu.memref_squeeze %dma_start3A_782 : memref<1x1x8x128xf32, #tpu.memory_space<vmem>> -> memref<8x128xf32, #tpu.memory_space<vmem>>
      tpu.enqueue_dma source(%dma_start3A_783 : memref<8x128xf32, #tpu.memory_space<vmem>>) target(%dma_start3A_779 : memref<8x128xf32, #tpu.memory_space<hbm>>) target_semaphore(%arg13 : memref<!tpu.dma_semaphore, #tpu.memory_space<semaphore_mem>>)
      %dma_start3A_784 = arith.constant 1 : i32
      %dma_start3A_785 = arith.constant 5 : i32
      %dma_start3A_786 = arith.constant 0 : i32
      %dma_start3A_787 = arith.constant 0 : i32
      %dma_start3A_788 = tpu.memref_slice %arg7[%dma_start3A_784, %dma_start3A_785, %dma_start3A_786, %dma_start3A_787] : memref<4x8x8x128xf32, #tpu.memory_space<vmem>> -> memref<1x1x8x128xf32, #tpu.memory_space<vmem>>
      %dma_start3A_789 = tpu.memref_squeeze %dma_start3A_788 : memref<1x1x8x128xf32, #tpu.memory_space<vmem>> -> memref<8x128xf32, #tpu.memory_space<vmem>>
      %dma_start3A_790 = arith.constant 40 : i32
      %dma_start3A_791 = tpu.memref_slice %arg4[%select_n3A_682, %dma_start3A_790, %mul3A_703] : memref<50x64x16384xf32, #tpu.memory_space<hbm>> -> memref<1x8x128xf32, #tpu.memory_space<hbm>>
      %dma_start3A_792 = tpu.memref_squeeze %dma_start3A_791 : memref<1x8x128xf32, #tpu.memory_space<hbm>> -> memref<8x128xf32, #tpu.memory_space<hbm>>
      %dma_start3A_793 = arith.constant 40 : i32
      %dma_start3A_794 = tpu.memref_slice %arg4[%select_n3A_682, %dma_start3A_793, %mul3A_703] : memref<50x64x16384xf32, #tpu.memory_space<hbm>> -> memref<1x8x128xf32, #tpu.memory_space<hbm>>
      %dma_start3A_795 = tpu.memref_squeeze %dma_start3A_794 : memref<1x8x128xf32, #tpu.memory_space<hbm>> -> memref<8x128xf32, #tpu.memory_space<hbm>>
      %dma_start3A_796 = arith.constant 0 : i32
      %dma_start3A_797 = arith.constant 0 : i32
      %dma_start3A_798 = tpu.memref_slice %arg7[%dma_start3A_784, %dma_start3A_785, %dma_start3A_796, %dma_start3A_797] : memref<4x8x8x128xf32, #tpu.memory_space<vmem>> -> memref<1x1x8x128xf32, #tpu.memory_space<vmem>>
      %dma_start3A_799 = tpu.memref_squeeze %dma_start3A_798 : memref<1x1x8x128xf32, #tpu.memory_space<vmem>> -> memref<8x128xf32, #tpu.memory_space<vmem>>
      tpu.enqueue_dma source(%dma_start3A_799 : memref<8x128xf32, #tpu.memory_space<vmem>>) target(%dma_start3A_795 : memref<8x128xf32, #tpu.memory_space<hbm>>) target_semaphore(%arg13 : memref<!tpu.dma_semaphore, #tpu.memory_space<semaphore_mem>>)
      %dma_start3A_800 = arith.constant 1 : i32
      %dma_start3A_801 = arith.constant 6 : i32
      %dma_start3A_802 = arith.constant 0 : i32
      %dma_start3A_803 = arith.constant 0 : i32
      %dma_start3A_804 = tpu.memref_slice %arg7[%dma_start3A_800, %dma_start3A_801, %dma_start3A_802, %dma_start3A_803] : memref<4x8x8x128xf32, #tpu.memory_space<vmem>> -> memref<1x1x8x128xf32, #tpu.memory_space<vmem>>
      %dma_start3A_805 = tpu.memref_squeeze %dma_start3A_804 : memref<1x1x8x128xf32, #tpu.memory_space<vmem>> -> memref<8x128xf32, #tpu.memory_space<vmem>>
      %dma_start3A_806 = arith.constant 48 : i32
      %dma_start3A_807 = tpu.memref_slice %arg4[%select_n3A_682, %dma_start3A_806, %mul3A_703] : memref<50x64x16384xf32, #tpu.memory_space<hbm>> -> memref<1x8x128xf32, #tpu.memory_space<hbm>>
      %dma_start3A_808 = tpu.memref_squeeze %dma_start3A_807 : memref<1x8x128xf32, #tpu.memory_space<hbm>> -> memref<8x128xf32, #tpu.memory_space<hbm>>
      %dma_start3A_809 = arith.constant 48 : i32
      %dma_start3A_810 = tpu.memref_slice %arg4[%select_n3A_682, %dma_start3A_809, %mul3A_703] : memref<50x64x16384xf32, #tpu.memory_space<hbm>> -> memref<1x8x128xf32, #tpu.memory_space<hbm>>
      %dma_start3A_811 = tpu.memref_squeeze %dma_start3A_810 : memref<1x8x128xf32, #tpu.memory_space<hbm>> -> memref<8x128xf32, #tpu.memory_space<hbm>>
      %dma_start3A_812 = arith.constant 0 : i32
      %dma_start3A_813 = arith.constant 0 : i32
      %dma_start3A_814 = tpu.memref_slice %arg7[%dma_start3A_800, %dma_start3A_801, %dma_start3A_812, %dma_start3A_813] : memref<4x8x8x128xf32, #tpu.memory_space<vmem>> -> memref<1x1x8x128xf32, #tpu.memory_space<vmem>>
      %dma_start3A_815 = tpu.memref_squeeze %dma_start3A_814 : memref<1x1x8x128xf32, #tpu.memory_space<vmem>> -> memref<8x128xf32, #tpu.memory_space<vmem>>
      tpu.enqueue_dma source(%dma_start3A_815 : memref<8x128xf32, #tpu.memory_space<vmem>>) target(%dma_start3A_811 : memref<8x128xf32, #tpu.memory_space<hbm>>) target_semaphore(%arg13 : memref<!tpu.dma_semaphore, #tpu.memory_space<semaphore_mem>>)
      %dma_start3A_816 = arith.constant 1 : i32
      %dma_start3A_817 = arith.constant 7 : i32
      %dma_start3A_818 = arith.constant 0 : i32
      %dma_start3A_819 = arith.constant 0 : i32
      %dma_start3A_820 = tpu.memref_slice %arg7[%dma_start3A_816, %dma_start3A_817, %dma_start3A_818, %dma_start3A_819] : memref<4x8x8x128xf32, #tpu.memory_space<vmem>> -> memref<1x1x8x128xf32, #tpu.memory_space<vmem>>
      %dma_start3A_821 = tpu.memref_squeeze %dma_start3A_820 : memref<1x1x8x128xf32, #tpu.memory_space<vmem>> -> memref<8x128xf32, #tpu.memory_space<vmem>>
      %dma_start3A_822 = arith.constant 56 : i32
      %dma_start3A_823 = tpu.memref_slice %arg4[%select_n3A_682, %dma_start3A_822, %mul3A_703] : memref<50x64x16384xf32, #tpu.memory_space<hbm>> -> memref<1x8x128xf32, #tpu.memory_space<hbm>>
      %dma_start3A_824 = tpu.memref_squeeze %dma_start3A_823 : memref<1x8x128xf32, #tpu.memory_space<hbm>> -> memref<8x128xf32, #tpu.memory_space<hbm>>
      %dma_start3A_825 = arith.constant 56 : i32
      %dma_start3A_826 = tpu.memref_slice %arg4[%select_n3A_682, %dma_start3A_825, %mul3A_703] : memref<50x64x16384xf32, #tpu.memory_space<hbm>> -> memref<1x8x128xf32, #tpu.memory_space<hbm>>
      %dma_start3A_827 = tpu.memref_squeeze %dma_start3A_826 : memref<1x8x128xf32, #tpu.memory_space<hbm>> -> memref<8x128xf32, #tpu.memory_space<hbm>>
      %dma_start3A_828 = arith.constant 0 : i32
      %dma_start3A_829 = arith.constant 0 : i32
      %dma_start3A_830 = tpu.memref_slice %arg7[%dma_start3A_816, %dma_start3A_817, %dma_start3A_828, %dma_start3A_829] : memref<4x8x8x128xf32, #tpu.memory_space<vmem>> -> memref<1x1x8x128xf32, #tpu.memory_space<vmem>>
      %dma_start3A_831 = tpu.memref_squeeze %dma_start3A_830 : memref<1x1x8x128xf32, #tpu.memory_space<vmem>> -> memref<8x128xf32, #tpu.memory_space<vmem>>
      tpu.enqueue_dma source(%dma_start3A_831 : memref<8x128xf32, #tpu.memory_space<vmem>>) target(%dma_start3A_827 : memref<8x128xf32, #tpu.memory_space<hbm>>) target_semaphore(%arg13 : memref<!tpu.dma_semaphore, #tpu.memory_space<semaphore_mem>>)
      %add3A_832 = arith.constant 2 : i32
      %add3A_833 = arith.addi %mul3A_371, %add3A_832 : i32
      %add3A_834 = arith.constant 2 : i32
      %add3A_835 = arith.addi %add3A_833, %add3A_834 : i32
      %lt3A_836 = arith.constant 200 : i32
      %lt3A_837 = arith.cmpi slt, %add3A_835, %lt3A_836 : i32
      %convert_element_type3A_838 = arith.extui %lt3A_837 : i1 to i32
      %cond3A_839 = arith.constant 0 : i32
      %cond3A_840 = arith.cmpi ne, %convert_element_type3A_838, %cond3A_839 : i32
      scf.if %cond3A_840 {
        %ge3A = arith.constant 2 : i32
        %ge3A_1304 = arith.cmpi sge, %add3A_833, %ge3A : i32
        %convert_element_type3A_1305 = arith.extui %ge3A_1304 : i1 to i32
        %cond3A_1306 = arith.constant 0 : i32
        %cond3A_1307 = arith.cmpi ne, %convert_element_type3A_1305, %cond3A_1306 : i32
        scf.if %cond3A_1307 {
          %sub3A_1361 = arith.constant 2 : i32
          %sub3A_1362 = arith.subi %add3A_833, %sub3A_1361 : i32
          %jit3A_1363 = arith.constant 4 : i32
          %div3A_1364 = arith.divsi %sub3A_1362, %jit3A_1363 : i32
          %sign3A_1365 = arith.constant 0 : i32
          %sign3A_1366 = arith.cmpi sgt, %sub3A_1362, %sign3A_1365 : i32
          %sign3A_1367 = arith.extui %sign3A_1366 : i1 to i32
          %sign3A_1368 = arith.constant 0 : i32
          %sign3A_1369 = arith.cmpi slt, %sub3A_1362, %sign3A_1368 : i32
          %sign3A_1370 = arith.extui %sign3A_1369 : i1 to i32
          %sign3A_1371 = arith.subi %sign3A_1367, %sign3A_1370 : i32
          %sign3A_1372 = arith.constant 0 : i32
          %sign3A_1373 = arith.cmpi sgt, %jit3A_1363, %sign3A_1372 : i32
          %sign3A_1374 = arith.extui %sign3A_1373 : i1 to i32
          %sign3A_1375 = arith.constant 0 : i32
          %sign3A_1376 = arith.cmpi slt, %jit3A_1363, %sign3A_1375 : i32
          %sign3A_1377 = arith.extui %sign3A_1376 : i1 to i32
          %sign3A_1378 = arith.subi %sign3A_1374, %sign3A_1377 : i32
          %ne3A_1379 = arith.cmpi ne, %sign3A_1371, %sign3A_1378 : i32
          %rem3A_1380 = arith.remsi %sub3A_1362, %jit3A_1363 : i32
          %ne3A_1381 = arith.constant 0 : i32
          %ne3A_1382 = arith.cmpi ne, %rem3A_1380, %ne3A_1381 : i32
          %and3A_1383 = arith.andi %ne3A_1379, %ne3A_1382 : i1
          %sub3A_1384 = arith.constant 1 : i32
          %sub3A_1385 = arith.subi %div3A_1364, %sub3A_1384 : i32
          %select_n3A_1386 = arith.select %and3A_1383, %sub3A_1385, %div3A_1364 : i32
          %jit3A_1387 = arith.constant 4 : i32
          %eq3A_1388 = arith.constant 0 : i32
          %eq3A_1389 = arith.cmpi eq, %jit3A_1387, %eq3A_1388 : i32
          %jit3A_1390 = arith.constant 1 : i32
          %select_n3A_1391 = arith.select %eq3A_1389, %jit3A_1390, %jit3A_1387 : i32
          %rem3A_1392 = arith.remsi %sub3A_1362, %select_n3A_1391 : i32
          %ne3A_1393 = arith.constant 0 : i32
          %ne3A_1394 = arith.cmpi ne, %rem3A_1392, %ne3A_1393 : i32
          %lt3A_1395 = arith.constant 0 : i32
          %lt3A_1396 = arith.cmpi slt, %rem3A_1392, %lt3A_1395 : i32
          %lt3A_1397 = arith.constant 0 : i32
          %lt3A_1398 = arith.cmpi slt, %select_n3A_1391, %lt3A_1397 : i32
          %ne3A_1399 = arith.xori %lt3A_1396, %lt3A_1398 : i1
          %and3A_1400 = arith.andi %ne3A_1399, %ne3A_1394 : i1
          %add3A_1401 = arith.addi %rem3A_1392, %select_n3A_1391 : i32
          %select_n3A_1402 = arith.select %and3A_1400, %add3A_1401, %rem3A_1392 : i32
          %mul3A_1403 = arith.constant 4 : i32
          %mul3A_1404 = arith.muli %add3A, %mul3A_1403 : i32
          %add3A_1405 = arith.addi %mul3A_1404, %select_n3A_1402 : i32
          %mul3A_1406 = arith.constant 128 : i32
          %mul3A_1407 = arith.muli %add3A_1405, %mul3A_1406 : i32
          %dma_wait3A_1408 = arith.constant 0 : i32
          %dma_wait3A_1409 = arith.constant 0 : i32
          %dma_wait3A_1410 = arith.constant 0 : i32
          %dma_wait3A_1411 = arith.constant 0 : i32
          %dma_wait3A_1412 = tpu.memref_slice %arg7[%dma_wait3A_1408, %dma_wait3A_1409, %dma_wait3A_1410, %dma_wait3A_1411] : memref<4x8x8x128xf32, #tpu.memory_space<vmem>> -> memref<1x1x8x128xf32, #tpu.memory_space<vmem>>
          %dma_wait3A_1413 = tpu.memref_squeeze %dma_wait3A_1412 : memref<1x1x8x128xf32, #tpu.memory_space<vmem>> -> memref<8x128xf32, #tpu.memory_space<vmem>>
          %dma_wait3A_1414 = arith.constant 0 : i32
          %dma_wait3A_1415 = tpu.memref_slice %arg4[%select_n3A_1386, %dma_wait3A_1414, %mul3A_1407] : memref<50x64x16384xf32, #tpu.memory_space<hbm>> -> memref<1x8x128xf32, #tpu.memory_space<hbm>>
          %dma_wait3A_1416 = tpu.memref_squeeze %dma_wait3A_1415 : memref<1x8x128xf32, #tpu.memory_space<hbm>> -> memref<8x128xf32, #tpu.memory_space<hbm>>
          %dma_wait3A_1417 = arith.constant 0 : i32
          %dma_wait3A_1418 = tpu.memref_slice %arg4[%select_n3A_1386, %dma_wait3A_1417, %mul3A_1407] : memref<50x64x16384xf32, #tpu.memory_space<hbm>> -> memref<1x8x128xf32, #tpu.memory_space<hbm>>
          %dma_wait3A_1419 = tpu.memref_squeeze %dma_wait3A_1418 : memref<1x8x128xf32, #tpu.memory_space<hbm>> -> memref<8x128xf32, #tpu.memory_space<hbm>>
          %dma_wait3A_1420 = arith.constant 0 : i32
          %dma_wait3A_1421 = arith.constant 0 : i32
          %dma_wait3A_1422 = tpu.memref_slice %arg7[%dma_wait3A_1408, %dma_wait3A_1409, %dma_wait3A_1420, %dma_wait3A_1421] : memref<4x8x8x128xf32, #tpu.memory_space<vmem>> -> memref<1x1x8x128xf32, #tpu.memory_space<vmem>>
          %dma_wait3A_1423 = tpu.memref_squeeze %dma_wait3A_1422 : memref<1x1x8x128xf32, #tpu.memory_space<vmem>> -> memref<8x128xf32, #tpu.memory_space<vmem>>
          tpu.wait_dma2 semaphore(%arg12 : memref<!tpu.dma_semaphore, #tpu.memory_space<semaphore_mem>>) src(%dma_wait3A_1423 : memref<8x128xf32, #tpu.memory_space<vmem>>) dst(%dma_wait3A_1419 : memref<8x128xf32, #tpu.memory_space<hbm>>)
          %dma_wait3A_1424 = arith.constant 0 : i32
          %dma_wait3A_1425 = arith.constant 1 : i32
          %dma_wait3A_1426 = arith.constant 0 : i32
          %dma_wait3A_1427 = arith.constant 0 : i32
          %dma_wait3A_1428 = tpu.memref_slice %arg7[%dma_wait3A_1424, %dma_wait3A_1425, %dma_wait3A_1426, %dma_wait3A_1427] : memref<4x8x8x128xf32, #tpu.memory_space<vmem>> -> memref<1x1x8x128xf32, #tpu.memory_space<vmem>>
          %dma_wait3A_1429 = tpu.memref_squeeze %dma_wait3A_1428 : memref<1x1x8x128xf32, #tpu.memory_space<vmem>> -> memref<8x128xf32, #tpu.memory_space<vmem>>
          %dma_wait3A_1430 = arith.constant 8 : i32
          %dma_wait3A_1431 = tpu.memref_slice %arg4[%select_n3A_1386, %dma_wait3A_1430, %mul3A_1407] : memref<50x64x16384xf32, #tpu.memory_space<hbm>> -> memref<1x8x128xf32, #tpu.memory_space<hbm>>
          %dma_wait3A_1432 = tpu.memref_squeeze %dma_wait3A_1431 : memref<1x8x128xf32, #tpu.memory_space<hbm>> -> memref<8x128xf32, #tpu.memory_space<hbm>>
          %dma_wait3A_1433 = arith.constant 8 : i32
          %dma_wait3A_1434 = tpu.memref_slice %arg4[%select_n3A_1386, %dma_wait3A_1433, %mul3A_1407] : memref<50x64x16384xf32, #tpu.memory_space<hbm>> -> memref<1x8x128xf32, #tpu.memory_space<hbm>>
          %dma_wait3A_1435 = tpu.memref_squeeze %dma_wait3A_1434 : memref<1x8x128xf32, #tpu.memory_space<hbm>> -> memref<8x128xf32, #tpu.memory_space<hbm>>
          %dma_wait3A_1436 = arith.constant 0 : i32
          %dma_wait3A_1437 = arith.constant 0 : i32
          %dma_wait3A_1438 = tpu.memref_slice %arg7[%dma_wait3A_1424, %dma_wait3A_1425, %dma_wait3A_1436, %dma_wait3A_1437] : memref<4x8x8x128xf32, #tpu.memory_space<vmem>> -> memref<1x1x8x128xf32, #tpu.memory_space<vmem>>
          %dma_wait3A_1439 = tpu.memref_squeeze %dma_wait3A_1438 : memref<1x1x8x128xf32, #tpu.memory_space<vmem>> -> memref<8x128xf32, #tpu.memory_space<vmem>>
          tpu.wait_dma2 semaphore(%arg12 : memref<!tpu.dma_semaphore, #tpu.memory_space<semaphore_mem>>) src(%dma_wait3A_1439 : memref<8x128xf32, #tpu.memory_space<vmem>>) dst(%dma_wait3A_1435 : memref<8x128xf32, #tpu.memory_space<hbm>>)
          %dma_wait3A_1440 = arith.constant 0 : i32
          %dma_wait3A_1441 = arith.constant 2 : i32
          %dma_wait3A_1442 = arith.constant 0 : i32
          %dma_wait3A_1443 = arith.constant 0 : i32
          %dma_wait3A_1444 = tpu.memref_slice %arg7[%dma_wait3A_1440, %dma_wait3A_1441, %dma_wait3A_1442, %dma_wait3A_1443] : memref<4x8x8x128xf32, #tpu.memory_space<vmem>> -> memref<1x1x8x128xf32, #tpu.memory_space<vmem>>
          %dma_wait3A_1445 = tpu.memref_squeeze %dma_wait3A_1444 : memref<1x1x8x128xf32, #tpu.memory_space<vmem>> -> memref<8x128xf32, #tpu.memory_space<vmem>>
          %dma_wait3A_1446 = arith.constant 16 : i32
          %dma_wait3A_1447 = tpu.memref_slice %arg4[%select_n3A_1386, %dma_wait3A_1446, %mul3A_1407] : memref<50x64x16384xf32, #tpu.memory_space<hbm>> -> memref<1x8x128xf32, #tpu.memory_space<hbm>>
          %dma_wait3A_1448 = tpu.memref_squeeze %dma_wait3A_1447 : memref<1x8x128xf32, #tpu.memory_space<hbm>> -> memref<8x128xf32, #tpu.memory_space<hbm>>
          %dma_wait3A_1449 = arith.constant 16 : i32
          %dma_wait3A_1450 = tpu.memref_slice %arg4[%select_n3A_1386, %dma_wait3A_1449, %mul3A_1407] : memref<50x64x16384xf32, #tpu.memory_space<hbm>> -> memref<1x8x128xf32, #tpu.memory_space<hbm>>
          %dma_wait3A_1451 = tpu.memref_squeeze %dma_wait3A_1450 : memref<1x8x128xf32, #tpu.memory_space<hbm>> -> memref<8x128xf32, #tpu.memory_space<hbm>>
          %dma_wait3A_1452 = arith.constant 0 : i32
          %dma_wait3A_1453 = arith.constant 0 : i32
          %dma_wait3A_1454 = tpu.memref_slice %arg7[%dma_wait3A_1440, %dma_wait3A_1441, %dma_wait3A_1452, %dma_wait3A_1453] : memref<4x8x8x128xf32, #tpu.memory_space<vmem>> -> memref<1x1x8x128xf32, #tpu.memory_space<vmem>>
          %dma_wait3A_1455 = tpu.memref_squeeze %dma_wait3A_1454 : memref<1x1x8x128xf32, #tpu.memory_space<vmem>> -> memref<8x128xf32, #tpu.memory_space<vmem>>
          tpu.wait_dma2 semaphore(%arg12 : memref<!tpu.dma_semaphore, #tpu.memory_space<semaphore_mem>>) src(%dma_wait3A_1455 : memref<8x128xf32, #tpu.memory_space<vmem>>) dst(%dma_wait3A_1451 : memref<8x128xf32, #tpu.memory_space<hbm>>)
          %dma_wait3A_1456 = arith.constant 0 : i32
          %dma_wait3A_1457 = arith.constant 3 : i32
          %dma_wait3A_1458 = arith.constant 0 : i32
          %dma_wait3A_1459 = arith.constant 0 : i32
          %dma_wait3A_1460 = tpu.memref_slice %arg7[%dma_wait3A_1456, %dma_wait3A_1457, %dma_wait3A_1458, %dma_wait3A_1459] : memref<4x8x8x128xf32, #tpu.memory_space<vmem>> -> memref<1x1x8x128xf32, #tpu.memory_space<vmem>>
          %dma_wait3A_1461 = tpu.memref_squeeze %dma_wait3A_1460 : memref<1x1x8x128xf32, #tpu.memory_space<vmem>> -> memref<8x128xf32, #tpu.memory_space<vmem>>
          %dma_wait3A_1462 = arith.constant 24 : i32
          %dma_wait3A_1463 = tpu.memref_slice %arg4[%select_n3A_1386, %dma_wait3A_1462, %mul3A_1407] : memref<50x64x16384xf32, #tpu.memory_space<hbm>> -> memref<1x8x128xf32, #tpu.memory_space<hbm>>
          %dma_wait3A_1464 = tpu.memref_squeeze %dma_wait3A_1463 : memref<1x8x128xf32, #tpu.memory_space<hbm>> -> memref<8x128xf32, #tpu.memory_space<hbm>>
          %dma_wait3A_1465 = arith.constant 24 : i32
          %dma_wait3A_1466 = tpu.memref_slice %arg4[%select_n3A_1386, %dma_wait3A_1465, %mul3A_1407] : memref<50x64x16384xf32, #tpu.memory_space<hbm>> -> memref<1x8x128xf32, #tpu.memory_space<hbm>>
          %dma_wait3A_1467 = tpu.memref_squeeze %dma_wait3A_1466 : memref<1x8x128xf32, #tpu.memory_space<hbm>> -> memref<8x128xf32, #tpu.memory_space<hbm>>
          %dma_wait3A_1468 = arith.constant 0 : i32
          %dma_wait3A_1469 = arith.constant 0 : i32
          %dma_wait3A_1470 = tpu.memref_slice %arg7[%dma_wait3A_1456, %dma_wait3A_1457, %dma_wait3A_1468, %dma_wait3A_1469] : memref<4x8x8x128xf32, #tpu.memory_space<vmem>> -> memref<1x1x8x128xf32, #tpu.memory_space<vmem>>
          %dma_wait3A_1471 = tpu.memref_squeeze %dma_wait3A_1470 : memref<1x1x8x128xf32, #tpu.memory_space<vmem>> -> memref<8x128xf32, #tpu.memory_space<vmem>>
          tpu.wait_dma2 semaphore(%arg12 : memref<!tpu.dma_semaphore, #tpu.memory_space<semaphore_mem>>) src(%dma_wait3A_1471 : memref<8x128xf32, #tpu.memory_space<vmem>>) dst(%dma_wait3A_1467 : memref<8x128xf32, #tpu.memory_space<hbm>>)
          %dma_wait3A_1472 = arith.constant 0 : i32
          %dma_wait3A_1473 = arith.constant 4 : i32
          %dma_wait3A_1474 = arith.constant 0 : i32
          %dma_wait3A_1475 = arith.constant 0 : i32
          %dma_wait3A_1476 = tpu.memref_slice %arg7[%dma_wait3A_1472, %dma_wait3A_1473, %dma_wait3A_1474, %dma_wait3A_1475] : memref<4x8x8x128xf32, #tpu.memory_space<vmem>> -> memref<1x1x8x128xf32, #tpu.memory_space<vmem>>
          %dma_wait3A_1477 = tpu.memref_squeeze %dma_wait3A_1476 : memref<1x1x8x128xf32, #tpu.memory_space<vmem>> -> memref<8x128xf32, #tpu.memory_space<vmem>>
          %dma_wait3A_1478 = arith.constant 32 : i32
          %dma_wait3A_1479 = tpu.memref_slice %arg4[%select_n3A_1386, %dma_wait3A_1478, %mul3A_1407] : memref<50x64x16384xf32, #tpu.memory_space<hbm>> -> memref<1x8x128xf32, #tpu.memory_space<hbm>>
          %dma_wait3A_1480 = tpu.memref_squeeze %dma_wait3A_1479 : memref<1x8x128xf32, #tpu.memory_space<hbm>> -> memref<8x128xf32, #tpu.memory_space<hbm>>
          %dma_wait3A_1481 = arith.constant 32 : i32
          %dma_wait3A_1482 = tpu.memref_slice %arg4[%select_n3A_1386, %dma_wait3A_1481, %mul3A_1407] : memref<50x64x16384xf32, #tpu.memory_space<hbm>> -> memref<1x8x128xf32, #tpu.memory_space<hbm>>
          %dma_wait3A_1483 = tpu.memref_squeeze %dma_wait3A_1482 : memref<1x8x128xf32, #tpu.memory_space<hbm>> -> memref<8x128xf32, #tpu.memory_space<hbm>>
          %dma_wait3A_1484 = arith.constant 0 : i32
          %dma_wait3A_1485 = arith.constant 0 : i32
          %dma_wait3A_1486 = tpu.memref_slice %arg7[%dma_wait3A_1472, %dma_wait3A_1473, %dma_wait3A_1484, %dma_wait3A_1485] : memref<4x8x8x128xf32, #tpu.memory_space<vmem>> -> memref<1x1x8x128xf32, #tpu.memory_space<vmem>>
          %dma_wait3A_1487 = tpu.memref_squeeze %dma_wait3A_1486 : memref<1x1x8x128xf32, #tpu.memory_space<vmem>> -> memref<8x128xf32, #tpu.memory_space<vmem>>
          tpu.wait_dma2 semaphore(%arg12 : memref<!tpu.dma_semaphore, #tpu.memory_space<semaphore_mem>>) src(%dma_wait3A_1487 : memref<8x128xf32, #tpu.memory_space<vmem>>) dst(%dma_wait3A_1483 : memref<8x128xf32, #tpu.memory_space<hbm>>)
          %dma_wait3A_1488 = arith.constant 0 : i32
          %dma_wait3A_1489 = arith.constant 5 : i32
          %dma_wait3A_1490 = arith.constant 0 : i32
          %dma_wait3A_1491 = arith.constant 0 : i32
          %dma_wait3A_1492 = tpu.memref_slice %arg7[%dma_wait3A_1488, %dma_wait3A_1489, %dma_wait3A_1490, %dma_wait3A_1491] : memref<4x8x8x128xf32, #tpu.memory_space<vmem>> -> memref<1x1x8x128xf32, #tpu.memory_space<vmem>>
          %dma_wait3A_1493 = tpu.memref_squeeze %dma_wait3A_1492 : memref<1x1x8x128xf32, #tpu.memory_space<vmem>> -> memref<8x128xf32, #tpu.memory_space<vmem>>
          %dma_wait3A_1494 = arith.constant 40 : i32
          %dma_wait3A_1495 = tpu.memref_slice %arg4[%select_n3A_1386, %dma_wait3A_1494, %mul3A_1407] : memref<50x64x16384xf32, #tpu.memory_space<hbm>> -> memref<1x8x128xf32, #tpu.memory_space<hbm>>
          %dma_wait3A_1496 = tpu.memref_squeeze %dma_wait3A_1495 : memref<1x8x128xf32, #tpu.memory_space<hbm>> -> memref<8x128xf32, #tpu.memory_space<hbm>>
          %dma_wait3A_1497 = arith.constant 40 : i32
          %dma_wait3A_1498 = tpu.memref_slice %arg4[%select_n3A_1386, %dma_wait3A_1497, %mul3A_1407] : memref<50x64x16384xf32, #tpu.memory_space<hbm>> -> memref<1x8x128xf32, #tpu.memory_space<hbm>>
          %dma_wait3A_1499 = tpu.memref_squeeze %dma_wait3A_1498 : memref<1x8x128xf32, #tpu.memory_space<hbm>> -> memref<8x128xf32, #tpu.memory_space<hbm>>
          %dma_wait3A_1500 = arith.constant 0 : i32
          %dma_wait3A_1501 = arith.constant 0 : i32
          %dma_wait3A_1502 = tpu.memref_slice %arg7[%dma_wait3A_1488, %dma_wait3A_1489, %dma_wait3A_1500, %dma_wait3A_1501] : memref<4x8x8x128xf32, #tpu.memory_space<vmem>> -> memref<1x1x8x128xf32, #tpu.memory_space<vmem>>
          %dma_wait3A_1503 = tpu.memref_squeeze %dma_wait3A_1502 : memref<1x1x8x128xf32, #tpu.memory_space<vmem>> -> memref<8x128xf32, #tpu.memory_space<vmem>>
          tpu.wait_dma2 semaphore(%arg12 : memref<!tpu.dma_semaphore, #tpu.memory_space<semaphore_mem>>) src(%dma_wait3A_1503 : memref<8x128xf32, #tpu.memory_space<vmem>>) dst(%dma_wait3A_1499 : memref<8x128xf32, #tpu.memory_space<hbm>>)
          %dma_wait3A_1504 = arith.constant 0 : i32
          %dma_wait3A_1505 = arith.constant 6 : i32
          %dma_wait3A_1506 = arith.constant 0 : i32
          %dma_wait3A_1507 = arith.constant 0 : i32
          %dma_wait3A_1508 = tpu.memref_slice %arg7[%dma_wait3A_1504, %dma_wait3A_1505, %dma_wait3A_1506, %dma_wait3A_1507] : memref<4x8x8x128xf32, #tpu.memory_space<vmem>> -> memref<1x1x8x128xf32, #tpu.memory_space<vmem>>
          %dma_wait3A_1509 = tpu.memref_squeeze %dma_wait3A_1508 : memref<1x1x8x128xf32, #tpu.memory_space<vmem>> -> memref<8x128xf32, #tpu.memory_space<vmem>>
          %dma_wait3A_1510 = arith.constant 48 : i32
          %dma_wait3A_1511 = tpu.memref_slice %arg4[%select_n3A_1386, %dma_wait3A_1510, %mul3A_1407] : memref<50x64x16384xf32, #tpu.memory_space<hbm>> -> memref<1x8x128xf32, #tpu.memory_space<hbm>>
          %dma_wait3A_1512 = tpu.memref_squeeze %dma_wait3A_1511 : memref<1x8x128xf32, #tpu.memory_space<hbm>> -> memref<8x128xf32, #tpu.memory_space<hbm>>
          %dma_wait3A_1513 = arith.constant 48 : i32
          %dma_wait3A_1514 = tpu.memref_slice %arg4[%select_n3A_1386, %dma_wait3A_1513, %mul3A_1407] : memref<50x64x16384xf32, #tpu.memory_space<hbm>> -> memref<1x8x128xf32, #tpu.memory_space<hbm>>
          %dma_wait3A_1515 = tpu.memref_squeeze %dma_wait3A_1514 : memref<1x8x128xf32, #tpu.memory_space<hbm>> -> memref<8x128xf32, #tpu.memory_space<hbm>>
          %dma_wait3A_1516 = arith.constant 0 : i32
          %dma_wait3A_1517 = arith.constant 0 : i32
          %dma_wait3A_1518 = tpu.memref_slice %arg7[%dma_wait3A_1504, %dma_wait3A_1505, %dma_wait3A_1516, %dma_wait3A_1517] : memref<4x8x8x128xf32, #tpu.memory_space<vmem>> -> memref<1x1x8x128xf32, #tpu.memory_space<vmem>>
          %dma_wait3A_1519 = tpu.memref_squeeze %dma_wait3A_1518 : memref<1x1x8x128xf32, #tpu.memory_space<vmem>> -> memref<8x128xf32, #tpu.memory_space<vmem>>
          tpu.wait_dma2 semaphore(%arg12 : memref<!tpu.dma_semaphore, #tpu.memory_space<semaphore_mem>>) src(%dma_wait3A_1519 : memref<8x128xf32, #tpu.memory_space<vmem>>) dst(%dma_wait3A_1515 : memref<8x128xf32, #tpu.memory_space<hbm>>)
          %dma_wait3A_1520 = arith.constant 0 : i32
          %dma_wait3A_1521 = arith.constant 7 : i32
          %dma_wait3A_1522 = arith.constant 0 : i32
          %dma_wait3A_1523 = arith.constant 0 : i32
          %dma_wait3A_1524 = tpu.memref_slice %arg7[%dma_wait3A_1520, %dma_wait3A_1521, %dma_wait3A_1522, %dma_wait3A_1523] : memref<4x8x8x128xf32, #tpu.memory_space<vmem>> -> memref<1x1x8x128xf32, #tpu.memory_space<vmem>>
          %dma_wait3A_1525 = tpu.memref_squeeze %dma_wait3A_1524 : memref<1x1x8x128xf32, #tpu.memory_space<vmem>> -> memref<8x128xf32, #tpu.memory_space<vmem>>
          %dma_wait3A_1526 = arith.constant 56 : i32
          %dma_wait3A_1527 = tpu.memref_slice %arg4[%select_n3A_1386, %dma_wait3A_1526, %mul3A_1407] : memref<50x64x16384xf32, #tpu.memory_space<hbm>> -> memref<1x8x128xf32, #tpu.memory_space<hbm>>
          %dma_wait3A_1528 = tpu.memref_squeeze %dma_wait3A_1527 : memref<1x8x128xf32, #tpu.memory_space<hbm>> -> memref<8x128xf32, #tpu.memory_space<hbm>>
          %dma_wait3A_1529 = arith.constant 56 : i32
          %dma_wait3A_1530 = tpu.memref_slice %arg4[%select_n3A_1386, %dma_wait3A_1529, %mul3A_1407] : memref<50x64x16384xf32, #tpu.memory_space<hbm>> -> memref<1x8x128xf32, #tpu.memory_space<hbm>>
          %dma_wait3A_1531 = tpu.memref_squeeze %dma_wait3A_1530 : memref<1x8x128xf32, #tpu.memory_space<hbm>> -> memref<8x128xf32, #tpu.memory_space<hbm>>
          %dma_wait3A_1532 = arith.constant 0 : i32
          %dma_wait3A_1533 = arith.constant 0 : i32
          %dma_wait3A_1534 = tpu.memref_slice %arg7[%dma_wait3A_1520, %dma_wait3A_1521, %dma_wait3A_1532, %dma_wait3A_1533] : memref<4x8x8x128xf32, #tpu.memory_space<vmem>> -> memref<1x1x8x128xf32, #tpu.memory_space<vmem>>
          %dma_wait3A_1535 = tpu.memref_squeeze %dma_wait3A_1534 : memref<1x1x8x128xf32, #tpu.memory_space<vmem>> -> memref<8x128xf32, #tpu.memory_space<vmem>>
          tpu.wait_dma2 semaphore(%arg12 : memref<!tpu.dma_semaphore, #tpu.memory_space<semaphore_mem>>) src(%dma_wait3A_1535 : memref<8x128xf32, #tpu.memory_space<vmem>>) dst(%dma_wait3A_1531 : memref<8x128xf32, #tpu.memory_space<hbm>>)
        } else {
        }
        %add3A_1308 = arith.constant 2 : i32
        %add3A_1309 = arith.addi %add3A_833, %add3A_1308 : i32
        %jit3A_1310 = arith.constant 4 : i32
        %div3A_1311 = arith.divsi %add3A_1309, %jit3A_1310 : i32
        %sign3A_1312 = arith.constant 0 : i32
        %sign3A_1313 = arith.cmpi sgt, %add3A_1309, %sign3A_1312 : i32
        %sign3A_1314 = arith.extui %sign3A_1313 : i1 to i32
        %sign3A_1315 = arith.constant 0 : i32
        %sign3A_1316 = arith.cmpi slt, %add3A_1309, %sign3A_1315 : i32
        %sign3A_1317 = arith.extui %sign3A_1316 : i1 to i32
        %sign3A_1318 = arith.subi %sign3A_1314, %sign3A_1317 : i32
        %sign3A_1319 = arith.constant 0 : i32
        %sign3A_1320 = arith.cmpi sgt, %jit3A_1310, %sign3A_1319 : i32
        %sign3A_1321 = arith.extui %sign3A_1320 : i1 to i32
        %sign3A_1322 = arith.constant 0 : i32
        %sign3A_1323 = arith.cmpi slt, %jit3A_1310, %sign3A_1322 : i32
        %sign3A_1324 = arith.extui %sign3A_1323 : i1 to i32
        %sign3A_1325 = arith.subi %sign3A_1321, %sign3A_1324 : i32
        %ne3A_1326 = arith.cmpi ne, %sign3A_1318, %sign3A_1325 : i32
        %rem3A_1327 = arith.remsi %add3A_1309, %jit3A_1310 : i32
        %ne3A_1328 = arith.constant 0 : i32
        %ne3A_1329 = arith.cmpi ne, %rem3A_1327, %ne3A_1328 : i32
        %and3A_1330 = arith.andi %ne3A_1326, %ne3A_1329 : i1
        %sub3A_1331 = arith.constant 1 : i32
        %sub3A_1332 = arith.subi %div3A_1311, %sub3A_1331 : i32
        %select_n3A_1333 = arith.select %and3A_1330, %sub3A_1332, %div3A_1311 : i32
        %jit3A_1334 = arith.constant 4 : i32
        %eq3A_1335 = arith.constant 0 : i32
        %eq3A_1336 = arith.cmpi eq, %jit3A_1334, %eq3A_1335 : i32
        %jit3A_1337 = arith.constant 1 : i32
        %select_n3A_1338 = arith.select %eq3A_1336, %jit3A_1337, %jit3A_1334 : i32
        %rem3A_1339 = arith.remsi %add3A_1309, %select_n3A_1338 : i32
        %ne3A_1340 = arith.constant 0 : i32
        %ne3A_1341 = arith.cmpi ne, %rem3A_1339, %ne3A_1340 : i32
        %lt3A_1342 = arith.constant 0 : i32
        %lt3A_1343 = arith.cmpi slt, %rem3A_1339, %lt3A_1342 : i32
        %lt3A_1344 = arith.constant 0 : i32
        %lt3A_1345 = arith.cmpi slt, %select_n3A_1338, %lt3A_1344 : i32
        %ne3A_1346 = arith.xori %lt3A_1343, %lt3A_1345 : i1
        %and3A_1347 = arith.andi %ne3A_1346, %ne3A_1341 : i1
        %add3A_1348 = arith.addi %rem3A_1339, %select_n3A_1338 : i32
        %select_n3A_1349 = arith.select %and3A_1347, %add3A_1348, %rem3A_1339 : i32
        %dma_start3A_1350 = arith.constant 0 : i32
        %dma_start3A_1351 = arith.constant 0 : i32
        %dma_start3A_1352 = arith.constant 0 : i32
        %dma_start3A_1353 = tpu.memref_slice %arg6[%dma_start3A_1350, %dma_start3A_1351, %dma_start3A_1352] : memref<4x128x128xf32, #tpu.memory_space<vmem>> -> memref<1x128x128xf32, #tpu.memory_space<vmem>>
        %dma_start3A_1354 = tpu.memref_squeeze %dma_start3A_1353 : memref<1x128x128xf32, #tpu.memory_space<vmem>> -> memref<128x128xf32, #tpu.memory_space<vmem>>
        %dma_start3A_1355 = arith.constant 0 : i32
        %dma_start3A_1356 = tpu.memref_slice %arg5[%select_n3A_1333, %select_n3A_1349, %dma_start3A_1355] : memref<50x4x128xi32, #tpu.memory_space<vmem>> -> memref<1x1x128xi32, #tpu.memory_space<vmem>>
        %dma_start3A_1357 = tpu.memref_squeeze %dma_start3A_1356 : memref<1x1x128xi32, #tpu.memory_space<vmem>> -> memref<128xi32, #tpu.memory_space<vmem>>
        %dma_start3A_1358 = arith.constant 0 : i32
        %dma_start3A_1359 = arith.constant 0 : i32
        %dma_start3A_1360 = tpu.memref_slice %arg3[%dma_start3A_1358, %dma_start3A_1359] : memref<1000000x128xf32, #tpu.memory_space<hbm>> -> memref<1000000x128xf32, #tpu.memory_space<hbm>>
        tpu.enqueue_indirect_dma source(%dma_start3A_1360 : memref<1000000x128xf32, #tpu.memory_space<hbm>>) target(%dma_start3A_1354 : memref<128x128xf32, #tpu.memory_space<vmem>>) offsets(%dma_start3A_1357 : memref<128xi32, #tpu.memory_space<vmem>>) semaphore(%arg8 : memref<!tpu.dma_semaphore, #tpu.memory_space<semaphore_mem>>)
      } else {
      }
      %jit3A_841 = arith.constant 4 : i32
      %div3A_842 = arith.divsi %add3A_833, %jit3A_841 : i32
      %sign3A_843 = arith.constant 0 : i32
      %sign3A_844 = arith.cmpi sgt, %add3A_833, %sign3A_843 : i32
      %sign3A_845 = arith.extui %sign3A_844 : i1 to i32
      %sign3A_846 = arith.constant 0 : i32
      %sign3A_847 = arith.cmpi slt, %add3A_833, %sign3A_846 : i32
      %sign3A_848 = arith.extui %sign3A_847 : i1 to i32
      %sign3A_849 = arith.subi %sign3A_845, %sign3A_848 : i32
      %sign3A_850 = arith.constant 0 : i32
      %sign3A_851 = arith.cmpi sgt, %jit3A_841, %sign3A_850 : i32
      %sign3A_852 = arith.extui %sign3A_851 : i1 to i32
      %sign3A_853 = arith.constant 0 : i32
      %sign3A_854 = arith.cmpi slt, %jit3A_841, %sign3A_853 : i32
      %sign3A_855 = arith.extui %sign3A_854 : i1 to i32
      %sign3A_856 = arith.subi %sign3A_852, %sign3A_855 : i32
      %ne3A_857 = arith.cmpi ne, %sign3A_849, %sign3A_856 : i32
      %rem3A_858 = arith.remsi %add3A_833, %jit3A_841 : i32
      %ne3A_859 = arith.constant 0 : i32
      %ne3A_860 = arith.cmpi ne, %rem3A_858, %ne3A_859 : i32
      %and3A_861 = arith.andi %ne3A_857, %ne3A_860 : i1
      %sub3A_862 = arith.constant 1 : i32
      %sub3A_863 = arith.subi %div3A_842, %sub3A_862 : i32
      %select_n3A_864 = arith.select %and3A_861, %sub3A_863, %div3A_842 : i32
      %jit3A_865 = arith.constant 4 : i32
      %eq3A_866 = arith.constant 0 : i32
      %eq3A_867 = arith.cmpi eq, %jit3A_865, %eq3A_866 : i32
      %jit3A_868 = arith.constant 1 : i32
      %select_n3A_869 = arith.select %eq3A_867, %jit3A_868, %jit3A_865 : i32
      %rem3A_870 = arith.remsi %add3A_833, %select_n3A_869 : i32
      %ne3A_871 = arith.constant 0 : i32
      %ne3A_872 = arith.cmpi ne, %rem3A_870, %ne3A_871 : i32
      %lt3A_873 = arith.constant 0 : i32
      %lt3A_874 = arith.cmpi slt, %rem3A_870, %lt3A_873 : i32
      %lt3A_875 = arith.constant 0 : i32
      %lt3A_876 = arith.cmpi slt, %select_n3A_869, %lt3A_875 : i32
      %ne3A_877 = arith.xori %lt3A_874, %lt3A_876 : i1
      %and3A_878 = arith.andi %ne3A_877, %ne3A_872 : i1
      %add3A_879 = arith.addi %rem3A_870, %select_n3A_869 : i32
      %select_n3A_880 = arith.select %and3A_878, %add3A_879, %rem3A_870 : i32
      %dma_wait3A_881 = arith.constant 2 : i32
      %dma_wait3A_882 = arith.constant 0 : i32
      %dma_wait3A_883 = arith.constant 0 : i32
      %dma_wait3A_884 = tpu.memref_slice %arg6[%dma_wait3A_881, %dma_wait3A_882, %dma_wait3A_883] : memref<4x128x128xf32, #tpu.memory_space<vmem>> -> memref<1x128x128xf32, #tpu.memory_space<vmem>>
      %dma_wait3A_885 = tpu.memref_squeeze %dma_wait3A_884 : memref<1x128x128xf32, #tpu.memory_space<vmem>> -> memref<128x128xf32, #tpu.memory_space<vmem>>
      %dma_wait3A_886 = arith.constant 0 : i32
      %dma_wait3A_887 = tpu.memref_slice %arg5[%select_n3A_864, %select_n3A_880, %dma_wait3A_886] : memref<50x4x128xi32, #tpu.memory_space<vmem>> -> memref<1x1x128xi32, #tpu.memory_space<vmem>>
      %dma_wait3A_888 = tpu.memref_squeeze %dma_wait3A_887 : memref<1x1x128xi32, #tpu.memory_space<vmem>> -> memref<128xi32, #tpu.memory_space<vmem>>
      %dma_wait3A_889 = arith.constant 0 : i32
      %dma_wait3A_890 = arith.constant 0 : i32
      %dma_wait3A_891 = tpu.memref_slice %arg3[%dma_wait3A_889, %dma_wait3A_890] : memref<1000000x128xf32, #tpu.memory_space<hbm>> -> memref<1000000x128xf32, #tpu.memory_space<hbm>>
      tpu.wait_indirect_dma semaphore(%arg10 : memref<!tpu.dma_semaphore, #tpu.memory_space<semaphore_mem>>) src(%dma_wait3A_891 : memref<1000000x128xf32, #tpu.memory_space<hbm>>) dst(%dma_wait3A_885 : memref<128x128xf32, #tpu.memory_space<vmem>>)
      %parallel_loop3A_892 = arith.constant 0 : i32
      %parallel_loop3A_893 = arith.constant 128 : i32
      %parallel_loop3A_894 = arith.constant 1 : i32
      scf.for %parallel_loop3A_1304 = %parallel_loop3A_892 to %parallel_loop3A_893 step %parallel_loop3A_894  : i32 {
        %parallel_loop3A_1305 = vector.broadcast %parallel_loop3A_1304 : i32 to vector<16xi32>
        %parallel_loop3A_1306 = arith.constant 2 : i32
        %parallel_loop3A_1307 = arith.index_cast %parallel_loop3A_1306 : i32 to index
        %parallel_loop3A_1308 = arith.index_cast %parallel_loop3A_1304 : i32 to index
        %parallel_loop3A_1309 = arith.constant 0 : index
        %parallel_loop3A_1310 = tpu.vector_load %arg6[%parallel_loop3A_1307, %parallel_loop3A_1308, %parallel_loop3A_1309] {strides = array<i32>} : memref<4x128x128xf32, #tpu.memory_space<vmem>>, vector<16xf32>,
        %parallel_loop3A_1311 = arith.constant 8.000000e+00 : f32
        %parallel_loop3A_1312 = vector.broadcast %parallel_loop3A_1311 : f32 to vector<16xf32>
        %parallel_loop3A_1313 = arith.mulf %parallel_loop3A_1310, %parallel_loop3A_1312 : vector<16xf32>
        %parallel_loop3A_1314 = arith.constant 2 : i32
        %parallel_loop3A_1315 = arith.constant 0 : i32
        %parallel_loop3A_1316 = arith.constant 0 : i32
        %parallel_loop3A_1317 = arith.constant 0 : i32
        %parallel_loop3A_1318 = tpu.memref_slice %arg7[%parallel_loop3A_1314, %parallel_loop3A_1315, %parallel_loop3A_1316, %parallel_loop3A_1317] : memref<4x8x8x128xf32, #tpu.memory_space<vmem>> -> memref<1x8x8x128xf32, #tpu.memory_space<vmem>>
        %parallel_loop3A_1319 = tpu.memref_squeeze %parallel_loop3A_1318 : memref<1x8x8x128xf32, #tpu.memory_space<vmem>> -> memref<8x8x128xf32, #tpu.memory_space<vmem>>
        tpu.vector_store_idx %parallel_loop3A_1319[%add3A_32, %and3A_52, %parallel_loop3A_1305], %parallel_loop3A_1313 : memref<8x8x128xf32, #tpu.memory_space<vmem>>[vector<16xi32>, vector<16xi32>, vector<16xi32>], vector<16xf32>,
        %parallel_loop3A_1320 = arith.constant 2 : i32
        %parallel_loop3A_1321 = arith.index_cast %parallel_loop3A_1320 : i32 to index
        %parallel_loop3A_1322 = arith.index_cast %parallel_loop3A_1304 : i32 to index
        %parallel_loop3A_1323 = arith.constant 16 : index
        %parallel_loop3A_1324 = tpu.vector_load %arg6[%parallel_loop3A_1321, %parallel_loop3A_1322, %parallel_loop3A_1323] {strides = array<i32>} : memref<4x128x128xf32, #tpu.memory_space<vmem>>, vector<16xf32>,
        %parallel_loop3A_1325 = arith.constant 8.000000e+00 : f32
        %parallel_loop3A_1326 = vector.broadcast %parallel_loop3A_1325 : f32 to vector<16xf32>
        %parallel_loop3A_1327 = arith.mulf %parallel_loop3A_1324, %parallel_loop3A_1326 : vector<16xf32>
        %parallel_loop3A_1328 = arith.constant 2 : i32
        %parallel_loop3A_1329 = arith.constant 0 : i32
        %parallel_loop3A_1330 = arith.constant 0 : i32
        %parallel_loop3A_1331 = arith.constant 0 : i32
        %parallel_loop3A_1332 = tpu.memref_slice %arg7[%parallel_loop3A_1328, %parallel_loop3A_1329, %parallel_loop3A_1330, %parallel_loop3A_1331] : memref<4x8x8x128xf32, #tpu.memory_space<vmem>> -> memref<1x8x8x128xf32, #tpu.memory_space<vmem>>
        %parallel_loop3A_1333 = tpu.memref_squeeze %parallel_loop3A_1332 : memref<1x8x8x128xf32, #tpu.memory_space<vmem>> -> memref<8x8x128xf32, #tpu.memory_space<vmem>>
        tpu.vector_store_idx %parallel_loop3A_1333[%add3A_38, %and3A_52, %parallel_loop3A_1305], %parallel_loop3A_1327 : memref<8x8x128xf32, #tpu.memory_space<vmem>>[vector<16xi32>, vector<16xi32>, vector<16xi32>], vector<16xf32>,
        %parallel_loop3A_1334 = arith.constant 2 : i32
        %parallel_loop3A_1335 = arith.index_cast %parallel_loop3A_1334 : i32 to index
        %parallel_loop3A_1336 = arith.index_cast %parallel_loop3A_1304 : i32 to index
        %parallel_loop3A_1337 = arith.constant 32 : index
        %parallel_loop3A_1338 = tpu.vector_load %arg6[%parallel_loop3A_1335, %parallel_loop3A_1336, %parallel_loop3A_1337] {strides = array<i32>} : memref<4x128x128xf32, #tpu.memory_space<vmem>>, vector<16xf32>,
        %parallel_loop3A_1339 = arith.constant 8.000000e+00 : f32
        %parallel_loop3A_1340 = vector.broadcast %parallel_loop3A_1339 : f32 to vector<16xf32>
        %parallel_loop3A_1341 = arith.mulf %parallel_loop3A_1338, %parallel_loop3A_1340 : vector<16xf32>
        %parallel_loop3A_1342 = arith.constant 2 : i32
        %parallel_loop3A_1343 = arith.constant 0 : i32
        %parallel_loop3A_1344 = arith.constant 0 : i32
        %parallel_loop3A_1345 = arith.constant 0 : i32
        %parallel_loop3A_1346 = tpu.memref_slice %arg7[%parallel_loop3A_1342, %parallel_loop3A_1343, %parallel_loop3A_1344, %parallel_loop3A_1345] : memref<4x8x8x128xf32, #tpu.memory_space<vmem>> -> memref<1x8x8x128xf32, #tpu.memory_space<vmem>>
        %parallel_loop3A_1347 = tpu.memref_squeeze %parallel_loop3A_1346 : memref<1x8x8x128xf32, #tpu.memory_space<vmem>> -> memref<8x8x128xf32, #tpu.memory_space<vmem>>
        tpu.vector_store_idx %parallel_loop3A_1347[%add3A_44, %and3A_52, %parallel_loop3A_1305], %parallel_loop3A_1341 : memref<8x8x128xf32, #tpu.memory_space<vmem>>[vector<16xi32>, vector<16xi32>, vector<16xi32>], vector<16xf32>,
        %parallel_loop3A_1348 = arith.constant 2 : i32
        %parallel_loop3A_1349 = arith.index_cast %parallel_loop3A_1348 : i32 to index
        %parallel_loop3A_1350 = arith.index_cast %parallel_loop3A_1304 : i32 to index
        %parallel_loop3A_1351 = arith.constant 48 : index
        %parallel_loop3A_1352 = tpu.vector_load %arg6[%parallel_loop3A_1349, %parallel_loop3A_1350, %parallel_loop3A_1351] {strides = array<i32>} : memref<4x128x128xf32, #tpu.memory_space<vmem>>, vector<16xf32>,
        %parallel_loop3A_1353 = arith.constant 8.000000e+00 : f32
        %parallel_loop3A_1354 = vector.broadcast %parallel_loop3A_1353 : f32 to vector<16xf32>
        %parallel_loop3A_1355 = arith.mulf %parallel_loop3A_1352, %parallel_loop3A_1354 : vector<16xf32>
        %parallel_loop3A_1356 = arith.constant 2 : i32
        %parallel_loop3A_1357 = arith.constant 0 : i32
        %parallel_loop3A_1358 = arith.constant 0 : i32
        %parallel_loop3A_1359 = arith.constant 0 : i32
        %parallel_loop3A_1360 = tpu.memref_slice %arg7[%parallel_loop3A_1356, %parallel_loop3A_1357, %parallel_loop3A_1358, %parallel_loop3A_1359] : memref<4x8x8x128xf32, #tpu.memory_space<vmem>> -> memref<1x8x8x128xf32, #tpu.memory_space<vmem>>
        %parallel_loop3A_1361 = tpu.memref_squeeze %parallel_loop3A_1360 : memref<1x8x8x128xf32, #tpu.memory_space<vmem>> -> memref<8x8x128xf32, #tpu.memory_space<vmem>>
        tpu.vector_store_idx %parallel_loop3A_1361[%add3A_50, %and3A_52, %parallel_loop3A_1305], %parallel_loop3A_1355 : memref<8x8x128xf32, #tpu.memory_space<vmem>>[vector<16xi32>, vector<16xi32>, vector<16xi32>], vector<16xf32>,
      } {sc.loop_unroll_factor = 8 : i64, sc.parallel_access}
      %jit3A_895 = arith.constant 4 : i32
      %div3A_896 = arith.divsi %add3A_833, %jit3A_895 : i32
      %sign3A_897 = arith.constant 0 : i32
      %sign3A_898 = arith.cmpi sgt, %add3A_833, %sign3A_897 : i32
      %sign3A_899 = arith.extui %sign3A_898 : i1 to i32
      %sign3A_900 = arith.constant 0 : i32
      %sign3A_901 = arith.cmpi slt, %add3A_833, %sign3A_900 : i32
      %sign3A_902 = arith.extui %sign3A_901 : i1 to i32
      %sign3A_903 = arith.subi %sign3A_899, %sign3A_902 : i32
      %sign3A_904 = arith.constant 0 : i32
      %sign3A_905 = arith.cmpi sgt, %jit3A_895, %sign3A_904 : i32
      %sign3A_906 = arith.extui %sign3A_905 : i1 to i32
      %sign3A_907 = arith.constant 0 : i32
      %sign3A_908 = arith.cmpi slt, %jit3A_895, %sign3A_907 : i32
      %sign3A_909 = arith.extui %sign3A_908 : i1 to i32
      %sign3A_910 = arith.subi %sign3A_906, %sign3A_909 : i32
      %ne3A_911 = arith.cmpi ne, %sign3A_903, %sign3A_910 : i32
      %rem3A_912 = arith.remsi %add3A_833, %jit3A_895 : i32
      %ne3A_913 = arith.constant 0 : i32
      %ne3A_914 = arith.cmpi ne, %rem3A_912, %ne3A_913 : i32
      %and3A_915 = arith.andi %ne3A_911, %ne3A_914 : i1
      %sub3A_916 = arith.constant 1 : i32
      %sub3A_917 = arith.subi %div3A_896, %sub3A_916 : i32
      %select_n3A_918 = arith.select %and3A_915, %sub3A_917, %div3A_896 : i32
      %jit3A_919 = arith.constant 4 : i32
      %eq3A_920 = arith.constant 0 : i32
      %eq3A_921 = arith.cmpi eq, %jit3A_919, %eq3A_920 : i32
      %jit3A_922 = arith.constant 1 : i32
      %select_n3A_923 = arith.select %eq3A_921, %jit3A_922, %jit3A_919 : i32
      %rem3A_924 = arith.remsi %add3A_833, %select_n3A_923 : i32
      %ne3A_925 = arith.constant 0 : i32
      %ne3A_926 = arith.cmpi ne, %rem3A_924, %ne3A_925 : i32
      %lt3A_927 = arith.constant 0 : i32
      %lt3A_928 = arith.cmpi slt, %rem3A_924, %lt3A_927 : i32
      %lt3A_929 = arith.constant 0 : i32
      %lt3A_930 = arith.cmpi slt, %select_n3A_923, %lt3A_929 : i32
      %ne3A_931 = arith.xori %lt3A_928, %lt3A_930 : i1
      %and3A_932 = arith.andi %ne3A_931, %ne3A_926 : i1
      %add3A_933 = arith.addi %rem3A_924, %select_n3A_923 : i32
      %select_n3A_934 = arith.select %and3A_932, %add3A_933, %rem3A_924 : i32
      %mul3A_935 = arith.constant 4 : i32
      %mul3A_936 = arith.muli %add3A, %mul3A_935 : i32
      %add3A_937 = arith.addi %mul3A_936, %select_n3A_934 : i32
      %mul3A_938 = arith.constant 128 : i32
      %mul3A_939 = arith.muli %add3A_937, %mul3A_938 : i32
      %dma_start3A_940 = arith.constant 2 : i32
      %dma_start3A_941 = arith.constant 0 : i32
      %dma_start3A_942 = arith.constant 0 : i32
      %dma_start3A_943 = arith.constant 0 : i32
      %dma_start3A_944 = tpu.memref_slice %arg7[%dma_start3A_940, %dma_start3A_941, %dma_start3A_942, %dma_start3A_943] : memref<4x8x8x128xf32, #tpu.memory_space<vmem>> -> memref<1x1x8x128xf32, #tpu.memory_space<vmem>>
      %dma_start3A_945 = tpu.memref_squeeze %dma_start3A_944 : memref<1x1x8x128xf32, #tpu.memory_space<vmem>> -> memref<8x128xf32, #tpu.memory_space<vmem>>
      %dma_start3A_946 = arith.constant 0 : i32
      %dma_start3A_947 = tpu.memref_slice %arg4[%select_n3A_918, %dma_start3A_946, %mul3A_939] : memref<50x64x16384xf32, #tpu.memory_space<hbm>> -> memref<1x8x128xf32, #tpu.memory_space<hbm>>
      %dma_start3A_948 = tpu.memref_squeeze %dma_start3A_947 : memref<1x8x128xf32, #tpu.memory_space<hbm>> -> memref<8x128xf32, #tpu.memory_space<hbm>>
      %dma_start3A_949 = arith.constant 0 : i32
      %dma_start3A_950 = tpu.memref_slice %arg4[%select_n3A_918, %dma_start3A_949, %mul3A_939] : memref<50x64x16384xf32, #tpu.memory_space<hbm>> -> memref<1x8x128xf32, #tpu.memory_space<hbm>>
      %dma_start3A_951 = tpu.memref_squeeze %dma_start3A_950 : memref<1x8x128xf32, #tpu.memory_space<hbm>> -> memref<8x128xf32, #tpu.memory_space<hbm>>
      %dma_start3A_952 = arith.constant 0 : i32
      %dma_start3A_953 = arith.constant 0 : i32
      %dma_start3A_954 = tpu.memref_slice %arg7[%dma_start3A_940, %dma_start3A_941, %dma_start3A_952, %dma_start3A_953] : memref<4x8x8x128xf32, #tpu.memory_space<vmem>> -> memref<1x1x8x128xf32, #tpu.memory_space<vmem>>
      %dma_start3A_955 = tpu.memref_squeeze %dma_start3A_954 : memref<1x1x8x128xf32, #tpu.memory_space<vmem>> -> memref<8x128xf32, #tpu.memory_space<vmem>>
      tpu.enqueue_dma source(%dma_start3A_955 : memref<8x128xf32, #tpu.memory_space<vmem>>) target(%dma_start3A_951 : memref<8x128xf32, #tpu.memory_space<hbm>>) target_semaphore(%arg14 : memref<!tpu.dma_semaphore, #tpu.memory_space<semaphore_mem>>)
      %dma_start3A_956 = arith.constant 2 : i32
      %dma_start3A_957 = arith.constant 1 : i32
      %dma_start3A_958 = arith.constant 0 : i32
      %dma_start3A_959 = arith.constant 0 : i32
      %dma_start3A_960 = tpu.memref_slice %arg7[%dma_start3A_956, %dma_start3A_957, %dma_start3A_958, %dma_start3A_959] : memref<4x8x8x128xf32, #tpu.memory_space<vmem>> -> memref<1x1x8x128xf32, #tpu.memory_space<vmem>>
      %dma_start3A_961 = tpu.memref_squeeze %dma_start3A_960 : memref<1x1x8x128xf32, #tpu.memory_space<vmem>> -> memref<8x128xf32, #tpu.memory_space<vmem>>
      %dma_start3A_962 = arith.constant 8 : i32
      %dma_start3A_963 = tpu.memref_slice %arg4[%select_n3A_918, %dma_start3A_962, %mul3A_939] : memref<50x64x16384xf32, #tpu.memory_space<hbm>> -> memref<1x8x128xf32, #tpu.memory_space<hbm>>
      %dma_start3A_964 = tpu.memref_squeeze %dma_start3A_963 : memref<1x8x128xf32, #tpu.memory_space<hbm>> -> memref<8x128xf32, #tpu.memory_space<hbm>>
      %dma_start3A_965 = arith.constant 8 : i32
      %dma_start3A_966 = tpu.memref_slice %arg4[%select_n3A_918, %dma_start3A_965, %mul3A_939] : memref<50x64x16384xf32, #tpu.memory_space<hbm>> -> memref<1x8x128xf32, #tpu.memory_space<hbm>>
      %dma_start3A_967 = tpu.memref_squeeze %dma_start3A_966 : memref<1x8x128xf32, #tpu.memory_space<hbm>> -> memref<8x128xf32, #tpu.memory_space<hbm>>
      %dma_start3A_968 = arith.constant 0 : i32
      %dma_start3A_969 = arith.constant 0 : i32
      %dma_start3A_970 = tpu.memref_slice %arg7[%dma_start3A_956, %dma_start3A_957, %dma_start3A_968, %dma_start3A_969] : memref<4x8x8x128xf32, #tpu.memory_space<vmem>> -> memref<1x1x8x128xf32, #tpu.memory_space<vmem>>
      %dma_start3A_971 = tpu.memref_squeeze %dma_start3A_970 : memref<1x1x8x128xf32, #tpu.memory_space<vmem>> -> memref<8x128xf32, #tpu.memory_space<vmem>>
      tpu.enqueue_dma source(%dma_start3A_971 : memref<8x128xf32, #tpu.memory_space<vmem>>) target(%dma_start3A_967 : memref<8x128xf32, #tpu.memory_space<hbm>>) target_semaphore(%arg14 : memref<!tpu.dma_semaphore, #tpu.memory_space<semaphore_mem>>)
      %dma_start3A_972 = arith.constant 2 : i32
      %dma_start3A_973 = arith.constant 2 : i32
      %dma_start3A_974 = arith.constant 0 : i32
      %dma_start3A_975 = arith.constant 0 : i32
      %dma_start3A_976 = tpu.memref_slice %arg7[%dma_start3A_972, %dma_start3A_973, %dma_start3A_974, %dma_start3A_975] : memref<4x8x8x128xf32, #tpu.memory_space<vmem>> -> memref<1x1x8x128xf32, #tpu.memory_space<vmem>>
      %dma_start3A_977 = tpu.memref_squeeze %dma_start3A_976 : memref<1x1x8x128xf32, #tpu.memory_space<vmem>> -> memref<8x128xf32, #tpu.memory_space<vmem>>
      %dma_start3A_978 = arith.constant 16 : i32
      %dma_start3A_979 = tpu.memref_slice %arg4[%select_n3A_918, %dma_start3A_978, %mul3A_939] : memref<50x64x16384xf32, #tpu.memory_space<hbm>> -> memref<1x8x128xf32, #tpu.memory_space<hbm>>
      %dma_start3A_980 = tpu.memref_squeeze %dma_start3A_979 : memref<1x8x128xf32, #tpu.memory_space<hbm>> -> memref<8x128xf32, #tpu.memory_space<hbm>>
      %dma_start3A_981 = arith.constant 16 : i32
      %dma_start3A_982 = tpu.memref_slice %arg4[%select_n3A_918, %dma_start3A_981, %mul3A_939] : memref<50x64x16384xf32, #tpu.memory_space<hbm>> -> memref<1x8x128xf32, #tpu.memory_space<hbm>>
      %dma_start3A_983 = tpu.memref_squeeze %dma_start3A_982 : memref<1x8x128xf32, #tpu.memory_space<hbm>> -> memref<8x128xf32, #tpu.memory_space<hbm>>
      %dma_start3A_984 = arith.constant 0 : i32
      %dma_start3A_985 = arith.constant 0 : i32
      %dma_start3A_986 = tpu.memref_slice %arg7[%dma_start3A_972, %dma_start3A_973, %dma_start3A_984, %dma_start3A_985] : memref<4x8x8x128xf32, #tpu.memory_space<vmem>> -> memref<1x1x8x128xf32, #tpu.memory_space<vmem>>
      %dma_start3A_987 = tpu.memref_squeeze %dma_start3A_986 : memref<1x1x8x128xf32, #tpu.memory_space<vmem>> -> memref<8x128xf32, #tpu.memory_space<vmem>>
      tpu.enqueue_dma source(%dma_start3A_987 : memref<8x128xf32, #tpu.memory_space<vmem>>) target(%dma_start3A_983 : memref<8x128xf32, #tpu.memory_space<hbm>>) target_semaphore(%arg14 : memref<!tpu.dma_semaphore, #tpu.memory_space<semaphore_mem>>)
      %dma_start3A_988 = arith.constant 2 : i32
      %dma_start3A_989 = arith.constant 3 : i32
      %dma_start3A_990 = arith.constant 0 : i32
      %dma_start3A_991 = arith.constant 0 : i32
      %dma_start3A_992 = tpu.memref_slice %arg7[%dma_start3A_988, %dma_start3A_989, %dma_start3A_990, %dma_start3A_991] : memref<4x8x8x128xf32, #tpu.memory_space<vmem>> -> memref<1x1x8x128xf32, #tpu.memory_space<vmem>>
      %dma_start3A_993 = tpu.memref_squeeze %dma_start3A_992 : memref<1x1x8x128xf32, #tpu.memory_space<vmem>> -> memref<8x128xf32, #tpu.memory_space<vmem>>
      %dma_start3A_994 = arith.constant 24 : i32
      %dma_start3A_995 = tpu.memref_slice %arg4[%select_n3A_918, %dma_start3A_994, %mul3A_939] : memref<50x64x16384xf32, #tpu.memory_space<hbm>> -> memref<1x8x128xf32, #tpu.memory_space<hbm>>
      %dma_start3A_996 = tpu.memref_squeeze %dma_start3A_995 : memref<1x8x128xf32, #tpu.memory_space<hbm>> -> memref<8x128xf32, #tpu.memory_space<hbm>>
      %dma_start3A_997 = arith.constant 24 : i32
      %dma_start3A_998 = tpu.memref_slice %arg4[%select_n3A_918, %dma_start3A_997, %mul3A_939] : memref<50x64x16384xf32, #tpu.memory_space<hbm>> -> memref<1x8x128xf32, #tpu.memory_space<hbm>>
      %dma_start3A_999 = tpu.memref_squeeze %dma_start3A_998 : memref<1x8x128xf32, #tpu.memory_space<hbm>> -> memref<8x128xf32, #tpu.memory_space<hbm>>
      %dma_start3A_1000 = arith.constant 0 : i32
      %dma_start3A_1001 = arith.constant 0 : i32
      %dma_start3A_1002 = tpu.memref_slice %arg7[%dma_start3A_988, %dma_start3A_989, %dma_start3A_1000, %dma_start3A_1001] : memref<4x8x8x128xf32, #tpu.memory_space<vmem>> -> memref<1x1x8x128xf32, #tpu.memory_space<vmem>>
      %dma_start3A_1003 = tpu.memref_squeeze %dma_start3A_1002 : memref<1x1x8x128xf32, #tpu.memory_space<vmem>> -> memref<8x128xf32, #tpu.memory_space<vmem>>
      tpu.enqueue_dma source(%dma_start3A_1003 : memref<8x128xf32, #tpu.memory_space<vmem>>) target(%dma_start3A_999 : memref<8x128xf32, #tpu.memory_space<hbm>>) target_semaphore(%arg14 : memref<!tpu.dma_semaphore, #tpu.memory_space<semaphore_mem>>)
      %dma_start3A_1004 = arith.constant 2 : i32
      %dma_start3A_1005 = arith.constant 4 : i32
      %dma_start3A_1006 = arith.constant 0 : i32
      %dma_start3A_1007 = arith.constant 0 : i32
      %dma_start3A_1008 = tpu.memref_slice %arg7[%dma_start3A_1004, %dma_start3A_1005, %dma_start3A_1006, %dma_start3A_1007] : memref<4x8x8x128xf32, #tpu.memory_space<vmem>> -> memref<1x1x8x128xf32, #tpu.memory_space<vmem>>
      %dma_start3A_1009 = tpu.memref_squeeze %dma_start3A_1008 : memref<1x1x8x128xf32, #tpu.memory_space<vmem>> -> memref<8x128xf32, #tpu.memory_space<vmem>>
      %dma_start3A_1010 = arith.constant 32 : i32
      %dma_start3A_1011 = tpu.memref_slice %arg4[%select_n3A_918, %dma_start3A_1010, %mul3A_939] : memref<50x64x16384xf32, #tpu.memory_space<hbm>> -> memref<1x8x128xf32, #tpu.memory_space<hbm>>
      %dma_start3A_1012 = tpu.memref_squeeze %dma_start3A_1011 : memref<1x8x128xf32, #tpu.memory_space<hbm>> -> memref<8x128xf32, #tpu.memory_space<hbm>>
      %dma_start3A_1013 = arith.constant 32 : i32
      %dma_start3A_1014 = tpu.memref_slice %arg4[%select_n3A_918, %dma_start3A_1013, %mul3A_939] : memref<50x64x16384xf32, #tpu.memory_space<hbm>> -> memref<1x8x128xf32, #tpu.memory_space<hbm>>
      %dma_start3A_1015 = tpu.memref_squeeze %dma_start3A_1014 : memref<1x8x128xf32, #tpu.memory_space<hbm>> -> memref<8x128xf32, #tpu.memory_space<hbm>>
      %dma_start3A_1016 = arith.constant 0 : i32
      %dma_start3A_1017 = arith.constant 0 : i32
      %dma_start3A_1018 = tpu.memref_slice %arg7[%dma_start3A_1004, %dma_start3A_1005, %dma_start3A_1016, %dma_start3A_1017] : memref<4x8x8x128xf32, #tpu.memory_space<vmem>> -> memref<1x1x8x128xf32, #tpu.memory_space<vmem>>
      %dma_start3A_1019 = tpu.memref_squeeze %dma_start3A_1018 : memref<1x1x8x128xf32, #tpu.memory_space<vmem>> -> memref<8x128xf32, #tpu.memory_space<vmem>>
      tpu.enqueue_dma source(%dma_start3A_1019 : memref<8x128xf32, #tpu.memory_space<vmem>>) target(%dma_start3A_1015 : memref<8x128xf32, #tpu.memory_space<hbm>>) target_semaphore(%arg14 : memref<!tpu.dma_semaphore, #tpu.memory_space<semaphore_mem>>)
      %dma_start3A_1020 = arith.constant 2 : i32
      %dma_start3A_1021 = arith.constant 5 : i32
      %dma_start3A_1022 = arith.constant 0 : i32
      %dma_start3A_1023 = arith.constant 0 : i32
      %dma_start3A_1024 = tpu.memref_slice %arg7[%dma_start3A_1020, %dma_start3A_1021, %dma_start3A_1022, %dma_start3A_1023] : memref<4x8x8x128xf32, #tpu.memory_space<vmem>> -> memref<1x1x8x128xf32, #tpu.memory_space<vmem>>
      %dma_start3A_1025 = tpu.memref_squeeze %dma_start3A_1024 : memref<1x1x8x128xf32, #tpu.memory_space<vmem>> -> memref<8x128xf32, #tpu.memory_space<vmem>>
      %dma_start3A_1026 = arith.constant 40 : i32
      %dma_start3A_1027 = tpu.memref_slice %arg4[%select_n3A_918, %dma_start3A_1026, %mul3A_939] : memref<50x64x16384xf32, #tpu.memory_space<hbm>> -> memref<1x8x128xf32, #tpu.memory_space<hbm>>
      %dma_start3A_1028 = tpu.memref_squeeze %dma_start3A_1027 : memref<1x8x128xf32, #tpu.memory_space<hbm>> -> memref<8x128xf32, #tpu.memory_space<hbm>>
      %dma_start3A_1029 = arith.constant 40 : i32
      %dma_start3A_1030 = tpu.memref_slice %arg4[%select_n3A_918, %dma_start3A_1029, %mul3A_939] : memref<50x64x16384xf32, #tpu.memory_space<hbm>> -> memref<1x8x128xf32, #tpu.memory_space<hbm>>
      %dma_start3A_1031 = tpu.memref_squeeze %dma_start3A_1030 : memref<1x8x128xf32, #tpu.memory_space<hbm>> -> memref<8x128xf32, #tpu.memory_space<hbm>>
      %dma_start3A_1032 = arith.constant 0 : i32
      %dma_start3A_1033 = arith.constant 0 : i32
      %dma_start3A_1034 = tpu.memref_slice %arg7[%dma_start3A_1020, %dma_start3A_1021, %dma_start3A_1032, %dma_start3A_1033] : memref<4x8x8x128xf32, #tpu.memory_space<vmem>> -> memref<1x1x8x128xf32, #tpu.memory_space<vmem>>
      %dma_start3A_1035 = tpu.memref_squeeze %dma_start3A_1034 : memref<1x1x8x128xf32, #tpu.memory_space<vmem>> -> memref<8x128xf32, #tpu.memory_space<vmem>>
      tpu.enqueue_dma source(%dma_start3A_1035 : memref<8x128xf32, #tpu.memory_space<vmem>>) target(%dma_start3A_1031 : memref<8x128xf32, #tpu.memory_space<hbm>>) target_semaphore(%arg14 : memref<!tpu.dma_semaphore, #tpu.memory_space<semaphore_mem>>)
      %dma_start3A_1036 = arith.constant 2 : i32
      %dma_start3A_1037 = arith.constant 6 : i32
      %dma_start3A_1038 = arith.constant 0 : i32
      %dma_start3A_1039 = arith.constant 0 : i32
      %dma_start3A_1040 = tpu.memref_slice %arg7[%dma_start3A_1036, %dma_start3A_1037, %dma_start3A_1038, %dma_start3A_1039] : memref<4x8x8x128xf32, #tpu.memory_space<vmem>> -> memref<1x1x8x128xf32, #tpu.memory_space<vmem>>
      %dma_start3A_1041 = tpu.memref_squeeze %dma_start3A_1040 : memref<1x1x8x128xf32, #tpu.memory_space<vmem>> -> memref<8x128xf32, #tpu.memory_space<vmem>>
      %dma_start3A_1042 = arith.constant 48 : i32
      %dma_start3A_1043 = tpu.memref_slice %arg4[%select_n3A_918, %dma_start3A_1042, %mul3A_939] : memref<50x64x16384xf32, #tpu.memory_space<hbm>> -> memref<1x8x128xf32, #tpu.memory_space<hbm>>
      %dma_start3A_1044 = tpu.memref_squeeze %dma_start3A_1043 : memref<1x8x128xf32, #tpu.memory_space<hbm>> -> memref<8x128xf32, #tpu.memory_space<hbm>>
      %dma_start3A_1045 = arith.constant 48 : i32
      %dma_start3A_1046 = tpu.memref_slice %arg4[%select_n3A_918, %dma_start3A_1045, %mul3A_939] : memref<50x64x16384xf32, #tpu.memory_space<hbm>> -> memref<1x8x128xf32, #tpu.memory_space<hbm>>
      %dma_start3A_1047 = tpu.memref_squeeze %dma_start3A_1046 : memref<1x8x128xf32, #tpu.memory_space<hbm>> -> memref<8x128xf32, #tpu.memory_space<hbm>>
      %dma_start3A_1048 = arith.constant 0 : i32
      %dma_start3A_1049 = arith.constant 0 : i32
      %dma_start3A_1050 = tpu.memref_slice %arg7[%dma_start3A_1036, %dma_start3A_1037, %dma_start3A_1048, %dma_start3A_1049] : memref<4x8x8x128xf32, #tpu.memory_space<vmem>> -> memref<1x1x8x128xf32, #tpu.memory_space<vmem>>
      %dma_start3A_1051 = tpu.memref_squeeze %dma_start3A_1050 : memref<1x1x8x128xf32, #tpu.memory_space<vmem>> -> memref<8x128xf32, #tpu.memory_space<vmem>>
      tpu.enqueue_dma source(%dma_start3A_1051 : memref<8x128xf32, #tpu.memory_space<vmem>>) target(%dma_start3A_1047 : memref<8x128xf32, #tpu.memory_space<hbm>>) target_semaphore(%arg14 : memref<!tpu.dma_semaphore, #tpu.memory_space<semaphore_mem>>)
      %dma_start3A_1052 = arith.constant 2 : i32
      %dma_start3A_1053 = arith.constant 7 : i32
      %dma_start3A_1054 = arith.constant 0 : i32
      %dma_start3A_1055 = arith.constant 0 : i32
      %dma_start3A_1056 = tpu.memref_slice %arg7[%dma_start3A_1052, %dma_start3A_1053, %dma_start3A_1054, %dma_start3A_1055] : memref<4x8x8x128xf32, #tpu.memory_space<vmem>> -> memref<1x1x8x128xf32, #tpu.memory_space<vmem>>
      %dma_start3A_1057 = tpu.memref_squeeze %dma_start3A_1056 : memref<1x1x8x128xf32, #tpu.memory_space<vmem>> -> memref<8x128xf32, #tpu.memory_space<vmem>>
      %dma_start3A_1058 = arith.constant 56 : i32
      %dma_start3A_1059 = tpu.memref_slice %arg4[%select_n3A_918, %dma_start3A_1058, %mul3A_939] : memref<50x64x16384xf32, #tpu.memory_space<hbm>> -> memref<1x8x128xf32, #tpu.memory_space<hbm>>
      %dma_start3A_1060 = tpu.memref_squeeze %dma_start3A_1059 : memref<1x8x128xf32, #tpu.memory_space<hbm>> -> memref<8x128xf32, #tpu.memory_space<hbm>>
      %dma_start3A_1061 = arith.constant 56 : i32
      %dma_start3A_1062 = tpu.memref_slice %arg4[%select_n3A_918, %dma_start3A_1061, %mul3A_939] : memref<50x64x16384xf32, #tpu.memory_space<hbm>> -> memref<1x8x128xf32, #tpu.memory_space<hbm>>
      %dma_start3A_1063 = tpu.memref_squeeze %dma_start3A_1062 : memref<1x8x128xf32, #tpu.memory_space<hbm>> -> memref<8x128xf32, #tpu.memory_space<hbm>>
      %dma_start3A_1064 = arith.constant 0 : i32
      %dma_start3A_1065 = arith.constant 0 : i32
      %dma_start3A_1066 = tpu.memref_slice %arg7[%dma_start3A_1052, %dma_start3A_1053, %dma_start3A_1064, %dma_start3A_1065] : memref<4x8x8x128xf32, #tpu.memory_space<vmem>> -> memref<1x1x8x128xf32, #tpu.memory_space<vmem>>
      %dma_start3A_1067 = tpu.memref_squeeze %dma_start3A_1066 : memref<1x1x8x128xf32, #tpu.memory_space<vmem>> -> memref<8x128xf32, #tpu.memory_space<vmem>>
      tpu.enqueue_dma source(%dma_start3A_1067 : memref<8x128xf32, #tpu.memory_space<vmem>>) target(%dma_start3A_1063 : memref<8x128xf32, #tpu.memory_space<hbm>>) target_semaphore(%arg14 : memref<!tpu.dma_semaphore, #tpu.memory_space<semaphore_mem>>)
      %add3A_1068 = arith.constant 3 : i32
      %add3A_1069 = arith.addi %mul3A_371, %add3A_1068 : i32
      %add3A_1070 = arith.constant 2 : i32
      %add3A_1071 = arith.addi %add3A_1069, %add3A_1070 : i32
      %lt3A_1072 = arith.constant 200 : i32
      %lt3A_1073 = arith.cmpi slt, %add3A_1071, %lt3A_1072 : i32
      %convert_element_type3A_1074 = arith.extui %lt3A_1073 : i1 to i32
      %cond3A_1075 = arith.constant 0 : i32
      %cond3A_1076 = arith.cmpi ne, %convert_element_type3A_1074, %cond3A_1075 : i32
      scf.if %cond3A_1076 {
        %ge3A = arith.constant 2 : i32
        %ge3A_1304 = arith.cmpi sge, %add3A_1069, %ge3A : i32
        %convert_element_type3A_1305 = arith.extui %ge3A_1304 : i1 to i32
        %cond3A_1306 = arith.constant 0 : i32
        %cond3A_1307 = arith.cmpi ne, %convert_element_type3A_1305, %cond3A_1306 : i32
        scf.if %cond3A_1307 {
          %sub3A_1361 = arith.constant 2 : i32
          %sub3A_1362 = arith.subi %add3A_1069, %sub3A_1361 : i32
          %jit3A_1363 = arith.constant 4 : i32
          %div3A_1364 = arith.divsi %sub3A_1362, %jit3A_1363 : i32
          %sign3A_1365 = arith.constant 0 : i32
          %sign3A_1366 = arith.cmpi sgt, %sub3A_1362, %sign3A_1365 : i32
          %sign3A_1367 = arith.extui %sign3A_1366 : i1 to i32
          %sign3A_1368 = arith.constant 0 : i32
          %sign3A_1369 = arith.cmpi slt, %sub3A_1362, %sign3A_1368 : i32
          %sign3A_1370 = arith.extui %sign3A_1369 : i1 to i32
          %sign3A_1371 = arith.subi %sign3A_1367, %sign3A_1370 : i32
          %sign3A_1372 = arith.constant 0 : i32
          %sign3A_1373 = arith.cmpi sgt, %jit3A_1363, %sign3A_1372 : i32
          %sign3A_1374 = arith.extui %sign3A_1373 : i1 to i32
          %sign3A_1375 = arith.constant 0 : i32
          %sign3A_1376 = arith.cmpi slt, %jit3A_1363, %sign3A_1375 : i32
          %sign3A_1377 = arith.extui %sign3A_1376 : i1 to i32
          %sign3A_1378 = arith.subi %sign3A_1374, %sign3A_1377 : i32
          %ne3A_1379 = arith.cmpi ne, %sign3A_1371, %sign3A_1378 : i32
          %rem3A_1380 = arith.remsi %sub3A_1362, %jit3A_1363 : i32
          %ne3A_1381 = arith.constant 0 : i32
          %ne3A_1382 = arith.cmpi ne, %rem3A_1380, %ne3A_1381 : i32
          %and3A_1383 = arith.andi %ne3A_1379, %ne3A_1382 : i1
          %sub3A_1384 = arith.constant 1 : i32
          %sub3A_1385 = arith.subi %div3A_1364, %sub3A_1384 : i32
          %select_n3A_1386 = arith.select %and3A_1383, %sub3A_1385, %div3A_1364 : i32
          %jit3A_1387 = arith.constant 4 : i32
          %eq3A_1388 = arith.constant 0 : i32
          %eq3A_1389 = arith.cmpi eq, %jit3A_1387, %eq3A_1388 : i32
          %jit3A_1390 = arith.constant 1 : i32
          %select_n3A_1391 = arith.select %eq3A_1389, %jit3A_1390, %jit3A_1387 : i32
          %rem3A_1392 = arith.remsi %sub3A_1362, %select_n3A_1391 : i32
          %ne3A_1393 = arith.constant 0 : i32
          %ne3A_1394 = arith.cmpi ne, %rem3A_1392, %ne3A_1393 : i32
          %lt3A_1395 = arith.constant 0 : i32
          %lt3A_1396 = arith.cmpi slt, %rem3A_1392, %lt3A_1395 : i32
          %lt3A_1397 = arith.constant 0 : i32
          %lt3A_1398 = arith.cmpi slt, %select_n3A_1391, %lt3A_1397 : i32
          %ne3A_1399 = arith.xori %lt3A_1396, %lt3A_1398 : i1
          %and3A_1400 = arith.andi %ne3A_1399, %ne3A_1394 : i1
          %add3A_1401 = arith.addi %rem3A_1392, %select_n3A_1391 : i32
          %select_n3A_1402 = arith.select %and3A_1400, %add3A_1401, %rem3A_1392 : i32
          %mul3A_1403 = arith.constant 4 : i32
          %mul3A_1404 = arith.muli %add3A, %mul3A_1403 : i32
          %add3A_1405 = arith.addi %mul3A_1404, %select_n3A_1402 : i32
          %mul3A_1406 = arith.constant 128 : i32
          %mul3A_1407 = arith.muli %add3A_1405, %mul3A_1406 : i32
          %dma_wait3A_1408 = arith.constant 1 : i32
          %dma_wait3A_1409 = arith.constant 0 : i32
          %dma_wait3A_1410 = arith.constant 0 : i32
          %dma_wait3A_1411 = arith.constant 0 : i32
          %dma_wait3A_1412 = tpu.memref_slice %arg7[%dma_wait3A_1408, %dma_wait3A_1409, %dma_wait3A_1410, %dma_wait3A_1411] : memref<4x8x8x128xf32, #tpu.memory_space<vmem>> -> memref<1x1x8x128xf32, #tpu.memory_space<vmem>>
          %dma_wait3A_1413 = tpu.memref_squeeze %dma_wait3A_1412 : memref<1x1x8x128xf32, #tpu.memory_space<vmem>> -> memref<8x128xf32, #tpu.memory_space<vmem>>
          %dma_wait3A_1414 = arith.constant 0 : i32
          %dma_wait3A_1415 = tpu.memref_slice %arg4[%select_n3A_1386, %dma_wait3A_1414, %mul3A_1407] : memref<50x64x16384xf32, #tpu.memory_space<hbm>> -> memref<1x8x128xf32, #tpu.memory_space<hbm>>
          %dma_wait3A_1416 = tpu.memref_squeeze %dma_wait3A_1415 : memref<1x8x128xf32, #tpu.memory_space<hbm>> -> memref<8x128xf32, #tpu.memory_space<hbm>>
          %dma_wait3A_1417 = arith.constant 0 : i32
          %dma_wait3A_1418 = tpu.memref_slice %arg4[%select_n3A_1386, %dma_wait3A_1417, %mul3A_1407] : memref<50x64x16384xf32, #tpu.memory_space<hbm>> -> memref<1x8x128xf32, #tpu.memory_space<hbm>>
          %dma_wait3A_1419 = tpu.memref_squeeze %dma_wait3A_1418 : memref<1x8x128xf32, #tpu.memory_space<hbm>> -> memref<8x128xf32, #tpu.memory_space<hbm>>
          %dma_wait3A_1420 = arith.constant 0 : i32
          %dma_wait3A_1421 = arith.constant 0 : i32
          %dma_wait3A_1422 = tpu.memref_slice %arg7[%dma_wait3A_1408, %dma_wait3A_1409, %dma_wait3A_1420, %dma_wait3A_1421] : memref<4x8x8x128xf32, #tpu.memory_space<vmem>> -> memref<1x1x8x128xf32, #tpu.memory_space<vmem>>
          %dma_wait3A_1423 = tpu.memref_squeeze %dma_wait3A_1422 : memref<1x1x8x128xf32, #tpu.memory_space<vmem>> -> memref<8x128xf32, #tpu.memory_space<vmem>>
          tpu.wait_dma2 semaphore(%arg13 : memref<!tpu.dma_semaphore, #tpu.memory_space<semaphore_mem>>) src(%dma_wait3A_1423 : memref<8x128xf32, #tpu.memory_space<vmem>>) dst(%dma_wait3A_1419 : memref<8x128xf32, #tpu.memory_space<hbm>>)
          %dma_wait3A_1424 = arith.constant 1 : i32
          %dma_wait3A_1425 = arith.constant 1 : i32
          %dma_wait3A_1426 = arith.constant 0 : i32
          %dma_wait3A_1427 = arith.constant 0 : i32
          %dma_wait3A_1428 = tpu.memref_slice %arg7[%dma_wait3A_1424, %dma_wait3A_1425, %dma_wait3A_1426, %dma_wait3A_1427] : memref<4x8x8x128xf32, #tpu.memory_space<vmem>> -> memref<1x1x8x128xf32, #tpu.memory_space<vmem>>
          %dma_wait3A_1429 = tpu.memref_squeeze %dma_wait3A_1428 : memref<1x1x8x128xf32, #tpu.memory_space<vmem>> -> memref<8x128xf32, #tpu.memory_space<vmem>>
          %dma_wait3A_1430 = arith.constant 8 : i32
          %dma_wait3A_1431 = tpu.memref_slice %arg4[%select_n3A_1386, %dma_wait3A_1430, %mul3A_1407] : memref<50x64x16384xf32, #tpu.memory_space<hbm>> -> memref<1x8x128xf32, #tpu.memory_space<hbm>>
          %dma_wait3A_1432 = tpu.memref_squeeze %dma_wait3A_1431 : memref<1x8x128xf32, #tpu.memory_space<hbm>> -> memref<8x128xf32, #tpu.memory_space<hbm>>
          %dma_wait3A_1433 = arith.constant 8 : i32
          %dma_wait3A_1434 = tpu.memref_slice %arg4[%select_n3A_1386, %dma_wait3A_1433, %mul3A_1407] : memref<50x64x16384xf32, #tpu.memory_space<hbm>> -> memref<1x8x128xf32, #tpu.memory_space<hbm>>
          %dma_wait3A_1435 = tpu.memref_squeeze %dma_wait3A_1434 : memref<1x8x128xf32, #tpu.memory_space<hbm>> -> memref<8x128xf32, #tpu.memory_space<hbm>>
          %dma_wait3A_1436 = arith.constant 0 : i32
          %dma_wait3A_1437 = arith.constant 0 : i32
          %dma_wait3A_1438 = tpu.memref_slice %arg7[%dma_wait3A_1424, %dma_wait3A_1425, %dma_wait3A_1436, %dma_wait3A_1437] : memref<4x8x8x128xf32, #tpu.memory_space<vmem>> -> memref<1x1x8x128xf32, #tpu.memory_space<vmem>>
          %dma_wait3A_1439 = tpu.memref_squeeze %dma_wait3A_1438 : memref<1x1x8x128xf32, #tpu.memory_space<vmem>> -> memref<8x128xf32, #tpu.memory_space<vmem>>
          tpu.wait_dma2 semaphore(%arg13 : memref<!tpu.dma_semaphore, #tpu.memory_space<semaphore_mem>>) src(%dma_wait3A_1439 : memref<8x128xf32, #tpu.memory_space<vmem>>) dst(%dma_wait3A_1435 : memref<8x128xf32, #tpu.memory_space<hbm>>)
          %dma_wait3A_1440 = arith.constant 1 : i32
          %dma_wait3A_1441 = arith.constant 2 : i32
          %dma_wait3A_1442 = arith.constant 0 : i32
          %dma_wait3A_1443 = arith.constant 0 : i32
          %dma_wait3A_1444 = tpu.memref_slice %arg7[%dma_wait3A_1440, %dma_wait3A_1441, %dma_wait3A_1442, %dma_wait3A_1443] : memref<4x8x8x128xf32, #tpu.memory_space<vmem>> -> memref<1x1x8x128xf32, #tpu.memory_space<vmem>>
          %dma_wait3A_1445 = tpu.memref_squeeze %dma_wait3A_1444 : memref<1x1x8x128xf32, #tpu.memory_space<vmem>> -> memref<8x128xf32, #tpu.memory_space<vmem>>
          %dma_wait3A_1446 = arith.constant 16 : i32
          %dma_wait3A_1447 = tpu.memref_slice %arg4[%select_n3A_1386, %dma_wait3A_1446, %mul3A_1407] : memref<50x64x16384xf32, #tpu.memory_space<hbm>> -> memref<1x8x128xf32, #tpu.memory_space<hbm>>
          %dma_wait3A_1448 = tpu.memref_squeeze %dma_wait3A_1447 : memref<1x8x128xf32, #tpu.memory_space<hbm>> -> memref<8x128xf32, #tpu.memory_space<hbm>>
          %dma_wait3A_1449 = arith.constant 16 : i32
          %dma_wait3A_1450 = tpu.memref_slice %arg4[%select_n3A_1386, %dma_wait3A_1449, %mul3A_1407] : memref<50x64x16384xf32, #tpu.memory_space<hbm>> -> memref<1x8x128xf32, #tpu.memory_space<hbm>>
          %dma_wait3A_1451 = tpu.memref_squeeze %dma_wait3A_1450 : memref<1x8x128xf32, #tpu.memory_space<hbm>> -> memref<8x128xf32, #tpu.memory_space<hbm>>
          %dma_wait3A_1452 = arith.constant 0 : i32
          %dma_wait3A_1453 = arith.constant 0 : i32
          %dma_wait3A_1454 = tpu.memref_slice %arg7[%dma_wait3A_1440, %dma_wait3A_1441, %dma_wait3A_1452, %dma_wait3A_1453] : memref<4x8x8x128xf32, #tpu.memory_space<vmem>> -> memref<1x1x8x128xf32, #tpu.memory_space<vmem>>
          %dma_wait3A_1455 = tpu.memref_squeeze %dma_wait3A_1454 : memref<1x1x8x128xf32, #tpu.memory_space<vmem>> -> memref<8x128xf32, #tpu.memory_space<vmem>>
          tpu.wait_dma2 semaphore(%arg13 : memref<!tpu.dma_semaphore, #tpu.memory_space<semaphore_mem>>) src(%dma_wait3A_1455 : memref<8x128xf32, #tpu.memory_space<vmem>>) dst(%dma_wait3A_1451 : memref<8x128xf32, #tpu.memory_space<hbm>>)
          %dma_wait3A_1456 = arith.constant 1 : i32
          %dma_wait3A_1457 = arith.constant 3 : i32
          %dma_wait3A_1458 = arith.constant 0 : i32
          %dma_wait3A_1459 = arith.constant 0 : i32
          %dma_wait3A_1460 = tpu.memref_slice %arg7[%dma_wait3A_1456, %dma_wait3A_1457, %dma_wait3A_1458, %dma_wait3A_1459] : memref<4x8x8x128xf32, #tpu.memory_space<vmem>> -> memref<1x1x8x128xf32, #tpu.memory_space<vmem>>
          %dma_wait3A_1461 = tpu.memref_squeeze %dma_wait3A_1460 : memref<1x1x8x128xf32, #tpu.memory_space<vmem>> -> memref<8x128xf32, #tpu.memory_space<vmem>>
          %dma_wait3A_1462 = arith.constant 24 : i32
          %dma_wait3A_1463 = tpu.memref_slice %arg4[%select_n3A_1386, %dma_wait3A_1462, %mul3A_1407] : memref<50x64x16384xf32, #tpu.memory_space<hbm>> -> memref<1x8x128xf32, #tpu.memory_space<hbm>>
          %dma_wait3A_1464 = tpu.memref_squeeze %dma_wait3A_1463 : memref<1x8x128xf32, #tpu.memory_space<hbm>> -> memref<8x128xf32, #tpu.memory_space<hbm>>
          %dma_wait3A_1465 = arith.constant 24 : i32
          %dma_wait3A_1466 = tpu.memref_slice %arg4[%select_n3A_1386, %dma_wait3A_1465, %mul3A_1407] : memref<50x64x16384xf32, #tpu.memory_space<hbm>> -> memref<1x8x128xf32, #tpu.memory_space<hbm>>
          %dma_wait3A_1467 = tpu.memref_squeeze %dma_wait3A_1466 : memref<1x8x128xf32, #tpu.memory_space<hbm>> -> memref<8x128xf32, #tpu.memory_space<hbm>>
          %dma_wait3A_1468 = arith.constant 0 : i32
          %dma_wait3A_1469 = arith.constant 0 : i32
          %dma_wait3A_1470 = tpu.memref_slice %arg7[%dma_wait3A_1456, %dma_wait3A_1457, %dma_wait3A_1468, %dma_wait3A_1469] : memref<4x8x8x128xf32, #tpu.memory_space<vmem>> -> memref<1x1x8x128xf32, #tpu.memory_space<vmem>>
          %dma_wait3A_1471 = tpu.memref_squeeze %dma_wait3A_1470 : memref<1x1x8x128xf32, #tpu.memory_space<vmem>> -> memref<8x128xf32, #tpu.memory_space<vmem>>
          tpu.wait_dma2 semaphore(%arg13 : memref<!tpu.dma_semaphore, #tpu.memory_space<semaphore_mem>>) src(%dma_wait3A_1471 : memref<8x128xf32, #tpu.memory_space<vmem>>) dst(%dma_wait3A_1467 : memref<8x128xf32, #tpu.memory_space<hbm>>)
          %dma_wait3A_1472 = arith.constant 1 : i32
          %dma_wait3A_1473 = arith.constant 4 : i32
          %dma_wait3A_1474 = arith.constant 0 : i32
          %dma_wait3A_1475 = arith.constant 0 : i32
          %dma_wait3A_1476 = tpu.memref_slice %arg7[%dma_wait3A_1472, %dma_wait3A_1473, %dma_wait3A_1474, %dma_wait3A_1475] : memref<4x8x8x128xf32, #tpu.memory_space<vmem>> -> memref<1x1x8x128xf32, #tpu.memory_space<vmem>>
          %dma_wait3A_1477 = tpu.memref_squeeze %dma_wait3A_1476 : memref<1x1x8x128xf32, #tpu.memory_space<vmem>> -> memref<8x128xf32, #tpu.memory_space<vmem>>
          %dma_wait3A_1478 = arith.constant 32 : i32
          %dma_wait3A_1479 = tpu.memref_slice %arg4[%select_n3A_1386, %dma_wait3A_1478, %mul3A_1407] : memref<50x64x16384xf32, #tpu.memory_space<hbm>> -> memref<1x8x128xf32, #tpu.memory_space<hbm>>
          %dma_wait3A_1480 = tpu.memref_squeeze %dma_wait3A_1479 : memref<1x8x128xf32, #tpu.memory_space<hbm>> -> memref<8x128xf32, #tpu.memory_space<hbm>>
          %dma_wait3A_1481 = arith.constant 32 : i32
          %dma_wait3A_1482 = tpu.memref_slice %arg4[%select_n3A_1386, %dma_wait3A_1481, %mul3A_1407] : memref<50x64x16384xf32, #tpu.memory_space<hbm>> -> memref<1x8x128xf32, #tpu.memory_space<hbm>>
          %dma_wait3A_1483 = tpu.memref_squeeze %dma_wait3A_1482 : memref<1x8x128xf32, #tpu.memory_space<hbm>> -> memref<8x128xf32, #tpu.memory_space<hbm>>
          %dma_wait3A_1484 = arith.constant 0 : i32
          %dma_wait3A_1485 = arith.constant 0 : i32
          %dma_wait3A_1486 = tpu.memref_slice %arg7[%dma_wait3A_1472, %dma_wait3A_1473, %dma_wait3A_1484, %dma_wait3A_1485] : memref<4x8x8x128xf32, #tpu.memory_space<vmem>> -> memref<1x1x8x128xf32, #tpu.memory_space<vmem>>
          %dma_wait3A_1487 = tpu.memref_squeeze %dma_wait3A_1486 : memref<1x1x8x128xf32, #tpu.memory_space<vmem>> -> memref<8x128xf32, #tpu.memory_space<vmem>>
          tpu.wait_dma2 semaphore(%arg13 : memref<!tpu.dma_semaphore, #tpu.memory_space<semaphore_mem>>) src(%dma_wait3A_1487 : memref<8x128xf32, #tpu.memory_space<vmem>>) dst(%dma_wait3A_1483 : memref<8x128xf32, #tpu.memory_space<hbm>>)
          %dma_wait3A_1488 = arith.constant 1 : i32
          %dma_wait3A_1489 = arith.constant 5 : i32
          %dma_wait3A_1490 = arith.constant 0 : i32
          %dma_wait3A_1491 = arith.constant 0 : i32
          %dma_wait3A_1492 = tpu.memref_slice %arg7[%dma_wait3A_1488, %dma_wait3A_1489, %dma_wait3A_1490, %dma_wait3A_1491] : memref<4x8x8x128xf32, #tpu.memory_space<vmem>> -> memref<1x1x8x128xf32, #tpu.memory_space<vmem>>
          %dma_wait3A_1493 = tpu.memref_squeeze %dma_wait3A_1492 : memref<1x1x8x128xf32, #tpu.memory_space<vmem>> -> memref<8x128xf32, #tpu.memory_space<vmem>>
          %dma_wait3A_1494 = arith.constant 40 : i32
          %dma_wait3A_1495 = tpu.memref_slice %arg4[%select_n3A_1386, %dma_wait3A_1494, %mul3A_1407] : memref<50x64x16384xf32, #tpu.memory_space<hbm>> -> memref<1x8x128xf32, #tpu.memory_space<hbm>>
          %dma_wait3A_1496 = tpu.memref_squeeze %dma_wait3A_1495 : memref<1x8x128xf32, #tpu.memory_space<hbm>> -> memref<8x128xf32, #tpu.memory_space<hbm>>
          %dma_wait3A_1497 = arith.constant 40 : i32
          %dma_wait3A_1498 = tpu.memref_slice %arg4[%select_n3A_1386, %dma_wait3A_1497, %mul3A_1407] : memref<50x64x16384xf32, #tpu.memory_space<hbm>> -> memref<1x8x128xf32, #tpu.memory_space<hbm>>
          %dma_wait3A_1499 = tpu.memref_squeeze %dma_wait3A_1498 : memref<1x8x128xf32, #tpu.memory_space<hbm>> -> memref<8x128xf32, #tpu.memory_space<hbm>>
          %dma_wait3A_1500 = arith.constant 0 : i32
          %dma_wait3A_1501 = arith.constant 0 : i32
          %dma_wait3A_1502 = tpu.memref_slice %arg7[%dma_wait3A_1488, %dma_wait3A_1489, %dma_wait3A_1500, %dma_wait3A_1501] : memref<4x8x8x128xf32, #tpu.memory_space<vmem>> -> memref<1x1x8x128xf32, #tpu.memory_space<vmem>>
          %dma_wait3A_1503 = tpu.memref_squeeze %dma_wait3A_1502 : memref<1x1x8x128xf32, #tpu.memory_space<vmem>> -> memref<8x128xf32, #tpu.memory_space<vmem>>
          tpu.wait_dma2 semaphore(%arg13 : memref<!tpu.dma_semaphore, #tpu.memory_space<semaphore_mem>>) src(%dma_wait3A_1503 : memref<8x128xf32, #tpu.memory_space<vmem>>) dst(%dma_wait3A_1499 : memref<8x128xf32, #tpu.memory_space<hbm>>)
          %dma_wait3A_1504 = arith.constant 1 : i32
          %dma_wait3A_1505 = arith.constant 6 : i32
          %dma_wait3A_1506 = arith.constant 0 : i32
          %dma_wait3A_1507 = arith.constant 0 : i32
          %dma_wait3A_1508 = tpu.memref_slice %arg7[%dma_wait3A_1504, %dma_wait3A_1505, %dma_wait3A_1506, %dma_wait3A_1507] : memref<4x8x8x128xf32, #tpu.memory_space<vmem>> -> memref<1x1x8x128xf32, #tpu.memory_space<vmem>>
          %dma_wait3A_1509 = tpu.memref_squeeze %dma_wait3A_1508 : memref<1x1x8x128xf32, #tpu.memory_space<vmem>> -> memref<8x128xf32, #tpu.memory_space<vmem>>
          %dma_wait3A_1510 = arith.constant 48 : i32
          %dma_wait3A_1511 = tpu.memref_slice %arg4[%select_n3A_1386, %dma_wait3A_1510, %mul3A_1407] : memref<50x64x16384xf32, #tpu.memory_space<hbm>> -> memref<1x8x128xf32, #tpu.memory_space<hbm>>
          %dma_wait3A_1512 = tpu.memref_squeeze %dma_wait3A_1511 : memref<1x8x128xf32, #tpu.memory_space<hbm>> -> memref<8x128xf32, #tpu.memory_space<hbm>>
          %dma_wait3A_1513 = arith.constant 48 : i32
          %dma_wait3A_1514 = tpu.memref_slice %arg4[%select_n3A_1386, %dma_wait3A_1513, %mul3A_1407] : memref<50x64x16384xf32, #tpu.memory_space<hbm>> -> memref<1x8x128xf32, #tpu.memory_space<hbm>>
          %dma_wait3A_1515 = tpu.memref_squeeze %dma_wait3A_1514 : memref<1x8x128xf32, #tpu.memory_space<hbm>> -> memref<8x128xf32, #tpu.memory_space<hbm>>
          %dma_wait3A_1516 = arith.constant 0 : i32
          %dma_wait3A_1517 = arith.constant 0 : i32
          %dma_wait3A_1518 = tpu.memref_slice %arg7[%dma_wait3A_1504, %dma_wait3A_1505, %dma_wait3A_1516, %dma_wait3A_1517] : memref<4x8x8x128xf32, #tpu.memory_space<vmem>> -> memref<1x1x8x128xf32, #tpu.memory_space<vmem>>
          %dma_wait3A_1519 = tpu.memref_squeeze %dma_wait3A_1518 : memref<1x1x8x128xf32, #tpu.memory_space<vmem>> -> memref<8x128xf32, #tpu.memory_space<vmem>>
          tpu.wait_dma2 semaphore(%arg13 : memref<!tpu.dma_semaphore, #tpu.memory_space<semaphore_mem>>) src(%dma_wait3A_1519 : memref<8x128xf32, #tpu.memory_space<vmem>>) dst(%dma_wait3A_1515 : memref<8x128xf32, #tpu.memory_space<hbm>>)
          %dma_wait3A_1520 = arith.constant 1 : i32
          %dma_wait3A_1521 = arith.constant 7 : i32
          %dma_wait3A_1522 = arith.constant 0 : i32
          %dma_wait3A_1523 = arith.constant 0 : i32
          %dma_wait3A_1524 = tpu.memref_slice %arg7[%dma_wait3A_1520, %dma_wait3A_1521, %dma_wait3A_1522, %dma_wait3A_1523] : memref<4x8x8x128xf32, #tpu.memory_space<vmem>> -> memref<1x1x8x128xf32, #tpu.memory_space<vmem>>
          %dma_wait3A_1525 = tpu.memref_squeeze %dma_wait3A_1524 : memref<1x1x8x128xf32, #tpu.memory_space<vmem>> -> memref<8x128xf32, #tpu.memory_space<vmem>>
          %dma_wait3A_1526 = arith.constant 56 : i32
          %dma_wait3A_1527 = tpu.memref_slice %arg4[%select_n3A_1386, %dma_wait3A_1526, %mul3A_1407] : memref<50x64x16384xf32, #tpu.memory_space<hbm>> -> memref<1x8x128xf32, #tpu.memory_space<hbm>>
          %dma_wait3A_1528 = tpu.memref_squeeze %dma_wait3A_1527 : memref<1x8x128xf32, #tpu.memory_space<hbm>> -> memref<8x128xf32, #tpu.memory_space<hbm>>
          %dma_wait3A_1529 = arith.constant 56 : i32
          %dma_wait3A_1530 = tpu.memref_slice %arg4[%select_n3A_1386, %dma_wait3A_1529, %mul3A_1407] : memref<50x64x16384xf32, #tpu.memory_space<hbm>> -> memref<1x8x128xf32, #tpu.memory_space<hbm>>
          %dma_wait3A_1531 = tpu.memref_squeeze %dma_wait3A_1530 : memref<1x8x128xf32, #tpu.memory_space<hbm>> -> memref<8x128xf32, #tpu.memory_space<hbm>>
          %dma_wait3A_1532 = arith.constant 0 : i32
          %dma_wait3A_1533 = arith.constant 0 : i32
          %dma_wait3A_1534 = tpu.memref_slice %arg7[%dma_wait3A_1520, %dma_wait3A_1521, %dma_wait3A_1532, %dma_wait3A_1533] : memref<4x8x8x128xf32, #tpu.memory_space<vmem>> -> memref<1x1x8x128xf32, #tpu.memory_space<vmem>>
          %dma_wait3A_1535 = tpu.memref_squeeze %dma_wait3A_1534 : memref<1x1x8x128xf32, #tpu.memory_space<vmem>> -> memref<8x128xf32, #tpu.memory_space<vmem>>
          tpu.wait_dma2 semaphore(%arg13 : memref<!tpu.dma_semaphore, #tpu.memory_space<semaphore_mem>>) src(%dma_wait3A_1535 : memref<8x128xf32, #tpu.memory_space<vmem>>) dst(%dma_wait3A_1531 : memref<8x128xf32, #tpu.memory_space<hbm>>)
        } else {
        }
        %add3A_1308 = arith.constant 2 : i32
        %add3A_1309 = arith.addi %add3A_1069, %add3A_1308 : i32
        %jit3A_1310 = arith.constant 4 : i32
        %div3A_1311 = arith.divsi %add3A_1309, %jit3A_1310 : i32
        %sign3A_1312 = arith.constant 0 : i32
        %sign3A_1313 = arith.cmpi sgt, %add3A_1309, %sign3A_1312 : i32
        %sign3A_1314 = arith.extui %sign3A_1313 : i1 to i32
        %sign3A_1315 = arith.constant 0 : i32
        %sign3A_1316 = arith.cmpi slt, %add3A_1309, %sign3A_1315 : i32
        %sign3A_1317 = arith.extui %sign3A_1316 : i1 to i32
        %sign3A_1318 = arith.subi %sign3A_1314, %sign3A_1317 : i32
        %sign3A_1319 = arith.constant 0 : i32
        %sign3A_1320 = arith.cmpi sgt, %jit3A_1310, %sign3A_1319 : i32
        %sign3A_1321 = arith.extui %sign3A_1320 : i1 to i32
        %sign3A_1322 = arith.constant 0 : i32
        %sign3A_1323 = arith.cmpi slt, %jit3A_1310, %sign3A_1322 : i32
        %sign3A_1324 = arith.extui %sign3A_1323 : i1 to i32
        %sign3A_1325 = arith.subi %sign3A_1321, %sign3A_1324 : i32
        %ne3A_1326 = arith.cmpi ne, %sign3A_1318, %sign3A_1325 : i32
        %rem3A_1327 = arith.remsi %add3A_1309, %jit3A_1310 : i32
        %ne3A_1328 = arith.constant 0 : i32
        %ne3A_1329 = arith.cmpi ne, %rem3A_1327, %ne3A_1328 : i32
        %and3A_1330 = arith.andi %ne3A_1326, %ne3A_1329 : i1
        %sub3A_1331 = arith.constant 1 : i32
        %sub3A_1332 = arith.subi %div3A_1311, %sub3A_1331 : i32
        %select_n3A_1333 = arith.select %and3A_1330, %sub3A_1332, %div3A_1311 : i32
        %jit3A_1334 = arith.constant 4 : i32
        %eq3A_1335 = arith.constant 0 : i32
        %eq3A_1336 = arith.cmpi eq, %jit3A_1334, %eq3A_1335 : i32
        %jit3A_1337 = arith.constant 1 : i32
        %select_n3A_1338 = arith.select %eq3A_1336, %jit3A_1337, %jit3A_1334 : i32
        %rem3A_1339 = arith.remsi %add3A_1309, %select_n3A_1338 : i32
        %ne3A_1340 = arith.constant 0 : i32
        %ne3A_1341 = arith.cmpi ne, %rem3A_1339, %ne3A_1340 : i32
        %lt3A_1342 = arith.constant 0 : i32
        %lt3A_1343 = arith.cmpi slt, %rem3A_1339, %lt3A_1342 : i32
        %lt3A_1344 = arith.constant 0 : i32
        %lt3A_1345 = arith.cmpi slt, %select_n3A_1338, %lt3A_1344 : i32
        %ne3A_1346 = arith.xori %lt3A_1343, %lt3A_1345 : i1
        %and3A_1347 = arith.andi %ne3A_1346, %ne3A_1341 : i1
        %add3A_1348 = arith.addi %rem3A_1339, %select_n3A_1338 : i32
        %select_n3A_1349 = arith.select %and3A_1347, %add3A_1348, %rem3A_1339 : i32
        %dma_start3A_1350 = arith.constant 1 : i32
        %dma_start3A_1351 = arith.constant 0 : i32
        %dma_start3A_1352 = arith.constant 0 : i32
        %dma_start3A_1353 = tpu.memref_slice %arg6[%dma_start3A_1350, %dma_start3A_1351, %dma_start3A_1352] : memref<4x128x128xf32, #tpu.memory_space<vmem>> -> memref<1x128x128xf32, #tpu.memory_space<vmem>>
        %dma_start3A_1354 = tpu.memref_squeeze %dma_start3A_1353 : memref<1x128x128xf32, #tpu.memory_space<vmem>> -> memref<128x128xf32, #tpu.memory_space<vmem>>
        %dma_start3A_1355 = arith.constant 0 : i32
        %dma_start3A_1356 = tpu.memref_slice %arg5[%select_n3A_1333, %select_n3A_1349, %dma_start3A_1355] : memref<50x4x128xi32, #tpu.memory_space<vmem>> -> memref<1x1x128xi32, #tpu.memory_space<vmem>>
        %dma_start3A_1357 = tpu.memref_squeeze %dma_start3A_1356 : memref<1x1x128xi32, #tpu.memory_space<vmem>> -> memref<128xi32, #tpu.memory_space<vmem>>
        %dma_start3A_1358 = arith.constant 0 : i32
        %dma_start3A_1359 = arith.constant 0 : i32
        %dma_start3A_1360 = tpu.memref_slice %arg3[%dma_start3A_1358, %dma_start3A_1359] : memref<1000000x128xf32, #tpu.memory_space<hbm>> -> memref<1000000x128xf32, #tpu.memory_space<hbm>>
        tpu.enqueue_indirect_dma source(%dma_start3A_1360 : memref<1000000x128xf32, #tpu.memory_space<hbm>>) target(%dma_start3A_1354 : memref<128x128xf32, #tpu.memory_space<vmem>>) offsets(%dma_start3A_1357 : memref<128xi32, #tpu.memory_space<vmem>>) semaphore(%arg9 : memref<!tpu.dma_semaphore, #tpu.memory_space<semaphore_mem>>)
      } else {
      }
      %jit3A_1077 = arith.constant 4 : i32
      %div3A_1078 = arith.divsi %add3A_1069, %jit3A_1077 : i32
      %sign3A_1079 = arith.constant 0 : i32
      %sign3A_1080 = arith.cmpi sgt, %add3A_1069, %sign3A_1079 : i32
      %sign3A_1081 = arith.extui %sign3A_1080 : i1 to i32
      %sign3A_1082 = arith.constant 0 : i32
      %sign3A_1083 = arith.cmpi slt, %add3A_1069, %sign3A_1082 : i32
      %sign3A_1084 = arith.extui %sign3A_1083 : i1 to i32
      %sign3A_1085 = arith.subi %sign3A_1081, %sign3A_1084 : i32
      %sign3A_1086 = arith.constant 0 : i32
      %sign3A_1087 = arith.cmpi sgt, %jit3A_1077, %sign3A_1086 : i32
      %sign3A_1088 = arith.extui %sign3A_1087 : i1 to i32
      %sign3A_1089 = arith.constant 0 : i32
      %sign3A_1090 = arith.cmpi slt, %jit3A_1077, %sign3A_1089 : i32
      %sign3A_1091 = arith.extui %sign3A_1090 : i1 to i32
      %sign3A_1092 = arith.subi %sign3A_1088, %sign3A_1091 : i32
      %ne3A_1093 = arith.cmpi ne, %sign3A_1085, %sign3A_1092 : i32
      %rem3A_1094 = arith.remsi %add3A_1069, %jit3A_1077 : i32
      %ne3A_1095 = arith.constant 0 : i32
      %ne3A_1096 = arith.cmpi ne, %rem3A_1094, %ne3A_1095 : i32
      %and3A_1097 = arith.andi %ne3A_1093, %ne3A_1096 : i1
      %sub3A_1098 = arith.constant 1 : i32
      %sub3A_1099 = arith.subi %div3A_1078, %sub3A_1098 : i32
      %select_n3A_1100 = arith.select %and3A_1097, %sub3A_1099, %div3A_1078 : i32
      %jit3A_1101 = arith.constant 4 : i32
      %eq3A_1102 = arith.constant 0 : i32
      %eq3A_1103 = arith.cmpi eq, %jit3A_1101, %eq3A_1102 : i32
      %jit3A_1104 = arith.constant 1 : i32
      %select_n3A_1105 = arith.select %eq3A_1103, %jit3A_1104, %jit3A_1101 : i32
      %rem3A_1106 = arith.remsi %add3A_1069, %select_n3A_1105 : i32
      %ne3A_1107 = arith.constant 0 : i32
      %ne3A_1108 = arith.cmpi ne, %rem3A_1106, %ne3A_1107 : i32
      %lt3A_1109 = arith.constant 0 : i32
      %lt3A_1110 = arith.cmpi slt, %rem3A_1106, %lt3A_1109 : i32
      %lt3A_1111 = arith.constant 0 : i32
      %lt3A_1112 = arith.cmpi slt, %select_n3A_1105, %lt3A_1111 : i32
      %ne3A_1113 = arith.xori %lt3A_1110, %lt3A_1112 : i1
      %and3A_1114 = arith.andi %ne3A_1113, %ne3A_1108 : i1
      %add3A_1115 = arith.addi %rem3A_1106, %select_n3A_1105 : i32
      %select_n3A_1116 = arith.select %and3A_1114, %add3A_1115, %rem3A_1106 : i32
      %dma_wait3A_1117 = arith.constant 3 : i32
      %dma_wait3A_1118 = arith.constant 0 : i32
      %dma_wait3A_1119 = arith.constant 0 : i32
      %dma_wait3A_1120 = tpu.memref_slice %arg6[%dma_wait3A_1117, %dma_wait3A_1118, %dma_wait3A_1119] : memref<4x128x128xf32, #tpu.memory_space<vmem>> -> memref<1x128x128xf32, #tpu.memory_space<vmem>>
      %dma_wait3A_1121 = tpu.memref_squeeze %dma_wait3A_1120 : memref<1x128x128xf32, #tpu.memory_space<vmem>> -> memref<128x128xf32, #tpu.memory_space<vmem>>
      %dma_wait3A_1122 = arith.constant 0 : i32
      %dma_wait3A_1123 = tpu.memref_slice %arg5[%select_n3A_1100, %select_n3A_1116, %dma_wait3A_1122] : memref<50x4x128xi32, #tpu.memory_space<vmem>> -> memref<1x1x128xi32, #tpu.memory_space<vmem>>
      %dma_wait3A_1124 = tpu.memref_squeeze %dma_wait3A_1123 : memref<1x1x128xi32, #tpu.memory_space<vmem>> -> memref<128xi32, #tpu.memory_space<vmem>>
      %dma_wait3A_1125 = arith.constant 0 : i32
      %dma_wait3A_1126 = arith.constant 0 : i32
      %dma_wait3A_1127 = tpu.memref_slice %arg3[%dma_wait3A_1125, %dma_wait3A_1126] : memref<1000000x128xf32, #tpu.memory_space<hbm>> -> memref<1000000x128xf32, #tpu.memory_space<hbm>>
      tpu.wait_indirect_dma semaphore(%arg11 : memref<!tpu.dma_semaphore, #tpu.memory_space<semaphore_mem>>) src(%dma_wait3A_1127 : memref<1000000x128xf32, #tpu.memory_space<hbm>>) dst(%dma_wait3A_1121 : memref<128x128xf32, #tpu.memory_space<vmem>>)
      %parallel_loop3A_1128 = arith.constant 0 : i32
      %parallel_loop3A_1129 = arith.constant 128 : i32
      %parallel_loop3A_1130 = arith.constant 1 : i32
      scf.for %parallel_loop3A_1304 = %parallel_loop3A_1128 to %parallel_loop3A_1129 step %parallel_loop3A_1130  : i32 {
        %parallel_loop3A_1305 = vector.broadcast %parallel_loop3A_1304 : i32 to vector<16xi32>
        %parallel_loop3A_1306 = arith.constant 3 : i32
        %parallel_loop3A_1307 = arith.index_cast %parallel_loop3A_1306 : i32 to index
        %parallel_loop3A_1308 = arith.index_cast %parallel_loop3A_1304 : i32 to index
        %parallel_loop3A_1309 = arith.constant 0 : index
        %parallel_loop3A_1310 = tpu.vector_load %arg6[%parallel_loop3A_1307, %parallel_loop3A_1308, %parallel_loop3A_1309] {strides = array<i32>} : memref<4x128x128xf32, #tpu.memory_space<vmem>>, vector<16xf32>,
        %parallel_loop3A_1311 = arith.constant 8.000000e+00 : f32
        %parallel_loop3A_1312 = vector.broadcast %parallel_loop3A_1311 : f32 to vector<16xf32>
        %parallel_loop3A_1313 = arith.mulf %parallel_loop3A_1310, %parallel_loop3A_1312 : vector<16xf32>
        %parallel_loop3A_1314 = arith.constant 3 : i32
        %parallel_loop3A_1315 = arith.constant 0 : i32
        %parallel_loop3A_1316 = arith.constant 0 : i32
        %parallel_loop3A_1317 = arith.constant 0 : i32
        %parallel_loop3A_1318 = tpu.memref_slice %arg7[%parallel_loop3A_1314, %parallel_loop3A_1315, %parallel_loop3A_1316, %parallel_loop3A_1317] : memref<4x8x8x128xf32, #tpu.memory_space<vmem>> -> memref<1x8x8x128xf32, #tpu.memory_space<vmem>>
        %parallel_loop3A_1319 = tpu.memref_squeeze %parallel_loop3A_1318 : memref<1x8x8x128xf32, #tpu.memory_space<vmem>> -> memref<8x8x128xf32, #tpu.memory_space<vmem>>
        tpu.vector_store_idx %parallel_loop3A_1319[%add3A_32, %and3A_52, %parallel_loop3A_1305], %parallel_loop3A_1313 : memref<8x8x128xf32, #tpu.memory_space<vmem>>[vector<16xi32>, vector<16xi32>, vector<16xi32>], vector<16xf32>,
        %parallel_loop3A_1320 = arith.constant 3 : i32
        %parallel_loop3A_1321 = arith.index_cast %parallel_loop3A_1320 : i32 to index
        %parallel_loop3A_1322 = arith.index_cast %parallel_loop3A_1304 : i32 to index
        %parallel_loop3A_1323 = arith.constant 16 : index
        %parallel_loop3A_1324 = tpu.vector_load %arg6[%parallel_loop3A_1321, %parallel_loop3A_1322, %parallel_loop3A_1323] {strides = array<i32>} : memref<4x128x128xf32, #tpu.memory_space<vmem>>, vector<16xf32>,
        %parallel_loop3A_1325 = arith.constant 8.000000e+00 : f32
        %parallel_loop3A_1326 = vector.broadcast %parallel_loop3A_1325 : f32 to vector<16xf32>
        %parallel_loop3A_1327 = arith.mulf %parallel_loop3A_1324, %parallel_loop3A_1326 : vector<16xf32>
        %parallel_loop3A_1328 = arith.constant 3 : i32
        %parallel_loop3A_1329 = arith.constant 0 : i32
        %parallel_loop3A_1330 = arith.constant 0 : i32
        %parallel_loop3A_1331 = arith.constant 0 : i32
        %parallel_loop3A_1332 = tpu.memref_slice %arg7[%parallel_loop3A_1328, %parallel_loop3A_1329, %parallel_loop3A_1330, %parallel_loop3A_1331] : memref<4x8x8x128xf32, #tpu.memory_space<vmem>> -> memref<1x8x8x128xf32, #tpu.memory_space<vmem>>
        %parallel_loop3A_1333 = tpu.memref_squeeze %parallel_loop3A_1332 : memref<1x8x8x128xf32, #tpu.memory_space<vmem>> -> memref<8x8x128xf32, #tpu.memory_space<vmem>>
        tpu.vector_store_idx %parallel_loop3A_1333[%add3A_38, %and3A_52, %parallel_loop3A_1305], %parallel_loop3A_1327 : memref<8x8x128xf32, #tpu.memory_space<vmem>>[vector<16xi32>, vector<16xi32>, vector<16xi32>], vector<16xf32>,
        %parallel_loop3A_1334 = arith.constant 3 : i32
        %parallel_loop3A_1335 = arith.index_cast %parallel_loop3A_1334 : i32 to index
        %parallel_loop3A_1336 = arith.index_cast %parallel_loop3A_1304 : i32 to index
        %parallel_loop3A_1337 = arith.constant 32 : index
        %parallel_loop3A_1338 = tpu.vector_load %arg6[%parallel_loop3A_1335, %parallel_loop3A_1336, %parallel_loop3A_1337] {strides = array<i32>} : memref<4x128x128xf32, #tpu.memory_space<vmem>>, vector<16xf32>,
        %parallel_loop3A_1339 = arith.constant 8.000000e+00 : f32
        %parallel_loop3A_1340 = vector.broadcast %parallel_loop3A_1339 : f32 to vector<16xf32>
        %parallel_loop3A_1341 = arith.mulf %parallel_loop3A_1338, %parallel_loop3A_1340 : vector<16xf32>
        %parallel_loop3A_1342 = arith.constant 3 : i32
        %parallel_loop3A_1343 = arith.constant 0 : i32
        %parallel_loop3A_1344 = arith.constant 0 : i32
        %parallel_loop3A_1345 = arith.constant 0 : i32
        %parallel_loop3A_1346 = tpu.memref_slice %arg7[%parallel_loop3A_1342, %parallel_loop3A_1343, %parallel_loop3A_1344, %parallel_loop3A_1345] : memref<4x8x8x128xf32, #tpu.memory_space<vmem>> -> memref<1x8x8x128xf32, #tpu.memory_space<vmem>>
        %parallel_loop3A_1347 = tpu.memref_squeeze %parallel_loop3A_1346 : memref<1x8x8x128xf32, #tpu.memory_space<vmem>> -> memref<8x8x128xf32, #tpu.memory_space<vmem>>
        tpu.vector_store_idx %parallel_loop3A_1347[%add3A_44, %and3A_52, %parallel_loop3A_1305], %parallel_loop3A_1341 : memref<8x8x128xf32, #tpu.memory_space<vmem>>[vector<16xi32>, vector<16xi32>, vector<16xi32>], vector<16xf32>,
        %parallel_loop3A_1348 = arith.constant 3 : i32
        %parallel_loop3A_1349 = arith.index_cast %parallel_loop3A_1348 : i32 to index
        %parallel_loop3A_1350 = arith.index_cast %parallel_loop3A_1304 : i32 to index
        %parallel_loop3A_1351 = arith.constant 48 : index
        %parallel_loop3A_1352 = tpu.vector_load %arg6[%parallel_loop3A_1349, %parallel_loop3A_1350, %parallel_loop3A_1351] {strides = array<i32>} : memref<4x128x128xf32, #tpu.memory_space<vmem>>, vector<16xf32>,
        %parallel_loop3A_1353 = arith.constant 8.000000e+00 : f32
        %parallel_loop3A_1354 = vector.broadcast %parallel_loop3A_1353 : f32 to vector<16xf32>
        %parallel_loop3A_1355 = arith.mulf %parallel_loop3A_1352, %parallel_loop3A_1354 : vector<16xf32>
        %parallel_loop3A_1356 = arith.constant 3 : i32
        %parallel_loop3A_1357 = arith.constant 0 : i32
        %parallel_loop3A_1358 = arith.constant 0 : i32
        %parallel_loop3A_1359 = arith.constant 0 : i32
        %parallel_loop3A_1360 = tpu.memref_slice %arg7[%parallel_loop3A_1356, %parallel_loop3A_1357, %parallel_loop3A_1358, %parallel_loop3A_1359] : memref<4x8x8x128xf32, #tpu.memory_space<vmem>> -> memref<1x8x8x128xf32, #tpu.memory_space<vmem>>
        %parallel_loop3A_1361 = tpu.memref_squeeze %parallel_loop3A_1360 : memref<1x8x8x128xf32, #tpu.memory_space<vmem>> -> memref<8x8x128xf32, #tpu.memory_space<vmem>>
        tpu.vector_store_idx %parallel_loop3A_1361[%add3A_50, %and3A_52, %parallel_loop3A_1305], %parallel_loop3A_1355 : memref<8x8x128xf32, #tpu.memory_space<vmem>>[vector<16xi32>, vector<16xi32>, vector<16xi32>], vector<16xf32>,
      } {sc.loop_unroll_factor = 8 : i64, sc.parallel_access}
      %jit3A_1131 = arith.constant 4 : i32
      %div3A_1132 = arith.divsi %add3A_1069, %jit3A_1131 : i32
      %sign3A_1133 = arith.constant 0 : i32
      %sign3A_1134 = arith.cmpi sgt, %add3A_1069, %sign3A_1133 : i32
      %sign3A_1135 = arith.extui %sign3A_1134 : i1 to i32
      %sign3A_1136 = arith.constant 0 : i32
      %sign3A_1137 = arith.cmpi slt, %add3A_1069, %sign3A_1136 : i32
      %sign3A_1138 = arith.extui %sign3A_1137 : i1 to i32
      %sign3A_1139 = arith.subi %sign3A_1135, %sign3A_1138 : i32
      %sign3A_1140 = arith.constant 0 : i32
      %sign3A_1141 = arith.cmpi sgt, %jit3A_1131, %sign3A_1140 : i32
      %sign3A_1142 = arith.extui %sign3A_1141 : i1 to i32
      %sign3A_1143 = arith.constant 0 : i32
      %sign3A_1144 = arith.cmpi slt, %jit3A_1131, %sign3A_1143 : i32
      %sign3A_1145 = arith.extui %sign3A_1144 : i1 to i32
      %sign3A_1146 = arith.subi %sign3A_1142, %sign3A_1145 : i32
      %ne3A_1147 = arith.cmpi ne, %sign3A_1139, %sign3A_1146 : i32
      %rem3A_1148 = arith.remsi %add3A_1069, %jit3A_1131 : i32
      %ne3A_1149 = arith.constant 0 : i32
      %ne3A_1150 = arith.cmpi ne, %rem3A_1148, %ne3A_1149 : i32
      %and3A_1151 = arith.andi %ne3A_1147, %ne3A_1150 : i1
      %sub3A_1152 = arith.constant 1 : i32
      %sub3A_1153 = arith.subi %div3A_1132, %sub3A_1152 : i32
      %select_n3A_1154 = arith.select %and3A_1151, %sub3A_1153, %div3A_1132 : i32
      %jit3A_1155 = arith.constant 4 : i32
      %eq3A_1156 = arith.constant 0 : i32
      %eq3A_1157 = arith.cmpi eq, %jit3A_1155, %eq3A_1156 : i32
      %jit3A_1158 = arith.constant 1 : i32
      %select_n3A_1159 = arith.select %eq3A_1157, %jit3A_1158, %jit3A_1155 : i32
      %rem3A_1160 = arith.remsi %add3A_1069, %select_n3A_1159 : i32
      %ne3A_1161 = arith.constant 0 : i32
      %ne3A_1162 = arith.cmpi ne, %rem3A_1160, %ne3A_1161 : i32
      %lt3A_1163 = arith.constant 0 : i32
      %lt3A_1164 = arith.cmpi slt, %rem3A_1160, %lt3A_1163 : i32
      %lt3A_1165 = arith.constant 0 : i32
      %lt3A_1166 = arith.cmpi slt, %select_n3A_1159, %lt3A_1165 : i32
      %ne3A_1167 = arith.xori %lt3A_1164, %lt3A_1166 : i1
      %and3A_1168 = arith.andi %ne3A_1167, %ne3A_1162 : i1
      %add3A_1169 = arith.addi %rem3A_1160, %select_n3A_1159 : i32
      %select_n3A_1170 = arith.select %and3A_1168, %add3A_1169, %rem3A_1160 : i32
      %mul3A_1171 = arith.constant 4 : i32
      %mul3A_1172 = arith.muli %add3A, %mul3A_1171 : i32
      %add3A_1173 = arith.addi %mul3A_1172, %select_n3A_1170 : i32
      %mul3A_1174 = arith.constant 128 : i32
      %mul3A_1175 = arith.muli %add3A_1173, %mul3A_1174 : i32
      %dma_start3A_1176 = arith.constant 3 : i32
      %dma_start3A_1177 = arith.constant 0 : i32
      %dma_start3A_1178 = arith.constant 0 : i32
      %dma_start3A_1179 = arith.constant 0 : i32
      %dma_start3A_1180 = tpu.memref_slice %arg7[%dma_start3A_1176, %dma_start3A_1177, %dma_start3A_1178, %dma_start3A_1179] : memref<4x8x8x128xf32, #tpu.memory_space<vmem>> -> memref<1x1x8x128xf32, #tpu.memory_space<vmem>>
      %dma_start3A_1181 = tpu.memref_squeeze %dma_start3A_1180 : memref<1x1x8x128xf32, #tpu.memory_space<vmem>> -> memref<8x128xf32, #tpu.memory_space<vmem>>
      %dma_start3A_1182 = arith.constant 0 : i32
      %dma_start3A_1183 = tpu.memref_slice %arg4[%select_n3A_1154, %dma_start3A_1182, %mul3A_1175] : memref<50x64x16384xf32, #tpu.memory_space<hbm>> -> memref<1x8x128xf32, #tpu.memory_space<hbm>>
      %dma_start3A_1184 = tpu.memref_squeeze %dma_start3A_1183 : memref<1x8x128xf32, #tpu.memory_space<hbm>> -> memref<8x128xf32, #tpu.memory_space<hbm>>
      %dma_start3A_1185 = arith.constant 0 : i32
      %dma_start3A_1186 = tpu.memref_slice %arg4[%select_n3A_1154, %dma_start3A_1185, %mul3A_1175] : memref<50x64x16384xf32, #tpu.memory_space<hbm>> -> memref<1x8x128xf32, #tpu.memory_space<hbm>>
      %dma_start3A_1187 = tpu.memref_squeeze %dma_start3A_1186 : memref<1x8x128xf32, #tpu.memory_space<hbm>> -> memref<8x128xf32, #tpu.memory_space<hbm>>
      %dma_start3A_1188 = arith.constant 0 : i32
      %dma_start3A_1189 = arith.constant 0 : i32
      %dma_start3A_1190 = tpu.memref_slice %arg7[%dma_start3A_1176, %dma_start3A_1177, %dma_start3A_1188, %dma_start3A_1189] : memref<4x8x8x128xf32, #tpu.memory_space<vmem>> -> memref<1x1x8x128xf32, #tpu.memory_space<vmem>>
      %dma_start3A_1191 = tpu.memref_squeeze %dma_start3A_1190 : memref<1x1x8x128xf32, #tpu.memory_space<vmem>> -> memref<8x128xf32, #tpu.memory_space<vmem>>
      tpu.enqueue_dma source(%dma_start3A_1191 : memref<8x128xf32, #tpu.memory_space<vmem>>) target(%dma_start3A_1187 : memref<8x128xf32, #tpu.memory_space<hbm>>) target_semaphore(%arg15 : memref<!tpu.dma_semaphore, #tpu.memory_space<semaphore_mem>>)
      %dma_start3A_1192 = arith.constant 3 : i32
      %dma_start3A_1193 = arith.constant 1 : i32
      %dma_start3A_1194 = arith.constant 0 : i32
      %dma_start3A_1195 = arith.constant 0 : i32
      %dma_start3A_1196 = tpu.memref_slice %arg7[%dma_start3A_1192, %dma_start3A_1193, %dma_start3A_1194, %dma_start3A_1195] : memref<4x8x8x128xf32, #tpu.memory_space<vmem>> -> memref<1x1x8x128xf32, #tpu.memory_space<vmem>>
      %dma_start3A_1197 = tpu.memref_squeeze %dma_start3A_1196 : memref<1x1x8x128xf32, #tpu.memory_space<vmem>> -> memref<8x128xf32, #tpu.memory_space<vmem>>
      %dma_start3A_1198 = arith.constant 8 : i32
      %dma_start3A_1199 = tpu.memref_slice %arg4[%select_n3A_1154, %dma_start3A_1198, %mul3A_1175] : memref<50x64x16384xf32, #tpu.memory_space<hbm>> -> memref<1x8x128xf32, #tpu.memory_space<hbm>>
      %dma_start3A_1200 = tpu.memref_squeeze %dma_start3A_1199 : memref<1x8x128xf32, #tpu.memory_space<hbm>> -> memref<8x128xf32, #tpu.memory_space<hbm>>
      %dma_start3A_1201 = arith.constant 8 : i32
      %dma_start3A_1202 = tpu.memref_slice %arg4[%select_n3A_1154, %dma_start3A_1201, %mul3A_1175] : memref<50x64x16384xf32, #tpu.memory_space<hbm>> -> memref<1x8x128xf32, #tpu.memory_space<hbm>>
      %dma_start3A_1203 = tpu.memref_squeeze %dma_start3A_1202 : memref<1x8x128xf32, #tpu.memory_space<hbm>> -> memref<8x128xf32, #tpu.memory_space<hbm>>
      %dma_start3A_1204 = arith.constant 0 : i32
      %dma_start3A_1205 = arith.constant 0 : i32
      %dma_start3A_1206 = tpu.memref_slice %arg7[%dma_start3A_1192, %dma_start3A_1193, %dma_start3A_1204, %dma_start3A_1205] : memref<4x8x8x128xf32, #tpu.memory_space<vmem>> -> memref<1x1x8x128xf32, #tpu.memory_space<vmem>>
      %dma_start3A_1207 = tpu.memref_squeeze %dma_start3A_1206 : memref<1x1x8x128xf32, #tpu.memory_space<vmem>> -> memref<8x128xf32, #tpu.memory_space<vmem>>
      tpu.enqueue_dma source(%dma_start3A_1207 : memref<8x128xf32, #tpu.memory_space<vmem>>) target(%dma_start3A_1203 : memref<8x128xf32, #tpu.memory_space<hbm>>) target_semaphore(%arg15 : memref<!tpu.dma_semaphore, #tpu.memory_space<semaphore_mem>>)
      %dma_start3A_1208 = arith.constant 3 : i32
      %dma_start3A_1209 = arith.constant 2 : i32
      %dma_start3A_1210 = arith.constant 0 : i32
      %dma_start3A_1211 = arith.constant 0 : i32
      %dma_start3A_1212 = tpu.memref_slice %arg7[%dma_start3A_1208, %dma_start3A_1209, %dma_start3A_1210, %dma_start3A_1211] : memref<4x8x8x128xf32, #tpu.memory_space<vmem>> -> memref<1x1x8x128xf32, #tpu.memory_space<vmem>>
      %dma_start3A_1213 = tpu.memref_squeeze %dma_start3A_1212 : memref<1x1x8x128xf32, #tpu.memory_space<vmem>> -> memref<8x128xf32, #tpu.memory_space<vmem>>
      %dma_start3A_1214 = arith.constant 16 : i32
      %dma_start3A_1215 = tpu.memref_slice %arg4[%select_n3A_1154, %dma_start3A_1214, %mul3A_1175] : memref<50x64x16384xf32, #tpu.memory_space<hbm>> -> memref<1x8x128xf32, #tpu.memory_space<hbm>>
      %dma_start3A_1216 = tpu.memref_squeeze %dma_start3A_1215 : memref<1x8x128xf32, #tpu.memory_space<hbm>> -> memref<8x128xf32, #tpu.memory_space<hbm>>
      %dma_start3A_1217 = arith.constant 16 : i32
      %dma_start3A_1218 = tpu.memref_slice %arg4[%select_n3A_1154, %dma_start3A_1217, %mul3A_1175] : memref<50x64x16384xf32, #tpu.memory_space<hbm>> -> memref<1x8x128xf32, #tpu.memory_space<hbm>>
      %dma_start3A_1219 = tpu.memref_squeeze %dma_start3A_1218 : memref<1x8x128xf32, #tpu.memory_space<hbm>> -> memref<8x128xf32, #tpu.memory_space<hbm>>
      %dma_start3A_1220 = arith.constant 0 : i32
      %dma_start3A_1221 = arith.constant 0 : i32
      %dma_start3A_1222 = tpu.memref_slice %arg7[%dma_start3A_1208, %dma_start3A_1209, %dma_start3A_1220, %dma_start3A_1221] : memref<4x8x8x128xf32, #tpu.memory_space<vmem>> -> memref<1x1x8x128xf32, #tpu.memory_space<vmem>>
      %dma_start3A_1223 = tpu.memref_squeeze %dma_start3A_1222 : memref<1x1x8x128xf32, #tpu.memory_space<vmem>> -> memref<8x128xf32, #tpu.memory_space<vmem>>
      tpu.enqueue_dma source(%dma_start3A_1223 : memref<8x128xf32, #tpu.memory_space<vmem>>) target(%dma_start3A_1219 : memref<8x128xf32, #tpu.memory_space<hbm>>) target_semaphore(%arg15 : memref<!tpu.dma_semaphore, #tpu.memory_space<semaphore_mem>>)
      %dma_start3A_1224 = arith.constant 3 : i32
      %dma_start3A_1225 = arith.constant 3 : i32
      %dma_start3A_1226 = arith.constant 0 : i32
      %dma_start3A_1227 = arith.constant 0 : i32
      %dma_start3A_1228 = tpu.memref_slice %arg7[%dma_start3A_1224, %dma_start3A_1225, %dma_start3A_1226, %dma_start3A_1227] : memref<4x8x8x128xf32, #tpu.memory_space<vmem>> -> memref<1x1x8x128xf32, #tpu.memory_space<vmem>>
      %dma_start3A_1229 = tpu.memref_squeeze %dma_start3A_1228 : memref<1x1x8x128xf32, #tpu.memory_space<vmem>> -> memref<8x128xf32, #tpu.memory_space<vmem>>
      %dma_start3A_1230 = arith.constant 24 : i32
      %dma_start3A_1231 = tpu.memref_slice %arg4[%select_n3A_1154, %dma_start3A_1230, %mul3A_1175] : memref<50x64x16384xf32, #tpu.memory_space<hbm>> -> memref<1x8x128xf32, #tpu.memory_space<hbm>>
      %dma_start3A_1232 = tpu.memref_squeeze %dma_start3A_1231 : memref<1x8x128xf32, #tpu.memory_space<hbm>> -> memref<8x128xf32, #tpu.memory_space<hbm>>
      %dma_start3A_1233 = arith.constant 24 : i32
      %dma_start3A_1234 = tpu.memref_slice %arg4[%select_n3A_1154, %dma_start3A_1233, %mul3A_1175] : memref<50x64x16384xf32, #tpu.memory_space<hbm>> -> memref<1x8x128xf32, #tpu.memory_space<hbm>>
      %dma_start3A_1235 = tpu.memref_squeeze %dma_start3A_1234 : memref<1x8x128xf32, #tpu.memory_space<hbm>> -> memref<8x128xf32, #tpu.memory_space<hbm>>
      %dma_start3A_1236 = arith.constant 0 : i32
      %dma_start3A_1237 = arith.constant 0 : i32
      %dma_start3A_1238 = tpu.memref_slice %arg7[%dma_start3A_1224, %dma_start3A_1225, %dma_start3A_1236, %dma_start3A_1237] : memref<4x8x8x128xf32, #tpu.memory_space<vmem>> -> memref<1x1x8x128xf32, #tpu.memory_space<vmem>>
      %dma_start3A_1239 = tpu.memref_squeeze %dma_start3A_1238 : memref<1x1x8x128xf32, #tpu.memory_space<vmem>> -> memref<8x128xf32, #tpu.memory_space<vmem>>
      tpu.enqueue_dma source(%dma_start3A_1239 : memref<8x128xf32, #tpu.memory_space<vmem>>) target(%dma_start3A_1235 : memref<8x128xf32, #tpu.memory_space<hbm>>) target_semaphore(%arg15 : memref<!tpu.dma_semaphore, #tpu.memory_space<semaphore_mem>>)
      %dma_start3A_1240 = arith.constant 3 : i32
      %dma_start3A_1241 = arith.constant 4 : i32
      %dma_start3A_1242 = arith.constant 0 : i32
      %dma_start3A_1243 = arith.constant 0 : i32
      %dma_start3A_1244 = tpu.memref_slice %arg7[%dma_start3A_1240, %dma_start3A_1241, %dma_start3A_1242, %dma_start3A_1243] : memref<4x8x8x128xf32, #tpu.memory_space<vmem>> -> memref<1x1x8x128xf32, #tpu.memory_space<vmem>>
      %dma_start3A_1245 = tpu.memref_squeeze %dma_start3A_1244 : memref<1x1x8x128xf32, #tpu.memory_space<vmem>> -> memref<8x128xf32, #tpu.memory_space<vmem>>
      %dma_start3A_1246 = arith.constant 32 : i32
      %dma_start3A_1247 = tpu.memref_slice %arg4[%select_n3A_1154, %dma_start3A_1246, %mul3A_1175] : memref<50x64x16384xf32, #tpu.memory_space<hbm>> -> memref<1x8x128xf32, #tpu.memory_space<hbm>>
      %dma_start3A_1248 = tpu.memref_squeeze %dma_start3A_1247 : memref<1x8x128xf32, #tpu.memory_space<hbm>> -> memref<8x128xf32, #tpu.memory_space<hbm>>
      %dma_start3A_1249 = arith.constant 32 : i32
      %dma_start3A_1250 = tpu.memref_slice %arg4[%select_n3A_1154, %dma_start3A_1249, %mul3A_1175] : memref<50x64x16384xf32, #tpu.memory_space<hbm>> -> memref<1x8x128xf32, #tpu.memory_space<hbm>>
      %dma_start3A_1251 = tpu.memref_squeeze %dma_start3A_1250 : memref<1x8x128xf32, #tpu.memory_space<hbm>> -> memref<8x128xf32, #tpu.memory_space<hbm>>
      %dma_start3A_1252 = arith.constant 0 : i32
      %dma_start3A_1253 = arith.constant 0 : i32
      %dma_start3A_1254 = tpu.memref_slice %arg7[%dma_start3A_1240, %dma_start3A_1241, %dma_start3A_1252, %dma_start3A_1253] : memref<4x8x8x128xf32, #tpu.memory_space<vmem>> -> memref<1x1x8x128xf32, #tpu.memory_space<vmem>>
      %dma_start3A_1255 = tpu.memref_squeeze %dma_start3A_1254 : memref<1x1x8x128xf32, #tpu.memory_space<vmem>> -> memref<8x128xf32, #tpu.memory_space<vmem>>
      tpu.enqueue_dma source(%dma_start3A_1255 : memref<8x128xf32, #tpu.memory_space<vmem>>) target(%dma_start3A_1251 : memref<8x128xf32, #tpu.memory_space<hbm>>) target_semaphore(%arg15 : memref<!tpu.dma_semaphore, #tpu.memory_space<semaphore_mem>>)
      %dma_start3A_1256 = arith.constant 3 : i32
      %dma_start3A_1257 = arith.constant 5 : i32
      %dma_start3A_1258 = arith.constant 0 : i32
      %dma_start3A_1259 = arith.constant 0 : i32
      %dma_start3A_1260 = tpu.memref_slice %arg7[%dma_start3A_1256, %dma_start3A_1257, %dma_start3A_1258, %dma_start3A_1259] : memref<4x8x8x128xf32, #tpu.memory_space<vmem>> -> memref<1x1x8x128xf32, #tpu.memory_space<vmem>>
      %dma_start3A_1261 = tpu.memref_squeeze %dma_start3A_1260 : memref<1x1x8x128xf32, #tpu.memory_space<vmem>> -> memref<8x128xf32, #tpu.memory_space<vmem>>
      %dma_start3A_1262 = arith.constant 40 : i32
      %dma_start3A_1263 = tpu.memref_slice %arg4[%select_n3A_1154, %dma_start3A_1262, %mul3A_1175] : memref<50x64x16384xf32, #tpu.memory_space<hbm>> -> memref<1x8x128xf32, #tpu.memory_space<hbm>>
      %dma_start3A_1264 = tpu.memref_squeeze %dma_start3A_1263 : memref<1x8x128xf32, #tpu.memory_space<hbm>> -> memref<8x128xf32, #tpu.memory_space<hbm>>
      %dma_start3A_1265 = arith.constant 40 : i32
      %dma_start3A_1266 = tpu.memref_slice %arg4[%select_n3A_1154, %dma_start3A_1265, %mul3A_1175] : memref<50x64x16384xf32, #tpu.memory_space<hbm>> -> memref<1x8x128xf32, #tpu.memory_space<hbm>>
      %dma_start3A_1267 = tpu.memref_squeeze %dma_start3A_1266 : memref<1x8x128xf32, #tpu.memory_space<hbm>> -> memref<8x128xf32, #tpu.memory_space<hbm>>
      %dma_start3A_1268 = arith.constant 0 : i32
      %dma_start3A_1269 = arith.constant 0 : i32
      %dma_start3A_1270 = tpu.memref_slice %arg7[%dma_start3A_1256, %dma_start3A_1257, %dma_start3A_1268, %dma_start3A_1269] : memref<4x8x8x128xf32, #tpu.memory_space<vmem>> -> memref<1x1x8x128xf32, #tpu.memory_space<vmem>>
      %dma_start3A_1271 = tpu.memref_squeeze %dma_start3A_1270 : memref<1x1x8x128xf32, #tpu.memory_space<vmem>> -> memref<8x128xf32, #tpu.memory_space<vmem>>
      tpu.enqueue_dma source(%dma_start3A_1271 : memref<8x128xf32, #tpu.memory_space<vmem>>) target(%dma_start3A_1267 : memref<8x128xf32, #tpu.memory_space<hbm>>) target_semaphore(%arg15 : memref<!tpu.dma_semaphore, #tpu.memory_space<semaphore_mem>>)
      %dma_start3A_1272 = arith.constant 3 : i32
      %dma_start3A_1273 = arith.constant 6 : i32
      %dma_start3A_1274 = arith.constant 0 : i32
      %dma_start3A_1275 = arith.constant 0 : i32
      %dma_start3A_1276 = tpu.memref_slice %arg7[%dma_start3A_1272, %dma_start3A_1273, %dma_start3A_1274, %dma_start3A_1275] : memref<4x8x8x128xf32, #tpu.memory_space<vmem>> -> memref<1x1x8x128xf32, #tpu.memory_space<vmem>>
      %dma_start3A_1277 = tpu.memref_squeeze %dma_start3A_1276 : memref<1x1x8x128xf32, #tpu.memory_space<vmem>> -> memref<8x128xf32, #tpu.memory_space<vmem>>
      %dma_start3A_1278 = arith.constant 48 : i32
      %dma_start3A_1279 = tpu.memref_slice %arg4[%select_n3A_1154, %dma_start3A_1278, %mul3A_1175] : memref<50x64x16384xf32, #tpu.memory_space<hbm>> -> memref<1x8x128xf32, #tpu.memory_space<hbm>>
      %dma_start3A_1280 = tpu.memref_squeeze %dma_start3A_1279 : memref<1x8x128xf32, #tpu.memory_space<hbm>> -> memref<8x128xf32, #tpu.memory_space<hbm>>
      %dma_start3A_1281 = arith.constant 48 : i32
      %dma_start3A_1282 = tpu.memref_slice %arg4[%select_n3A_1154, %dma_start3A_1281, %mul3A_1175] : memref<50x64x16384xf32, #tpu.memory_space<hbm>> -> memref<1x8x128xf32, #tpu.memory_space<hbm>>
      %dma_start3A_1283 = tpu.memref_squeeze %dma_start3A_1282 : memref<1x8x128xf32, #tpu.memory_space<hbm>> -> memref<8x128xf32, #tpu.memory_space<hbm>>
      %dma_start3A_1284 = arith.constant 0 : i32
      %dma_start3A_1285 = arith.constant 0 : i32
      %dma_start3A_1286 = tpu.memref_slice %arg7[%dma_start3A_1272, %dma_start3A_1273, %dma_start3A_1284, %dma_start3A_1285] : memref<4x8x8x128xf32, #tpu.memory_space<vmem>> -> memref<1x1x8x128xf32, #tpu.memory_space<vmem>>
      %dma_start3A_1287 = tpu.memref_squeeze %dma_start3A_1286 : memref<1x1x8x128xf32, #tpu.memory_space<vmem>> -> memref<8x128xf32, #tpu.memory_space<vmem>>
      tpu.enqueue_dma source(%dma_start3A_1287 : memref<8x128xf32, #tpu.memory_space<vmem>>) target(%dma_start3A_1283 : memref<8x128xf32, #tpu.memory_space<hbm>>) target_semaphore(%arg15 : memref<!tpu.dma_semaphore, #tpu.memory_space<semaphore_mem>>)
      %dma_start3A_1288 = arith.constant 3 : i32
      %dma_start3A_1289 = arith.constant 7 : i32
      %dma_start3A_1290 = arith.constant 0 : i32
      %dma_start3A_1291 = arith.constant 0 : i32
      %dma_start3A_1292 = tpu.memref_slice %arg7[%dma_start3A_1288, %dma_start3A_1289, %dma_start3A_1290, %dma_start3A_1291] : memref<4x8x8x128xf32, #tpu.memory_space<vmem>> -> memref<1x1x8x128xf32, #tpu.memory_space<vmem>>
      %dma_start3A_1293 = tpu.memref_squeeze %dma_start3A_1292 : memref<1x1x8x128xf32, #tpu.memory_space<vmem>> -> memref<8x128xf32, #tpu.memory_space<vmem>>
      %dma_start3A_1294 = arith.constant 56 : i32
      %dma_start3A_1295 = tpu.memref_slice %arg4[%select_n3A_1154, %dma_start3A_1294, %mul3A_1175] : memref<50x64x16384xf32, #tpu.memory_space<hbm>> -> memref<1x8x128xf32, #tpu.memory_space<hbm>>
      %dma_start3A_1296 = tpu.memref_squeeze %dma_start3A_1295 : memref<1x8x128xf32, #tpu.memory_space<hbm>> -> memref<8x128xf32, #tpu.memory_space<hbm>>
      %dma_start3A_1297 = arith.constant 56 : i32
      %dma_start3A_1298 = tpu.memref_slice %arg4[%select_n3A_1154, %dma_start3A_1297, %mul3A_1175] : memref<50x64x16384xf32, #tpu.memory_space<hbm>> -> memref<1x8x128xf32, #tpu.memory_space<hbm>>
      %dma_start3A_1299 = tpu.memref_squeeze %dma_start3A_1298 : memref<1x8x128xf32, #tpu.memory_space<hbm>> -> memref<8x128xf32, #tpu.memory_space<hbm>>
      %dma_start3A_1300 = arith.constant 0 : i32
      %dma_start3A_1301 = arith.constant 0 : i32
      %dma_start3A_1302 = tpu.memref_slice %arg7[%dma_start3A_1288, %dma_start3A_1289, %dma_start3A_1300, %dma_start3A_1301] : memref<4x8x8x128xf32, #tpu.memory_space<vmem>> -> memref<1x1x8x128xf32, #tpu.memory_space<vmem>>
      %dma_start3A_1303 = tpu.memref_squeeze %dma_start3A_1302 : memref<1x1x8x128xf32, #tpu.memory_space<vmem>> -> memref<8x128xf32, #tpu.memory_space<vmem>>
      tpu.enqueue_dma source(%dma_start3A_1303 : memref<8x128xf32, #tpu.memory_space<vmem>>) target(%dma_start3A_1299 : memref<8x128xf32, #tpu.memory_space<hbm>>) target_semaphore(%arg15 : memref<!tpu.dma_semaphore, #tpu.memory_space<semaphore_mem>>)
    }
    %scan3A_81 = arith.constant 50 : i32
    %mul3A_82 = arith.constant 4 : i32
    %mul3A_83 = arith.muli %add3A, %mul3A_82 : i32
    %add3A_84 = arith.constant 2 : i32
    %add3A_85 = arith.addi %mul3A_83, %add3A_84 : i32
    %mul3A_86 = arith.constant 128 : i32
    %mul3A_87 = arith.muli %add3A_85, %mul3A_86 : i32
    %dma_wait3A = arith.constant 2 : i32
    %dma_wait3A_88 = arith.constant 0 : i32
    %dma_wait3A_89 = arith.constant 49 : i32
    %dma_wait3A_90 = arith.constant 0 : i32
    %dma_wait3A_91 = arith.constant 0 : i32
    %dma_wait3A_92 = tpu.memref_slice %arg7[%dma_wait3A, %dma_wait3A_88, %dma_wait3A_90, %dma_wait3A_91] : memref<4x8x8x128xf32, #tpu.memory_space<vmem>> -> memref<1x1x8x128xf32, #tpu.memory_space<vmem>>
    %dma_wait3A_93 = tpu.memref_squeeze %dma_wait3A_92 : memref<1x1x8x128xf32, #tpu.memory_space<vmem>> -> memref<8x128xf32, #tpu.memory_space<vmem>>
    %dma_wait3A_94 = arith.constant 0 : i32
    %dma_wait3A_95 = tpu.memref_slice %arg4[%dma_wait3A_89, %dma_wait3A_94, %mul3A_87] : memref<50x64x16384xf32, #tpu.memory_space<hbm>> -> memref<1x8x128xf32, #tpu.memory_space<hbm>>
    %dma_wait3A_96 = tpu.memref_squeeze %dma_wait3A_95 : memref<1x8x128xf32, #tpu.memory_space<hbm>> -> memref<8x128xf32, #tpu.memory_space<hbm>>
    %dma_wait3A_97 = arith.constant 0 : i32
    %dma_wait3A_98 = tpu.memref_slice %arg4[%dma_wait3A_89, %dma_wait3A_97, %mul3A_87] : memref<50x64x16384xf32, #tpu.memory_space<hbm>> -> memref<1x8x128xf32, #tpu.memory_space<hbm>>
    %dma_wait3A_99 = tpu.memref_squeeze %dma_wait3A_98 : memref<1x8x128xf32, #tpu.memory_space<hbm>> -> memref<8x128xf32, #tpu.memory_space<hbm>>
    %dma_wait3A_100 = arith.constant 0 : i32
    %dma_wait3A_101 = arith.constant 0 : i32
    %dma_wait3A_102 = tpu.memref_slice %arg7[%dma_wait3A, %dma_wait3A_88, %dma_wait3A_100, %dma_wait3A_101] : memref<4x8x8x128xf32, #tpu.memory_space<vmem>> -> memref<1x1x8x128xf32, #tpu.memory_space<vmem>>
    %dma_wait3A_103 = tpu.memref_squeeze %dma_wait3A_102 : memref<1x1x8x128xf32, #tpu.memory_space<vmem>> -> memref<8x128xf32, #tpu.memory_space<vmem>>
    tpu.wait_dma2 semaphore(%arg14 : memref<!tpu.dma_semaphore, #tpu.memory_space<semaphore_mem>>) src(%dma_wait3A_103 : memref<8x128xf32, #tpu.memory_space<vmem>>) dst(%dma_wait3A_99 : memref<8x128xf32, #tpu.memory_space<hbm>>)
    %dma_wait3A_104 = arith.constant 2 : i32
    %dma_wait3A_105 = arith.constant 1 : i32
    %dma_wait3A_106 = arith.constant 49 : i32
    %dma_wait3A_107 = arith.constant 0 : i32
    %dma_wait3A_108 = arith.constant 0 : i32
    %dma_wait3A_109 = tpu.memref_slice %arg7[%dma_wait3A_104, %dma_wait3A_105, %dma_wait3A_107, %dma_wait3A_108] : memref<4x8x8x128xf32, #tpu.memory_space<vmem>> -> memref<1x1x8x128xf32, #tpu.memory_space<vmem>>
    %dma_wait3A_110 = tpu.memref_squeeze %dma_wait3A_109 : memref<1x1x8x128xf32, #tpu.memory_space<vmem>> -> memref<8x128xf32, #tpu.memory_space<vmem>>
    %dma_wait3A_111 = arith.constant 8 : i32
    %dma_wait3A_112 = tpu.memref_slice %arg4[%dma_wait3A_106, %dma_wait3A_111, %mul3A_87] : memref<50x64x16384xf32, #tpu.memory_space<hbm>> -> memref<1x8x128xf32, #tpu.memory_space<hbm>>
    %dma_wait3A_113 = tpu.memref_squeeze %dma_wait3A_112 : memref<1x8x128xf32, #tpu.memory_space<hbm>> -> memref<8x128xf32, #tpu.memory_space<hbm>>
    %dma_wait3A_114 = arith.constant 8 : i32
    %dma_wait3A_115 = tpu.memref_slice %arg4[%dma_wait3A_106, %dma_wait3A_114, %mul3A_87] : memref<50x64x16384xf32, #tpu.memory_space<hbm>> -> memref<1x8x128xf32, #tpu.memory_space<hbm>>
    %dma_wait3A_116 = tpu.memref_squeeze %dma_wait3A_115 : memref<1x8x128xf32, #tpu.memory_space<hbm>> -> memref<8x128xf32, #tpu.memory_space<hbm>>
    %dma_wait3A_117 = arith.constant 0 : i32
    %dma_wait3A_118 = arith.constant 0 : i32
    %dma_wait3A_119 = tpu.memref_slice %arg7[%dma_wait3A_104, %dma_wait3A_105, %dma_wait3A_117, %dma_wait3A_118] : memref<4x8x8x128xf32, #tpu.memory_space<vmem>> -> memref<1x1x8x128xf32, #tpu.memory_space<vmem>>
    %dma_wait3A_120 = tpu.memref_squeeze %dma_wait3A_119 : memref<1x1x8x128xf32, #tpu.memory_space<vmem>> -> memref<8x128xf32, #tpu.memory_space<vmem>>
    tpu.wait_dma2 semaphore(%arg14 : memref<!tpu.dma_semaphore, #tpu.memory_space<semaphore_mem>>) src(%dma_wait3A_120 : memref<8x128xf32, #tpu.memory_space<vmem>>) dst(%dma_wait3A_116 : memref<8x128xf32, #tpu.memory_space<hbm>>)
    %dma_wait3A_121 = arith.constant 2 : i32
    %dma_wait3A_122 = arith.constant 2 : i32
    %dma_wait3A_123 = arith.constant 49 : i32
    %dma_wait3A_124 = arith.constant 0 : i32
    %dma_wait3A_125 = arith.constant 0 : i32
    %dma_wait3A_126 = tpu.memref_slice %arg7[%dma_wait3A_121, %dma_wait3A_122, %dma_wait3A_124, %dma_wait3A_125] : memref<4x8x8x128xf32, #tpu.memory_space<vmem>> -> memref<1x1x8x128xf32, #tpu.memory_space<vmem>>
    %dma_wait3A_127 = tpu.memref_squeeze %dma_wait3A_126 : memref<1x1x8x128xf32, #tpu.memory_space<vmem>> -> memref<8x128xf32, #tpu.memory_space<vmem>>
    %dma_wait3A_128 = arith.constant 16 : i32
    %dma_wait3A_129 = tpu.memref_slice %arg4[%dma_wait3A_123, %dma_wait3A_128, %mul3A_87] : memref<50x64x16384xf32, #tpu.memory_space<hbm>> -> memref<1x8x128xf32, #tpu.memory_space<hbm>>
    %dma_wait3A_130 = tpu.memref_squeeze %dma_wait3A_129 : memref<1x8x128xf32, #tpu.memory_space<hbm>> -> memref<8x128xf32, #tpu.memory_space<hbm>>
    %dma_wait3A_131 = arith.constant 16 : i32
    %dma_wait3A_132 = tpu.memref_slice %arg4[%dma_wait3A_123, %dma_wait3A_131, %mul3A_87] : memref<50x64x16384xf32, #tpu.memory_space<hbm>> -> memref<1x8x128xf32, #tpu.memory_space<hbm>>
    %dma_wait3A_133 = tpu.memref_squeeze %dma_wait3A_132 : memref<1x8x128xf32, #tpu.memory_space<hbm>> -> memref<8x128xf32, #tpu.memory_space<hbm>>
    %dma_wait3A_134 = arith.constant 0 : i32
    %dma_wait3A_135 = arith.constant 0 : i32
    %dma_wait3A_136 = tpu.memref_slice %arg7[%dma_wait3A_121, %dma_wait3A_122, %dma_wait3A_134, %dma_wait3A_135] : memref<4x8x8x128xf32, #tpu.memory_space<vmem>> -> memref<1x1x8x128xf32, #tpu.memory_space<vmem>>
    %dma_wait3A_137 = tpu.memref_squeeze %dma_wait3A_136 : memref<1x1x8x128xf32, #tpu.memory_space<vmem>> -> memref<8x128xf32, #tpu.memory_space<vmem>>
    tpu.wait_dma2 semaphore(%arg14 : memref<!tpu.dma_semaphore, #tpu.memory_space<semaphore_mem>>) src(%dma_wait3A_137 : memref<8x128xf32, #tpu.memory_space<vmem>>) dst(%dma_wait3A_133 : memref<8x128xf32, #tpu.memory_space<hbm>>)
    %dma_wait3A_138 = arith.constant 2 : i32
    %dma_wait3A_139 = arith.constant 3 : i32
    %dma_wait3A_140 = arith.constant 49 : i32
    %dma_wait3A_141 = arith.constant 0 : i32
    %dma_wait3A_142 = arith.constant 0 : i32
    %dma_wait3A_143 = tpu.memref_slice %arg7[%dma_wait3A_138, %dma_wait3A_139, %dma_wait3A_141, %dma_wait3A_142] : memref<4x8x8x128xf32, #tpu.memory_space<vmem>> -> memref<1x1x8x128xf32, #tpu.memory_space<vmem>>
    %dma_wait3A_144 = tpu.memref_squeeze %dma_wait3A_143 : memref<1x1x8x128xf32, #tpu.memory_space<vmem>> -> memref<8x128xf32, #tpu.memory_space<vmem>>
    %dma_wait3A_145 = arith.constant 24 : i32
    %dma_wait3A_146 = tpu.memref_slice %arg4[%dma_wait3A_140, %dma_wait3A_145, %mul3A_87] : memref<50x64x16384xf32, #tpu.memory_space<hbm>> -> memref<1x8x128xf32, #tpu.memory_space<hbm>>
    %dma_wait3A_147 = tpu.memref_squeeze %dma_wait3A_146 : memref<1x8x128xf32, #tpu.memory_space<hbm>> -> memref<8x128xf32, #tpu.memory_space<hbm>>
    %dma_wait3A_148 = arith.constant 24 : i32
    %dma_wait3A_149 = tpu.memref_slice %arg4[%dma_wait3A_140, %dma_wait3A_148, %mul3A_87] : memref<50x64x16384xf32, #tpu.memory_space<hbm>> -> memref<1x8x128xf32, #tpu.memory_space<hbm>>
    %dma_wait3A_150 = tpu.memref_squeeze %dma_wait3A_149 : memref<1x8x128xf32, #tpu.memory_space<hbm>> -> memref<8x128xf32, #tpu.memory_space<hbm>>
    %dma_wait3A_151 = arith.constant 0 : i32
    %dma_wait3A_152 = arith.constant 0 : i32
    %dma_wait3A_153 = tpu.memref_slice %arg7[%dma_wait3A_138, %dma_wait3A_139, %dma_wait3A_151, %dma_wait3A_152] : memref<4x8x8x128xf32, #tpu.memory_space<vmem>> -> memref<1x1x8x128xf32, #tpu.memory_space<vmem>>
    %dma_wait3A_154 = tpu.memref_squeeze %dma_wait3A_153 : memref<1x1x8x128xf32, #tpu.memory_space<vmem>> -> memref<8x128xf32, #tpu.memory_space<vmem>>
    tpu.wait_dma2 semaphore(%arg14 : memref<!tpu.dma_semaphore, #tpu.memory_space<semaphore_mem>>) src(%dma_wait3A_154 : memref<8x128xf32, #tpu.memory_space<vmem>>) dst(%dma_wait3A_150 : memref<8x128xf32, #tpu.memory_space<hbm>>)
    %dma_wait3A_155 = arith.constant 2 : i32
    %dma_wait3A_156 = arith.constant 4 : i32
    %dma_wait3A_157 = arith.constant 49 : i32
    %dma_wait3A_158 = arith.constant 0 : i32
    %dma_wait3A_159 = arith.constant 0 : i32
    %dma_wait3A_160 = tpu.memref_slice %arg7[%dma_wait3A_155, %dma_wait3A_156, %dma_wait3A_158, %dma_wait3A_159] : memref<4x8x8x128xf32, #tpu.memory_space<vmem>> -> memref<1x1x8x128xf32, #tpu.memory_space<vmem>>
    %dma_wait3A_161 = tpu.memref_squeeze %dma_wait3A_160 : memref<1x1x8x128xf32, #tpu.memory_space<vmem>> -> memref<8x128xf32, #tpu.memory_space<vmem>>
    %dma_wait3A_162 = arith.constant 32 : i32
    %dma_wait3A_163 = tpu.memref_slice %arg4[%dma_wait3A_157, %dma_wait3A_162, %mul3A_87] : memref<50x64x16384xf32, #tpu.memory_space<hbm>> -> memref<1x8x128xf32, #tpu.memory_space<hbm>>
    %dma_wait3A_164 = tpu.memref_squeeze %dma_wait3A_163 : memref<1x8x128xf32, #tpu.memory_space<hbm>> -> memref<8x128xf32, #tpu.memory_space<hbm>>
    %dma_wait3A_165 = arith.constant 32 : i32
    %dma_wait3A_166 = tpu.memref_slice %arg4[%dma_wait3A_157, %dma_wait3A_165, %mul3A_87] : memref<50x64x16384xf32, #tpu.memory_space<hbm>> -> memref<1x8x128xf32, #tpu.memory_space<hbm>>
    %dma_wait3A_167 = tpu.memref_squeeze %dma_wait3A_166 : memref<1x8x128xf32, #tpu.memory_space<hbm>> -> memref<8x128xf32, #tpu.memory_space<hbm>>
    %dma_wait3A_168 = arith.constant 0 : i32
    %dma_wait3A_169 = arith.constant 0 : i32
    %dma_wait3A_170 = tpu.memref_slice %arg7[%dma_wait3A_155, %dma_wait3A_156, %dma_wait3A_168, %dma_wait3A_169] : memref<4x8x8x128xf32, #tpu.memory_space<vmem>> -> memref<1x1x8x128xf32, #tpu.memory_space<vmem>>
    %dma_wait3A_171 = tpu.memref_squeeze %dma_wait3A_170 : memref<1x1x8x128xf32, #tpu.memory_space<vmem>> -> memref<8x128xf32, #tpu.memory_space<vmem>>
    tpu.wait_dma2 semaphore(%arg14 : memref<!tpu.dma_semaphore, #tpu.memory_space<semaphore_mem>>) src(%dma_wait3A_171 : memref<8x128xf32, #tpu.memory_space<vmem>>) dst(%dma_wait3A_167 : memref<8x128xf32, #tpu.memory_space<hbm>>)
    %dma_wait3A_172 = arith.constant 2 : i32
    %dma_wait3A_173 = arith.constant 5 : i32
    %dma_wait3A_174 = arith.constant 49 : i32
    %dma_wait3A_175 = arith.constant 0 : i32
    %dma_wait3A_176 = arith.constant 0 : i32
    %dma_wait3A_177 = tpu.memref_slice %arg7[%dma_wait3A_172, %dma_wait3A_173, %dma_wait3A_175, %dma_wait3A_176] : memref<4x8x8x128xf32, #tpu.memory_space<vmem>> -> memref<1x1x8x128xf32, #tpu.memory_space<vmem>>
    %dma_wait3A_178 = tpu.memref_squeeze %dma_wait3A_177 : memref<1x1x8x128xf32, #tpu.memory_space<vmem>> -> memref<8x128xf32, #tpu.memory_space<vmem>>
    %dma_wait3A_179 = arith.constant 40 : i32
    %dma_wait3A_180 = tpu.memref_slice %arg4[%dma_wait3A_174, %dma_wait3A_179, %mul3A_87] : memref<50x64x16384xf32, #tpu.memory_space<hbm>> -> memref<1x8x128xf32, #tpu.memory_space<hbm>>
    %dma_wait3A_181 = tpu.memref_squeeze %dma_wait3A_180 : memref<1x8x128xf32, #tpu.memory_space<hbm>> -> memref<8x128xf32, #tpu.memory_space<hbm>>
    %dma_wait3A_182 = arith.constant 40 : i32
    %dma_wait3A_183 = tpu.memref_slice %arg4[%dma_wait3A_174, %dma_wait3A_182, %mul3A_87] : memref<50x64x16384xf32, #tpu.memory_space<hbm>> -> memref<1x8x128xf32, #tpu.memory_space<hbm>>
    %dma_wait3A_184 = tpu.memref_squeeze %dma_wait3A_183 : memref<1x8x128xf32, #tpu.memory_space<hbm>> -> memref<8x128xf32, #tpu.memory_space<hbm>>
    %dma_wait3A_185 = arith.constant 0 : i32
    %dma_wait3A_186 = arith.constant 0 : i32
    %dma_wait3A_187 = tpu.memref_slice %arg7[%dma_wait3A_172, %dma_wait3A_173, %dma_wait3A_185, %dma_wait3A_186] : memref<4x8x8x128xf32, #tpu.memory_space<vmem>> -> memref<1x1x8x128xf32, #tpu.memory_space<vmem>>
    %dma_wait3A_188 = tpu.memref_squeeze %dma_wait3A_187 : memref<1x1x8x128xf32, #tpu.memory_space<vmem>> -> memref<8x128xf32, #tpu.memory_space<vmem>>
    tpu.wait_dma2 semaphore(%arg14 : memref<!tpu.dma_semaphore, #tpu.memory_space<semaphore_mem>>) src(%dma_wait3A_188 : memref<8x128xf32, #tpu.memory_space<vmem>>) dst(%dma_wait3A_184 : memref<8x128xf32, #tpu.memory_space<hbm>>)
    %dma_wait3A_189 = arith.constant 2 : i32
    %dma_wait3A_190 = arith.constant 6 : i32
    %dma_wait3A_191 = arith.constant 49 : i32
    %dma_wait3A_192 = arith.constant 0 : i32
    %dma_wait3A_193 = arith.constant 0 : i32
    %dma_wait3A_194 = tpu.memref_slice %arg7[%dma_wait3A_189, %dma_wait3A_190, %dma_wait3A_192, %dma_wait3A_193] : memref<4x8x8x128xf32, #tpu.memory_space<vmem>> -> memref<1x1x8x128xf32, #tpu.memory_space<vmem>>
    %dma_wait3A_195 = tpu.memref_squeeze %dma_wait3A_194 : memref<1x1x8x128xf32, #tpu.memory_space<vmem>> -> memref<8x128xf32, #tpu.memory_space<vmem>>
    %dma_wait3A_196 = arith.constant 48 : i32
    %dma_wait3A_197 = tpu.memref_slice %arg4[%dma_wait3A_191, %dma_wait3A_196, %mul3A_87] : memref<50x64x16384xf32, #tpu.memory_space<hbm>> -> memref<1x8x128xf32, #tpu.memory_space<hbm>>
    %dma_wait3A_198 = tpu.memref_squeeze %dma_wait3A_197 : memref<1x8x128xf32, #tpu.memory_space<hbm>> -> memref<8x128xf32, #tpu.memory_space<hbm>>
    %dma_wait3A_199 = arith.constant 48 : i32
    %dma_wait3A_200 = tpu.memref_slice %arg4[%dma_wait3A_191, %dma_wait3A_199, %mul3A_87] : memref<50x64x16384xf32, #tpu.memory_space<hbm>> -> memref<1x8x128xf32, #tpu.memory_space<hbm>>
    %dma_wait3A_201 = tpu.memref_squeeze %dma_wait3A_200 : memref<1x8x128xf32, #tpu.memory_space<hbm>> -> memref<8x128xf32, #tpu.memory_space<hbm>>
    %dma_wait3A_202 = arith.constant 0 : i32
    %dma_wait3A_203 = arith.constant 0 : i32
    %dma_wait3A_204 = tpu.memref_slice %arg7[%dma_wait3A_189, %dma_wait3A_190, %dma_wait3A_202, %dma_wait3A_203] : memref<4x8x8x128xf32, #tpu.memory_space<vmem>> -> memref<1x1x8x128xf32, #tpu.memory_space<vmem>>
    %dma_wait3A_205 = tpu.memref_squeeze %dma_wait3A_204 : memref<1x1x8x128xf32, #tpu.memory_space<vmem>> -> memref<8x128xf32, #tpu.memory_space<vmem>>
    tpu.wait_dma2 semaphore(%arg14 : memref<!tpu.dma_semaphore, #tpu.memory_space<semaphore_mem>>) src(%dma_wait3A_205 : memref<8x128xf32, #tpu.memory_space<vmem>>) dst(%dma_wait3A_201 : memref<8x128xf32, #tpu.memory_space<hbm>>)
    %dma_wait3A_206 = arith.constant 2 : i32
    %dma_wait3A_207 = arith.constant 7 : i32
    %dma_wait3A_208 = arith.constant 49 : i32
    %dma_wait3A_209 = arith.constant 0 : i32
    %dma_wait3A_210 = arith.constant 0 : i32
    %dma_wait3A_211 = tpu.memref_slice %arg7[%dma_wait3A_206, %dma_wait3A_207, %dma_wait3A_209, %dma_wait3A_210] : memref<4x8x8x128xf32, #tpu.memory_space<vmem>> -> memref<1x1x8x128xf32, #tpu.memory_space<vmem>>
    %dma_wait3A_212 = tpu.memref_squeeze %dma_wait3A_211 : memref<1x1x8x128xf32, #tpu.memory_space<vmem>> -> memref<8x128xf32, #tpu.memory_space<vmem>>
    %dma_wait3A_213 = arith.constant 56 : i32
    %dma_wait3A_214 = tpu.memref_slice %arg4[%dma_wait3A_208, %dma_wait3A_213, %mul3A_87] : memref<50x64x16384xf32, #tpu.memory_space<hbm>> -> memref<1x8x128xf32, #tpu.memory_space<hbm>>
    %dma_wait3A_215 = tpu.memref_squeeze %dma_wait3A_214 : memref<1x8x128xf32, #tpu.memory_space<hbm>> -> memref<8x128xf32, #tpu.memory_space<hbm>>
    %dma_wait3A_216 = arith.constant 56 : i32
    %dma_wait3A_217 = tpu.memref_slice %arg4[%dma_wait3A_208, %dma_wait3A_216, %mul3A_87] : memref<50x64x16384xf32, #tpu.memory_space<hbm>> -> memref<1x8x128xf32, #tpu.memory_space<hbm>>
    %dma_wait3A_218 = tpu.memref_squeeze %dma_wait3A_217 : memref<1x8x128xf32, #tpu.memory_space<hbm>> -> memref<8x128xf32, #tpu.memory_space<hbm>>
    %dma_wait3A_219 = arith.constant 0 : i32
    %dma_wait3A_220 = arith.constant 0 : i32
    %dma_wait3A_221 = tpu.memref_slice %arg7[%dma_wait3A_206, %dma_wait3A_207, %dma_wait3A_219, %dma_wait3A_220] : memref<4x8x8x128xf32, #tpu.memory_space<vmem>> -> memref<1x1x8x128xf32, #tpu.memory_space<vmem>>
    %dma_wait3A_222 = tpu.memref_squeeze %dma_wait3A_221 : memref<1x1x8x128xf32, #tpu.memory_space<vmem>> -> memref<8x128xf32, #tpu.memory_space<vmem>>
    tpu.wait_dma2 semaphore(%arg14 : memref<!tpu.dma_semaphore, #tpu.memory_space<semaphore_mem>>) src(%dma_wait3A_222 : memref<8x128xf32, #tpu.memory_space<vmem>>) dst(%dma_wait3A_218 : memref<8x128xf32, #tpu.memory_space<hbm>>)
    %mul3A_223 = arith.constant 4 : i32
    %mul3A_224 = arith.muli %add3A, %mul3A_223 : i32
    %add3A_225 = arith.constant 3 : i32
    %add3A_226 = arith.addi %mul3A_224, %add3A_225 : i32
    %mul3A_227 = arith.constant 128 : i32
    %mul3A_228 = arith.muli %add3A_226, %mul3A_227 : i32
    %dma_wait3A_229 = arith.constant 3 : i32
    %dma_wait3A_230 = arith.constant 0 : i32
    %dma_wait3A_231 = arith.constant 49 : i32
    %dma_wait3A_232 = arith.constant 0 : i32
    %dma_wait3A_233 = arith.constant 0 : i32
    %dma_wait3A_234 = tpu.memref_slice %arg7[%dma_wait3A_229, %dma_wait3A_230, %dma_wait3A_232, %dma_wait3A_233] : memref<4x8x8x128xf32, #tpu.memory_space<vmem>> -> memref<1x1x8x128xf32, #tpu.memory_space<vmem>>
    %dma_wait3A_235 = tpu.memref_squeeze %dma_wait3A_234 : memref<1x1x8x128xf32, #tpu.memory_space<vmem>> -> memref<8x128xf32, #tpu.memory_space<vmem>>
    %dma_wait3A_236 = arith.constant 0 : i32
    %dma_wait3A_237 = tpu.memref_slice %arg4[%dma_wait3A_231, %dma_wait3A_236, %mul3A_228] : memref<50x64x16384xf32, #tpu.memory_space<hbm>> -> memref<1x8x128xf32, #tpu.memory_space<hbm>>
    %dma_wait3A_238 = tpu.memref_squeeze %dma_wait3A_237 : memref<1x8x128xf32, #tpu.memory_space<hbm>> -> memref<8x128xf32, #tpu.memory_space<hbm>>
    %dma_wait3A_239 = arith.constant 0 : i32
    %dma_wait3A_240 = tpu.memref_slice %arg4[%dma_wait3A_231, %dma_wait3A_239, %mul3A_228] : memref<50x64x16384xf32, #tpu.memory_space<hbm>> -> memref<1x8x128xf32, #tpu.memory_space<hbm>>
    %dma_wait3A_241 = tpu.memref_squeeze %dma_wait3A_240 : memref<1x8x128xf32, #tpu.memory_space<hbm>> -> memref<8x128xf32, #tpu.memory_space<hbm>>
    %dma_wait3A_242 = arith.constant 0 : i32
    %dma_wait3A_243 = arith.constant 0 : i32
    %dma_wait3A_244 = tpu.memref_slice %arg7[%dma_wait3A_229, %dma_wait3A_230, %dma_wait3A_242, %dma_wait3A_243] : memref<4x8x8x128xf32, #tpu.memory_space<vmem>> -> memref<1x1x8x128xf32, #tpu.memory_space<vmem>>
    %dma_wait3A_245 = tpu.memref_squeeze %dma_wait3A_244 : memref<1x1x8x128xf32, #tpu.memory_space<vmem>> -> memref<8x128xf32, #tpu.memory_space<vmem>>
    tpu.wait_dma2 semaphore(%arg15 : memref<!tpu.dma_semaphore, #tpu.memory_space<semaphore_mem>>) src(%dma_wait3A_245 : memref<8x128xf32, #tpu.memory_space<vmem>>) dst(%dma_wait3A_241 : memref<8x128xf32, #tpu.memory_space<hbm>>)
    %dma_wait3A_246 = arith.constant 3 : i32
    %dma_wait3A_247 = arith.constant 1 : i32
    %dma_wait3A_248 = arith.constant 49 : i32
    %dma_wait3A_249 = arith.constant 0 : i32
    %dma_wait3A_250 = arith.constant 0 : i32
    %dma_wait3A_251 = tpu.memref_slice %arg7[%dma_wait3A_246, %dma_wait3A_247, %dma_wait3A_249, %dma_wait3A_250] : memref<4x8x8x128xf32, #tpu.memory_space<vmem>> -> memref<1x1x8x128xf32, #tpu.memory_space<vmem>>
    %dma_wait3A_252 = tpu.memref_squeeze %dma_wait3A_251 : memref<1x1x8x128xf32, #tpu.memory_space<vmem>> -> memref<8x128xf32, #tpu.memory_space<vmem>>
    %dma_wait3A_253 = arith.constant 8 : i32
    %dma_wait3A_254 = tpu.memref_slice %arg4[%dma_wait3A_248, %dma_wait3A_253, %mul3A_228] : memref<50x64x16384xf32, #tpu.memory_space<hbm>> -> memref<1x8x128xf32, #tpu.memory_space<hbm>>
    %dma_wait3A_255 = tpu.memref_squeeze %dma_wait3A_254 : memref<1x8x128xf32, #tpu.memory_space<hbm>> -> memref<8x128xf32, #tpu.memory_space<hbm>>
    %dma_wait3A_256 = arith.constant 8 : i32
    %dma_wait3A_257 = tpu.memref_slice %arg4[%dma_wait3A_248, %dma_wait3A_256, %mul3A_228] : memref<50x64x16384xf32, #tpu.memory_space<hbm>> -> memref<1x8x128xf32, #tpu.memory_space<hbm>>
    %dma_wait3A_258 = tpu.memref_squeeze %dma_wait3A_257 : memref<1x8x128xf32, #tpu.memory_space<hbm>> -> memref<8x128xf32, #tpu.memory_space<hbm>>
    %dma_wait3A_259 = arith.constant 0 : i32
    %dma_wait3A_260 = arith.constant 0 : i32
    %dma_wait3A_261 = tpu.memref_slice %arg7[%dma_wait3A_246, %dma_wait3A_247, %dma_wait3A_259, %dma_wait3A_260] : memref<4x8x8x128xf32, #tpu.memory_space<vmem>> -> memref<1x1x8x128xf32, #tpu.memory_space<vmem>>
    %dma_wait3A_262 = tpu.memref_squeeze %dma_wait3A_261 : memref<1x1x8x128xf32, #tpu.memory_space<vmem>> -> memref<8x128xf32, #tpu.memory_space<vmem>>
    tpu.wait_dma2 semaphore(%arg15 : memref<!tpu.dma_semaphore, #tpu.memory_space<semaphore_mem>>) src(%dma_wait3A_262 : memref<8x128xf32, #tpu.memory_space<vmem>>) dst(%dma_wait3A_258 : memref<8x128xf32, #tpu.memory_space<hbm>>)
    %dma_wait3A_263 = arith.constant 3 : i32
    %dma_wait3A_264 = arith.constant 2 : i32
    %dma_wait3A_265 = arith.constant 49 : i32
    %dma_wait3A_266 = arith.constant 0 : i32
    %dma_wait3A_267 = arith.constant 0 : i32
    %dma_wait3A_268 = tpu.memref_slice %arg7[%dma_wait3A_263, %dma_wait3A_264, %dma_wait3A_266, %dma_wait3A_267] : memref<4x8x8x128xf32, #tpu.memory_space<vmem>> -> memref<1x1x8x128xf32, #tpu.memory_space<vmem>>
    %dma_wait3A_269 = tpu.memref_squeeze %dma_wait3A_268 : memref<1x1x8x128xf32, #tpu.memory_space<vmem>> -> memref<8x128xf32, #tpu.memory_space<vmem>>
    %dma_wait3A_270 = arith.constant 16 : i32
    %dma_wait3A_271 = tpu.memref_slice %arg4[%dma_wait3A_265, %dma_wait3A_270, %mul3A_228] : memref<50x64x16384xf32, #tpu.memory_space<hbm>> -> memref<1x8x128xf32, #tpu.memory_space<hbm>>
    %dma_wait3A_272 = tpu.memref_squeeze %dma_wait3A_271 : memref<1x8x128xf32, #tpu.memory_space<hbm>> -> memref<8x128xf32, #tpu.memory_space<hbm>>
    %dma_wait3A_273 = arith.constant 16 : i32
    %dma_wait3A_274 = tpu.memref_slice %arg4[%dma_wait3A_265, %dma_wait3A_273, %mul3A_228] : memref<50x64x16384xf32, #tpu.memory_space<hbm>> -> memref<1x8x128xf32, #tpu.memory_space<hbm>>
    %dma_wait3A_275 = tpu.memref_squeeze %dma_wait3A_274 : memref<1x8x128xf32, #tpu.memory_space<hbm>> -> memref<8x128xf32, #tpu.memory_space<hbm>>
    %dma_wait3A_276 = arith.constant 0 : i32
    %dma_wait3A_277 = arith.constant 0 : i32
    %dma_wait3A_278 = tpu.memref_slice %arg7[%dma_wait3A_263, %dma_wait3A_264, %dma_wait3A_276, %dma_wait3A_277] : memref<4x8x8x128xf32, #tpu.memory_space<vmem>> -> memref<1x1x8x128xf32, #tpu.memory_space<vmem>>
    %dma_wait3A_279 = tpu.memref_squeeze %dma_wait3A_278 : memref<1x1x8x128xf32, #tpu.memory_space<vmem>> -> memref<8x128xf32, #tpu.memory_space<vmem>>
    tpu.wait_dma2 semaphore(%arg15 : memref<!tpu.dma_semaphore, #tpu.memory_space<semaphore_mem>>) src(%dma_wait3A_279 : memref<8x128xf32, #tpu.memory_space<vmem>>) dst(%dma_wait3A_275 : memref<8x128xf32, #tpu.memory_space<hbm>>)
    %dma_wait3A_280 = arith.constant 3 : i32
    %dma_wait3A_281 = arith.constant 3 : i32
    %dma_wait3A_282 = arith.constant 49 : i32
    %dma_wait3A_283 = arith.constant 0 : i32
    %dma_wait3A_284 = arith.constant 0 : i32
    %dma_wait3A_285 = tpu.memref_slice %arg7[%dma_wait3A_280, %dma_wait3A_281, %dma_wait3A_283, %dma_wait3A_284] : memref<4x8x8x128xf32, #tpu.memory_space<vmem>> -> memref<1x1x8x128xf32, #tpu.memory_space<vmem>>
    %dma_wait3A_286 = tpu.memref_squeeze %dma_wait3A_285 : memref<1x1x8x128xf32, #tpu.memory_space<vmem>> -> memref<8x128xf32, #tpu.memory_space<vmem>>
    %dma_wait3A_287 = arith.constant 24 : i32
    %dma_wait3A_288 = tpu.memref_slice %arg4[%dma_wait3A_282, %dma_wait3A_287, %mul3A_228] : memref<50x64x16384xf32, #tpu.memory_space<hbm>> -> memref<1x8x128xf32, #tpu.memory_space<hbm>>
    %dma_wait3A_289 = tpu.memref_squeeze %dma_wait3A_288 : memref<1x8x128xf32, #tpu.memory_space<hbm>> -> memref<8x128xf32, #tpu.memory_space<hbm>>
    %dma_wait3A_290 = arith.constant 24 : i32
    %dma_wait3A_291 = tpu.memref_slice %arg4[%dma_wait3A_282, %dma_wait3A_290, %mul3A_228] : memref<50x64x16384xf32, #tpu.memory_space<hbm>> -> memref<1x8x128xf32, #tpu.memory_space<hbm>>
    %dma_wait3A_292 = tpu.memref_squeeze %dma_wait3A_291 : memref<1x8x128xf32, #tpu.memory_space<hbm>> -> memref<8x128xf32, #tpu.memory_space<hbm>>
    %dma_wait3A_293 = arith.constant 0 : i32
    %dma_wait3A_294 = arith.constant 0 : i32
    %dma_wait3A_295 = tpu.memref_slice %arg7[%dma_wait3A_280, %dma_wait3A_281, %dma_wait3A_293, %dma_wait3A_294] : memref<4x8x8x128xf32, #tpu.memory_space<vmem>> -> memref<1x1x8x128xf32, #tpu.memory_space<vmem>>
    %dma_wait3A_296 = tpu.memref_squeeze %dma_wait3A_295 : memref<1x1x8x128xf32, #tpu.memory_space<vmem>> -> memref<8x128xf32, #tpu.memory_space<vmem>>
    tpu.wait_dma2 semaphore(%arg15 : memref<!tpu.dma_semaphore, #tpu.memory_space<semaphore_mem>>) src(%dma_wait3A_296 : memref<8x128xf32, #tpu.memory_space<vmem>>) dst(%dma_wait3A_292 : memref<8x128xf32, #tpu.memory_space<hbm>>)
    %dma_wait3A_297 = arith.constant 3 : i32
    %dma_wait3A_298 = arith.constant 4 : i32
    %dma_wait3A_299 = arith.constant 49 : i32
    %dma_wait3A_300 = arith.constant 0 : i32
    %dma_wait3A_301 = arith.constant 0 : i32
    %dma_wait3A_302 = tpu.memref_slice %arg7[%dma_wait3A_297, %dma_wait3A_298, %dma_wait3A_300, %dma_wait3A_301] : memref<4x8x8x128xf32, #tpu.memory_space<vmem>> -> memref<1x1x8x128xf32, #tpu.memory_space<vmem>>
    %dma_wait3A_303 = tpu.memref_squeeze %dma_wait3A_302 : memref<1x1x8x128xf32, #tpu.memory_space<vmem>> -> memref<8x128xf32, #tpu.memory_space<vmem>>
    %dma_wait3A_304 = arith.constant 32 : i32
    %dma_wait3A_305 = tpu.memref_slice %arg4[%dma_wait3A_299, %dma_wait3A_304, %mul3A_228] : memref<50x64x16384xf32, #tpu.memory_space<hbm>> -> memref<1x8x128xf32, #tpu.memory_space<hbm>>
    %dma_wait3A_306 = tpu.memref_squeeze %dma_wait3A_305 : memref<1x8x128xf32, #tpu.memory_space<hbm>> -> memref<8x128xf32, #tpu.memory_space<hbm>>
    %dma_wait3A_307 = arith.constant 32 : i32
    %dma_wait3A_308 = tpu.memref_slice %arg4[%dma_wait3A_299, %dma_wait3A_307, %mul3A_228] : memref<50x64x16384xf32, #tpu.memory_space<hbm>> -> memref<1x8x128xf32, #tpu.memory_space<hbm>>
    %dma_wait3A_309 = tpu.memref_squeeze %dma_wait3A_308 : memref<1x8x128xf32, #tpu.memory_space<hbm>> -> memref<8x128xf32, #tpu.memory_space<hbm>>
    %dma_wait3A_310 = arith.constant 0 : i32
    %dma_wait3A_311 = arith.constant 0 : i32
    %dma_wait3A_312 = tpu.memref_slice %arg7[%dma_wait3A_297, %dma_wait3A_298, %dma_wait3A_310, %dma_wait3A_311] : memref<4x8x8x128xf32, #tpu.memory_space<vmem>> -> memref<1x1x8x128xf32, #tpu.memory_space<vmem>>
    %dma_wait3A_313 = tpu.memref_squeeze %dma_wait3A_312 : memref<1x1x8x128xf32, #tpu.memory_space<vmem>> -> memref<8x128xf32, #tpu.memory_space<vmem>>
    tpu.wait_dma2 semaphore(%arg15 : memref<!tpu.dma_semaphore, #tpu.memory_space<semaphore_mem>>) src(%dma_wait3A_313 : memref<8x128xf32, #tpu.memory_space<vmem>>) dst(%dma_wait3A_309 : memref<8x128xf32, #tpu.memory_space<hbm>>)
    %dma_wait3A_314 = arith.constant 3 : i32
    %dma_wait3A_315 = arith.constant 5 : i32
    %dma_wait3A_316 = arith.constant 49 : i32
    %dma_wait3A_317 = arith.constant 0 : i32
    %dma_wait3A_318 = arith.constant 0 : i32
    %dma_wait3A_319 = tpu.memref_slice %arg7[%dma_wait3A_314, %dma_wait3A_315, %dma_wait3A_317, %dma_wait3A_318] : memref<4x8x8x128xf32, #tpu.memory_space<vmem>> -> memref<1x1x8x128xf32, #tpu.memory_space<vmem>>
    %dma_wait3A_320 = tpu.memref_squeeze %dma_wait3A_319 : memref<1x1x8x128xf32, #tpu.memory_space<vmem>> -> memref<8x128xf32, #tpu.memory_space<vmem>>
    %dma_wait3A_321 = arith.constant 40 : i32
    %dma_wait3A_322 = tpu.memref_slice %arg4[%dma_wait3A_316, %dma_wait3A_321, %mul3A_228] : memref<50x64x16384xf32, #tpu.memory_space<hbm>> -> memref<1x8x128xf32, #tpu.memory_space<hbm>>
    %dma_wait3A_323 = tpu.memref_squeeze %dma_wait3A_322 : memref<1x8x128xf32, #tpu.memory_space<hbm>> -> memref<8x128xf32, #tpu.memory_space<hbm>>
    %dma_wait3A_324 = arith.constant 40 : i32
    %dma_wait3A_325 = tpu.memref_slice %arg4[%dma_wait3A_316, %dma_wait3A_324, %mul3A_228] : memref<50x64x16384xf32, #tpu.memory_space<hbm>> -> memref<1x8x128xf32, #tpu.memory_space<hbm>>
    %dma_wait3A_326 = tpu.memref_squeeze %dma_wait3A_325 : memref<1x8x128xf32, #tpu.memory_space<hbm>> -> memref<8x128xf32, #tpu.memory_space<hbm>>
    %dma_wait3A_327 = arith.constant 0 : i32
    %dma_wait3A_328 = arith.constant 0 : i32
    %dma_wait3A_329 = tpu.memref_slice %arg7[%dma_wait3A_314, %dma_wait3A_315, %dma_wait3A_327, %dma_wait3A_328] : memref<4x8x8x128xf32, #tpu.memory_space<vmem>> -> memref<1x1x8x128xf32, #tpu.memory_space<vmem>>
    %dma_wait3A_330 = tpu.memref_squeeze %dma_wait3A_329 : memref<1x1x8x128xf32, #tpu.memory_space<vmem>> -> memref<8x128xf32, #tpu.memory_space<vmem>>
    tpu.wait_dma2 semaphore(%arg15 : memref<!tpu.dma_semaphore, #tpu.memory_space<semaphore_mem>>) src(%dma_wait3A_330 : memref<8x128xf32, #tpu.memory_space<vmem>>) dst(%dma_wait3A_326 : memref<8x128xf32, #tpu.memory_space<hbm>>)
    %dma_wait3A_331 = arith.constant 3 : i32
    %dma_wait3A_332 = arith.constant 6 : i32
    %dma_wait3A_333 = arith.constant 49 : i32
    %dma_wait3A_334 = arith.constant 0 : i32
    %dma_wait3A_335 = arith.constant 0 : i32
    %dma_wait3A_336 = tpu.memref_slice %arg7[%dma_wait3A_331, %dma_wait3A_332, %dma_wait3A_334, %dma_wait3A_335] : memref<4x8x8x128xf32, #tpu.memory_space<vmem>> -> memref<1x1x8x128xf32, #tpu.memory_space<vmem>>
    %dma_wait3A_337 = tpu.memref_squeeze %dma_wait3A_336 : memref<1x1x8x128xf32, #tpu.memory_space<vmem>> -> memref<8x128xf32, #tpu.memory_space<vmem>>
    %dma_wait3A_338 = arith.constant 48 : i32
    %dma_wait3A_339 = tpu.memref_slice %arg4[%dma_wait3A_333, %dma_wait3A_338, %mul3A_228] : memref<50x64x16384xf32, #tpu.memory_space<hbm>> -> memref<1x8x128xf32, #tpu.memory_space<hbm>>
    %dma_wait3A_340 = tpu.memref_squeeze %dma_wait3A_339 : memref<1x8x128xf32, #tpu.memory_space<hbm>> -> memref<8x128xf32, #tpu.memory_space<hbm>>
    %dma_wait3A_341 = arith.constant 48 : i32
    %dma_wait3A_342 = tpu.memref_slice %arg4[%dma_wait3A_333, %dma_wait3A_341, %mul3A_228] : memref<50x64x16384xf32, #tpu.memory_space<hbm>> -> memref<1x8x128xf32, #tpu.memory_space<hbm>>
    %dma_wait3A_343 = tpu.memref_squeeze %dma_wait3A_342 : memref<1x8x128xf32, #tpu.memory_space<hbm>> -> memref<8x128xf32, #tpu.memory_space<hbm>>
    %dma_wait3A_344 = arith.constant 0 : i32
    %dma_wait3A_345 = arith.constant 0 : i32
    %dma_wait3A_346 = tpu.memref_slice %arg7[%dma_wait3A_331, %dma_wait3A_332, %dma_wait3A_344, %dma_wait3A_345] : memref<4x8x8x128xf32, #tpu.memory_space<vmem>> -> memref<1x1x8x128xf32, #tpu.memory_space<vmem>>
    %dma_wait3A_347 = tpu.memref_squeeze %dma_wait3A_346 : memref<1x1x8x128xf32, #tpu.memory_space<vmem>> -> memref<8x128xf32, #tpu.memory_space<vmem>>
    tpu.wait_dma2 semaphore(%arg15 : memref<!tpu.dma_semaphore, #tpu.memory_space<semaphore_mem>>) src(%dma_wait3A_347 : memref<8x128xf32, #tpu.memory_space<vmem>>) dst(%dma_wait3A_343 : memref<8x128xf32, #tpu.memory_space<hbm>>)
    %dma_wait3A_348 = arith.constant 3 : i32
    %dma_wait3A_349 = arith.constant 7 : i32
    %dma_wait3A_350 = arith.constant 49 : i32
    %dma_wait3A_351 = arith.constant 0 : i32
    %dma_wait3A_352 = arith.constant 0 : i32
    %dma_wait3A_353 = tpu.memref_slice %arg7[%dma_wait3A_348, %dma_wait3A_349, %dma_wait3A_351, %dma_wait3A_352] : memref<4x8x8x128xf32, #tpu.memory_space<vmem>> -> memref<1x1x8x128xf32, #tpu.memory_space<vmem>>
    %dma_wait3A_354 = tpu.memref_squeeze %dma_wait3A_353 : memref<1x1x8x128xf32, #tpu.memory_space<vmem>> -> memref<8x128xf32, #tpu.memory_space<vmem>>
    %dma_wait3A_355 = arith.constant 56 : i32
    %dma_wait3A_356 = tpu.memref_slice %arg4[%dma_wait3A_350, %dma_wait3A_355, %mul3A_228] : memref<50x64x16384xf32, #tpu.memory_space<hbm>> -> memref<1x8x128xf32, #tpu.memory_space<hbm>>
    %dma_wait3A_357 = tpu.memref_squeeze %dma_wait3A_356 : memref<1x8x128xf32, #tpu.memory_space<hbm>> -> memref<8x128xf32, #tpu.memory_space<hbm>>
    %dma_wait3A_358 = arith.constant 56 : i32
    %dma_wait3A_359 = tpu.memref_slice %arg4[%dma_wait3A_350, %dma_wait3A_358, %mul3A_228] : memref<50x64x16384xf32, #tpu.memory_space<hbm>> -> memref<1x8x128xf32, #tpu.memory_space<hbm>>
    %dma_wait3A_360 = tpu.memref_squeeze %dma_wait3A_359 : memref<1x8x128xf32, #tpu.memory_space<hbm>> -> memref<8x128xf32, #tpu.memory_space<hbm>>
    %dma_wait3A_361 = arith.constant 0 : i32
    %dma_wait3A_362 = arith.constant 0 : i32
    %dma_wait3A_363 = tpu.memref_slice %arg7[%dma_wait3A_348, %dma_wait3A_349, %dma_wait3A_361, %dma_wait3A_362] : memref<4x8x8x128xf32, #tpu.memory_space<vmem>> -> memref<1x1x8x128xf32, #tpu.memory_space<vmem>>
    %dma_wait3A_364 = tpu.memref_squeeze %dma_wait3A_363 : memref<1x1x8x128xf32, #tpu.memory_space<vmem>> -> memref<8x128xf32, #tpu.memory_space<vmem>>
    tpu.wait_dma2 semaphore(%arg15 : memref<!tpu.dma_semaphore, #tpu.memory_space<semaphore_mem>>) src(%dma_wait3A_364 : memref<8x128xf32, #tpu.memory_space<vmem>>) dst(%dma_wait3A_360 : memref<8x128xf32, #tpu.memory_space<hbm>>)
    return
  }
}

</mosaic_0001>

<sc_bundles>
// kernel: kernel.3.cloned.1.call-start
scs
__scs_entry_jumppad:
0x0: {  	(pc) =	sbr.rel $0x88, $3  }
0x1: {  	(tag) =	ssettag $0x0;
	lr =	simm.s32 $0x1  }
0x2: {  	[smem:$0x3F9F] =	sst lr;
	_ =	strace $0xD0000000  }
0x3: {  	_ = 	snop  }
0x4: {  	_ = 	snop  }
0x5: {  	_ = 	snop  }
0x6: {  	_ = 	snop  }
0x7: {  	_ = 	snop  }
__scs_overlays_trampoline_lowered:
0x8: {  	[smem:$0x3FAE] =	sst s0  }
0x9: {  	[smem:$0x3FAF] =	sst s1  }
0xa: {  	[smem:$0x3FB0] =	sst s2  }
0xb: {  	[smem:$0x3FB1] =	sst s3  }
0xc: {  	[smem:$0x3FB2] =	sst s4  }
0xd: {  	[smem:$0x3FB3] =	sst s5  }
0xe: {  	[smem:$0x3FB4] =	sst s6  }
0xf: {  	[smem:$0x3FB5] =	sst s7  }
0x10: {  	[smem:$0x3FB6] =	sst s8  }
0x11: {  	[smem:$0x3FB7] =	sst s9;
	s0 =	simm.s32 @!p0 $0x0  }
0x12: {  	s1 =	sld [smem:$0x3F9D];
	s0 =	simm.s32 @p0 $0x1  }
0x13: {  	[smem:$0x3FB8] =	sst s0;
	s0 =	simm.s32 @!p1 $0x0  }
0x14: {  	s2 =	sld [smem:$0x3F9C];
	s0 =	simm.s32 @p1 $0x1  }
0x15: {  	[smem:$0x3FB9] =	sst s0;
	s0 =	simm.s32 @!p2 $0x0  }
0x16: {  	s3 =	sld [smem:$0x3FDB];
	s0 =	simm.s32 @p2 $0x1  }
0x17: {  	s4 =	simm.s32 $0x1BF5;
	[smem:$0x3FBB] =	sst s0  }
0x18: {  	s0 =	sld [smem:$0x3F9E];
	_ =	swait.ge [sflag:s4], $0x0  }
0x19: {  	s7 =	sld [smem:$0x3F9F]  }
0x1a: {  	s8 =	sadd.s32 $0xFFFFE003, lr  }
0x1b: {  	s9 =	sadd.s32 $0xFFFFFEF7, lr;
	s5 =	simm.s32 $0xFFFFFFFF;
	p2 =	slt.u32 s8, $0xFFFFF086  }
0x1c: {  	p1 =	slt.u32 s9, $0xF7A;
	s5 =	simm.s32 @!p2 $0x0  }
0x1d: {  	s5 =	simm.s32 @p1 $0x1;
	p0 =	seq.s32 s7, s2  }
0x1e: {  	s7 =	smul.u32 @!p0 $0xF7A, s2;
	p2 =	seq.s32 @!p0 s5, $0x0  }
0x1f: {  	s9 =	smul.u32 $0xF7A, s1;
	s8 =	simm.s32 @!p0 $0x1BF5;
	p2 =	por !p2, p0  }
0x20: {  	[sflag:s8] =	ssyncset.s32 @!p0 $0xFFFFF086;
	s6 =	sadd.s32 @!p0 s3, s7;
	s7 =	simm.s32 @!p0 $0x108  }
0x21: {  	s3 =	sadd.s32 s3, s9;
	s6 =	sadd.s32 @!p0 $0x88, s6;
	s7 =	simm.s32 @p2 $0x1082  }
0x22: {  	[simem:s7], [sflag:s8] =	dma.local @!p0 [hbm:s6], $0xF7A  }
0x23: {  	s9 =	sor.u32 $0xD0000000, s2;
	s6 =	simm.s32 $0x108;
	_ =	swait.ge @!p0 [sflag:s8], $0x0  }
0x24: {  	s3 =	sadd.s32 $0x88, s3;
	s6 =	simm.s32 @!p1 $0x1082;
	[sflag:s4] =	ssyncset.s32 $0xFFFFF086  }
0x25: {  	[simem:s6], [sflag:s4] =	dma.local [hbm:s3], $0xF7A  }
0x26: {  	[smem:$0x3F9F] =	sst s1;
	(tag) =	ssettag s2;
	_ =	strace s9  }
0x27: {  	s1 =	sld [smem:$0x3FAF]  }
0x28: {  	s2 =	sld [smem:$0x3FB0]  }
0x29: {  	s4 =	sld [smem:$0x3FB2]  }
0x2a: {  	p0 =	seq.s32 s5, $0x0;
	s5 =	sld [smem:$0x3FB3]  }
0x2b: {  	s6 =	sld [smem:$0x3FB4]  }
0x2c: {  	s7 =	sld [smem:$0x3FB5]  }
0x2d: {  	s3 =	simm.s32 $0x108;
	s8 =	sld [smem:$0x3FB6]  }
0x2e: {  	s3 =	simm.s32 @!p0 $0x1082;
	s9 =	sld [smem:$0x3FB7]  }
0x2f: {  	lr =	sadd.s32 s0, s3;
	s0 =	sld [smem:$0x3FAE]  }
0x30: {  	s3 =	sld [smem:$0x3FB1]  }
0x31: {  	[smem:$0x3FBA] =	sst s10  }
0x32: {  	s10 =	sld [smem:$0x3FB8];
	_ =	sdelay $0x3  }
0x33: {  	p0 =	seq.s32 s10, $0x1;
	s10 =	sld [smem:$0x3FBA];
	_ =	sdelay $0x3  }
0x34: {  	[smem:$0x3FBA] =	sst s10  }
0x35: {  	s10 =	sld [smem:$0x3FB9];
	_ =	sdelay $0x3  }
0x36: {  	p1 =	seq.s32 s10, $0x1;
	s10 =	sld [smem:$0x3FBA];
	_ =	sdelay $0x3  }
0x37: {  	[smem:$0x3FBA] =	sst s10  }
0x38: {  	s10 =	sld [smem:$0x3FBB]  }
0x39: {  	_ = 	snop;
	(pc) =	sbr.ind lr, $3  }
0x3a: {  	_ = 	snop  }
0x3b: {  	_ = 	snop  }
0x3c: {  	p2 =	seq.s32 s10, $0x1;
	s10 =	sld [smem:$0x3FBA]  }
0x3d: {  	_ =	shalt  }
0x3e: {  	_ =	shalt  }
0x3f: {  	_ =	shalt  }
0x40: {  	_ =	shalt  }
0x41: {  	_ =	shalt  }
0x42: {  	_ =	shalt  }
0x43: {  	_ =	shalt  }
0x44: {  	_ =	shalt  }
0x45: {  	_ =	shalt  }
0x46: {  	_ =	shalt  }
0x47: {  	_ =	shalt  }
0x48: {  	_ =	shalt  }
0x49: {  	_ =	shalt  }
0x4a: {  	_ =	shalt  }
0x4b: {  	_ =	shalt  }
0x4c: {  	_ =	shalt  }
0x4d: {  	_ =	shalt  }
0x4e: {  	_ =	shalt  }
0x4f: {  	_ =	shalt  }
0x50: {  	_ =	shalt  }
0x51: {  	_ =	shalt  }
0x52: {  	_ =	shalt  }
0x53: {  	_ =	shalt  }
0x54: {  	_ =	shalt  }
0x55: {  	_ =	shalt  }
0x56: {  	_ =	shalt  }
0x57: {  	_ =	shalt  }
0x58: {  	_ =	shalt  }
0x59: {  	_ =	shalt  }
0x5a: {  	_ =	shalt  }
0x5b: {  	_ =	shalt  }
0x5c: {  	_ =	shalt  }
0x5d: {  	_ =	shalt  }
0x5e: {  	_ =	shalt  }
0x5f: {  	_ =	shalt  }
0x60: {  	_ =	shalt  }
0x61: {  	_ =	shalt  }
0x62: {  	_ =	shalt  }
0x63: {  	_ =	shalt  }
0x64: {  	_ =	shalt  }
0x65: {  	_ =	shalt  }
0x66: {  	_ =	shalt  }
0x67: {  	_ =	shalt  }
0x68: {  	_ =	shalt  }
0x69: {  	_ =	shalt  }
0x6a: {  	_ =	shalt  }
0x6b: {  	_ =	shalt  }
0x6c: {  	_ =	shalt  }
0x6d: {  	_ =	shalt  }
0x6e: {  	_ =	shalt  }
0x6f: {  	_ =	shalt  }
0x70: {  	_ =	shalt  }
0x71: {  	_ =	shalt  }
0x72: {  	_ =	shalt  }
0x73: {  	_ =	shalt  }
0x74: {  	_ =	shalt  }
0x75: {  	_ =	shalt  }
0x76: {  	_ =	shalt  }
0x77: {  	_ =	shalt  }
0x78: {  	_ =	shalt  }
0x79: {  	_ =	shalt  }
0x7a: {  	_ =	shalt  }
0x7b: {  	_ =	shalt  }
0x7c: {  	_ =	shalt  }
0x7d: {  	_ =	shalt  }
0x7e: {  	_ =	shalt  }
0x7f: {  	_ =	shalt  }
0x80: {  	_ =	shalt  }
0x81: {  	_ =	shalt  }
0x82: {  	_ =	shalt  }
0x83: {  	_ =	shalt  }
0x84: {  	_ =	shalt  }
0x85: {  	_ =	shalt  }
0x86: {  	_ =	shalt  }
0x87: {  	_ =	shalt  }
.Lfunc_end0:
.L_simem_size_0:
called_computation_lowered:
.L_overlay_start_0:
0x88: {  	s2 =	sld [smem:$0x3FD9]  }
0x89: {  	s3 =	sld [smem:$0x3FFE];
	_ =	sdelay $0x1  }
0x8a: {  	s1 =	srdreg.scid  }
0x8b: {  	s0 =	sand.u32 $0x1, s1  }
0x8c: {  	s17 =	sshll.u32 s0, $0xA;
	s2 =	sadd.s32 s3, s2  }
0x8d: {  	s2 =	sadd.s32 s2, s17  }
0x8e: {  	[smem:$0x3FC6] =	sst s2  }
0x8f: {  	_ = 	snop  }
0x90: {  	s2 =	sld [smem:$0x3FC9]  }
0x91: {  	s18 =	sld [smem:$0x3FD0];
	(tm) =	ssettm $0x1  }
0x92: {  	s4 =	sld [smem:$0x3FFB];
	_ =	sdelay $0x3  }
0x93: {  	_ =	strace s4  }
0x94: {  	s4 =	sld [smem:$0x3FFC];
	_ =	sdelay $0x3  }
0x95: {  	_ =	strace s4  }
0x96: {  	s4 =	sld [smem:$0x3FFD];
	_ =	sdelay $0x3  }
0x97: {  	_ =	strace s4  }
0x98: {  	_ =	strace $0x8FFFFFFF  }
0x99: {  	s19 =	sld [smem:$0x3FDB];
	_ =	sdelay $0x1  }
0x9a: {  	s5 =	simm.s32 $_scs_section_size  }
0x9b: {  	s6 =	simm.s32 $_size__tile_overlayer_lowered;
	s7 =	simm.s32 $_tile_overlayer_lowered  }
0x9c: {  	s22 =	simm.s32 $0x1BFF;
	s21 =	sshll.u32 s7, $0x1;
	s4 =	sadd.s32 s5, s19  }
0x9d: {  	s8 =	simm.s32 $0x0;
	s20 =	sshll.u32 s6, $0x1;
	s6 =	sadd.s32 s21, s4  }
0x9e: {  	[timem:s8], [sflag:s22] =	dma.local [hbm:s6], s20  }
0x9f: {  	_ =	swait.ge [sflag:s22], s20  }
0xa0: {  	s5 =	ssub.s32 $0x0, s20;
	[sflag:s22] =	ssyncset.done $0x0  }
0xa1: {  	[sflag:s22] =	ssyncadd.s32 s5;
	_ =	sdelay $0x1  }
0xa2: {  	s23 =	simm.s32 $0x1B8B  }
0xa3: {  	_ =	swait.ge [sflag:s23], $0x1  }
0xa4: {  	[sflag:s23] =	ssyncset.done $0x0  }
0xa5: {  	s25 =	simm.s32 $0x1B8E;
	s24 =	sld [smem:$0x3FFE];
	[sflag:s23] =	ssyncadd.s32 $0xFFFFFFFF  }
0xa6: {  	s26 =	simm.s32 $execute0_lowered;
	[smem:$0x3FD2] =	sst s25  }
0xa7: {  	s6 =	sshll.u32 s26, $0x1;
	_ =	strace $0x80000046;
	[dreg:$0x1] =	wrdreg $0xFFFFFFFF  }
0xa8: {  	s28 =	simm.s32 $_size_execute0_lowered;
	s4 =	sadd.s32 s4, s6;
	[dreg:$0x0] =	wrdreg $0x0  }
0xa9: {  	s6 =	sshll.u32 s28, $0x1;
	[dreg:$0x2] =	wrdreg s4  }
0xaa: {  	[dreg:$0x3] =	wrdreg s6  }
0xab: {  	[dreg:$0x4] =	wrdreg $0xC0  }
0xac: {  	_ =	task [dreg:s8], $0x5FFFF  }
0xad: {  	[dreg:$0x1] =	wrdreg $0xFFFFFFFF  }
0xae: {  	[dreg:$0x0] =	wrdreg $0x60  }
0xaf: {  	[dreg:$0x2] =	wrdreg s2  }
0xb0: {  	[dreg:$0x3] =	wrdreg s24  }
0xb1: {  	[dreg:$0x4] =	wrdreg s18  }
0xb2: {  	[dreg:$0x5] =	wrdreg $0x9  }
0xb3: {  	_ =	task.clear_ibuf [dreg:s8], $0x6FFFF;
	_ =	strace $0x90000046  }
0xb4: {  	s29 =	simm.s32 $0x9;
	_ =	strace $0x80000048  }
0xb5: {  	_ =	swait.ge [sflag:s29], $0x1  }
0xb6: {  	[sflag:s29] =	ssyncadd.s32 $0xFFFFFFFF  }
0xb7: {  	_ =	strace $0x90000048  }
0xb8: {  	_ =	sfence  }
0xb9: {  	s30 =	sld [smem:$0x0];
	_ =	sdelay $0x2  }
0xba: {  	s31 =	sshll.u32 s1, $0xD;
	s1 =	sshrl.u32 s1, $0x2  }
0xbb: {  	s3 =	sand.u32 $0x4000, s31;
	s1 =	sadd.s32 s1, s30  }
0xbc: {  	s0 =	sor.u32 s3, s0;
	s1 =	sshll.u32 s1, $0x11  }
0xbd: {  	s0 =	sor.u32 s1, s0  }
0xbe: {  	s0 =	sadd.s32 $0x8F2B, s0  }
0xbf: {  	[sflag:s0] =	ssyncadd.remote.s32 $0x1  }
0xc0: {  	_ =	sfence.sel $0xFFFF  }
0xc1: {  	[dreg:$0x0] =	wrdreg $0xFFFFFFFF;
	(pc) =	sbr.abs _section_cstart, $3  }
0xc2: {  	[dreg:$0x1] =	wrdreg $0xFFFFFFFF  }
0xc3: {  	_ =	task.clear_ibuf [dreg:s8], $0x2FFFF;
	_ =	strace $0x9FFFFFFF  }
0xc4: {  	(tm) =	ssettm $0x7FFFFFFF  }
0xc5: {  	_ =	shalt  }
tec
execute0_lowered:
.L_overlay_start_1:
0x0: {  	(tag) =	ssettag $0x1  }
0x1: {  	s0 =	rddreg [dreg:$0x0]  }
0x2: {  	s1 =	rddreg [dreg:$0x1]  }
0x3: {  	s2 =	rddreg [dreg:$0x2];
	s4 =	srdreg.scid  }
0x4: {  	s5 =	stileid.u32;
	s3 =	simm.s32 $0x0;
	s28 =	simm.s32 $0x1A400  }
0x5: {  	s30 =	simm.s32 $0x4;
	s31 =	simm.s32 $0x1C400;
	s11 =	simm.s32 $0x0  }
0x6: {  	s4 =	sand.u32 $0x1, s4;
	s5 =	sshll.u32 s5, $0x1;
	[smem:$0x7FF] =	sst s3  }
0x7: {  	s13 =	sadd.s32 $0x4000, s2;
	s23 =	sadd.s32 $0x8000, s2;
	s24 =	sadd.s32 $0xC000, s2  }
0x8: {  	s25 =	sadd.s32 $0x10000, s2;
	s14 =	sadd.s32 $0x14000, s2;
	s15 =	sadd.s32 $0x18000, s2  }
0x9: {  	s16 =	sadd.s32 $0x1C000, s2;
	_ =	strace $0x80000047;
	[dreg:$0x5] =	wrdreg s23  }
0xa: {  	s6 =	ssub.s32 $0x2, s4;
	s9 =	sor.u32 s4, s5;
	[dreg:$0x6] =	wrdreg s24  }
0xb: {  	s4 =	sadd.s32 $0xF42800, s1;
	[dreg:$0x7] =	wrdreg s25;
	s25 =	simm.s32 $0x1  }
0xc: {  	s24 =	simm.s32 $0x2;
	s23 =	simm.s32 $0x18400;
	[dreg:$0x4] =	wrdreg s13  }
0xd: {  	s21 =	sshrl.u32 s6, $0x1;
	s7 =	sshll.u32 s9, $0x9;
	s9 =	sshll.u32 s9, $0xC  }
0xe: {  	s22 =	ssub.s32 s6, s21;
	s5 =	sadd.s32 s0, s7;
	s17 =	sor.u32 $0x400, s9  }
0xf: {  	v0 =	vlaneseq.u32;
	s18 =	sor.u32 $0x800, s9;
	s19 =	sor.u32 $0xC00, s9;
	s0 =	simm.s32 $0x80  }
0x10: {  	v0 =	vmul.u32 $0x80, v0;
	s21 =	simm.s32 $0x3;
	s6 =	sadd.s32 $0x80, s5;
	s26 =	smax.u32 s22, $0x1  }
0x11: {  	s7 =	sadd.s32 $0x100, s5;
	s29 =	sadd.s32 $0x18000, s5;
	[dreg:$0x8] =	wrdreg s26  }
0x12: {  	v1 =	vor.u32 $0x800, v0;
	v2 =	vor.u32 $0x1000, v0;
	v3 =	vor.u32 $0x1800, v0;
	s8 =	sadd.s32 $0x180, s5;
	[dreg:$0x9] =	wrdreg s29;
	s26 =	simm.s32 $0x16400  }
.LBB2_1:
0x13: {  	s10 =	sadd.s32 $0x0, s5;
	s1 =	simm.s32 $0x0  }
0x14: {  	[tilespmem:s1], [sflag:$0x9] =	stream.linear.gather [hbm4b:s10+s3], $0x80, $0x38;
	[tilespmem:$0x1E400] =	vst v63  }
0x15: {  	[dreg:$0xa] =	wrdreg s11;
	s12 =	simm.s32 $0x200;
	s11 =	sadd.s32 $0x10, s10  }
0x16: {  	[tilespmem:s12], [sflag:$0x9] =	stream.linear.gather [hbm4b:s11+s3], $0x80, $0x38;
	[tilespmem:$0x1E400] =	vst v63  }
0x17: {  	s20 =	simm.s32 $0x400;
	s13 =	sadd.s32 $0x20, s10  }
0x18: {  	[tilespmem:s20], [sflag:$0x9] =	stream.linear.gather [hbm4b:s13+s3], $0x80, $0x38;
	[tilespmem:$0x1E400] =	vst v63  }
0x19: {  	s29 =	simm.s32 $0x600;
	s22 =	sadd.s32 $0x30, s10  }
0x1a: {  	[tilespmem:s29], [sflag:$0x9] =	stream.linear.gather [hbm4b:s22+s3], $0x80, $0x38;
	[tilespmem:$0x1E400] =	vst v63  }
0x1b: {  	s1 =	simm.s32 $0x4000;
	s11 =	sadd.s32 $0x40, s10;
	s12 =	simm.s32 $0x800  }
0x1c: {  	[tilespmem:s12], [sflag:$0x9] =	stream.linear.gather [hbm4b:s11+s3], $0x80, $0x38;
	[tilespmem:$0x1E400] =	vst v63  }
0x1d: {  	s13 =	sadd.s32 $0x50, s10;
	s20 =	simm.s32 $0xA00;
	s22 =	sadd.s32 $0x60, s10  }
0x1e: {  	[tilespmem:s20], [sflag:$0x9] =	stream.linear.gather [hbm4b:s13+s3], $0x80, $0x38;
	[tilespmem:$0x1E400] =	vst v63  }
0x1f: {  	s29 =	simm.s32 $0xC00;
	s10 =	sadd.s32 $0x70, s10;
	s11 =	simm.s32 $0xE00  }
0x20: {  	[tilespmem:s29], [sflag:$0x9] =	stream.linear.gather [hbm4b:s22+s3], $0x80, $0x38;
	[tilespmem:$0x1E400] =	vst v63  }
.LBB2_2:
0x21: {  	[tilespmem:s11], [sflag:$0x9] =	stream.linear.gather [hbm4b:s10+s3], $0x80, $0x38;
	[tilespmem:$0x1E400] =	vst v63  }
0x22: {  	s10 =	sadd.s32 s1, s5;
	s11 =	sshra.s32 s1, $0x2;
	p0 =	seq.s32 s1, $0x14000  }
0x23: {  	[tilespmem:s11], [sflag:$0x9] =	stream.linear.gather [hbm4b:s10+s3], $0x80, $0x38;
	[tilespmem:$0x1E400] =	vst v63  }
0x24: {  	s1 =	sadd.s32 $0x4000, s1;
	s20 =	sadd.s32 $0x10, s10;
	s22 =	sadd.s32 $0x200, s11  }
0x25: {  	[tilespmem:s22], [sflag:$0x9] =	stream.linear.gather [hbm4b:s20+s3], $0x80, $0x38;
	[tilespmem:$0x1E400] =	vst v63  }
0x26: {  	s20 =	sadd.s32 $0x20, s10;
	s22 =	sadd.s32 $0x400, s11  }
0x27: {  	[tilespmem:s22], [sflag:$0x9] =	stream.linear.gather [hbm4b:s20+s3], $0x80, $0x38;
	[tilespmem:$0x1E400] =	vst v63  }
0x28: {  	s20 =	sadd.s32 $0x30, s10;
	s22 =	sadd.s32 $0x600, s11  }
0x29: {  	[tilespmem:s22], [sflag:$0x9] =	stream.linear.gather [hbm4b:s20+s3], $0x80, $0x38;
	[tilespmem:$0x1E400] =	vst v63  }
0x2a: {  	s20 =	sadd.s32 $0x40, s10;
	s22 =	sadd.s32 $0x800, s11  }
0x2b: {  	[tilespmem:s22], [sflag:$0x9] =	stream.linear.gather [hbm4b:s20+s3], $0x80, $0x38;
	[tilespmem:$0x1E400] =	vst v63  }
.Ltmp0:
0x2c: {  	s20 =	sadd.s32 $0x50, s10;
	s22 =	sadd.s32 $0xA00, s11;
	(pc) =	sbr.rel @!p0 .LBB2_2-.Ltmp0, $4  }
0x2d: {  	[tilespmem:s22], [sflag:$0x9] =	stream.linear.gather [hbm4b:s20+s3], $0x80, $0x38;
	[tilespmem:$0x1E400] =	vst v63  }
0x2e: {  	s20 =	sadd.s32 $0x60, s10;
	s22 =	sadd.s32 $0xC00, s11  }
0x2f: {  	[tilespmem:s22], [sflag:$0x9] =	stream.linear.gather [hbm4b:s20+s3], $0x80, $0x38;
	[tilespmem:$0x1E400] =	vst v63  }
0x30: {  	s10 =	sadd.s32 $0x70, s10;
	s11 =	sadd.s32 $0xE00, s11  }
0x31: {  	[tilespmem:s11], [sflag:$0x9] =	stream.linear.gather [hbm4b:s10+s3], $0x80, $0x38;
	[tilespmem:$0x1E400] =	vst v63  }
0x32: {  	s1 =	simm.s32 $0x0;
	s12 =	rddreg [dreg:$0x9];
	s13 =	simm.s32 $0x6000  }
0x33: {  	[tilespmem:s13], [sflag:$0x9] =	stream.linear.gather [hbm4b:s12+s1], $0x80, $0x38;
	[tilespmem:$0x1E400] =	vst v63  }
0x34: {  	s20 =	simm.s32 $0x6200;
	s22 =	simm.s32 $0x9;
	s10 =	sadd.s32 $0x10, s12  }
0x35: {  	[tilespmem:s20], [sflag:$0x9] =	stream.linear.gather [hbm4b:s10+s1], $0x80, $0x38;
	[tilespmem:$0x1E400] =	vst v63  }
0x36: {  	_ =	swait.ge [sflag:s22], $0x1900  }
0x37: {  	[sflag:s22] =	ssyncset.done $0x0  }
0x38: {  	s11 =	sadd.s32 $0x0, s6;
	s29 =	simm.s32 $0x80;
	[sflag:s22] =	ssyncadd.s32 $0xFFFFE700  }
0x39: {  	[tilespmem:s29], [sflag:$0x9] =	stream.linear.gather [hbm4b:s11+s3], $0x80, $0x38;
	[tilespmem:$0x1E400] =	vst v63  }
0x3a: {  	s12 =	simm.s32 $0x280;
	s10 =	sadd.s32 $0x10, s11  }
0x3b: {  	[tilespmem:s12], [sflag:$0x9] =	stream.linear.gather [hbm4b:s10+s3], $0x80, $0x38;
	[tilespmem:$0x1E400] =	vst v63  }
0x3c: {  	s13 =	sadd.s32 $0x20, s11;
	s20 =	simm.s32 $0x480  }
0x3d: {  	[tilespmem:s20], [sflag:$0x9] =	stream.linear.gather [hbm4b:s13+s3], $0x80, $0x38;
	[tilespmem:$0x1E400] =	vst v63  }
0x3e: {  	s22 =	sadd.s32 $0x30, s11;
	s29 =	simm.s32 $0x680  }
0x3f: {  	[tilespmem:s29], [sflag:$0x9] =	stream.linear.gather [hbm4b:s22+s3], $0x80, $0x38;
	[tilespmem:$0x1E400] =	vst v63  }
0x40: {  	s10 =	sadd.s32 $0x40, s11;
	s12 =	simm.s32 $0x880  }
0x41: {  	[tilespmem:s12], [sflag:$0x9] =	stream.linear.gather [hbm4b:s10+s3], $0x80, $0x38;
	[tilespmem:$0x1E400] =	vst v63  }
0x42: {  	s1 =	simm.s32 $0x1000;
	s13 =	sadd.s32 $0x50, s11;
	s20 =	simm.s32 $0xA80  }
0x43: {  	[tilespmem:s20], [sflag:$0x9] =	stream.linear.gather [hbm4b:s13+s3], $0x80, $0x38;
	[tilespmem:$0x1E400] =	vst v63  }
0x44: {  	s22 =	sadd.s32 $0x60, s11;
	s29 =	simm.s32 $0xC80;
	s11 =	sadd.s32 $0x70, s11  }
0x45: {  	[tilespmem:s29], [sflag:$0x9] =	stream.linear.gather [hbm4b:s22+s3], $0x80, $0x38;
	[tilespmem:$0x1E400] =	vst v63  }
0x46: {  	s10 =	simm.s32 $0x4000;
	s20 =	simm.s32 $0x8000;
	s22 =	simm.s32 $0xE80  }
.LBB2_4:
0x47: {  	[tilespmem:s22], [sflag:$0x9] =	stream.linear.gather [hbm4b:s11+s3], $0x80, $0x38;
	[tilespmem:$0x1E400] =	vst v63  }
0x48: {  	s11 =	smov.u32 s20  }
0x49: {  	s29 =	sshra.s32 s20, $0x2;
	s22 =	sadd.s32 s10, s6;
	s10 =	sadd.s32 $0x80, s1  }
0x4a: {  	[tilespmem:s10], [sflag:$0x9] =	stream.linear.gather [hbm4b:s22+s3], $0x80, $0x38;
	[tilespmem:$0x1E400] =	vst v63  }
0x4b: {  	s12 =	sadd.s32 $0x4000, s20;
	s13 =	sadd.s32 $0x280, s1;
	s10 =	sadd.s32 $0x10, s22  }
0x4c: {  	[tilespmem:s13], [sflag:$0x9] =	stream.linear.gather [hbm4b:s10+s3], $0x80, $0x38;
	[tilespmem:$0x1E400] =	vst v63  }
0x4d: {  	p0 =	seq.s32 s20, $0x14000;
	s10 =	sadd.s32 $0x20, s22;
	s13 =	sadd.s32 $0x480, s1  }
0x4e: {  	[tilespmem:s13], [sflag:$0x9] =	stream.linear.gather [hbm4b:s10+s3], $0x80, $0x38;
	[tilespmem:$0x1E400] =	vst v63  }
0x4f: {  	s20 =	sadd.s32 $0x680, s1;
	s13 =	sadd.s32 $0x30, s22;
	s10 =	smov.u32 s11  }
0x50: {  	[tilespmem:s20], [sflag:$0x9] =	stream.linear.gather [hbm4b:s13+s3], $0x80, $0x38;
	[tilespmem:$0x1E400] =	vst v63  }
0x51: {  	s11 =	sadd.s32 $0x40, s22;
	s13 =	sadd.s32 $0x880, s1  }
0x52: {  	[tilespmem:s13], [sflag:$0x9] =	stream.linear.gather [hbm4b:s11+s3], $0x80, $0x38;
	[tilespmem:$0x1E400] =	vst v63  }
.Ltmp1:
0x53: {  	s11 =	sadd.s32 $0x50, s22;
	s13 =	sadd.s32 $0xA80, s1;
	(pc) =	sbr.rel @!p0 .LBB2_4-.Ltmp1, $4  }
0x54: {  	[tilespmem:s13], [sflag:$0x9] =	stream.linear.gather [hbm4b:s11+s3], $0x80, $0x38;
	[tilespmem:$0x1E400] =	vst v63  }
0x55: {  	s20 =	smov.u32 s12;
	s11 =	sadd.s32 $0x60, s22;
	s13 =	sadd.s32 $0xC80, s1  }
0x56: {  	[tilespmem:s13], [sflag:$0x9] =	stream.linear.gather [hbm4b:s11+s3], $0x80, $0x38;
	[tilespmem:$0x1E400] =	vst v63  }
0x57: {  	s11 =	sadd.s32 $0x70, s22;
	s22 =	sadd.s32 $0xE80, s1;
	s1 =	smov.u32 s29  }
0x58: {  	[tilespmem:s22], [sflag:$0x9] =	stream.linear.gather [hbm4b:s11+s3], $0x80, $0x38;
	[tilespmem:$0x1E400] =	vst v63  }
0x59: {  	s10 =	sadd.s32 s10, s6;
	s13 =	sadd.s32 $0x80, s1  }
0x5a: {  	[tilespmem:s13], [sflag:$0x9] =	stream.linear.gather [hbm4b:s10+s3], $0x80, $0x38;
	[tilespmem:$0x1E400] =	vst v63  }
0x5b: {  	s12 =	sadd.s32 $0x280, s1;
	s20 =	sadd.s32 $0x10, s10  }
0x5c: {  	[tilespmem:s12], [sflag:$0x9] =	stream.linear.gather [hbm4b:s20+s3], $0x80, $0x38;
	[tilespmem:$0x1E400] =	vst v63  }
0x5d: {  	s29 =	sadd.s32 $0x480, s1;
	s22 =	sadd.s32 $0x20, s10  }
0x5e: {  	[tilespmem:s29], [sflag:$0x9] =	stream.linear.gather [hbm4b:s22+s3], $0x80, $0x38;
	[tilespmem:$0x1E400] =	vst v63  }
0x5f: {  	s13 =	sadd.s32 $0x30, s10;
	s20 =	sadd.s32 $0x680, s1  }
0x60: {  	[tilespmem:s20], [sflag:$0x9] =	stream.linear.gather [hbm4b:s13+s3], $0x80, $0x38;
	[tilespmem:$0x1E400] =	vst v63  }
0x61: {  	s22 =	sadd.s32 $0x40, s10;
	s29 =	sadd.s32 $0x880, s1  }
0x62: {  	[tilespmem:s29], [sflag:$0x9] =	stream.linear.gather [hbm4b:s22+s3], $0x80, $0x38;
	[tilespmem:$0x1E400] =	vst v63  }
0x63: {  	s12 =	sadd.s32 $0x50, s10;
	s13 =	sadd.s32 $0xA80, s1  }
0x64: {  	[tilespmem:s13], [sflag:$0x9] =	stream.linear.gather [hbm4b:s12+s3], $0x80, $0x38;
	[tilespmem:$0x1E400] =	vst v63  }
0x65: {  	s20 =	sadd.s32 $0x60, s10;
	s22 =	sadd.s32 $0xC80, s1  }
0x66: {  	[tilespmem:s22], [sflag:$0x9] =	stream.linear.gather [hbm4b:s20+s3], $0x80, $0x38;
	[tilespmem:$0x1E400] =	vst v63  }
0x67: {  	s10 =	sadd.s32 $0x70, s10;
	s29 =	sadd.s32 $0xE80, s1  }
0x68: {  	[tilespmem:s29], [sflag:$0x9] =	stream.linear.gather [hbm4b:s10+s3], $0x80, $0x38;
	[tilespmem:$0x1E400] =	vst v63  }
0x69: {  	s12 =	simm.s32 $0x0;
	s13 =	simm.s32 $0x6080;
	s10 =	sadd.s32 $0x18000, s6  }
0x6a: {  	[tilespmem:s13], [sflag:$0x9] =	stream.linear.gather [hbm4b:s10+s12], $0x80, $0x38;
	[tilespmem:$0x1E400] =	vst v63  }
0x6b: {  	s20 =	simm.s32 $0x6280;
	s22 =	simm.s32 $0x9;
	s1 =	sadd.s32 $0x10, s10  }
0x6c: {  	[tilespmem:s20], [sflag:$0x9] =	stream.linear.gather [hbm4b:s1+s12], $0x80, $0x38;
	[tilespmem:$0x1E400] =	vst v63  }
0x6d: {  	_ =	swait.ge [sflag:s22], $0x1900  }
0x6e: {  	[sflag:s22] =	ssyncset.done $0x0  }
0x6f: {  	s11 =	sadd.s32 $0x0, s7;
	s29 =	simm.s32 $0x100;
	[sflag:s22] =	ssyncadd.s32 $0xFFFFE700  }
0x70: {  	[tilespmem:s29], [sflag:$0x9] =	stream.linear.gather [hbm4b:s11+s3], $0x80, $0x38;
	[tilespmem:$0x1E400] =	vst v63  }
0x71: {  	s10 =	sadd.s32 $0x10, s11;
	s12 =	simm.s32 $0x300  }
0x72: {  	[tilespmem:s12], [sflag:$0x9] =	stream.linear.gather [hbm4b:s10+s3], $0x80, $0x38;
	[tilespmem:$0x1E400] =	vst v63  }
0x73: {  	s13 =	sadd.s32 $0x20, s11;
	s20 =	simm.s32 $0x500  }
0x74: {  	[tilespmem:s20], [sflag:$0x9] =	stream.linear.gather [hbm4b:s13+s3], $0x80, $0x38;
	[tilespmem:$0x1E400] =	vst v63  }
0x75: {  	s22 =	sadd.s32 $0x30, s11;
	s29 =	simm.s32 $0x700  }
0x76: {  	[tilespmem:s29], [sflag:$0x9] =	stream.linear.gather [hbm4b:s22+s3], $0x80, $0x38;
	[tilespmem:$0x1E400] =	vst v63  }
0x77: {  	s10 =	sadd.s32 $0x40, s11;
	s12 =	simm.s32 $0x900  }
0x78: {  	[tilespmem:s12], [sflag:$0x9] =	stream.linear.gather [hbm4b:s10+s3], $0x80, $0x38;
	[tilespmem:$0x1E400] =	vst v63  }
0x79: {  	s1 =	simm.s32 $0x1000;
	s13 =	sadd.s32 $0x50, s11;
	s20 =	simm.s32 $0xB00  }
0x7a: {  	[tilespmem:s20], [sflag:$0x9] =	stream.linear.gather [hbm4b:s13+s3], $0x80, $0x38;
	[tilespmem:$0x1E400] =	vst v63  }
0x7b: {  	s22 =	sadd.s32 $0x60, s11;
	s29 =	simm.s32 $0xD00;
	s11 =	sadd.s32 $0x70, s11  }
0x7c: {  	[tilespmem:s29], [sflag:$0x9] =	stream.linear.gather [hbm4b:s22+s3], $0x80, $0x38;
	[tilespmem:$0x1E400] =	vst v63  }
0x7d: {  	s10 =	simm.s32 $0x4000;
	s20 =	simm.s32 $0x8000;
	s22 =	simm.s32 $0xF00  }
.LBB2_6:
0x7e: {  	[tilespmem:s22], [sflag:$0x9] =	stream.linear.gather [hbm4b:s11+s3], $0x80, $0x38;
	[tilespmem:$0x1E400] =	vst v63  }
0x7f: {  	s11 =	smov.u32 s20  }
0x80: {  	s12 =	sshra.s32 s20, $0x2;
	s13 =	sadd.s32 s10, s7;
	s10 =	sadd.s32 $0x100, s1  }
0x81: {  	[tilespmem:s10], [sflag:$0x9] =	stream.linear.gather [hbm4b:s13+s3], $0x80, $0x38;
	[tilespmem:$0x1E400] =	vst v63  }
0x82: {  	s29 =	sadd.s32 $0x4000, s20;
	s22 =	sadd.s32 $0x300, s1;
	s10 =	sadd.s32 $0x10, s13  }
0x83: {  	[tilespmem:s22], [sflag:$0x9] =	stream.linear.gather [hbm4b:s10+s3], $0x80, $0x38;
	[tilespmem:$0x1E400] =	vst v63  }
0x84: {  	p0 =	seq.s32 s20, $0x14000;
	s20 =	sadd.s32 $0x500, s1;
	s10 =	sadd.s32 $0x20, s13  }
0x85: {  	[tilespmem:s20], [sflag:$0x9] =	stream.linear.gather [hbm4b:s10+s3], $0x80, $0x38;
	[tilespmem:$0x1E400] =	vst v63  }
0x86: {  	s22 =	sadd.s32 $0x700, s1;
	s20 =	sadd.s32 $0x30, s13;
	s10 =	smov.u32 s11  }
0x87: {  	[tilespmem:s22], [sflag:$0x9] =	stream.linear.gather [hbm4b:s20+s3], $0x80, $0x38;
	[tilespmem:$0x1E400] =	vst v63  }
0x88: {  	s11 =	sadd.s32 $0x40, s13;
	s20 =	sadd.s32 $0x900, s1  }
0x89: {  	[tilespmem:s20], [sflag:$0x9] =	stream.linear.gather [hbm4b:s11+s3], $0x80, $0x38;
	[tilespmem:$0x1E400] =	vst v63  }
.Ltmp2:
0x8a: {  	s11 =	sadd.s32 $0x50, s13;
	s20 =	sadd.s32 $0xB00, s1;
	(pc) =	sbr.rel @!p0 .LBB2_6-.Ltmp2, $4  }
0x8b: {  	[tilespmem:s20], [sflag:$0x9] =	stream.linear.gather [hbm4b:s11+s3], $0x80, $0x38;
	[tilespmem:$0x1E400] =	vst v63  }
0x8c: {  	s22 =	sadd.s32 $0xF00, s1;
	s11 =	sadd.s32 $0x60, s13;
	s20 =	sadd.s32 $0xD00, s1  }
0x8d: {  	[tilespmem:s20], [sflag:$0x9] =	stream.linear.gather [hbm4b:s11+s3], $0x80, $0x38;
	[tilespmem:$0x1E400] =	vst v63  }
0x8e: {  	s1 =	smov.u32 s12;
	s11 =	sadd.s32 $0x70, s13;
	s20 =	smov.u32 s29  }
0x8f: {  	[tilespmem:s22], [sflag:$0x9] =	stream.linear.gather [hbm4b:s11+s3], $0x80, $0x38;
	[tilespmem:$0x1E400] =	vst v63  }
0x90: {  	s10 =	sadd.s32 s10, s7;
	s13 =	sadd.s32 $0x100, s1  }
0x91: {  	[tilespmem:s13], [sflag:$0x9] =	stream.linear.gather [hbm4b:s10+s3], $0x80, $0x38;
	[tilespmem:$0x1E400] =	vst v63  }
0x92: {  	s12 =	sadd.s32 $0x300, s1;
	s20 =	sadd.s32 $0x10, s10  }
0x93: {  	[tilespmem:s12], [sflag:$0x9] =	stream.linear.gather [hbm4b:s20+s3], $0x80, $0x38;
	[tilespmem:$0x1E400] =	vst v63  }
0x94: {  	s29 =	sadd.s32 $0x500, s1;
	s22 =	sadd.s32 $0x20, s10  }
0x95: {  	[tilespmem:s29], [sflag:$0x9] =	stream.linear.gather [hbm4b:s22+s3], $0x80, $0x38;
	[tilespmem:$0x1E400] =	vst v63  }
0x96: {  	s13 =	sadd.s32 $0x30, s10;
	s20 =	sadd.s32 $0x700, s1  }
0x97: {  	[tilespmem:s20], [sflag:$0x9] =	stream.linear.gather [hbm4b:s13+s3], $0x80, $0x38;
	[tilespmem:$0x1E400] =	vst v63  }
0x98: {  	s22 =	sadd.s32 $0x40, s10;
	s29 =	sadd.s32 $0x900, s1  }
0x99: {  	[tilespmem:s29], [sflag:$0x9] =	stream.linear.gather [hbm4b:s22+s3], $0x80, $0x38;
	[tilespmem:$0x1E400] =	vst v63  }
0x9a: {  	s12 =	sadd.s32 $0x50, s10;
	s13 =	sadd.s32 $0xB00, s1  }
0x9b: {  	[tilespmem:s13], [sflag:$0x9] =	stream.linear.gather [hbm4b:s12+s3], $0x80, $0x38;
	[tilespmem:$0x1E400] =	vst v63  }
0x9c: {  	s20 =	sadd.s32 $0x60, s10;
	s22 =	sadd.s32 $0xD00, s1  }
0x9d: {  	[tilespmem:s22], [sflag:$0x9] =	stream.linear.gather [hbm4b:s20+s3], $0x80, $0x38;
	[tilespmem:$0x1E400] =	vst v63  }
0x9e: {  	s10 =	sadd.s32 $0x70, s10;
	s29 =	sadd.s32 $0xF00, s1  }
0x9f: {  	[tilespmem:s29], [sflag:$0x9] =	stream.linear.gather [hbm4b:s10+s3], $0x80, $0x38;
	[tilespmem:$0x1E400] =	vst v63  }
0xa0: {  	s12 =	simm.s32 $0x0;
	s13 =	simm.s32 $0x6100;
	s10 =	sadd.s32 $0x18000, s7  }
0xa1: {  	[tilespmem:s13], [sflag:$0x9] =	stream.linear.gather [hbm4b:s10+s12], $0x80, $0x38;
	[tilespmem:$0x1E400] =	vst v63  }
0xa2: {  	s20 =	simm.s32 $0x6300;
	s22 =	simm.s32 $0x9;
	s1 =	sadd.s32 $0x10, s10  }
0xa3: {  	[tilespmem:s20], [sflag:$0x9] =	stream.linear.gather [hbm4b:s1+s12], $0x80, $0x38;
	[tilespmem:$0x1E400] =	vst v63  }
0xa4: {  	_ =	swait.ge [sflag:s22], $0x1900  }
0xa5: {  	[sflag:s22] =	ssyncset.done $0x0  }
0xa6: {  	s11 =	sadd.s32 $0x0, s8;
	s29 =	simm.s32 $0x180;
	[sflag:s22] =	ssyncadd.s32 $0xFFFFE700  }
0xa7: {  	[tilespmem:s29], [sflag:$0x9] =	stream.linear.gather [hbm4b:s11+s3], $0x80, $0x38;
	[tilespmem:$0x1E400] =	vst v63  }
0xa8: {  	s10 =	sadd.s32 $0x10, s11;
	s12 =	simm.s32 $0x380  }
0xa9: {  	[tilespmem:s12], [sflag:$0x9] =	stream.linear.gather [hbm4b:s10+s3], $0x80, $0x38;
	[tilespmem:$0x1E400] =	vst v63  }
0xaa: {  	s13 =	sadd.s32 $0x20, s11;
	s20 =	simm.s32 $0x580  }
0xab: {  	[tilespmem:s20], [sflag:$0x9] =	stream.linear.gather [hbm4b:s13+s3], $0x80, $0x38;
	[tilespmem:$0x1E400] =	vst v63  }
0xac: {  	s22 =	sadd.s32 $0x30, s11;
	s29 =	simm.s32 $0x780  }
0xad: {  	[tilespmem:s29], [sflag:$0x9] =	stream.linear.gather [hbm4b:s22+s3], $0x80, $0x38;
	[tilespmem:$0x1E400] =	vst v63  }
0xae: {  	s10 =	sadd.s32 $0x40, s11;
	s12 =	simm.s32 $0x980  }
0xaf: {  	[tilespmem:s12], [sflag:$0x9] =	stream.linear.gather [hbm4b:s10+s3], $0x80, $0x38;
	[tilespmem:$0x1E400] =	vst v63  }
0xb0: {  	s1 =	simm.s32 $0x1000;
	s13 =	sadd.s32 $0x50, s11;
	s20 =	simm.s32 $0xB80  }
0xb1: {  	[tilespmem:s20], [sflag:$0x9] =	stream.linear.gather [hbm4b:s13+s3], $0x80, $0x38;
	[tilespmem:$0x1E400] =	vst v63  }
0xb2: {  	s22 =	sadd.s32 $0x60, s11;
	s29 =	simm.s32 $0xD80;
	s11 =	sadd.s32 $0x70, s11  }
0xb3: {  	[tilespmem:s29], [sflag:$0x9] =	stream.linear.gather [hbm4b:s22+s3], $0x80, $0x38;
	[tilespmem:$0x1E400] =	vst v63  }
0xb4: {  	s10 =	simm.s32 $0x4000;
	s20 =	simm.s32 $0x8000;
	s22 =	simm.s32 $0xF80  }
.LBB2_8:
0xb5: {  	[tilespmem:s22], [sflag:$0x9] =	stream.linear.gather [hbm4b:s11+s3], $0x80, $0x38;
	[tilespmem:$0x1E400] =	vst v63  }
0xb6: {  	s11 =	smov.u32 s20  }
0xb7: {  	s12 =	sshra.s32 s20, $0x2;
	s13 =	sadd.s32 s10, s8;
	s10 =	sadd.s32 $0x180, s1  }
0xb8: {  	[tilespmem:s10], [sflag:$0x9] =	stream.linear.gather [hbm4b:s13+s3], $0x80, $0x38;
	[tilespmem:$0x1E400] =	vst v63  }
0xb9: {  	s29 =	sadd.s32 $0x4000, s20;
	s22 =	sadd.s32 $0x380, s1;
	s10 =	sadd.s32 $0x10, s13  }
0xba: {  	[tilespmem:s22], [sflag:$0x9] =	stream.linear.gather [hbm4b:s10+s3], $0x80, $0x38;
	[tilespmem:$0x1E400] =	vst v63  }
0xbb: {  	p0 =	seq.s32 s20, $0x14000;
	s20 =	sadd.s32 $0x580, s1;
	s10 =	sadd.s32 $0x20, s13  }
0xbc: {  	[tilespmem:s20], [sflag:$0x9] =	stream.linear.gather [hbm4b:s10+s3], $0x80, $0x38;
	[tilespmem:$0x1E400] =	vst v63  }
0xbd: {  	s22 =	sadd.s32 $0x780, s1;
	s20 =	sadd.s32 $0x30, s13;
	s10 =	smov.u32 s11  }
0xbe: {  	[tilespmem:s22], [sflag:$0x9] =	stream.linear.gather [hbm4b:s20+s3], $0x80, $0x38;
	[tilespmem:$0x1E400] =	vst v63  }
0xbf: {  	s11 =	sadd.s32 $0x40, s13;
	s20 =	sadd.s32 $0x980, s1  }
0xc0: {  	[tilespmem:s20], [sflag:$0x9] =	stream.linear.gather [hbm4b:s11+s3], $0x80, $0x38;
	[tilespmem:$0x1E400] =	vst v63  }
.Ltmp3:
0xc1: {  	s11 =	sadd.s32 $0x50, s13;
	s20 =	sadd.s32 $0xB80, s1;
	(pc) =	sbr.rel @!p0 .LBB2_8-.Ltmp3, $4  }
0xc2: {  	[tilespmem:s20], [sflag:$0x9] =	stream.linear.gather [hbm4b:s11+s3], $0x80, $0x38;
	[tilespmem:$0x1E400] =	vst v63  }
0xc3: {  	s22 =	sadd.s32 $0xF80, s1;
	s11 =	sadd.s32 $0x60, s13;
	s20 =	sadd.s32 $0xD80, s1  }
0xc4: {  	[tilespmem:s20], [sflag:$0x9] =	stream.linear.gather [hbm4b:s11+s3], $0x80, $0x38;
	[tilespmem:$0x1E400] =	vst v63  }
0xc5: {  	s1 =	smov.u32 s12;
	s11 =	sadd.s32 $0x70, s13;
	s20 =	smov.u32 s29  }
0xc6: {  	[tilespmem:s22], [sflag:$0x9] =	stream.linear.gather [hbm4b:s11+s3], $0x80, $0x38;
	[tilespmem:$0x1E400] =	vst v63  }
0xc7: {  	s10 =	sadd.s32 s10, s8;
	s22 =	sadd.s32 $0x180, s1  }
0xc8: {  	[tilespmem:s22], [sflag:$0x9] =	stream.linear.gather [hbm4b:s10+s3], $0x80, $0x38;
	[tilespmem:$0x1E400] =	vst v63  }
0xc9: {  	s12 =	sadd.s32 $0x380, s1;
	s29 =	sadd.s32 $0x10, s10  }
0xca: {  	[tilespmem:s12], [sflag:$0x9] =	stream.linear.gather [hbm4b:s29+s3], $0x80, $0x38;
	[tilespmem:$0x1E400] =	vst v63  }
0xcb: {  	s20 =	sadd.s32 $0x580, s1;
	s13 =	sadd.s32 $0x20, s10  }
0xcc: {  	[tilespmem:s20], [sflag:$0x9] =	stream.linear.gather [hbm4b:s13+s3], $0x80, $0x38;
	[tilespmem:$0x1E400] =	vst v63  }
0xcd: {  	s22 =	sadd.s32 $0x30, s10;
	s29 =	sadd.s32 $0x780, s1  }
0xce: {  	[tilespmem:s29], [sflag:$0x9] =	stream.linear.gather [hbm4b:s22+s3], $0x80, $0x38;
	[tilespmem:$0x1E400] =	vst v63  }
0xcf: {  	s13 =	sadd.s32 $0x40, s10;
	s20 =	sadd.s32 $0x980, s1  }
0xd0: {  	[tilespmem:s20], [sflag:$0x9] =	stream.linear.gather [hbm4b:s13+s3], $0x80, $0x38;
	[tilespmem:$0x1E400] =	vst v63  }
0xd1: {  	s22 =	sadd.s32 $0x50, s10;
	s29 =	sadd.s32 $0xB80, s1  }
0xd2: {  	[tilespmem:s29], [sflag:$0x9] =	stream.linear.gather [hbm4b:s22+s3], $0x80, $0x38;
	[tilespmem:$0x1E400] =	vst v63  }
0xd3: {  	s12 =	sadd.s32 $0x60, s10;
	s13 =	sadd.s32 $0xD80, s1  }
0xd4: {  	[tilespmem:s13], [sflag:$0x9] =	stream.linear.gather [hbm4b:s12+s3], $0x80, $0x38;
	[tilespmem:$0x1E400] =	vst v63  }
0xd5: {  	s10 =	sadd.s32 $0x70, s10;
	s20 =	sadd.s32 $0xF80, s1  }
0xd6: {  	[tilespmem:s20], [sflag:$0x9] =	stream.linear.gather [hbm4b:s10+s3], $0x80, $0x38;
	[tilespmem:$0x1E400] =	vst v63  }
0xd7: {  	s22 =	sadd.s32 $0x18000, s8;
	s29 =	simm.s32 $0x0;
	s12 =	simm.s32 $0x6180  }
0xd8: {  	[tilespmem:s12], [sflag:$0x9] =	stream.linear.gather [hbm4b:s22+s29], $0x80, $0x38;
	[tilespmem:$0x1E400] =	vst v63  }
0xd9: {  	s1 =	sadd.s32 $0x10, s22;
	s13 =	simm.s32 $0x6380;
	s20 =	simm.s32 $0x9  }
0xda: {  	[tilespmem:s13], [sflag:$0x9] =	stream.linear.gather [hbm4b:s1+s29], $0x80, $0x38;
	[tilespmem:$0x1E400] =	vst v63  }
0xdb: {  	_ =	swait.ge [sflag:s20], $0x1900  }
0xdc: {  	[sflag:s20] =	ssyncset.done $0x0  }
0xdd: {  	s22 =	simm.s32 $0x6400;
	[sflag:s20] =	ssyncadd.s32 $0xFFFFE700  }
0xde: {  	[tilespmem:s22], [sflag:$0x1] =	stream.indirect.gather [hbm4b:s4+s0], $0x80, s29, s0, $0xb8;
	[tilespmem:$0x1E400] =	vst v63  }
0xdf: {  	s1 =	simm.s32 $0x0;
	s13 =	rddreg [dreg:$0x4];
	s29 =	simm.s32 $0xA400  }
0xe0: {  	[tilespmem:s29], [sflag:$0x2] =	stream.indirect.gather [hbm4b:s4+s0], $0x80, s0, s0, $0xb8;
	[tilespmem:$0x1E400] =	vst v63  }
.LBB2_10:
0xe1: {  	p0 =	seq.s32 s1, $0x0  }
0xe2: {  	s10 =	simm.s32 @!p0 $0x7  }
0xe3: {  	_ =	swait.ge @!p0 [sflag:s10], $0x400  }
0xe4: {  	[sflag:s10] =	ssyncset.done @!p0 $0x0  }
0xe5: {  	[sflag:s10] =	ssyncadd.s32 @!p0 $0xFFFFFC00  }
0xe6: {  	_ =	swait.ge @!p0 [sflag:s10], $0x400  }
0xe7: {  	[sflag:s10] =	ssyncset.done @!p0 $0x0  }
0xe8: {  	[sflag:s10] =	ssyncadd.s32 @!p0 $0xFFFFFC00  }
0xe9: {  	_ =	swait.ge @!p0 [sflag:s10], $0x400  }
0xea: {  	[sflag:s10] =	ssyncset.done @!p0 $0x0  }
0xeb: {  	[sflag:s10] =	ssyncadd.s32 @!p0 $0xFFFFFC00  }
0xec: {  	_ =	swait.ge @!p0 [sflag:s10], $0x400  }
0xed: {  	[sflag:s10] =	ssyncset.done @!p0 $0x0  }
0xee: {  	[sflag:s10] =	ssyncadd.s32 @!p0 $0xFFFFFC00  }
0xef: {  	_ =	swait.ge @!p0 [sflag:s10], $0x400  }
0xf0: {  	[sflag:s10] =	ssyncset.done @!p0 $0x0  }
0xf1: {  	[sflag:s10] =	ssyncadd.s32 @!p0 $0xFFFFFC00  }
0xf2: {  	_ =	swait.ge @!p0 [sflag:s10], $0x400  }
0xf3: {  	[sflag:s10] =	ssyncset.done @!p0 $0x0  }
0xf4: {  	[sflag:s10] =	ssyncadd.s32 @!p0 $0xFFFFFC00  }
0xf5: {  	_ =	swait.ge @!p0 [sflag:s10], $0x400  }
0xf6: {  	[sflag:s10] =	ssyncset.done @!p0 $0x0  }
0xf7: {  	[sflag:s10] =	ssyncadd.s32 @!p0 $0xFFFFFC00  }
0xf8: {  	s11 =	sshll.u32 s1, $0x9;
	_ =	swait.ge @!p0 [sflag:s10], $0x400  }
0xf9: {  	s22 =	simm.s32 $0xE400;
	s20 =	sand.u32 $0x3FFFFE00, s11;
	[sflag:s10] =	ssyncset.done @!p0 $0x0  }
0xfa: {  	s11 =	simm.s32 $0x2;
	s12 =	sor.u32 $0x100, s20;
	[sflag:s10] =	ssyncadd.s32 @!p0 $0xFFFFFC00  }
0xfb: {  	[tilespmem:s22], [sflag:$0x3] =	stream.indirect.gather [hbm4b:s4+s0], $0x80, s12, s0, $0xb8;
	[tilespmem:$0x1E400] =	vst v63  }
0xfc: {  	v6 =	vmov s11;
	s11 =	simm.s32 $0x5;
	s12 =	simm.s32 $0x0  }
0xfd: {  	v10 =	vmov s11;
	s22 =	simm.s32 $0x1;
	_ =	swait.ge [sflag:s25], $0x4000;
	v4 =	vmov s12;
	s12 =	simm.s32 $0x7  }
0xfe: {  	v6 =	vand.u32 $0x7A, v6;
	v5 =	vmov s22;
	s22 =	simm.s32 $0x3;
	[sflag:s25] =	ssyncset.done $0x0;
	v8 =	vmov s12  }
0xff: {  	s11 =	simm.s32 $0x6;
	v4 =	vand.u32 $0x78, v4;
	v7 =	vmov s22;
	s22 =	simm.s32 $0x6600;
	[sflag:s25] =	ssyncadd.s32 $0xFFFFC000;
	v8 =	vand.u32 $0x7F, v8  }
0x100: {  	v11 =	vmov s11;
	v13 =	vbroadcast v4, $0x0;
	v4 =	vld [tilespmem:s22+$0x180];
	v15 =	vbroadcast v8, $0x0  }
0x101: {  	v21 =	vbroadcast v6, $0x0;
	v11 =	vand.u32 $0x7E, v11;
	s10 =	simm.s32 $0x4;
	v5 =	vand.u32 $0x79, v5;
	v12 =	vld [tilespmem:s22+$0xFFFFFE00]  }
0x102: {  	v9 =	vmov s10;
	v20 =	vbroadcast v5, $0x0;
	v14 =	vld [tilespmem:s22+$0xFFFFFE80];
	v16 =	vor.u32 v0, v15  }
0x103: {  	v7 =	vand.u32 $0x7B, v7;
	v5 =	vand.u32 $0x7D, v10;
	v17 =	vld [tilespmem:s22+$0xFFFFFF00];
	v10 =	vor.u32 v0, v13  }
0x104: {  	v9 =	vand.u32 $0x7C, v9;
	v19 =	vld [tilespmem:s22+$0xFFFFFF80];
	v8 =	vbroadcast v7, $0x0;
	v18 =	vor.u32 v0, v20  }
0x105: {  	v22 =	vor.u32 v0, v21;
	v23 =	vld [tilespmem:s22+$0x0];
	v7 =	vbroadcast v9, $0x0;
	v4 =	vmul.f32 $8.000000000e+00, v4  }
0x106: {  	v24 =	vld [tilespmem:s22+$0x80];
	v6 =	vbroadcast v5, $0x0;
	v9 =	vmul.f32 $8.000000000e+00, v12;
	v12 =	vor.u32 v0, v8  }
0x107: {  	v26 =	vld [tilespmem:s22+$0x100];
	v5 =	vbroadcast v11, $0x0;
	v25 =	vor.u32 v0, v7;
	v14 =	vmul.f32 $8.000000000e+00, v14;
	[tilespmem:v16+s26+$0x0] =	vst.idx.msk $0xffff, v4  }
0x108: {  	[tilespmem:v10+s26+$0x0] =	vst.idx.msk $0xffff, v9;
	v4 =	vmul.f32 $8.000000000e+00, v17;
	v9 =	vor.u32 v0, v6;
	v10 =	vld [tilespmem:s22+$0x190]  }
0x109: {  	[tilespmem:v18+s26+$0x0] =	vst.idx.msk $0xffff, v14;
	v14 =	vmul.f32 $8.000000000e+00, v19;
	v16 =	vor.u32 v0, v5;
	v11 =	vld [tilespmem:s22+$0xFFFFFE10]  }
0x10a: {  	v18 =	vor.u32 v1, v15;
	v17 =	vld [tilespmem:s22+$0xFFFFFE90];
	[tilespmem:v22+s26+$0x0] =	vst.idx.msk $0xffff, v4;
	v4 =	vmul.f32 $8.000000000e+00, v23  }
0x10b: {  	v19 =	vor.u32 v1, v13;
	v22 =	vld [tilespmem:s22+$0xFFFFFF10];
	[tilespmem:v12+s26+$0x0] =	vst.idx.msk $0xffff, v14;
	v12 =	vmul.f32 $8.000000000e+00, v24  }
0x10c: {  	v14 =	vor.u32 v1, v20;
	v23 =	vld [tilespmem:s22+$0xFFFFFF90];
	[tilespmem:v25+s26+$0x0] =	vst.idx.msk $0xffff, v4;
	v4 =	vmul.f32 $8.000000000e+00, v26  }
0x10d: {  	v24 =	vor.u32 v1, v21;
	v25 =	vld [tilespmem:s22+$0x10];
	[tilespmem:v9+s26+$0x0] =	vst.idx.msk $0xffff, v12;
	v9 =	vmul.f32 $8.000000000e+00, v10  }
0x10e: {  	v10 =	vmul.f32 $8.000000000e+00, v11;
	v11 =	vor.u32 v1, v8;
	v12 =	vld [tilespmem:s22+$0x90];
	[tilespmem:v16+s26+$0x0] =	vst.idx.msk $0xffff, v4  }
0x10f: {  	v4 =	vmul.f32 $8.000000000e+00, v17;
	v16 =	vor.u32 v1, v7;
	v17 =	vld [tilespmem:s22+$0x110];
	[tilespmem:v18+s26+$0x0] =	vst.idx.msk $0xffff, v9  }
0x110: {  	v31 =	vor.u32 v2, v21;
	[tilespmem:v19+s26+$0x0] =	vst.idx.msk $0xffff, v10;
	v10 =	vmul.f32 $8.000000000e+00, v22;
	v18 =	vor.u32 v1, v6;
	v19 =	vld [tilespmem:s22+$0x1A0]  }
0x111: {  	v27 =	vor.u32 v2, v13;
	[tilespmem:v14+s26+$0x0] =	vst.idx.msk $0xffff, v4;
	v14 =	vor.u32 v1, v5;
	v22 =	vld [tilespmem:s22+$0xFFFFFE20];
	v4 =	vmul.f32 $8.000000000e+00, v23  }
0x112: {  	s12 =	simm.s32 $0x8;
	v29 =	vor.u32 v2, v20;
	v26 =	vld [tilespmem:s22+$0xFFFFFEA0];
	[tilespmem:v24+s26+$0x0] =	vst.idx.msk $0xffff, v10;
	v10 =	vmul.f32 $8.000000000e+00, v25;
	v24 =	vor.u32 v2, v15  }
0x113: {  	s11 =	simm.s32 $0x9;
	v34 =	vor.u32 v2, v8;
	v9 =	vmov s12;
	v28 =	vld [tilespmem:s22+$0xFFFFFF20];
	[tilespmem:v11+s26+$0x0] =	vst.idx.msk $0xffff, v4;
	v4 =	vmul.f32 $8.000000000e+00, v12  }
0x114: {  	s12 =	simm.s32 $0xA;
	v9 =	vand.u32 $0x78, v9;
	v23 =	vmov s11;
	s11 =	simm.s32 $0xB;
	v30 =	vld [tilespmem:s22+$0xFFFFFFA0];
	[tilespmem:v16+s26+$0x0] =	vst.idx.msk $0xffff, v10;
	v10 =	vmul.f32 $8.000000000e+00, v17  }
0x115: {  	v25 =	vmov s12;
	s12 =	simm.s32 $0xC;
	v11 =	vmov s11;
	s11 =	simm.s32 $0xD;
	v32 =	vld [tilespmem:s22+$0x20];
	[tilespmem:v18+s26+$0x0] =	vst.idx.msk $0xffff, v4;
	v4 =	vmul.f32 $8.000000000e+00, v19  }
0x116: {  	v16 =	vmov s12;
	v33 =	vmov s11;
	s12 =	simm.s32 $0xE;
	v17 =	vmul.f32 $8.000000000e+00, v22;
	v35 =	vld [tilespmem:s22+$0xA0];
	[tilespmem:v14+s26+$0x0] =	vst.idx.msk $0xffff, v10  }
0x117: {  	v12 =	vmov s12;
	v10 =	vmul.f32 $8.000000000e+00, v26;
	v26 =	vor.u32 v2, v7;
	v36 =	vld [tilespmem:s22+$0x120];
	[tilespmem:v24+s26+$0x0] =	vst.idx.msk $0xffff, v4  }
0x118: {  	v4 =	vbroadcast v9, $0x0;
	[tilespmem:v27+s26+$0x0] =	vst.idx.msk $0xffff, v17;
	v9 =	vmul.f32 $8.000000000e+00, v28;
	v27 =	vor.u32 v2, v6;
	v62 =	vld [tilespmem:s22+$0x1B0]  }
0x119: {  	v17 =	vand.u32 $0x79, v23;
	[tilespmem:v29+s26+$0x0] =	vst.idx.msk $0xffff, v10;
	v23 =	vor.u32 v2, v5;
	v22 =	vld [tilespmem:s22+$0xFFFFFE30];
	v10 =	vmul.f32 $8.000000000e+00, v30  }
0x11a: {  	v14 =	vand.u32 $0x7A, v25;
	v24 =	vld [tilespmem:s22+$0xFFFFFEB0];
	[tilespmem:v31+s26+$0x0] =	vst.idx.msk $0xffff, v9;
	v25 =	vmul.f32 $8.000000000e+00, v32;
	v9 =	vor.u32 v3, v15  }
0x11b: {  	v18 =	vor.u32 v3, v13;
	v16 =	vand.u32 $0x7C, v16;
	v19 =	vld [tilespmem:s22+$0xFFFFFF30];
	[tilespmem:v34+s26+$0x0] =	vst.idx.msk $0xffff, v10;
	v63 =	vmul.f32 $8.000000000e+00, v35  }
0x11c: {  	v15 =	vand.u32 $0x7B, v11;
	v11 =	vor.u32 v3, v20;
	v20 =	vld [tilespmem:s22+$0xFFFFFFB0];
	[tilespmem:v26+s26+$0x0] =	vst.idx.msk $0xffff, v25;
	v25 =	vmul.f32 $8.000000000e+00, v36  }
0x11d: {  	s29 =	simm.s32 $0x10;
	s10 =	simm.s32 $0xF;
	v13 =	vand.u32 $0x7D, v33;
	v10 =	vor.u32 v3, v21;
	v21 =	vld [tilespmem:s22+$0x30];
	[tilespmem:v27+s26+$0x0] =	vst.idx.msk $0xffff, v63;
	v26 =	vmul.f32 $8.000000000e+00, v62  }
.LBB2_11:
0x11e: {  	p1 =	slt.u32 s29, $0x78;
	v27 =	vmov s10;
	v22 =	vmul.f32 $8.000000000e+00, v22;
	v8 =	vor.u32 v3, v8;
	v28 =	vld [tilespmem:s22+$0xB0];
	[tilespmem:v23+s26+$0x0] =	vst.idx.msk $0xffff, v25  }
0x11f: {  	v7 =	vor.u32 v3, v7;
	v23 =	vand.u32 $0x7F, v27;
	v24 =	vmul.f32 $8.000000000e+00, v24;
	v25 =	vld [tilespmem:s22+$0x130];
	[tilespmem:v9+s26+$0x0] =	vst.idx.msk $0xffff, v26;
	s22 =	sadd.s32 $0x400, s22  }
0x120: {  	v6 =	vor.u32 v3, v6;
	v26 =	vld [tilespmem:s22+$0x180];
	v9 =	vbroadcast v23, $0x0;
	[tilespmem:v18+s26+$0x0] =	vst.idx.msk $0xffff, v22;
	v18 =	vmul.f32 $8.000000000e+00, v19  }
0x121: {  	v12 =	vand.u32 $0x7E, v12;
	v5 =	vor.u32 v3, v5;
	v19 =	vld [tilespmem:s22+$0xFFFFFE00];
	[tilespmem:v11+s26+$0x0] =	vst.idx.msk $0xffff, v24;
	v20 =	vmul.f32 $8.000000000e+00, v20  }
0x122: {  	v11 =	vbroadcast v17, $0x0;
	v22 =	vld [tilespmem:s22+$0xFFFFFE80];
	v17 =	vor.u32 v0, v9;
	[tilespmem:v10+s26+$0x0] =	vst.idx.msk $0xffff, v18;
	v18 =	vmul.f32 $8.000000000e+00, v21  }
0x123: {  	v21 =	vor.u32 v0, v4;
	v10 =	vbroadcast v14, $0x0;
	v23 =	vld [tilespmem:s22+$0xFFFFFF00];
	[tilespmem:v8+s26+$0x0] =	vst.idx.msk $0xffff, v20;
	v14 =	vmul.f32 $8.000000000e+00, v28  }
0x124: {  	v20 =	vor.u32 v0, v11;
	v8 =	vbroadcast v15, $0x0;
	v24 =	vld [tilespmem:s22+$0xFFFFFF80];
	[tilespmem:v7+s26+$0x0] =	vst.idx.msk $0xffff, v18;
	v15 =	vmul.f32 $8.000000000e+00, v25  }
0x125: {  	v18 =	vor.u32 v0, v10;
	v7 =	vbroadcast v16, $0x0;
	v25 =	vld [tilespmem:s22+$0x0];
	v16 =	vmul.f32 $8.000000000e+00, v26;
	[tilespmem:v6+s26+$0x0] =	vst.idx.msk $0xffff, v14  }
0x126: {  	v6 =	vbroadcast v13, $0x0;
	v14 =	vmul.f32 $8.000000000e+00, v19;
	v19 =	vor.u32 v0, v8;
	v26 =	vld [tilespmem:s22+$0x80];
	[tilespmem:v5+s26+$0x0] =	vst.idx.msk $0xffff, v15  }
0x127: {  	v15 =	vor.u32 v0, v7;
	v5 =	vbroadcast v12, $0x0;
	v13 =	vmul.f32 $8.000000000e+00, v22;
	v22 =	vld [tilespmem:s22+$0x100];
	[tilespmem:v17+s26+$0x0] =	vst.idx.msk $0xffff, v16  }
0x128: {  	[tilespmem:v21+s26+$0x0] =	vst.idx.msk $0xffff, v14;
	v12 =	vmul.f32 $8.000000000e+00, v23;
	v14 =	vor.u32 v0, v6;
	v16 =	vld [tilespmem:s22+$0x190]  }
0x129: {  	v17 =	vld [tilespmem:s22+$0xFFFFFE10];
	[tilespmem:v20+s26+$0x0] =	vst.idx.msk $0xffff, v13;
	v13 =	vmul.f32 $8.000000000e+00, v24;
	v20 =	vor.u32 v0, v5  }
0x12a: {  	v21 =	vld [tilespmem:s22+$0xFFFFFE90];
	[tilespmem:v18+s26+$0x0] =	vst.idx.msk $0xffff, v12;
	v12 =	vmul.f32 $8.000000000e+00, v25;
	v18 =	vor.u32 v1, v9  }
0x12b: {  	v23 =	vor.u32 v1, v4;
	v24 =	vld [tilespmem:s22+$0xFFFFFF10];
	[tilespmem:v19+s26+$0x0] =	vst.idx.msk $0xffff, v13;
	v13 =	vmul.f32 $8.000000000e+00, v26  }
0x12c: {  	v19 =	vor.u32 v1, v11;
	v25 =	vld [tilespmem:s22+$0xFFFFFF90];
	[tilespmem:v15+s26+$0x0] =	vst.idx.msk $0xffff, v12;
	v12 =	vmul.f32 $8.000000000e+00, v22  }
0x12d: {  	v15 =	vor.u32 v1, v10;
	v22 =	vld [tilespmem:s22+$0x10];
	[tilespmem:v14+s26+$0x0] =	vst.idx.msk $0xffff, v13;
	v13 =	vmul.f32 $8.000000000e+00, v16  }
0x12e: {  	v16 =	vor.u32 v1, v8;
	v14 =	vmul.f32 $8.000000000e+00, v17;
	v17 =	vld [tilespmem:s22+$0x90];
	[tilespmem:v20+s26+$0x0] =	vst.idx.msk $0xffff, v12  }
0x12f: {  	v20 =	vor.u32 v1, v7;
	v12 =	vmul.f32 $8.000000000e+00, v21;
	v21 =	vld [tilespmem:s22+$0x110];
	[tilespmem:v18+s26+$0x0] =	vst.idx.msk $0xffff, v13  }
0x130: {  	v13 =	vmov s29;
	v18 =	vor.u32 v1, v6;
	[tilespmem:v23+s26+$0x0] =	vst.idx.msk $0xffff, v14;
	v14 =	vmul.f32 $8.000000000e+00, v24;
	v23 =	vld [tilespmem:s22+$0x1A0]  }
0x131: {  	s10 =	sadd.s32 $0x1, s29;
	v13 =	vand.u32 $0x78, v13;
	v24 =	vld [tilespmem:s22+$0xFFFFFE20];
	[tilespmem:v19+s26+$0x0] =	vst.idx.msk $0xffff, v12;
	v12 =	vmul.f32 $8.000000000e+00, v25;
	v19 =	vor.u32 v1, v5  }
0x132: {  	v25 =	vmov s10;
	s10 =	sadd.s32 $0x2, s29;
	v26 =	vld [tilespmem:s22+$0xFFFFFEA0];
	[tilespmem:v15+s26+$0x0] =	vst.idx.msk $0xffff, v14;
	v14 =	vmul.f32 $8.000000000e+00, v22;
	v15 =	vor.u32 v2, v9  }
0x133: {  	v27 =	vmov s10;
	s10 =	sadd.s32 $0x3, s29;
	v22 =	vor.u32 v2, v4;
	v28 =	vld [tilespmem:s22+$0xFFFFFF20];
	[tilespmem:v16+s26+$0x0] =	vst.idx.msk $0xffff, v12;
	v12 =	vmul.f32 $8.000000000e+00, v17  }
0x134: {  	v29 =	vor.u32 v2, v11;
	v16 =	vmov s10;
	s10 =	sadd.s32 $0x4, s29;
	v30 =	vld [tilespmem:s22+$0xFFFFFFA0];
	[tilespmem:v20+s26+$0x0] =	vst.idx.msk $0xffff, v14;
	v14 =	vmul.f32 $8.000000000e+00, v21  }
0x135: {  	v20 =	vmov s10;
	s10 =	sadd.s32 $0x5, s29;
	v21 =	vor.u32 v2, v10;
	v31 =	vld [tilespmem:s22+$0x20];
	[tilespmem:v18+s26+$0x0] =	vst.idx.msk $0xffff, v12;
	v17 =	vmul.f32 $8.000000000e+00, v23  }
0x136: {  	v33 =	vor.u32 v2, v8;
	v32 =	vmov s10;
	s10 =	sadd.s32 $0x6, s29;
	v18 =	vmul.f32 $8.000000000e+00, v24;
	v34 =	vld [tilespmem:s22+$0xA0];
	[tilespmem:v19+s26+$0x0] =	vst.idx.msk $0xffff, v14  }
0x137: {  	v12 =	vmov s10;
	v14 =	vmul.f32 $8.000000000e+00, v26;
	v26 =	vor.u32 v2, v7;
	v35 =	vld [tilespmem:s22+$0x120];
	[tilespmem:v15+s26+$0x0] =	vst.idx.msk $0xffff, v17  }
0x138: {  	v13 =	vbroadcast v13, $0x0;
	[tilespmem:v22+s26+$0x0] =	vst.idx.msk $0xffff, v18;
	v15 =	vmul.f32 $8.000000000e+00, v28;
	v28 =	vor.u32 v2, v6;
	v36 =	vld [tilespmem:s22+$0x1B0]  }
.Ltmp4:
0x139: {  	v23 =	vor.u32 v2, v5;
	v17 =	vand.u32 $0x79, v25;
	v22 =	vld [tilespmem:s22+$0xFFFFFE30];
	[tilespmem:v29+s26+$0x0] =	vst.idx.msk $0xffff, v14;
	v25 =	vmul.f32 $8.000000000e+00, v30;
	(pc) =	sbr.rel @p1 .LBB2_11-.Ltmp4, $4  }
0x13a: {  	v9 =	vor.u32 v3, v9;
	v14 =	vand.u32 $0x7A, v27;
	v24 =	vld [tilespmem:s22+$0xFFFFFEB0];
	[tilespmem:v21+s26+$0x0] =	vst.idx.msk $0xffff, v15;
	v21 =	vmul.f32 $8.000000000e+00, v31  }
0x13b: {  	v18 =	vor.u32 v3, v4;
	v4 =	vmovc v13;
	v15 =	vand.u32 $0x7B, v16;
	v19 =	vld [tilespmem:s22+$0xFFFFFF30];
	[tilespmem:v33+s26+$0x0] =	vst.idx.msk $0xffff, v25;
	v27 =	vmul.f32 $8.000000000e+00, v34  }
0x13c: {  	v11 =	vor.u32 v3, v11;
	v16 =	vand.u32 $0x7C, v20;
	v20 =	vld [tilespmem:s22+$0xFFFFFFB0];
	[tilespmem:v26+s26+$0x0] =	vst.idx.msk $0xffff, v21;
	v25 =	vmul.f32 $8.000000000e+00, v35  }
0x13d: {  	v10 =	vor.u32 v3, v10;
	s10 =	sadd.s32 $0x7, s29;
	s29 =	sadd.s32 $0x8, s29;
	v13 =	vand.u32 $0x7D, v32;
	v21 =	vld [tilespmem:s22+$0x30];
	[tilespmem:v28+s26+$0x0] =	vst.idx.msk $0xffff, v27;
	v26 =	vmul.f32 $8.000000000e+00, v36  }
0x13e: {  	_ =	sdelay $0x3  }
0x13f: {  	v27 =	vmov s10;
	v22 =	vmul.f32 $8.000000000e+00, v22;
	v8 =	vor.u32 v3, v8;
	v28 =	vld [tilespmem:s22+$0xB0];
	[tilespmem:v23+s26+$0x0] =	vst.idx.msk $0xffff, v25  }
0x140: {  	v7 =	vor.u32 v3, v7;
	v23 =	vand.u32 $0x7F, v27;
	v24 =	vmul.f32 $8.000000000e+00, v24;
	v25 =	vld [tilespmem:s22+$0x130];
	[tilespmem:v9+s26+$0x0] =	vst.idx.msk $0xffff, v26;
	s22 =	sadd.s32 $0x400, s22  }
0x141: {  	v6 =	vor.u32 v3, v6;
	v9 =	vld [tilespmem:s22+$0x180];
	v23 =	vbroadcast v23, $0x0;
	[tilespmem:v18+s26+$0x0] =	vst.idx.msk $0xffff, v22;
	v18 =	vmul.f32 $8.000000000e+00, v19  }
0x142: {  	v12 =	vand.u32 $0x7E, v12;
	v5 =	vor.u32 v3, v5;
	v19 =	vld [tilespmem:s22+$0xFFFFFE00];
	[tilespmem:v11+s26+$0x0] =	vst.idx.msk $0xffff, v24;
	v11 =	vmul.f32 $8.000000000e+00, v20  }
0x143: {  	v17 =	vbroadcast v17, $0x0;
	v20 =	vld [tilespmem:s22+$0xFFFFFE80];
	v22 =	vor.u32 v0, v23;
	[tilespmem:v10+s26+$0x0] =	vst.idx.msk $0xffff, v18;
	v10 =	vmul.f32 $8.000000000e+00, v21  }
0x144: {  	v14 =	vbroadcast v14, $0x0;
	v18 =	vor.u32 v0, v4;
	v21 =	vld [tilespmem:s22+$0xFFFFFF00];
	[tilespmem:v8+s26+$0x0] =	vst.idx.msk $0xffff, v11;
	v8 =	vmul.f32 $8.000000000e+00, v28  }
0x145: {  	v15 =	vbroadcast v15, $0x0;
	v24 =	vld [tilespmem:s22+$0xFFFFFF80];
	v11 =	vor.u32 v0, v17;
	[tilespmem:v7+s26+$0x0] =	vst.idx.msk $0xffff, v10;
	v7 =	vmul.f32 $8.000000000e+00, v25  }
0x146: {  	v16 =	vbroadcast v16, $0x0;
	v10 =	vor.u32 v0, v14;
	v25 =	vld [tilespmem:s22+$0x0];
	v9 =	vmul.f32 $8.000000000e+00, v9;
	[tilespmem:v6+s26+$0x0] =	vst.idx.msk $0xffff, v8  }
0x147: {  	v13 =	vbroadcast v13, $0x0;
	v6 =	vmul.f32 $8.000000000e+00, v19;
	v8 =	vor.u32 v0, v15;
	v19 =	vld [tilespmem:s22+$0x80];
	[tilespmem:v5+s26+$0x0] =	vst.idx.msk $0xffff, v7  }
0x148: {  	v12 =	vbroadcast v12, $0x0;
	v5 =	vmul.f32 $8.000000000e+00, v20;
	v7 =	vor.u32 v0, v16;
	v20 =	vld [tilespmem:s22+$0x100];
	[tilespmem:v22+s26+$0x0] =	vst.idx.msk $0xffff, v9  }
0x149: {  	[tilespmem:v18+s26+$0x0] =	vst.idx.msk $0xffff, v6;
	v6 =	vmul.f32 $8.000000000e+00, v21;
	v9 =	vor.u32 v0, v13;
	v18 =	vld [tilespmem:s22+$0x190]  }
0x14a: {  	v21 =	vld [tilespmem:s22+$0xFFFFFE10];
	[tilespmem:v11+s26+$0x0] =	vst.idx.msk $0xffff, v5;
	v5 =	vmul.f32 $8.000000000e+00, v24;
	v11 =	vor.u32 v0, v12  }
0x14b: {  	v22 =	vld [tilespmem:s22+$0xFFFFFE90];
	[tilespmem:v10+s26+$0x0] =	vst.idx.msk $0xffff, v6;
	v6 =	vmul.f32 $8.000000000e+00, v25;
	v10 =	vor.u32 v1, v23  }
0x14c: {  	v24 =	vor.u32 v1, v4;
	v25 =	vld [tilespmem:s22+$0xFFFFFF10];
	[tilespmem:v8+s26+$0x0] =	vst.idx.msk $0xffff, v5;
	v5 =	vmul.f32 $8.000000000e+00, v19  }
0x14d: {  	v8 =	vor.u32 v1, v17;
	v19 =	vld [tilespmem:s22+$0xFFFFFF90];
	[tilespmem:v7+s26+$0x0] =	vst.idx.msk $0xffff, v6;
	v6 =	vmul.f32 $8.000000000e+00, v20  }
0x14e: {  	v7 =	vor.u32 v1, v14;
	v20 =	vld [tilespmem:s22+$0x10];
	[tilespmem:v9+s26+$0x0] =	vst.idx.msk $0xffff, v5;
	v5 =	vmul.f32 $8.000000000e+00, v18  }
0x14f: {  	v9 =	vmul.f32 $8.000000000e+00, v21;
	v18 =	vor.u32 v1, v15;
	v21 =	vld [tilespmem:s22+$0x90];
	[tilespmem:v11+s26+$0x0] =	vst.idx.msk $0xffff, v6  }
0x150: {  	v11 =	vor.u32 v1, v16;
	v6 =	vmul.f32 $8.000000000e+00, v22;
	v22 =	vld [tilespmem:s22+$0x110];
	[tilespmem:v10+s26+$0x0] =	vst.idx.msk $0xffff, v5  }
0x151: {  	[tilespmem:v24+s26+$0x0] =	vst.idx.msk $0xffff, v9;
	v5 =	vmul.f32 $8.000000000e+00, v25;
	v9 =	vor.u32 v1, v13;
	v10 =	vld [tilespmem:s22+$0x1A0]  }
0x152: {  	v24 =	vld [tilespmem:s22+$0xFFFFFE20];
	[tilespmem:v8+s26+$0x0] =	vst.idx.msk $0xffff, v6;
	v6 =	vmul.f32 $8.000000000e+00, v19;
	v8 =	vor.u32 v1, v12  }
0x153: {  	v19 =	vld [tilespmem:s22+$0xFFFFFEA0];
	[tilespmem:v7+s26+$0x0] =	vst.idx.msk $0xffff, v5;
	v5 =	vmul.f32 $8.000000000e+00, v20;
	v7 =	vor.u32 v2, v23  }
0x154: {  	v20 =	vor.u32 v2, v4;
	v25 =	vld [tilespmem:s22+$0xFFFFFF20];
	[tilespmem:v18+s26+$0x0] =	vst.idx.msk $0xffff, v6;
	v6 =	vmul.f32 $8.000000000e+00, v21  }
0x155: {  	v18 =	vor.u32 v2, v17;
	v21 =	vld [tilespmem:s22+$0xFFFFFFA0];
	[tilespmem:v11+s26+$0x0] =	vst.idx.msk $0xffff, v5;
	v5 =	vmul.f32 $8.000000000e+00, v22  }
0x156: {  	v11 =	vor.u32 v2, v14;
	v22 =	vld [tilespmem:s22+$0x20];
	[tilespmem:v9+s26+$0x0] =	vst.idx.msk $0xffff, v6;
	v6 =	vmul.f32 $8.000000000e+00, v10  }
0x157: {  	v9 =	vmul.f32 $8.000000000e+00, v24;
	v10 =	vor.u32 v2, v15;
	v24 =	vld [tilespmem:s22+$0xA0];
	[tilespmem:v8+s26+$0x0] =	vst.idx.msk $0xffff, v5  }
0x158: {  	v8 =	vor.u32 v2, v16;
	v5 =	vmul.f32 $8.000000000e+00, v19;
	v19 =	vld [tilespmem:s22+$0x120];
	[tilespmem:v7+s26+$0x0] =	vst.idx.msk $0xffff, v6  }
0x159: {  	[tilespmem:v20+s26+$0x0] =	vst.idx.msk $0xffff, v9;
	v6 =	vmul.f32 $8.000000000e+00, v25;
	v7 =	vor.u32 v2, v13;
	v9 =	vld [tilespmem:s22+$0x1B0]  }
0x15a: {  	v20 =	vld [tilespmem:s22+$0xFFFFFE30];
	[tilespmem:v18+s26+$0x0] =	vst.idx.msk $0xffff, v5;
	v5 =	vmul.f32 $8.000000000e+00, v21;
	v18 =	vor.u32 v2, v12  }
0x15b: {  	v21 =	vld [tilespmem:s22+$0xFFFFFEB0];
	[tilespmem:v11+s26+$0x0] =	vst.idx.msk $0xffff, v6;
	v6 =	vmul.f32 $8.000000000e+00, v22;
	v11 =	vor.u32 v3, v23  }
0x15c: {  	v4 =	vor.u32 v3, v4;
	v22 =	vld [tilespmem:s22+$0xFFFFFF30];
	[tilespmem:v10+s26+$0x0] =	vst.idx.msk $0xffff, v5;
	v5 =	vmul.f32 $8.000000000e+00, v24  }
0x15d: {  	v10 =	vor.u32 v3, v17;
	v17 =	vld [tilespmem:s22+$0xFFFFFFB0];
	[tilespmem:v8+s26+$0x0] =	vst.idx.msk $0xffff, v6;
	v6 =	vmul.f32 $8.000000000e+00, v19  }
0x15e: {  	v8 =	vor.u32 v3, v14;
	v14 =	vld [tilespmem:s22+$0x30];
	[tilespmem:v7+s26+$0x0] =	vst.idx.msk $0xffff, v5;
	v5 =	vmul.f32 $8.000000000e+00, v9  }
0x15f: {  	v7 =	vmul.f32 $8.000000000e+00, v20;
	v9 =	vor.u32 v3, v15;
	v15 =	vld [tilespmem:s22+$0xB0];
	[tilespmem:v18+s26+$0x0] =	vst.idx.msk $0xffff, v6  }
0x160: {  	v16 =	vor.u32 v3, v16;
	v6 =	vmul.f32 $8.000000000e+00, v21;
	v18 =	vld [tilespmem:s22+$0x130];
	[tilespmem:v11+s26+$0x0] =	vst.idx.msk $0xffff, v5  }
0x161: {  	[tilespmem:v4+s26+$0x0] =	vst.idx.msk $0xffff, v7;
	v4 =	vmul.f32 $8.000000000e+00, v22;
	v5 =	vor.u32 v3, v13  }
0x162: {  	v7 =	vor.u32 v3, v12;
	[tilespmem:v10+s26+$0x0] =	vst.idx.msk $0xffff, v6;
	v6 =	vmul.f32 $8.000000000e+00, v17  }
0x163: {  	[tilespmem:v8+s26+$0x0] =	vst.idx.msk $0xffff, v4;
	v4 =	vmul.f32 $8.000000000e+00, v14  }
0x164: {  	s22 =	sshll.u32 s1, $0x14;
	[tilespmem:v9+s26+$0x0] =	vst.idx.msk $0xffff, v6;
	v6 =	vmul.f32 $8.000000000e+00, v15  }
0x165: {  	s11 =	sor.u32 s9, s22;
	[tilespmem:v16+s26+$0x0] =	vst.idx.msk $0xffff, v4;
	v4 =	vmul.f32 $8.000000000e+00, v18  }
0x166: {  	s10 =	sshrl.u32 s11, $0x3;
	[tilespmem:v5+s26+$0x0] =	vst.idx.msk $0xffff, v6  }
0x167: {  	s11 =	sadd.s32 s2, s10;
	[tilespmem:v7+s26+$0x0] =	vst.idx.msk $0xffff, v4  }
0x168: {  	[hbm4b:s11+s3] =	stream.linear.scatter [tilespmem:s26], [sflag:$0x5], $0x400, $0x38;
	[tilespmem:$0x1E400] =	vst v63  }
0x169: {  	s12 =	simm.s32 $0x16800;
	s11 =	sadd.s32 s10, s13  }
0x16a: {  	[hbm4b:s11+s3] =	stream.linear.scatter [tilespmem:s12], [sflag:$0x5], $0x400, $0x38;
	[tilespmem:$0x1E400] =	vst v63  }
0x16b: {  	s12 =	rddreg [dreg:$0x5]  }
0x16c: {  	s11 =	sadd.s32 s10, s12;
	s12 =	simm.s32 $0x16C00  }
0x16d: {  	[hbm4b:s11+s3] =	stream.linear.scatter [tilespmem:s12], [sflag:$0x5], $0x400, $0x38;
	[tilespmem:$0x1E400] =	vst v63  }
0x16e: {  	s12 =	rddreg [dreg:$0x6]  }
0x16f: {  	s11 =	sadd.s32 s10, s12;
	s12 =	simm.s32 $0x17000  }
0x170: {  	[hbm4b:s11+s3] =	stream.linear.scatter [tilespmem:s12], [sflag:$0x5], $0x400, $0x38;
	[tilespmem:$0x1E400] =	vst v63  }
0x171: {  	s12 =	rddreg [dreg:$0x7]  }
0x172: {  	s11 =	sadd.s32 s10, s12;
	s12 =	simm.s32 $0x17400  }
0x173: {  	[hbm4b:s11+s3] =	stream.linear.scatter [tilespmem:s12], [sflag:$0x5], $0x400, $0x38;
	[tilespmem:$0x1E400] =	vst v63  }
0x174: {  	s11 =	sadd.s32 s10, s14;
	s12 =	simm.s32 $0x17800  }
0x175: {  	[hbm4b:s11+s3] =	stream.linear.scatter [tilespmem:s12], [sflag:$0x5], $0x400, $0x38;
	[tilespmem:$0x1E400] =	vst v63  }
0x176: {  	s11 =	sadd.s32 s10, s15;
	s12 =	simm.s32 $0x17C00  }
0x177: {  	[hbm4b:s11+s3] =	stream.linear.scatter [tilespmem:s12], [sflag:$0x5], $0x400, $0x38;
	[tilespmem:$0x1E400] =	vst v63  }
0x178: {  	s10 =	sadd.s32 s10, s16;
	s12 =	simm.s32 $0x18000  }
0x179: {  	[hbm4b:s10+s3] =	stream.linear.scatter [tilespmem:s12], [sflag:$0x5], $0x400, $0x38;
	[tilespmem:$0x1E400] =	vst v63  }
0x17a: {  	s10 =	simm.s32 @!p0 $0x8  }
0x17b: {  	_ =	swait.ge @!p0 [sflag:s10], $0x400  }
0x17c: {  	[sflag:s10] =	ssyncset.done @!p0 $0x0  }
0x17d: {  	[sflag:s10] =	ssyncadd.s32 @!p0 $0xFFFFFC00  }
0x17e: {  	_ =	swait.ge @!p0 [sflag:s10], $0x400  }
0x17f: {  	[sflag:s10] =	ssyncset.done @!p0 $0x0  }
0x180: {  	[sflag:s10] =	ssyncadd.s32 @!p0 $0xFFFFFC00  }
0x181: {  	_ =	swait.ge @!p0 [sflag:s10], $0x400  }
0x182: {  	[sflag:s10] =	ssyncset.done @!p0 $0x0  }
0x183: {  	[sflag:s10] =	ssyncadd.s32 @!p0 $0xFFFFFC00  }
0x184: {  	_ =	swait.ge @!p0 [sflag:s10], $0x400  }
0x185: {  	[sflag:s10] =	ssyncset.done @!p0 $0x0  }
0x186: {  	[sflag:s10] =	ssyncadd.s32 @!p0 $0xFFFFFC00  }
0x187: {  	_ =	swait.ge @!p0 [sflag:s10], $0x400  }
0x188: {  	[sflag:s10] =	ssyncset.done @!p0 $0x0  }
0x189: {  	[sflag:s10] =	ssyncadd.s32 @!p0 $0xFFFFFC00  }
0x18a: {  	_ =	swait.ge @!p0 [sflag:s10], $0x400  }
0x18b: {  	[sflag:s10] =	ssyncset.done @!p0 $0x0  }
0x18c: {  	[sflag:s10] =	ssyncadd.s32 @!p0 $0xFFFFFC00  }
0x18d: {  	_ =	swait.ge @!p0 [sflag:s10], $0x400  }
0x18e: {  	[sflag:s10] =	ssyncset.done @!p0 $0x0  }
0x18f: {  	[sflag:s10] =	ssyncadd.s32 @!p0 $0xFFFFFC00  }
0x190: {  	_ =	swait.ge @!p0 [sflag:s10], $0x400  }
0x191: {  	[sflag:s10] =	ssyncset.done @!p0 $0x0  }
0x192: {  	s11 =	sadd.s32 $0x180, s20;
	s12 =	simm.s32 $0x12400;
	[sflag:s10] =	ssyncadd.s32 @!p0 $0xFFFFFC00  }
0x193: {  	[tilespmem:s12], [sflag:$0x4] =	stream.indirect.gather [hbm4b:s4+s0], $0x80, s11, s0, $0xb8;
	[tilespmem:$0x1E400] =	vst v63  }
0x194: {  	s10 =	simm.s32 $0x2;
	s11 =	simm.s32 $0x0;
	s12 =	simm.s32 $0x1  }
0x195: {  	v6 =	vmov s10;
	s10 =	simm.s32 $0x4;
	_ =	swait.ge [sflag:s24], $0x4000;
	v4 =	vmov s11;
	v5 =	vmov s12;
	s12 =	simm.s32 $0x7  }
0x196: {  	s11 =	simm.s32 $0x3;
	v9 =	vmov s10;
	v6 =	vand.u32 $0x7A, v6;
	[sflag:s24] =	ssyncset.done $0x0;
	v8 =	vmov s12  }
0x197: {  	s29 =	simm.s32 $0xA7B0;
	v4 =	vand.u32 $0x78, v4;
	v7 =	vmov s11;
	[sflag:s24] =	ssyncadd.s32 $0xFFFFC000;
	v8 =	vand.u32 $0x7F, v8  }
0x198: {  	s11 =	simm.s32 $0x5;
	v5 =	vand.u32 $0x79, v5;
	v13 =	vbroadcast v4, $0x0;
	v4 =	vld [tilespmem:s29+$0xFFFFFFD0];
	v15 =	vbroadcast v8, $0x0  }
0x199: {  	v9 =	vand.u32 $0x7C, v9;
	v21 =	vbroadcast v6, $0x0;
	v10 =	vmov s11;
	v12 =	vld [tilespmem:s29+$0xFFFFFC50]  }
0x19a: {  	s11 =	simm.s32 $0x6;
	v7 =	vand.u32 $0x7B, v7;
	v20 =	vbroadcast v5, $0x0;
	v14 =	vld [tilespmem:s29+$0xFFFFFCD0];
	v16 =	vor.u32 v0, v15  }
0x19b: {  	v11 =	vmov s11;
	v5 =	vand.u32 $0x7D, v10;
	v17 =	vld [tilespmem:s29+$0xFFFFFD50];
	v10 =	vor.u32 v0, v13  }
0x19c: {  	v19 =	vld [tilespmem:s29+$0xFFFFFDD0];
	v8 =	vbroadcast v7, $0x0;
	v22 =	vor.u32 v0, v21;
	v18 =	vor.u32 v0, v20  }
0x19d: {  	v23 =	vld [tilespmem:s29+$0xFFFFFE50];
	v7 =	vbroadcast v9, $0x0;
	v11 =	vand.u32 $0x7E, v11;
	v4 =	vmul.f32 $8.000000000e+00, v4  }
0x19e: {  	v24 =	vld [tilespmem:s29+$0xFFFFFED0];
	v6 =	vbroadcast v5, $0x0;
	v9 =	vmul.f32 $8.000000000e+00, v12;
	v12 =	vor.u32 v0, v8  }
0x19f: {  	v26 =	vld [tilespmem:s29+$0xFFFFFF50];
	v25 =	vor.u32 v0, v7;
	v5 =	vbroadcast v11, $0x0;
	v14 =	vmul.f32 $8.000000000e+00, v14;
	[tilespmem:v16+s23+$0x0] =	vst.idx.msk $0xffff, v4  }
0x1a0: {  	[tilespmem:v10+s23+$0x0] =	vst.idx.msk $0xffff, v9;
	v4 =	vmul.f32 $8.000000000e+00, v17;
	v9 =	vor.u32 v0, v6;
	v10 =	vld [tilespmem:s29+$0xFFFFFFE0]  }
0x1a1: {  	[tilespmem:v18+s23+$0x0] =	vst.idx.msk $0xffff, v14;
	v14 =	vmul.f32 $8.000000000e+00, v19;
	v16 =	vor.u32 v0, v5;
	v11 =	vld [tilespmem:s29+$0xFFFFFC60]  }
0x1a2: {  	v18 =	vor.u32 v1, v15;
	v17 =	vld [tilespmem:s29+$0xFFFFFCE0];
	[tilespmem:v22+s23+$0x0] =	vst.idx.msk $0xffff, v4;
	v4 =	vmul.f32 $8.000000000e+00, v23  }
0x1a3: {  	v19 =	vor.u32 v1, v13;
	v22 =	vld [tilespmem:s29+$0xFFFFFD60];
	[tilespmem:v12+s23+$0x0] =	vst.idx.msk $0xffff, v14;
	v12 =	vmul.f32 $8.000000000e+00, v24  }
0x1a4: {  	v14 =	vor.u32 v1, v20;
	v23 =	vld [tilespmem:s29+$0xFFFFFDE0];
	[tilespmem:v25+s23+$0x0] =	vst.idx.msk $0xffff, v4;
	v4 =	vmul.f32 $8.000000000e+00, v26  }
0x1a5: {  	v24 =	vor.u32 v1, v21;
	v25 =	vld [tilespmem:s29+$0xFFFFFE60];
	[tilespmem:v9+s23+$0x0] =	vst.idx.msk $0xffff, v12;
	v9 =	vmul.f32 $8.000000000e+00, v10  }
0x1a6: {  	v10 =	vmul.f32 $8.000000000e+00, v11;
	v11 =	vor.u32 v1, v8;
	v12 =	vld [tilespmem:s29+$0xFFFFFEE0];
	[tilespmem:v16+s23+$0x0] =	vst.idx.msk $0xffff, v4  }
0x1a7: {  	v4 =	vmul.f32 $8.000000000e+00, v17;
	v16 =	vor.u32 v1, v7;
	v17 =	vld [tilespmem:s29+$0xFFFFFF60];
	[tilespmem:v18+s23+$0x0] =	vst.idx.msk $0xffff, v9  }
0x1a8: {  	v31 =	vor.u32 v2, v21;
	[tilespmem:v19+s23+$0x0] =	vst.idx.msk $0xffff, v10;
	v10 =	vmul.f32 $8.000000000e+00, v22;
	v18 =	vor.u32 v1, v6;
	v19 =	vld [tilespmem:s29+$0xFFFFFFF0]  }
0x1a9: {  	v27 =	vor.u32 v2, v13;
	[tilespmem:v14+s23+$0x0] =	vst.idx.msk $0xffff, v4;
	v14 =	vor.u32 v1, v5;
	v22 =	vld [tilespmem:s29+$0xFFFFFC70];
	v4 =	vmul.f32 $8.000000000e+00, v23  }
0x1aa: {  	s12 =	simm.s32 $0x8;
	v29 =	vor.u32 v2, v20;
	v26 =	vld [tilespmem:s29+$0xFFFFFCF0];
	[tilespmem:v24+s23+$0x0] =	vst.idx.msk $0xffff, v10;
	v10 =	vmul.f32 $8.000000000e+00, v25;
	v24 =	vor.u32 v2, v15  }
0x1ab: {  	s11 =	simm.s32 $0x9;
	v34 =	vor.u32 v2, v8;
	v9 =	vmov s12;
	v61 =	vld [tilespmem:s29+$0xFFFFFD70];
	[tilespmem:v11+s23+$0x0] =	vst.idx.msk $0xffff, v4;
	v4 =	vmul.f32 $8.000000000e+00, v12  }
0x1ac: {  	s12 =	simm.s32 $0xA;
	v9 =	vand.u32 $0x78, v9;
	v23 =	vmov s11;
	s11 =	simm.s32 $0xB;
	v30 =	vld [tilespmem:s29+$0xFFFFFDF0];
	[tilespmem:v16+s23+$0x0] =	vst.idx.msk $0xffff, v10;
	v10 =	vmul.f32 $8.000000000e+00, v17  }
0x1ad: {  	v25 =	vmov s12;
	s12 =	simm.s32 $0xC;
	v11 =	vmov s11;
	s11 =	simm.s32 $0xD;
	v32 =	vld [tilespmem:s29+$0xFFFFFE70];
	[tilespmem:v18+s23+$0x0] =	vst.idx.msk $0xffff, v4;
	v4 =	vmul.f32 $8.000000000e+00, v19  }
0x1ae: {  	v16 =	vmov s12;
	v33 =	vmov s11;
	s12 =	simm.s32 $0xE;
	v17 =	vmul.f32 $8.000000000e+00, v22;
	v35 =	vld [tilespmem:s29+$0xFFFFFEF0];
	[tilespmem:v14+s23+$0x0] =	vst.idx.msk $0xffff, v10  }
0x1af: {  	v12 =	vmov s12;
	v10 =	vmul.f32 $8.000000000e+00, v26;
	v26 =	vor.u32 v2, v7;
	v36 =	vld [tilespmem:s29+$0xFFFFFF70];
	[tilespmem:v24+s23+$0x0] =	vst.idx.msk $0xffff, v4  }
0x1b0: {  	v4 =	vbroadcast v9, $0x0;
	[tilespmem:v27+s23+$0x0] =	vst.idx.msk $0xffff, v17;
	v9 =	vmul.f32 $8.000000000e+00, v61;
	v27 =	vor.u32 v2, v6;
	v62 =	vld [tilespmem:s29+$0x0]  }
0x1b1: {  	v17 =	vand.u32 $0x79, v23;
	[tilespmem:v29+s23+$0x0] =	vst.idx.msk $0xffff, v10;
	v23 =	vor.u32 v2, v5;
	v22 =	vld [tilespmem:s29+$0xFFFFFC80];
	v10 =	vmul.f32 $8.000000000e+00, v30  }
0x1b2: {  	v14 =	vand.u32 $0x7A, v25;
	v24 =	vld [tilespmem:s29+$0xFFFFFD00];
	[tilespmem:v31+s23+$0x0] =	vst.idx.msk $0xffff, v9;
	v25 =	vmul.f32 $8.000000000e+00, v32;
	v9 =	vor.u32 v3, v15  }
0x1b3: {  	v18 =	vor.u32 v3, v13;
	v16 =	vand.u32 $0x7C, v16;
	v19 =	vld [tilespmem:s29+$0xFFFFFD80];
	[tilespmem:v34+s23+$0x0] =	vst.idx.msk $0xffff, v10;
	v63 =	vmul.f32 $8.000000000e+00, v35  }
0x1b4: {  	v15 =	vand.u32 $0x7B, v11;
	v11 =	vor.u32 v3, v20;
	v20 =	vld [tilespmem:s29+$0xFFFFFE00];
	[tilespmem:v26+s23+$0x0] =	vst.idx.msk $0xffff, v25;
	v25 =	vmul.f32 $8.000000000e+00, v36  }
0x1b5: {  	s10 =	simm.s32 $0x10;
	s11 =	simm.s32 $0xF;
	v13 =	vand.u32 $0x7D, v33;
	v10 =	vor.u32 v3, v21;
	v21 =	vld [tilespmem:s29+$0xFFFFFE80];
	[tilespmem:v27+s23+$0x0] =	vst.idx.msk $0xffff, v63;
	v26 =	vmul.f32 $8.000000000e+00, v62  }
.LBB2_13:
0x1b6: {  	p0 =	slt.u32 s10, $0x78;
	v27 =	vmov s11;
	v22 =	vmul.f32 $8.000000000e+00, v22;
	v8 =	vor.u32 v3, v8;
	v28 =	vld [tilespmem:s29+$0xFFFFFF00];
	[tilespmem:v23+s23+$0x0] =	vst.idx.msk $0xffff, v25  }
0x1b7: {  	v7 =	vor.u32 v3, v7;
	v23 =	vand.u32 $0x7F, v27;
	v24 =	vmul.f32 $8.000000000e+00, v24;
	v25 =	vld [tilespmem:s29+$0xFFFFFF80];
	[tilespmem:v9+s23+$0x0] =	vst.idx.msk $0xffff, v26;
	s29 =	sadd.s32 $0x400, s29  }
0x1b8: {  	v6 =	vor.u32 v3, v6;
	v26 =	vld [tilespmem:s29+$0xFFFFFFD0];
	v9 =	vbroadcast v23, $0x0;
	[tilespmem:v18+s23+$0x0] =	vst.idx.msk $0xffff, v22;
	v18 =	vmul.f32 $8.000000000e+00, v19  }
0x1b9: {  	v12 =	vand.u32 $0x7E, v12;
	v5 =	vor.u32 v3, v5;
	v19 =	vld [tilespmem:s29+$0xFFFFFC50];
	[tilespmem:v11+s23+$0x0] =	vst.idx.msk $0xffff, v24;
	v20 =	vmul.f32 $8.000000000e+00, v20  }
0x1ba: {  	v11 =	vbroadcast v17, $0x0;
	v22 =	vld [tilespmem:s29+$0xFFFFFCD0];
	v17 =	vor.u32 v0, v9;
	[tilespmem:v10+s23+$0x0] =	vst.idx.msk $0xffff, v18;
	v18 =	vmul.f32 $8.000000000e+00, v21  }
0x1bb: {  	v21 =	vor.u32 v0, v4;
	v10 =	vbroadcast v14, $0x0;
	v23 =	vld [tilespmem:s29+$0xFFFFFD50];
	[tilespmem:v8+s23+$0x0] =	vst.idx.msk $0xffff, v20;
	v14 =	vmul.f32 $8.000000000e+00, v28  }
0x1bc: {  	v20 =	vor.u32 v0, v11;
	v8 =	vbroadcast v15, $0x0;
	v24 =	vld [tilespmem:s29+$0xFFFFFDD0];
	[tilespmem:v7+s23+$0x0] =	vst.idx.msk $0xffff, v18;
	v15 =	vmul.f32 $8.000000000e+00, v25  }
0x1bd: {  	v18 =	vor.u32 v0, v10;
	v7 =	vbroadcast v16, $0x0;
	v25 =	vld [tilespmem:s29+$0xFFFFFE50];
	v16 =	vmul.f32 $8.000000000e+00, v26;
	[tilespmem:v6+s23+$0x0] =	vst.idx.msk $0xffff, v14  }
0x1be: {  	v6 =	vbroadcast v13, $0x0;
	v14 =	vmul.f32 $8.000000000e+00, v19;
	v19 =	vor.u32 v0, v8;
	v26 =	vld [tilespmem:s29+$0xFFFFFED0];
	[tilespmem:v5+s23+$0x0] =	vst.idx.msk $0xffff, v15  }
0x1bf: {  	v15 =	vor.u32 v0, v7;
	v5 =	vbroadcast v12, $0x0;
	v13 =	vmul.f32 $8.000000000e+00, v22;
	v22 =	vld [tilespmem:s29+$0xFFFFFF50];
	[tilespmem:v17+s23+$0x0] =	vst.idx.msk $0xffff, v16  }
0x1c0: {  	[tilespmem:v21+s23+$0x0] =	vst.idx.msk $0xffff, v14;
	v12 =	vmul.f32 $8.000000000e+00, v23;
	v14 =	vor.u32 v0, v6;
	v16 =	vld [tilespmem:s29+$0xFFFFFFE0]  }
0x1c1: {  	v17 =	vld [tilespmem:s29+$0xFFFFFC60];
	[tilespmem:v20+s23+$0x0] =	vst.idx.msk $0xffff, v13;
	v13 =	vmul.f32 $8.000000000e+00, v24;
	v20 =	vor.u32 v0, v5  }
0x1c2: {  	v21 =	vld [tilespmem:s29+$0xFFFFFCE0];
	[tilespmem:v18+s23+$0x0] =	vst.idx.msk $0xffff, v12;
	v12 =	vmul.f32 $8.000000000e+00, v25;
	v18 =	vor.u32 v1, v9  }
0x1c3: {  	v23 =	vor.u32 v1, v4;
	v24 =	vld [tilespmem:s29+$0xFFFFFD60];
	[tilespmem:v19+s23+$0x0] =	vst.idx.msk $0xffff, v13;
	v13 =	vmul.f32 $8.000000000e+00, v26  }
0x1c4: {  	v19 =	vor.u32 v1, v11;
	v25 =	vld [tilespmem:s29+$0xFFFFFDE0];
	[tilespmem:v15+s23+$0x0] =	vst.idx.msk $0xffff, v12;
	v12 =	vmul.f32 $8.000000000e+00, v22  }
0x1c5: {  	v15 =	vor.u32 v1, v10;
	v22 =	vld [tilespmem:s29+$0xFFFFFE60];
	[tilespmem:v14+s23+$0x0] =	vst.idx.msk $0xffff, v13;
	v13 =	vmul.f32 $8.000000000e+00, v16  }
0x1c6: {  	v16 =	vor.u32 v1, v8;
	v14 =	vmul.f32 $8.000000000e+00, v17;
	v17 =	vld [tilespmem:s29+$0xFFFFFEE0];
	[tilespmem:v20+s23+$0x0] =	vst.idx.msk $0xffff, v12  }
0x1c7: {  	v20 =	vor.u32 v1, v7;
	v12 =	vmul.f32 $8.000000000e+00, v21;
	v21 =	vld [tilespmem:s29+$0xFFFFFF60];
	[tilespmem:v18+s23+$0x0] =	vst.idx.msk $0xffff, v13  }
0x1c8: {  	v13 =	vmov s10;
	v18 =	vor.u32 v1, v6;
	[tilespmem:v23+s23+$0x0] =	vst.idx.msk $0xffff, v14;
	v14 =	vmul.f32 $8.000000000e+00, v24;
	v23 =	vld [tilespmem:s29+$0xFFFFFFF0]  }
0x1c9: {  	s11 =	sadd.s32 $0x1, s10;
	v13 =	vand.u32 $0x78, v13;
	v24 =	vld [tilespmem:s29+$0xFFFFFC70];
	[tilespmem:v19+s23+$0x0] =	vst.idx.msk $0xffff, v12;
	v12 =	vmul.f32 $8.000000000e+00, v25;
	v19 =	vor.u32 v1, v5  }
0x1ca: {  	v25 =	vmov s11;
	s11 =	sadd.s32 $0x2, s10;
	v26 =	vld [tilespmem:s29+$0xFFFFFCF0];
	[tilespmem:v15+s23+$0x0] =	vst.idx.msk $0xffff, v14;
	v14 =	vmul.f32 $8.000000000e+00, v22;
	v15 =	vor.u32 v2, v9  }
0x1cb: {  	v27 =	vmov s11;
	s11 =	sadd.s32 $0x3, s10;
	v22 =	vor.u32 v2, v4;
	v28 =	vld [tilespmem:s29+$0xFFFFFD70];
	[tilespmem:v16+s23+$0x0] =	vst.idx.msk $0xffff, v12;
	v12 =	vmul.f32 $8.000000000e+00, v17  }
0x1cc: {  	v29 =	vor.u32 v2, v11;
	v16 =	vmov s11;
	s11 =	sadd.s32 $0x4, s10;
	v30 =	vld [tilespmem:s29+$0xFFFFFDF0];
	[tilespmem:v20+s23+$0x0] =	vst.idx.msk $0xffff, v14;
	v14 =	vmul.f32 $8.000000000e+00, v21  }
0x1cd: {  	v20 =	vmov s11;
	s11 =	sadd.s32 $0x5, s10;
	v21 =	vor.u32 v2, v10;
	v31 =	vld [tilespmem:s29+$0xFFFFFE70];
	[tilespmem:v18+s23+$0x0] =	vst.idx.msk $0xffff, v12;
	v17 =	vmul.f32 $8.000000000e+00, v23  }
0x1ce: {  	v33 =	vor.u32 v2, v8;
	v32 =	vmov s11;
	s11 =	sadd.s32 $0x6, s10;
	v18 =	vmul.f32 $8.000000000e+00, v24;
	v34 =	vld [tilespmem:s29+$0xFFFFFEF0];
	[tilespmem:v19+s23+$0x0] =	vst.idx.msk $0xffff, v14  }
0x1cf: {  	v12 =	vmov s11;
	v14 =	vmul.f32 $8.000000000e+00, v26;
	v26 =	vor.u32 v2, v7;
	v35 =	vld [tilespmem:s29+$0xFFFFFF70];
	[tilespmem:v15+s23+$0x0] =	vst.idx.msk $0xffff, v17  }
0x1d0: {  	v13 =	vbroadcast v13, $0x0;
	[tilespmem:v22+s23+$0x0] =	vst.idx.msk $0xffff, v18;
	v15 =	vmul.f32 $8.000000000e+00, v28;
	v28 =	vor.u32 v2, v6;
	v36 =	vld [tilespmem:s29+$0x0]  }
.Ltmp5:
0x1d1: {  	v23 =	vor.u32 v2, v5;
	v17 =	vand.u32 $0x79, v25;
	v22 =	vld [tilespmem:s29+$0xFFFFFC80];
	[tilespmem:v29+s23+$0x0] =	vst.idx.msk $0xffff, v14;
	v25 =	vmul.f32 $8.000000000e+00, v30;
	(pc) =	sbr.rel @p0 .LBB2_13-.Ltmp5, $4  }
0x1d2: {  	v9 =	vor.u32 v3, v9;
	v14 =	vand.u32 $0x7A, v27;
	v24 =	vld [tilespmem:s29+$0xFFFFFD00];
	[tilespmem:v21+s23+$0x0] =	vst.idx.msk $0xffff, v15;
	v21 =	vmul.f32 $8.000000000e+00, v31  }
0x1d3: {  	v18 =	vor.u32 v3, v4;
	v4 =	vmovc v13;
	v15 =	vand.u32 $0x7B, v16;
	v19 =	vld [tilespmem:s29+$0xFFFFFD80];
	[tilespmem:v33+s23+$0x0] =	vst.idx.msk $0xffff, v25;
	v27 =	vmul.f32 $8.000000000e+00, v34  }
0x1d4: {  	v11 =	vor.u32 v3, v11;
	v16 =	vand.u32 $0x7C, v20;
	v20 =	vld [tilespmem:s29+$0xFFFFFE00];
	[tilespmem:v26+s23+$0x0] =	vst.idx.msk $0xffff, v21;
	v25 =	vmul.f32 $8.000000000e+00, v35  }
0x1d5: {  	v10 =	vor.u32 v3, v10;
	s11 =	sadd.s32 $0x7, s10;
	s10 =	sadd.s32 $0x8, s10;
	v13 =	vand.u32 $0x7D, v32;
	v21 =	vld [tilespmem:s29+$0xFFFFFE80];
	[tilespmem:v28+s23+$0x0] =	vst.idx.msk $0xffff, v27;
	v26 =	vmul.f32 $8.000000000e+00, v36  }
0x1d6: {  	_ =	sdelay $0x3  }
0x1d7: {  	v27 =	vmov s11;
	v22 =	vmul.f32 $8.000000000e+00, v22;
	v8 =	vor.u32 v3, v8;
	v28 =	vld [tilespmem:s29+$0xFFFFFF00];
	[tilespmem:v23+s23+$0x0] =	vst.idx.msk $0xffff, v25  }
0x1d8: {  	v7 =	vor.u32 v3, v7;
	s10 =	sadd.s32 $0x400, s29;
	v23 =	vand.u32 $0x7F, v27;
	v24 =	vmul.f32 $8.000000000e+00, v24;
	v25 =	vld [tilespmem:s29+$0xFFFFFF80];
	[tilespmem:v9+s23+$0x0] =	vst.idx.msk $0xffff, v26  }
0x1d9: {  	v6 =	vor.u32 v3, v6;
	v9 =	vld [tilespmem:s10+$0xFFFFFFD0];
	v23 =	vbroadcast v23, $0x0;
	[tilespmem:v18+s23+$0x0] =	vst.idx.msk $0xffff, v22;
	v18 =	vmul.f32 $8.000000000e+00, v19  }
0x1da: {  	v12 =	vand.u32 $0x7E, v12;
	v5 =	vor.u32 v3, v5;
	v19 =	vld [tilespmem:s10+$0xFFFFFC50];
	[tilespmem:v11+s23+$0x0] =	vst.idx.msk $0xffff, v24;
	v11 =	vmul.f32 $8.000000000e+00, v20  }
0x1db: {  	v17 =	vbroadcast v17, $0x0;
	v20 =	vld [tilespmem:s10+$0xFFFFFCD0];
	v22 =	vor.u32 v0, v23;
	[tilespmem:v10+s23+$0x0] =	vst.idx.msk $0xffff, v18;
	v10 =	vmul.f32 $8.000000000e+00, v21  }
0x1dc: {  	v14 =	vbroadcast v14, $0x0;
	v18 =	vor.u32 v0, v4;
	v21 =	vld [tilespmem:s10+$0xFFFFFD50];
	[tilespmem:v8+s23+$0x0] =	vst.idx.msk $0xffff, v11;
	v8 =	vmul.f32 $8.000000000e+00, v28  }
0x1dd: {  	v15 =	vbroadcast v15, $0x0;
	v24 =	vld [tilespmem:s10+$0xFFFFFDD0];
	v11 =	vor.u32 v0, v17;
	[tilespmem:v7+s23+$0x0] =	vst.idx.msk $0xffff, v10;
	v7 =	vmul.f32 $8.000000000e+00, v25  }
0x1de: {  	v16 =	vbroadcast v16, $0x0;
	v10 =	vor.u32 v0, v14;
	v25 =	vld [tilespmem:s10+$0xFFFFFE50];
	v9 =	vmul.f32 $8.000000000e+00, v9;
	[tilespmem:v6+s23+$0x0] =	vst.idx.msk $0xffff, v8  }
0x1df: {  	v13 =	vbroadcast v13, $0x0;
	v6 =	vmul.f32 $8.000000000e+00, v19;
	v8 =	vor.u32 v0, v15;
	v19 =	vld [tilespmem:s10+$0xFFFFFED0];
	[tilespmem:v5+s23+$0x0] =	vst.idx.msk $0xffff, v7  }
0x1e0: {  	v12 =	vbroadcast v12, $0x0;
	v5 =	vmul.f32 $8.000000000e+00, v20;
	v7 =	vor.u32 v0, v16;
	v20 =	vld [tilespmem:s10+$0xFFFFFF50];
	[tilespmem:v22+s23+$0x0] =	vst.idx.msk $0xffff, v9  }
0x1e1: {  	[tilespmem:v18+s23+$0x0] =	vst.idx.msk $0xffff, v6;
	v6 =	vmul.f32 $8.000000000e+00, v21;
	v9 =	vor.u32 v0, v13;
	v18 =	vld [tilespmem:s10+$0xFFFFFFE0]  }
0x1e2: {  	v21 =	vld [tilespmem:s10+$0xFFFFFC60];
	[tilespmem:v11+s23+$0x0] =	vst.idx.msk $0xffff, v5;
	v5 =	vmul.f32 $8.000000000e+00, v24;
	v11 =	vor.u32 v0, v12  }
0x1e3: {  	v22 =	vld [tilespmem:s10+$0xFFFFFCE0];
	[tilespmem:v10+s23+$0x0] =	vst.idx.msk $0xffff, v6;
	v6 =	vmul.f32 $8.000000000e+00, v25;
	v10 =	vor.u32 v1, v23  }
0x1e4: {  	v24 =	vor.u32 v1, v4;
	v25 =	vld [tilespmem:s10+$0xFFFFFD60];
	[tilespmem:v8+s23+$0x0] =	vst.idx.msk $0xffff, v5;
	v5 =	vmul.f32 $8.000000000e+00, v19  }
0x1e5: {  	v8 =	vor.u32 v1, v17;
	v19 =	vld [tilespmem:s10+$0xFFFFFDE0];
	[tilespmem:v7+s23+$0x0] =	vst.idx.msk $0xffff, v6;
	v6 =	vmul.f32 $8.000000000e+00, v20  }
0x1e6: {  	v7 =	vor.u32 v1, v14;
	v20 =	vld [tilespmem:s10+$0xFFFFFE60];
	[tilespmem:v9+s23+$0x0] =	vst.idx.msk $0xffff, v5;
	v5 =	vmul.f32 $8.000000000e+00, v18  }
0x1e7: {  	v9 =	vmul.f32 $8.000000000e+00, v21;
	v18 =	vor.u32 v1, v15;
	v21 =	vld [tilespmem:s10+$0xFFFFFEE0];
	[tilespmem:v11+s23+$0x0] =	vst.idx.msk $0xffff, v6  }
0x1e8: {  	v11 =	vor.u32 v1, v16;
	v6 =	vmul.f32 $8.000000000e+00, v22;
	v22 =	vld [tilespmem:s10+$0xFFFFFF60];
	[tilespmem:v10+s23+$0x0] =	vst.idx.msk $0xffff, v5  }
0x1e9: {  	[tilespmem:v24+s23+$0x0] =	vst.idx.msk $0xffff, v9;
	v5 =	vmul.f32 $8.000000000e+00, v25;
	v9 =	vor.u32 v1, v13;
	v10 =	vld [tilespmem:s10+$0xFFFFFFF0]  }
0x1ea: {  	v24 =	vld [tilespmem:s10+$0xFFFFFC70];
	[tilespmem:v8+s23+$0x0] =	vst.idx.msk $0xffff, v6;
	v6 =	vmul.f32 $8.000000000e+00, v19;
	v8 =	vor.u32 v1, v12  }
0x1eb: {  	v19 =	vld [tilespmem:s10+$0xFFFFFCF0];
	[tilespmem:v7+s23+$0x0] =	vst.idx.msk $0xffff, v5;
	v5 =	vmul.f32 $8.000000000e+00, v20;
	v7 =	vor.u32 v2, v23  }
0x1ec: {  	v20 =	vor.u32 v2, v4;
	v25 =	vld [tilespmem:s10+$0xFFFFFD70];
	[tilespmem:v18+s23+$0x0] =	vst.idx.msk $0xffff, v6;
	v6 =	vmul.f32 $8.000000000e+00, v21  }
0x1ed: {  	v18 =	vor.u32 v2, v17;
	v21 =	vld [tilespmem:s10+$0xFFFFFDF0];
	[tilespmem:v11+s23+$0x0] =	vst.idx.msk $0xffff, v5;
	v5 =	vmul.f32 $8.000000000e+00, v22  }
0x1ee: {  	v11 =	vor.u32 v2, v14;
	v22 =	vld [tilespmem:s10+$0xFFFFFE70];
	[tilespmem:v9+s23+$0x0] =	vst.idx.msk $0xffff, v6;
	v6 =	vmul.f32 $8.000000000e+00, v10  }
0x1ef: {  	v9 =	vmul.f32 $8.000000000e+00, v24;
	v10 =	vor.u32 v2, v15;
	v24 =	vld [tilespmem:s10+$0xFFFFFEF0];
	[tilespmem:v8+s23+$0x0] =	vst.idx.msk $0xffff, v5  }
0x1f0: {  	v8 =	vor.u32 v2, v16;
	v5 =	vmul.f32 $8.000000000e+00, v19;
	v19 =	vld [tilespmem:s10+$0xFFFFFF70];
	[tilespmem:v7+s23+$0x0] =	vst.idx.msk $0xffff, v6  }
0x1f1: {  	[tilespmem:v20+s23+$0x0] =	vst.idx.msk $0xffff, v9;
	v6 =	vmul.f32 $8.000000000e+00, v25;
	v7 =	vor.u32 v2, v13;
	v9 =	vld [tilespmem:s10+$0x0]  }
0x1f2: {  	v20 =	vld [tilespmem:s10+$0xFFFFFC80];
	[tilespmem:v18+s23+$0x0] =	vst.idx.msk $0xffff, v5;
	v5 =	vmul.f32 $8.000000000e+00, v21;
	v18 =	vor.u32 v2, v12  }
0x1f3: {  	v21 =	vld [tilespmem:s10+$0xFFFFFD00];
	[tilespmem:v11+s23+$0x0] =	vst.idx.msk $0xffff, v6;
	v6 =	vmul.f32 $8.000000000e+00, v22;
	v11 =	vor.u32 v3, v23  }
0x1f4: {  	v4 =	vor.u32 v3, v4;
	v22 =	vld [tilespmem:s10+$0xFFFFFD80];
	[tilespmem:v10+s23+$0x0] =	vst.idx.msk $0xffff, v5;
	v5 =	vmul.f32 $8.000000000e+00, v24  }
0x1f5: {  	v10 =	vor.u32 v3, v17;
	v17 =	vld [tilespmem:s10+$0xFFFFFE00];
	[tilespmem:v8+s23+$0x0] =	vst.idx.msk $0xffff, v6;
	v6 =	vmul.f32 $8.000000000e+00, v19  }
0x1f6: {  	v8 =	vor.u32 v3, v14;
	v14 =	vld [tilespmem:s10+$0xFFFFFE80];
	[tilespmem:v7+s23+$0x0] =	vst.idx.msk $0xffff, v5;
	v5 =	vmul.f32 $8.000000000e+00, v9  }
0x1f7: {  	v7 =	vmul.f32 $8.000000000e+00, v20;
	v9 =	vor.u32 v3, v15;
	v15 =	vld [tilespmem:s10+$0xFFFFFF00];
	[tilespmem:v18+s23+$0x0] =	vst.idx.msk $0xffff, v6  }
0x1f8: {  	v16 =	vor.u32 v3, v16;
	v6 =	vmul.f32 $8.000000000e+00, v21;
	v18 =	vld [tilespmem:s10+$0xFFFFFF80];
	[tilespmem:v11+s23+$0x0] =	vst.idx.msk $0xffff, v5  }
0x1f9: {  	[tilespmem:v4+s23+$0x0] =	vst.idx.msk $0xffff, v7;
	v4 =	vmul.f32 $8.000000000e+00, v22;
	v5 =	vor.u32 v3, v13  }
0x1fa: {  	v7 =	vor.u32 v3, v12;
	[tilespmem:v10+s23+$0x0] =	vst.idx.msk $0xffff, v6;
	v6 =	vmul.f32 $8.000000000e+00, v17  }
0x1fb: {  	[tilespmem:v8+s23+$0x0] =	vst.idx.msk $0xffff, v4;
	v4 =	vmul.f32 $8.000000000e+00, v14  }
0x1fc: {  	[tilespmem:v9+s23+$0x0] =	vst.idx.msk $0xffff, v6;
	v6 =	vmul.f32 $8.000000000e+00, v15  }
0x1fd: {  	s11 =	sor.u32 s17, s22;
	[tilespmem:v16+s23+$0x0] =	vst.idx.msk $0xffff, v4;
	v4 =	vmul.f32 $8.000000000e+00, v18  }
0x1fe: {  	s10 =	sshrl.u32 s11, $0x3;
	[tilespmem:v5+s23+$0x0] =	vst.idx.msk $0xffff, v6  }
0x1ff: {  	s12 =	sadd.s32 s2, s10;
	[tilespmem:v7+s23+$0x0] =	vst.idx.msk $0xffff, v4  }
0x200: {  	[hbm4b:s12+s3] =	stream.linear.scatter [tilespmem:s23], [sflag:$0x6], $0x400, $0x38;
	[tilespmem:$0x1E400] =	vst v63  }
0x201: {  	s12 =	sor.u32 $0x4000, s10  }
0x202: {  	s11 =	sadd.s32 s2, s12;
	s12 =	simm.s32 $0x18800  }
0x203: {  	[hbm4b:s11+s3] =	stream.linear.scatter [tilespmem:s12], [sflag:$0x6], $0x400, $0x38;
	[tilespmem:$0x1E400] =	vst v63  }
0x204: {  	s12 =	sor.u32 $0x8000, s10  }
0x205: {  	s11 =	sadd.s32 s2, s12;
	s12 =	simm.s32 $0x18C00  }
0x206: {  	[hbm4b:s11+s3] =	stream.linear.scatter [tilespmem:s12], [sflag:$0x6], $0x400, $0x38;
	[tilespmem:$0x1E400] =	vst v63  }
0x207: {  	s12 =	sor.u32 $0xC000, s10  }
0x208: {  	s11 =	sadd.s32 s2, s12;
	s12 =	simm.s32 $0x19000  }
0x209: {  	[hbm4b:s11+s3] =	stream.linear.scatter [tilespmem:s12], [sflag:$0x6], $0x400, $0x38;
	[tilespmem:$0x1E400] =	vst v63  }
0x20a: {  	s12 =	sor.u32 $0x10000, s10  }
0x20b: {  	s11 =	sadd.s32 s2, s12;
	s12 =	simm.s32 $0x19400  }
0x20c: {  	[hbm4b:s11+s3] =	stream.linear.scatter [tilespmem:s12], [sflag:$0x6], $0x400, $0x38;
	[tilespmem:$0x1E400] =	vst v63  }
0x20d: {  	s12 =	sor.u32 $0x14000, s10  }
0x20e: {  	s11 =	sadd.s32 s2, s12;
	s12 =	simm.s32 $0x19800  }
0x20f: {  	[hbm4b:s11+s3] =	stream.linear.scatter [tilespmem:s12], [sflag:$0x6], $0x400, $0x38;
	[tilespmem:$0x1E400] =	vst v63  }
0x210: {  	s12 =	sor.u32 $0x18000, s10  }
0x211: {  	s10 =	sor.u32 $0x1C000, s10;
	s11 =	sadd.s32 s2, s12;
	s12 =	simm.s32 $0x19C00  }
0x212: {  	[hbm4b:s11+s3] =	stream.linear.scatter [tilespmem:s12], [sflag:$0x6], $0x400, $0x38;
	[tilespmem:$0x1E400] =	vst v63  }
0x213: {  	p0 =	seq.s32 s1, $0x31;
	s10 =	sadd.s32 s2, s10;
	s12 =	simm.s32 $0x1A000  }
0x214: {  	[hbm4b:s10+s3] =	stream.linear.scatter [tilespmem:s12], [sflag:$0x6], $0x400, $0x38;
	[tilespmem:$0x1E400] =	vst v63  }
0x215: {  	s10 =	simm.s32 @!p0 $0x5  }
0x216: {  	_ =	swait.ge @!p0 [sflag:s10], $0x400  }
0x217: {  	[sflag:s10] =	ssyncset.done @!p0 $0x0  }
0x218: {  	[sflag:s10] =	ssyncadd.s32 @!p0 $0xFFFFFC00  }
0x219: {  	_ =	swait.ge @!p0 [sflag:s10], $0x400  }
0x21a: {  	[sflag:s10] =	ssyncset.done @!p0 $0x0  }
0x21b: {  	[sflag:s10] =	ssyncadd.s32 @!p0 $0xFFFFFC00  }
0x21c: {  	_ =	swait.ge @!p0 [sflag:s10], $0x400  }
0x21d: {  	[sflag:s10] =	ssyncset.done @!p0 $0x0  }
0x21e: {  	[sflag:s10] =	ssyncadd.s32 @!p0 $0xFFFFFC00  }
0x21f: {  	_ =	swait.ge @!p0 [sflag:s10], $0x400  }
0x220: {  	[sflag:s10] =	ssyncset.done @!p0 $0x0  }
0x221: {  	[sflag:s10] =	ssyncadd.s32 @!p0 $0xFFFFFC00  }
0x222: {  	_ =	swait.ge @!p0 [sflag:s10], $0x400  }
0x223: {  	[sflag:s10] =	ssyncset.done @!p0 $0x0  }
0x224: {  	[sflag:s10] =	ssyncadd.s32 @!p0 $0xFFFFFC00  }
0x225: {  	_ =	swait.ge @!p0 [sflag:s10], $0x400  }
0x226: {  	[sflag:s10] =	ssyncset.done @!p0 $0x0  }
0x227: {  	[sflag:s10] =	ssyncadd.s32 @!p0 $0xFFFFFC00  }
0x228: {  	_ =	swait.ge @!p0 [sflag:s10], $0x400  }
0x229: {  	[sflag:s10] =	ssyncset.done @!p0 $0x0  }
0x22a: {  	[sflag:s10] =	ssyncadd.s32 @!p0 $0xFFFFFC00  }
0x22b: {  	_ =	swait.ge @!p0 [sflag:s10], $0x400  }
0x22c: {  	s11 =	simm.s32 @!p0 $0x80;
	[sflag:s10] =	ssyncset.done @!p0 $0x0  }
0x22d: {  	s12 =	simm.s32 @!p0 $0x6400;
	[sflag:s10] =	ssyncadd.s32 @!p0 $0xFFFFFC00;
	s10 =	sadd.s32 @!p0 $0x200, s20  }
0x22e: {  	[tilespmem:s12], [sflag:$0x1] =	stream.indirect.gather @!p0 [hbm4b:s4+s11], $0x80, s10, s11, $0xb8;
	[tilespmem:$0x1E400] =	vst v63  }
0x22f: {  	s11 =	simm.s32 $0x0;
	s12 =	simm.s32 $0x1;
	s10 =	simm.s32 $0x2  }
0x230: {  	_ =	swait.ge [sflag:s21], $0x4000;
	v4 =	vmov s11;
	v5 =	vmov s12;
	s11 =	simm.s32 $0x3;
	s12 =	simm.s32 $0x7;
	v6 =	vmov s10  }
0x231: {  	s10 =	simm.s32 $0x4;
	v4 =	vand.u32 $0x78, v4;
	[sflag:s21] =	ssyncset.done $0x0;
	v7 =	vmov s11;
	v8 =	vmov s12  }
0x232: {  	s29 =	simm.s32 $0xE7B0;
	v9 =	vmov s10;
	v5 =	vand.u32 $0x79, v5;
	[sflag:s21] =	ssyncadd.s32 $0xFFFFC000;
	v8 =	vand.u32 $0x7F, v8  }
0x233: {  	s11 =	simm.s32 $0x5;
	v6 =	vand.u32 $0x7A, v6;
	v13 =	vbroadcast v4, $0x0;
	v4 =	vld [tilespmem:s29+$0xFFFFFFD0];
	v15 =	vbroadcast v8, $0x0  }
0x234: {  	v10 =	vmov s11;
	v7 =	vand.u32 $0x7B, v7;
	v9 =	vand.u32 $0x7C, v9;
	v12 =	vld [tilespmem:s29+$0xFFFFFC50]  }
0x235: {  	s11 =	simm.s32 $0x6;
	v20 =	vbroadcast v5, $0x0;
	v21 =	vbroadcast v6, $0x0;
	v14 =	vld [tilespmem:s29+$0xFFFFFCD0];
	v16 =	vor.u32 v0, v15  }
0x236: {  	v11 =	vmov s11;
	v5 =	vand.u32 $0x7D, v10;
	v17 =	vld [tilespmem:s29+$0xFFFFFD50];
	v10 =	vor.u32 v0, v13  }
0x237: {  	v19 =	vld [tilespmem:s29+$0xFFFFFDD0];
	v8 =	vbroadcast v7, $0x0;
	v7 =	vbroadcast v9, $0x0;
	v18 =	vor.u32 v0, v20  }
0x238: {  	v23 =	vld [tilespmem:s29+$0xFFFFFE50];
	v11 =	vand.u32 $0x7E, v11;
	v22 =	vor.u32 v0, v21;
	v4 =	vmul.f32 $8.000000000e+00, v4  }
0x239: {  	v24 =	vld [tilespmem:s29+$0xFFFFFED0];
	v6 =	vbroadcast v5, $0x0;
	v9 =	vmul.f32 $8.000000000e+00, v12;
	v12 =	vor.u32 v0, v8  }
0x23a: {  	v26 =	vld [tilespmem:s29+$0xFFFFFF50];
	v25 =	vor.u32 v0, v7;
	v5 =	vbroadcast v11, $0x0;
	v14 =	vmul.f32 $8.000000000e+00, v14;
	[tilespmem:v16+s28+$0x0] =	vst.idx.msk $0xffff, v4  }
0x23b: {  	[tilespmem:v10+s28+$0x0] =	vst.idx.msk $0xffff, v9;
	v4 =	vmul.f32 $8.000000000e+00, v17;
	v9 =	vor.u32 v0, v6;
	v10 =	vld [tilespmem:s29+$0xFFFFFFE0]  }
0x23c: {  	[tilespmem:v18+s28+$0x0] =	vst.idx.msk $0xffff, v14;
	v14 =	vmul.f32 $8.000000000e+00, v19;
	v16 =	vor.u32 v0, v5;
	v11 =	vld [tilespmem:s29+$0xFFFFFC60]  }
0x23d: {  	v18 =	vor.u32 v1, v15;
	v17 =	vld [tilespmem:s29+$0xFFFFFCE0];
	[tilespmem:v22+s28+$0x0] =	vst.idx.msk $0xffff, v4;
	v4 =	vmul.f32 $8.000000000e+00, v23  }
0x23e: {  	v19 =	vor.u32 v1, v13;
	v22 =	vld [tilespmem:s29+$0xFFFFFD60];
	[tilespmem:v12+s28+$0x0] =	vst.idx.msk $0xffff, v14;
	v12 =	vmul.f32 $8.000000000e+00, v24  }
0x23f: {  	v14 =	vor.u32 v1, v20;
	v23 =	vld [tilespmem:s29+$0xFFFFFDE0];
	[tilespmem:v25+s28+$0x0] =	vst.idx.msk $0xffff, v4;
	v4 =	vmul.f32 $8.000000000e+00, v26  }
0x240: {  	v24 =	vor.u32 v1, v21;
	v25 =	vld [tilespmem:s29+$0xFFFFFE60];
	[tilespmem:v9+s28+$0x0] =	vst.idx.msk $0xffff, v12;
	v9 =	vmul.f32 $8.000000000e+00, v10  }
0x241: {  	v10 =	vmul.f32 $8.000000000e+00, v11;
	v11 =	vor.u32 v1, v8;
	v12 =	vld [tilespmem:s29+$0xFFFFFEE0];
	[tilespmem:v16+s28+$0x0] =	vst.idx.msk $0xffff, v4  }
0x242: {  	v4 =	vmul.f32 $8.000000000e+00, v17;
	v16 =	vor.u32 v1, v7;
	v17 =	vld [tilespmem:s29+$0xFFFFFF60];
	[tilespmem:v18+s28+$0x0] =	vst.idx.msk $0xffff, v9  }
0x243: {  	v27 =	vor.u32 v2, v13;
	[tilespmem:v19+s28+$0x0] =	vst.idx.msk $0xffff, v10;
	v10 =	vmul.f32 $8.000000000e+00, v22;
	v18 =	vor.u32 v1, v6;
	v19 =	vld [tilespmem:s29+$0xFFFFFFF0]  }
0x244: {  	v29 =	vor.u32 v2, v20;
	[tilespmem:v14+s28+$0x0] =	vst.idx.msk $0xffff, v4;
	v14 =	vor.u32 v1, v5;
	v22 =	vld [tilespmem:s29+$0xFFFFFC70];
	v4 =	vmul.f32 $8.000000000e+00, v23  }
0x245: {  	s12 =	simm.s32 $0x8;
	v31 =	vor.u32 v2, v21;
	v26 =	vld [tilespmem:s29+$0xFFFFFCF0];
	[tilespmem:v24+s28+$0x0] =	vst.idx.msk $0xffff, v10;
	v10 =	vmul.f32 $8.000000000e+00, v25;
	v24 =	vor.u32 v2, v15  }
0x246: {  	s11 =	simm.s32 $0x9;
	v34 =	vor.u32 v2, v8;
	v9 =	vmov s12;
	v61 =	vld [tilespmem:s29+$0xFFFFFD70];
	[tilespmem:v11+s28+$0x0] =	vst.idx.msk $0xffff, v4;
	v4 =	vmul.f32 $8.000000000e+00, v12  }
0x247: {  	s12 =	simm.s32 $0xA;
	v9 =	vand.u32 $0x78, v9;
	v23 =	vmov s11;
	s11 =	simm.s32 $0xB;
	v30 =	vld [tilespmem:s29+$0xFFFFFDF0];
	[tilespmem:v16+s28+$0x0] =	vst.idx.msk $0xffff, v10;
	v10 =	vmul.f32 $8.000000000e+00, v17  }
0x248: {  	v25 =	vmov s12;
	s12 =	simm.s32 $0xC;
	v11 =	vmov s11;
	s11 =	simm.s32 $0xD;
	v32 =	vld [tilespmem:s29+$0xFFFFFE70];
	[tilespmem:v18+s28+$0x0] =	vst.idx.msk $0xffff, v4;
	v4 =	vmul.f32 $8.000000000e+00, v19  }
0x249: {  	v16 =	vmov s12;
	v33 =	vmov s11;
	s12 =	simm.s32 $0xE;
	v17 =	vmul.f32 $8.000000000e+00, v22;
	v35 =	vld [tilespmem:s29+$0xFFFFFEF0];
	[tilespmem:v14+s28+$0x0] =	vst.idx.msk $0xffff, v10  }
0x24a: {  	v12 =	vmov s12;
	v10 =	vmul.f32 $8.000000000e+00, v26;
	v26 =	vor.u32 v2, v7;
	v36 =	vld [tilespmem:s29+$0xFFFFFF70];
	[tilespmem:v24+s28+$0x0] =	vst.idx.msk $0xffff, v4  }
0x24b: {  	v4 =	vbroadcast v9, $0x0;
	[tilespmem:v27+s28+$0x0] =	vst.idx.msk $0xffff, v17;
	v9 =	vmul.f32 $8.000000000e+00, v61;
	v27 =	vor.u32 v2, v6;
	v62 =	vld [tilespmem:s29+$0x0]  }
0x24c: {  	v17 =	vand.u32 $0x79, v23;
	[tilespmem:v29+s28+$0x0] =	vst.idx.msk $0xffff, v10;
	v23 =	vor.u32 v2, v5;
	v22 =	vld [tilespmem:s29+$0xFFFFFC80];
	v10 =	vmul.f32 $8.000000000e+00, v30  }
0x24d: {  	v14 =	vand.u32 $0x7A, v25;
	v24 =	vld [tilespmem:s29+$0xFFFFFD00];
	[tilespmem:v31+s28+$0x0] =	vst.idx.msk $0xffff, v9;
	v25 =	vmul.f32 $8.000000000e+00, v32;
	v9 =	vor.u32 v3, v15  }
0x24e: {  	v18 =	vor.u32 v3, v13;
	v16 =	vand.u32 $0x7C, v16;
	v19 =	vld [tilespmem:s29+$0xFFFFFD80];
	[tilespmem:v34+s28+$0x0] =	vst.idx.msk $0xffff, v10;
	v63 =	vmul.f32 $8.000000000e+00, v35  }
0x24f: {  	v15 =	vand.u32 $0x7B, v11;
	v11 =	vor.u32 v3, v20;
	v20 =	vld [tilespmem:s29+$0xFFFFFE00];
	[tilespmem:v26+s28+$0x0] =	vst.idx.msk $0xffff, v25;
	v25 =	vmul.f32 $8.000000000e+00, v36  }
0x250: {  	s10 =	simm.s32 $0x10;
	s11 =	simm.s32 $0xF;
	v13 =	vand.u32 $0x7D, v33;
	v10 =	vor.u32 v3, v21;
	v21 =	vld [tilespmem:s29+$0xFFFFFE80];
	[tilespmem:v27+s28+$0x0] =	vst.idx.msk $0xffff, v63;
	v26 =	vmul.f32 $8.000000000e+00, v62  }
.LBB2_15:
0x251: {  	p1 =	slt.u32 s10, $0x78;
	v27 =	vmov s11;
	v22 =	vmul.f32 $8.000000000e+00, v22;
	v8 =	vor.u32 v3, v8;
	v28 =	vld [tilespmem:s29+$0xFFFFFF00];
	[tilespmem:v23+s28+$0x0] =	vst.idx.msk $0xffff, v25  }
0x252: {  	v7 =	vor.u32 v3, v7;
	v23 =	vand.u32 $0x7F, v27;
	v24 =	vmul.f32 $8.000000000e+00, v24;
	v25 =	vld [tilespmem:s29+$0xFFFFFF80];
	[tilespmem:v9+s28+$0x0] =	vst.idx.msk $0xffff, v26;
	s29 =	sadd.s32 $0x400, s29  }
0x253: {  	v6 =	vor.u32 v3, v6;
	v26 =	vld [tilespmem:s29+$0xFFFFFFD0];
	v9 =	vbroadcast v23, $0x0;
	[tilespmem:v18+s28+$0x0] =	vst.idx.msk $0xffff, v22;
	v18 =	vmul.f32 $8.000000000e+00, v19  }
0x254: {  	v12 =	vand.u32 $0x7E, v12;
	v5 =	vor.u32 v3, v5;
	v19 =	vld [tilespmem:s29+$0xFFFFFC50];
	[tilespmem:v11+s28+$0x0] =	vst.idx.msk $0xffff, v24;
	v20 =	vmul.f32 $8.000000000e+00, v20  }
0x255: {  	v11 =	vbroadcast v17, $0x0;
	v22 =	vld [tilespmem:s29+$0xFFFFFCD0];
	v17 =	vor.u32 v0, v9;
	[tilespmem:v10+s28+$0x0] =	vst.idx.msk $0xffff, v18;
	v18 =	vmul.f32 $8.000000000e+00, v21  }
0x256: {  	v21 =	vor.u32 v0, v4;
	v10 =	vbroadcast v14, $0x0;
	v23 =	vld [tilespmem:s29+$0xFFFFFD50];
	[tilespmem:v8+s28+$0x0] =	vst.idx.msk $0xffff, v20;
	v14 =	vmul.f32 $8.000000000e+00, v28  }
0x257: {  	v20 =	vor.u32 v0, v11;
	v8 =	vbroadcast v15, $0x0;
	v24 =	vld [tilespmem:s29+$0xFFFFFDD0];
	[tilespmem:v7+s28+$0x0] =	vst.idx.msk $0xffff, v18;
	v15 =	vmul.f32 $8.000000000e+00, v25  }
0x258: {  	v18 =	vor.u32 v0, v10;
	v7 =	vbroadcast v16, $0x0;
	v25 =	vld [tilespmem:s29+$0xFFFFFE50];
	v16 =	vmul.f32 $8.000000000e+00, v26;
	[tilespmem:v6+s28+$0x0] =	vst.idx.msk $0xffff, v14  }
0x259: {  	v6 =	vbroadcast v13, $0x0;
	v14 =	vmul.f32 $8.000000000e+00, v19;
	v19 =	vor.u32 v0, v8;
	v26 =	vld [tilespmem:s29+$0xFFFFFED0];
	[tilespmem:v5+s28+$0x0] =	vst.idx.msk $0xffff, v15  }
0x25a: {  	v15 =	vor.u32 v0, v7;
	v5 =	vbroadcast v12, $0x0;
	v13 =	vmul.f32 $8.000000000e+00, v22;
	v22 =	vld [tilespmem:s29+$0xFFFFFF50];
	[tilespmem:v17+s28+$0x0] =	vst.idx.msk $0xffff, v16  }
0x25b: {  	[tilespmem:v21+s28+$0x0] =	vst.idx.msk $0xffff, v14;
	v12 =	vmul.f32 $8.000000000e+00, v23;
	v14 =	vor.u32 v0, v6;
	v16 =	vld [tilespmem:s29+$0xFFFFFFE0]  }
0x25c: {  	v17 =	vld [tilespmem:s29+$0xFFFFFC60];
	[tilespmem:v20+s28+$0x0] =	vst.idx.msk $0xffff, v13;
	v13 =	vmul.f32 $8.000000000e+00, v24;
	v20 =	vor.u32 v0, v5  }
0x25d: {  	v21 =	vld [tilespmem:s29+$0xFFFFFCE0];
	[tilespmem:v18+s28+$0x0] =	vst.idx.msk $0xffff, v12;
	v12 =	vmul.f32 $8.000000000e+00, v25;
	v18 =	vor.u32 v1, v9  }
0x25e: {  	v23 =	vor.u32 v1, v4;
	v24 =	vld [tilespmem:s29+$0xFFFFFD60];
	[tilespmem:v19+s28+$0x0] =	vst.idx.msk $0xffff, v13;
	v13 =	vmul.f32 $8.000000000e+00, v26  }
0x25f: {  	v19 =	vor.u32 v1, v11;
	v25 =	vld [tilespmem:s29+$0xFFFFFDE0];
	[tilespmem:v15+s28+$0x0] =	vst.idx.msk $0xffff, v12;
	v12 =	vmul.f32 $8.000000000e+00, v22  }
0x260: {  	v15 =	vor.u32 v1, v10;
	v22 =	vld [tilespmem:s29+$0xFFFFFE60];
	[tilespmem:v14+s28+$0x0] =	vst.idx.msk $0xffff, v13;
	v13 =	vmul.f32 $8.000000000e+00, v16  }
0x261: {  	v16 =	vor.u32 v1, v8;
	v14 =	vmul.f32 $8.000000000e+00, v17;
	v17 =	vld [tilespmem:s29+$0xFFFFFEE0];
	[tilespmem:v20+s28+$0x0] =	vst.idx.msk $0xffff, v12  }
0x262: {  	v20 =	vor.u32 v1, v7;
	v12 =	vmul.f32 $8.000000000e+00, v21;
	v21 =	vld [tilespmem:s29+$0xFFFFFF60];
	[tilespmem:v18+s28+$0x0] =	vst.idx.msk $0xffff, v13  }
0x263: {  	v13 =	vmov s10;
	v18 =	vor.u32 v1, v6;
	[tilespmem:v23+s28+$0x0] =	vst.idx.msk $0xffff, v14;
	v14 =	vmul.f32 $8.000000000e+00, v24;
	v23 =	vld [tilespmem:s29+$0xFFFFFFF0]  }
0x264: {  	s11 =	sadd.s32 $0x1, s10;
	v13 =	vand.u32 $0x78, v13;
	v24 =	vld [tilespmem:s29+$0xFFFFFC70];
	[tilespmem:v19+s28+$0x0] =	vst.idx.msk $0xffff, v12;
	v12 =	vmul.f32 $8.000000000e+00, v25;
	v19 =	vor.u32 v1, v5  }
0x265: {  	v25 =	vmov s11;
	s11 =	sadd.s32 $0x2, s10;
	v26 =	vld [tilespmem:s29+$0xFFFFFCF0];
	[tilespmem:v15+s28+$0x0] =	vst.idx.msk $0xffff, v14;
	v14 =	vmul.f32 $8.000000000e+00, v22;
	v15 =	vor.u32 v2, v9  }
0x266: {  	v27 =	vmov s11;
	s11 =	sadd.s32 $0x3, s10;
	v22 =	vor.u32 v2, v4;
	v28 =	vld [tilespmem:s29+$0xFFFFFD70];
	[tilespmem:v16+s28+$0x0] =	vst.idx.msk $0xffff, v12;
	v12 =	vmul.f32 $8.000000000e+00, v17  }
0x267: {  	v29 =	vor.u32 v2, v11;
	v16 =	vmov s11;
	s11 =	sadd.s32 $0x4, s10;
	v30 =	vld [tilespmem:s29+$0xFFFFFDF0];
	[tilespmem:v20+s28+$0x0] =	vst.idx.msk $0xffff, v14;
	v14 =	vmul.f32 $8.000000000e+00, v21  }
0x268: {  	v20 =	vmov s11;
	s11 =	sadd.s32 $0x5, s10;
	v21 =	vor.u32 v2, v10;
	v31 =	vld [tilespmem:s29+$0xFFFFFE70];
	[tilespmem:v18+s28+$0x0] =	vst.idx.msk $0xffff, v12;
	v17 =	vmul.f32 $8.000000000e+00, v23  }
0x269: {  	v33 =	vor.u32 v2, v8;
	v32 =	vmov s11;
	s11 =	sadd.s32 $0x6, s10;
	v18 =	vmul.f32 $8.000000000e+00, v24;
	v34 =	vld [tilespmem:s29+$0xFFFFFEF0];
	[tilespmem:v19+s28+$0x0] =	vst.idx.msk $0xffff, v14  }
0x26a: {  	v12 =	vmov s11;
	v14 =	vmul.f32 $8.000000000e+00, v26;
	v26 =	vor.u32 v2, v7;
	v35 =	vld [tilespmem:s29+$0xFFFFFF70];
	[tilespmem:v15+s28+$0x0] =	vst.idx.msk $0xffff, v17  }
0x26b: {  	v13 =	vbroadcast v13, $0x0;
	[tilespmem:v22+s28+$0x0] =	vst.idx.msk $0xffff, v18;
	v15 =	vmul.f32 $8.000000000e+00, v28;
	v28 =	vor.u32 v2, v6;
	v36 =	vld [tilespmem:s29+$0x0]  }
.Ltmp6:
0x26c: {  	v23 =	vor.u32 v2, v5;
	v17 =	vand.u32 $0x79, v25;
	v22 =	vld [tilespmem:s29+$0xFFFFFC80];
	[tilespmem:v29+s28+$0x0] =	vst.idx.msk $0xffff, v14;
	v25 =	vmul.f32 $8.000000000e+00, v30;
	(pc) =	sbr.rel @p1 .LBB2_15-.Ltmp6, $4  }
0x26d: {  	v9 =	vor.u32 v3, v9;
	v14 =	vand.u32 $0x7A, v27;
	v24 =	vld [tilespmem:s29+$0xFFFFFD00];
	[tilespmem:v21+s28+$0x0] =	vst.idx.msk $0xffff, v15;
	v21 =	vmul.f32 $8.000000000e+00, v31  }
0x26e: {  	v18 =	vor.u32 v3, v4;
	v4 =	vmovc v13;
	v15 =	vand.u32 $0x7B, v16;
	v19 =	vld [tilespmem:s29+$0xFFFFFD80];
	[tilespmem:v33+s28+$0x0] =	vst.idx.msk $0xffff, v25;
	v27 =	vmul.f32 $8.000000000e+00, v34  }
0x26f: {  	v11 =	vor.u32 v3, v11;
	v16 =	vand.u32 $0x7C, v20;
	v20 =	vld [tilespmem:s29+$0xFFFFFE00];
	[tilespmem:v26+s28+$0x0] =	vst.idx.msk $0xffff, v21;
	v25 =	vmul.f32 $8.000000000e+00, v35  }
0x270: {  	v10 =	vor.u32 v3, v10;
	s11 =	sadd.s32 $0x7, s10;
	s10 =	sadd.s32 $0x8, s10;
	v13 =	vand.u32 $0x7D, v32;
	v21 =	vld [tilespmem:s29+$0xFFFFFE80];
	[tilespmem:v28+s28+$0x0] =	vst.idx.msk $0xffff, v27;
	v26 =	vmul.f32 $8.000000000e+00, v36  }
0x271: {  	_ =	sdelay $0x3  }
0x272: {  	v27 =	vmov s11;
	v22 =	vmul.f32 $8.000000000e+00, v22;
	v8 =	vor.u32 v3, v8;
	v28 =	vld [tilespmem:s29+$0xFFFFFF00];
	[tilespmem:v23+s28+$0x0] =	vst.idx.msk $0xffff, v25  }
0x273: {  	v7 =	vor.u32 v3, v7;
	s10 =	sadd.s32 $0x400, s29;
	v23 =	vand.u32 $0x7F, v27;
	v24 =	vmul.f32 $8.000000000e+00, v24;
	v25 =	vld [tilespmem:s29+$0xFFFFFF80];
	[tilespmem:v9+s28+$0x0] =	vst.idx.msk $0xffff, v26  }
0x274: {  	v6 =	vor.u32 v3, v6;
	v9 =	vld [tilespmem:s10+$0xFFFFFFD0];
	v23 =	vbroadcast v23, $0x0;
	[tilespmem:v18+s28+$0x0] =	vst.idx.msk $0xffff, v22;
	v18 =	vmul.f32 $8.000000000e+00, v19  }
0x275: {  	v12 =	vand.u32 $0x7E, v12;
	v5 =	vor.u32 v3, v5;
	v19 =	vld [tilespmem:s10+$0xFFFFFC50];
	[tilespmem:v11+s28+$0x0] =	vst.idx.msk $0xffff, v24;
	v11 =	vmul.f32 $8.000000000e+00, v20  }
0x276: {  	v17 =	vbroadcast v17, $0x0;
	v20 =	vld [tilespmem:s10+$0xFFFFFCD0];
	v22 =	vor.u32 v0, v23;
	[tilespmem:v10+s28+$0x0] =	vst.idx.msk $0xffff, v18;
	v10 =	vmul.f32 $8.000000000e+00, v21  }
0x277: {  	v14 =	vbroadcast v14, $0x0;
	v18 =	vor.u32 v0, v4;
	v21 =	vld [tilespmem:s10+$0xFFFFFD50];
	[tilespmem:v8+s28+$0x0] =	vst.idx.msk $0xffff, v11;
	v8 =	vmul.f32 $8.000000000e+00, v28  }
0x278: {  	v15 =	vbroadcast v15, $0x0;
	v24 =	vld [tilespmem:s10+$0xFFFFFDD0];
	v11 =	vor.u32 v0, v17;
	[tilespmem:v7+s28+$0x0] =	vst.idx.msk $0xffff, v10;
	v7 =	vmul.f32 $8.000000000e+00, v25  }
0x279: {  	v16 =	vbroadcast v16, $0x0;
	v10 =	vor.u32 v0, v14;
	v25 =	vld [tilespmem:s10+$0xFFFFFE50];
	v9 =	vmul.f32 $8.000000000e+00, v9;
	[tilespmem:v6+s28+$0x0] =	vst.idx.msk $0xffff, v8  }
0x27a: {  	v13 =	vbroadcast v13, $0x0;
	v6 =	vmul.f32 $8.000000000e+00, v19;
	v8 =	vor.u32 v0, v15;
	v19 =	vld [tilespmem:s10+$0xFFFFFED0];
	[tilespmem:v5+s28+$0x0] =	vst.idx.msk $0xffff, v7  }
0x27b: {  	v12 =	vbroadcast v12, $0x0;
	v5 =	vmul.f32 $8.000000000e+00, v20;
	v7 =	vor.u32 v0, v16;
	v20 =	vld [tilespmem:s10+$0xFFFFFF50];
	[tilespmem:v22+s28+$0x0] =	vst.idx.msk $0xffff, v9  }
0x27c: {  	[tilespmem:v18+s28+$0x0] =	vst.idx.msk $0xffff, v6;
	v6 =	vmul.f32 $8.000000000e+00, v21;
	v9 =	vor.u32 v0, v13;
	v18 =	vld [tilespmem:s10+$0xFFFFFFE0]  }
0x27d: {  	v21 =	vld [tilespmem:s10+$0xFFFFFC60];
	[tilespmem:v11+s28+$0x0] =	vst.idx.msk $0xffff, v5;
	v5 =	vmul.f32 $8.000000000e+00, v24;
	v11 =	vor.u32 v0, v12  }
0x27e: {  	v22 =	vld [tilespmem:s10+$0xFFFFFCE0];
	[tilespmem:v10+s28+$0x0] =	vst.idx.msk $0xffff, v6;
	v6 =	vmul.f32 $8.000000000e+00, v25;
	v10 =	vor.u32 v1, v23  }
0x27f: {  	v24 =	vor.u32 v1, v4;
	v25 =	vld [tilespmem:s10+$0xFFFFFD60];
	[tilespmem:v8+s28+$0x0] =	vst.idx.msk $0xffff, v5;
	v5 =	vmul.f32 $8.000000000e+00, v19  }
0x280: {  	v8 =	vor.u32 v1, v17;
	v19 =	vld [tilespmem:s10+$0xFFFFFDE0];
	[tilespmem:v7+s28+$0x0] =	vst.idx.msk $0xffff, v6;
	v6 =	vmul.f32 $8.000000000e+00, v20  }
0x281: {  	v7 =	vor.u32 v1, v14;
	v20 =	vld [tilespmem:s10+$0xFFFFFE60];
	[tilespmem:v9+s28+$0x0] =	vst.idx.msk $0xffff, v5;
	v5 =	vmul.f32 $8.000000000e+00, v18  }
0x282: {  	v9 =	vmul.f32 $8.000000000e+00, v21;
	v18 =	vor.u32 v1, v15;
	v21 =	vld [tilespmem:s10+$0xFFFFFEE0];
	[tilespmem:v11+s28+$0x0] =	vst.idx.msk $0xffff, v6  }
0x283: {  	v11 =	vor.u32 v1, v16;
	v6 =	vmul.f32 $8.000000000e+00, v22;
	v22 =	vld [tilespmem:s10+$0xFFFFFF60];
	[tilespmem:v10+s28+$0x0] =	vst.idx.msk $0xffff, v5  }
0x284: {  	[tilespmem:v24+s28+$0x0] =	vst.idx.msk $0xffff, v9;
	v5 =	vmul.f32 $8.000000000e+00, v25;
	v9 =	vor.u32 v1, v13;
	v10 =	vld [tilespmem:s10+$0xFFFFFFF0]  }
0x285: {  	v24 =	vld [tilespmem:s10+$0xFFFFFC70];
	[tilespmem:v8+s28+$0x0] =	vst.idx.msk $0xffff, v6;
	v6 =	vmul.f32 $8.000000000e+00, v19;
	v8 =	vor.u32 v1, v12  }
0x286: {  	v19 =	vld [tilespmem:s10+$0xFFFFFCF0];
	[tilespmem:v7+s28+$0x0] =	vst.idx.msk $0xffff, v5;
	v5 =	vmul.f32 $8.000000000e+00, v20;
	v7 =	vor.u32 v2, v23  }
0x287: {  	v20 =	vor.u32 v2, v4;
	v25 =	vld [tilespmem:s10+$0xFFFFFD70];
	[tilespmem:v18+s28+$0x0] =	vst.idx.msk $0xffff, v6;
	v6 =	vmul.f32 $8.000000000e+00, v21  }
0x288: {  	v18 =	vor.u32 v2, v17;
	v21 =	vld [tilespmem:s10+$0xFFFFFDF0];
	[tilespmem:v11+s28+$0x0] =	vst.idx.msk $0xffff, v5;
	v5 =	vmul.f32 $8.000000000e+00, v22  }
0x289: {  	v11 =	vor.u32 v2, v14;
	v22 =	vld [tilespmem:s10+$0xFFFFFE70];
	[tilespmem:v9+s28+$0x0] =	vst.idx.msk $0xffff, v6;
	v6 =	vmul.f32 $8.000000000e+00, v10  }
0x28a: {  	v9 =	vmul.f32 $8.000000000e+00, v24;
	v10 =	vor.u32 v2, v15;
	v24 =	vld [tilespmem:s10+$0xFFFFFEF0];
	[tilespmem:v8+s28+$0x0] =	vst.idx.msk $0xffff, v5  }
0x28b: {  	v8 =	vor.u32 v2, v16;
	v5 =	vmul.f32 $8.000000000e+00, v19;
	v19 =	vld [tilespmem:s10+$0xFFFFFF70];
	[tilespmem:v7+s28+$0x0] =	vst.idx.msk $0xffff, v6  }
0x28c: {  	[tilespmem:v20+s28+$0x0] =	vst.idx.msk $0xffff, v9;
	v6 =	vmul.f32 $8.000000000e+00, v25;
	v7 =	vor.u32 v2, v13;
	v9 =	vld [tilespmem:s10+$0x0]  }
0x28d: {  	v20 =	vld [tilespmem:s10+$0xFFFFFC80];
	[tilespmem:v18+s28+$0x0] =	vst.idx.msk $0xffff, v5;
	v5 =	vmul.f32 $8.000000000e+00, v21;
	v18 =	vor.u32 v2, v12  }
0x28e: {  	v21 =	vld [tilespmem:s10+$0xFFFFFD00];
	[tilespmem:v11+s28+$0x0] =	vst.idx.msk $0xffff, v6;
	v6 =	vmul.f32 $8.000000000e+00, v22;
	v11 =	vor.u32 v3, v23  }
0x28f: {  	v4 =	vor.u32 v3, v4;
	v22 =	vld [tilespmem:s10+$0xFFFFFD80];
	[tilespmem:v10+s28+$0x0] =	vst.idx.msk $0xffff, v5;
	v5 =	vmul.f32 $8.000000000e+00, v24  }
0x290: {  	v10 =	vor.u32 v3, v17;
	v17 =	vld [tilespmem:s10+$0xFFFFFE00];
	[tilespmem:v8+s28+$0x0] =	vst.idx.msk $0xffff, v6;
	v6 =	vmul.f32 $8.000000000e+00, v19  }
0x291: {  	v8 =	vor.u32 v3, v14;
	v14 =	vld [tilespmem:s10+$0xFFFFFE80];
	[tilespmem:v7+s28+$0x0] =	vst.idx.msk $0xffff, v5;
	v5 =	vmul.f32 $8.000000000e+00, v9  }
0x292: {  	v7 =	vmul.f32 $8.000000000e+00, v20;
	v9 =	vor.u32 v3, v15;
	v15 =	vld [tilespmem:s10+$0xFFFFFF00];
	[tilespmem:v18+s28+$0x0] =	vst.idx.msk $0xffff, v6  }
0x293: {  	v16 =	vor.u32 v3, v16;
	v6 =	vmul.f32 $8.000000000e+00, v21;
	v18 =	vld [tilespmem:s10+$0xFFFFFF80];
	[tilespmem:v11+s28+$0x0] =	vst.idx.msk $0xffff, v5  }
0x294: {  	[tilespmem:v4+s28+$0x0] =	vst.idx.msk $0xffff, v7;
	v4 =	vmul.f32 $8.000000000e+00, v22;
	v5 =	vor.u32 v3, v13  }
0x295: {  	v7 =	vor.u32 v3, v12;
	[tilespmem:v10+s28+$0x0] =	vst.idx.msk $0xffff, v6;
	v6 =	vmul.f32 $8.000000000e+00, v17  }
0x296: {  	[tilespmem:v8+s28+$0x0] =	vst.idx.msk $0xffff, v4;
	v4 =	vmul.f32 $8.000000000e+00, v14  }
0x297: {  	[tilespmem:v9+s28+$0x0] =	vst.idx.msk $0xffff, v6;
	v6 =	vmul.f32 $8.000000000e+00, v15  }
0x298: {  	s11 =	sor.u32 s18, s22;
	[tilespmem:v16+s28+$0x0] =	vst.idx.msk $0xffff, v4;
	v4 =	vmul.f32 $8.000000000e+00, v18  }
0x299: {  	s10 =	sshrl.u32 s11, $0x3;
	[tilespmem:v5+s28+$0x0] =	vst.idx.msk $0xffff, v6  }
0x29a: {  	s12 =	sadd.s32 s2, s10;
	s29 =	sor.u32 $0x4000, s10;
	[tilespmem:v7+s28+$0x0] =	vst.idx.msk $0xffff, v4  }
0x29b: {  	[hbm4b:s12+s3] =	stream.linear.scatter [tilespmem:s28], [sflag:$0x7], $0x400, $0x38;
	[tilespmem:$0x1E400] =	vst v63  }
0x29c: {  	s11 =	sadd.s32 s2, s29;
	s12 =	simm.s32 $0x1A800  }
0x29d: {  	[hbm4b:s11+s3] =	stream.linear.scatter [tilespmem:s12], [sflag:$0x7], $0x400, $0x38;
	[tilespmem:$0x1E400] =	vst v63  }
0x29e: {  	s12 =	sor.u32 $0x8000, s10  }
0x29f: {  	s29 =	simm.s32 $0x1AC00;
	s11 =	sadd.s32 s2, s12;
	s12 =	sor.u32 $0xC000, s10  }
0x2a0: {  	[hbm4b:s11+s3] =	stream.linear.scatter [tilespmem:s29], [sflag:$0x7], $0x400, $0x38;
	[tilespmem:$0x1E400] =	vst v63  }
0x2a1: {  	s11 =	sadd.s32 s2, s12;
	s29 =	simm.s32 $0x1B000;
	s12 =	sor.u32 $0x10000, s10  }
0x2a2: {  	[hbm4b:s11+s3] =	stream.linear.scatter [tilespmem:s29], [sflag:$0x7], $0x400, $0x38;
	[tilespmem:$0x1E400] =	vst v63  }
0x2a3: {  	s11 =	sadd.s32 s2, s12;
	s29 =	simm.s32 $0x1B400;
	s12 =	sor.u32 $0x14000, s10  }
0x2a4: {  	[hbm4b:s11+s3] =	stream.linear.scatter [tilespmem:s29], [sflag:$0x7], $0x400, $0x38;
	[tilespmem:$0x1E400] =	vst v63  }
0x2a5: {  	s11 =	sadd.s32 s2, s12;
	s29 =	simm.s32 $0x1B800;
	s12 =	sor.u32 $0x18000, s10  }
0x2a6: {  	[hbm4b:s11+s3] =	stream.linear.scatter [tilespmem:s29], [sflag:$0x7], $0x400, $0x38;
	[tilespmem:$0x1E400] =	vst v63  }
0x2a7: {  	s10 =	sor.u32 $0x1C000, s10;
	s11 =	sadd.s32 s2, s12;
	s29 =	simm.s32 $0x1BC00  }
0x2a8: {  	[hbm4b:s11+s3] =	stream.linear.scatter [tilespmem:s29], [sflag:$0x7], $0x400, $0x38;
	[tilespmem:$0x1E400] =	vst v63  }
0x2a9: {  	s10 =	sadd.s32 s2, s10;
	s12 =	simm.s32 $0x1C000  }
0x2aa: {  	[hbm4b:s10+s3] =	stream.linear.scatter [tilespmem:s12], [sflag:$0x7], $0x400, $0x38;
	[tilespmem:$0x1E400] =	vst v63  }
0x2ab: {  	s10 =	simm.s32 @!p0 $0x6  }
0x2ac: {  	_ =	swait.ge @!p0 [sflag:s10], $0x400  }
0x2ad: {  	[sflag:s10] =	ssyncset.done @!p0 $0x0  }
0x2ae: {  	[sflag:s10] =	ssyncadd.s32 @!p0 $0xFFFFFC00  }
0x2af: {  	_ =	swait.ge @!p0 [sflag:s10], $0x400  }
0x2b0: {  	[sflag:s10] =	ssyncset.done @!p0 $0x0  }
0x2b1: {  	[sflag:s10] =	ssyncadd.s32 @!p0 $0xFFFFFC00  }
0x2b2: {  	_ =	swait.ge @!p0 [sflag:s10], $0x400  }
0x2b3: {  	[sflag:s10] =	ssyncset.done @!p0 $0x0  }
0x2b4: {  	[sflag:s10] =	ssyncadd.s32 @!p0 $0xFFFFFC00  }
0x2b5: {  	_ =	swait.ge @!p0 [sflag:s10], $0x400  }
0x2b6: {  	[sflag:s10] =	ssyncset.done @!p0 $0x0  }
0x2b7: {  	[sflag:s10] =	ssyncadd.s32 @!p0 $0xFFFFFC00  }
0x2b8: {  	_ =	swait.ge @!p0 [sflag:s10], $0x400  }
0x2b9: {  	[sflag:s10] =	ssyncset.done @!p0 $0x0  }
0x2ba: {  	[sflag:s10] =	ssyncadd.s32 @!p0 $0xFFFFFC00  }
0x2bb: {  	_ =	swait.ge @!p0 [sflag:s10], $0x400  }
0x2bc: {  	[sflag:s10] =	ssyncset.done @!p0 $0x0  }
0x2bd: {  	[sflag:s10] =	ssyncadd.s32 @!p0 $0xFFFFFC00  }
0x2be: {  	_ =	swait.ge @!p0 [sflag:s10], $0x400  }
0x2bf: {  	[sflag:s10] =	ssyncset.done @!p0 $0x0  }
0x2c0: {  	[sflag:s10] =	ssyncadd.s32 @!p0 $0xFFFFFC00  }
0x2c1: {  	s11 =	simm.s32 @!p0 $0x80;
	_ =	swait.ge @!p0 [sflag:s10], $0x400  }
0x2c2: {  	s29 =	simm.s32 $0x1;
	s12 =	simm.s32 @!p0 $0xA400;
	[sflag:s10] =	ssyncset.done @!p0 $0x0  }
0x2c3: {  	[sflag:s10] =	ssyncadd.s32 @!p0 $0xFFFFFC00;
	s10 =	sadd.s32 @!p0 $0x280, s20;
	s20 =	simm.s32 $0x0  }
0x2c4: {  	v5 =	vmov s29;
	[tilespmem:s12], [sflag:$0x2] =	stream.indirect.gather @!p0 [hbm4b:s4+s11], $0x80, s10, s11, $0xb8;
	[tilespmem:$0x1E400] =	vst v63  }
0x2c5: {  	s29 =	simm.s32 $0x5;
	v5 =	vand.u32 $0x79, v5;
	v4 =	vmov s20;
	s20 =	simm.s32 $0x7;
	_ =	swait.ge [sflag:s30], $0x4000  }
0x2c6: {  	v10 =	vmov s29;
	v20 =	vbroadcast v5, $0x0;
	v8 =	vmov s20;
	[sflag:s30] =	ssyncset.done $0x0  }
0x2c7: {  	v5 =	vand.u32 $0x7D, v10;
	s11 =	simm.s32 $0x2;
	v4 =	vand.u32 $0x78, v4;
	s20 =	simm.s32 $0x127B0;
	v8 =	vand.u32 $0x7F, v8;
	[sflag:s30] =	ssyncadd.s32 $0xFFFFC000  }
0x2c8: {  	s12 =	simm.s32 $0x3;
	v6 =	vmov s11;
	s11 =	simm.s32 $0x4;
	v13 =	vbroadcast v4, $0x0;
	v15 =	vbroadcast v8, $0x0;
	v4 =	vld [tilespmem:s20+$0xFFFFFFD0]  }
0x2c9: {  	v18 =	vor.u32 v0, v20;
	v7 =	vmov s12;
	s12 =	simm.s32 $0x6;
	v9 =	vmov s11;
	v12 =	vld [tilespmem:s20+$0xFFFFFC50]  }
0x2ca: {  	v11 =	vmov s12;
	v6 =	vand.u32 $0x7A, v6;
	v14 =	vld [tilespmem:s20+$0xFFFFFCD0];
	v16 =	vor.u32 v0, v15  }
0x2cb: {  	v7 =	vand.u32 $0x7B, v7;
	v21 =	vbroadcast v6, $0x0;
	v10 =	vor.u32 v0, v13;
	v17 =	vld [tilespmem:s20+$0xFFFFFD50]  }
0x2cc: {  	v9 =	vand.u32 $0x7C, v9;
	v11 =	vand.u32 $0x7E, v11;
	v8 =	vbroadcast v7, $0x0;
	v19 =	vld [tilespmem:s20+$0xFFFFFDD0]  }
0x2cd: {  	v23 =	vld [tilespmem:s20+$0xFFFFFE50];
	v7 =	vbroadcast v9, $0x0;
	v22 =	vor.u32 v0, v21;
	v4 =	vmul.f32 $8.000000000e+00, v4  }
0x2ce: {  	v6 =	vbroadcast v5, $0x0;
	v24 =	vld [tilespmem:s20+$0xFFFFFED0];
	v9 =	vmul.f32 $8.000000000e+00, v12;
	v12 =	vor.u32 v0, v8  }
0x2cf: {  	v26 =	vld [tilespmem:s20+$0xFFFFFF50];
	v5 =	vbroadcast v11, $0x0;
	v25 =	vor.u32 v0, v7;
	v14 =	vmul.f32 $8.000000000e+00, v14;
	[tilespmem:v16+s31+$0x0] =	vst.idx.msk $0xffff, v4  }
0x2d0: {  	[tilespmem:v10+s31+$0x0] =	vst.idx.msk $0xffff, v9;
	v4 =	vmul.f32 $8.000000000e+00, v17;
	v9 =	vor.u32 v0, v6;
	v10 =	vld [tilespmem:s20+$0xFFFFFFE0]  }
0x2d1: {  	[tilespmem:v18+s31+$0x0] =	vst.idx.msk $0xffff, v14;
	v14 =	vmul.f32 $8.000000000e+00, v19;
	v16 =	vor.u32 v0, v5;
	v11 =	vld [tilespmem:s20+$0xFFFFFC60]  }
0x2d2: {  	v18 =	vor.u32 v1, v15;
	v17 =	vld [tilespmem:s20+$0xFFFFFCE0];
	[tilespmem:v22+s31+$0x0] =	vst.idx.msk $0xffff, v4;
	v4 =	vmul.f32 $8.000000000e+00, v23  }
0x2d3: {  	v19 =	vor.u32 v1, v13;
	v22 =	vld [tilespmem:s20+$0xFFFFFD60];
	[tilespmem:v12+s31+$0x0] =	vst.idx.msk $0xffff, v14;
	v12 =	vmul.f32 $8.000000000e+00, v24  }
0x2d4: {  	v14 =	vor.u32 v1, v20;
	v23 =	vld [tilespmem:s20+$0xFFFFFDE0];
	[tilespmem:v25+s31+$0x0] =	vst.idx.msk $0xffff, v4;
	v4 =	vmul.f32 $8.000000000e+00, v26  }
0x2d5: {  	v24 =	vor.u32 v1, v21;
	v25 =	vld [tilespmem:s20+$0xFFFFFE60];
	[tilespmem:v9+s31+$0x0] =	vst.idx.msk $0xffff, v12;
	v9 =	vmul.f32 $8.000000000e+00, v10  }
0x2d6: {  	v10 =	vmul.f32 $8.000000000e+00, v11;
	v11 =	vor.u32 v1, v8;
	v12 =	vld [tilespmem:s20+$0xFFFFFEE0];
	[tilespmem:v16+s31+$0x0] =	vst.idx.msk $0xffff, v4  }
0x2d7: {  	v4 =	vmul.f32 $8.000000000e+00, v17;
	v16 =	vor.u32 v1, v7;
	v17 =	vld [tilespmem:s20+$0xFFFFFF60];
	[tilespmem:v18+s31+$0x0] =	vst.idx.msk $0xffff, v9  }
0x2d8: {  	v29 =	vor.u32 v2, v20;
	[tilespmem:v19+s31+$0x0] =	vst.idx.msk $0xffff, v10;
	v10 =	vmul.f32 $8.000000000e+00, v22;
	v18 =	vor.u32 v1, v6;
	v19 =	vld [tilespmem:s20+$0xFFFFFFF0]  }
0x2d9: {  	v27 =	vor.u32 v2, v13;
	[tilespmem:v14+s31+$0x0] =	vst.idx.msk $0xffff, v4;
	v14 =	vor.u32 v1, v5;
	v22 =	vld [tilespmem:s20+$0xFFFFFC70];
	v4 =	vmul.f32 $8.000000000e+00, v23  }
0x2da: {  	s29 =	simm.s32 $0x8;
	v31 =	vor.u32 v2, v21;
	v26 =	vld [tilespmem:s20+$0xFFFFFCF0];
	[tilespmem:v24+s31+$0x0] =	vst.idx.msk $0xffff, v10;
	v10 =	vmul.f32 $8.000000000e+00, v25;
	v24 =	vor.u32 v2, v15  }
0x2db: {  	s11 =	simm.s32 $0x9;
	v34 =	vor.u32 v2, v8;
	v9 =	vmov s29;
	v61 =	vld [tilespmem:s20+$0xFFFFFD70];
	[tilespmem:v11+s31+$0x0] =	vst.idx.msk $0xffff, v4;
	v4 =	vmul.f32 $8.000000000e+00, v12  }
0x2dc: {  	s12 =	simm.s32 $0xA;
	s29 =	simm.s32 $0xB;
	v9 =	vand.u32 $0x78, v9;
	v23 =	vmov s11;
	v30 =	vld [tilespmem:s20+$0xFFFFFDF0];
	[tilespmem:v16+s31+$0x0] =	vst.idx.msk $0xffff, v10;
	v10 =	vmul.f32 $8.000000000e+00, v17  }
0x2dd: {  	s11 =	simm.s32 $0xC;
	v25 =	vmov s12;
	s12 =	simm.s32 $0xD;
	v11 =	vmov s29;
	v32 =	vld [tilespmem:s20+$0xFFFFFE70];
	[tilespmem:v18+s31+$0x0] =	vst.idx.msk $0xffff, v4;
	v4 =	vmul.f32 $8.000000000e+00, v19  }
0x2de: {  	v33 =	vmov s12;
	s29 =	simm.s32 $0xE;
	v16 =	vmov s11;
	v17 =	vmul.f32 $8.000000000e+00, v22;
	v35 =	vld [tilespmem:s20+$0xFFFFFEF0];
	[tilespmem:v14+s31+$0x0] =	vst.idx.msk $0xffff, v10  }
0x2df: {  	v12 =	vmov s29;
	v10 =	vmul.f32 $8.000000000e+00, v26;
	v26 =	vor.u32 v2, v7;
	v36 =	vld [tilespmem:s20+$0xFFFFFF70];
	[tilespmem:v24+s31+$0x0] =	vst.idx.msk $0xffff, v4  }
0x2e0: {  	v4 =	vbroadcast v9, $0x0;
	[tilespmem:v27+s31+$0x0] =	vst.idx.msk $0xffff, v17;
	v9 =	vmul.f32 $8.000000000e+00, v61;
	v27 =	vor.u32 v2, v6;
	v62 =	vld [tilespmem:s20+$0x0]  }
0x2e1: {  	v17 =	vand.u32 $0x79, v23;
	[tilespmem:v29+s31+$0x0] =	vst.idx.msk $0xffff, v10;
	v23 =	vor.u32 v2, v5;
	v22 =	vld [tilespmem:s20+$0xFFFFFC80];
	v10 =	vmul.f32 $8.000000000e+00, v30  }
0x2e2: {  	v14 =	vand.u32 $0x7A, v25;
	v24 =	vld [tilespmem:s20+$0xFFFFFD00];
	[tilespmem:v31+s31+$0x0] =	vst.idx.msk $0xffff, v9;
	v25 =	vmul.f32 $8.000000000e+00, v32;
	v9 =	vor.u32 v3, v15  }
0x2e3: {  	v18 =	vor.u32 v3, v13;
	v16 =	vand.u32 $0x7C, v16;
	v19 =	vld [tilespmem:s20+$0xFFFFFD80];
	[tilespmem:v34+s31+$0x0] =	vst.idx.msk $0xffff, v10;
	v63 =	vmul.f32 $8.000000000e+00, v35  }
0x2e4: {  	v15 =	vand.u32 $0x7B, v11;
	v11 =	vor.u32 v3, v20;
	v20 =	vld [tilespmem:s20+$0xFFFFFE00];
	[tilespmem:v26+s31+$0x0] =	vst.idx.msk $0xffff, v25;
	v25 =	vmul.f32 $8.000000000e+00, v36  }
0x2e5: {  	s10 =	simm.s32 $0x10;
	s11 =	simm.s32 $0xF;
	v13 =	vand.u32 $0x7D, v33;
	v10 =	vor.u32 v3, v21;
	v21 =	vld [tilespmem:s20+$0xFFFFFE80];
	[tilespmem:v27+s31+$0x0] =	vst.idx.msk $0xffff, v63;
	v26 =	vmul.f32 $8.000000000e+00, v62  }
.LBB2_17:
0x2e6: {  	p0 =	slt.u32 s10, $0x78;
	v27 =	vmov s11;
	v22 =	vmul.f32 $8.000000000e+00, v22;
	v8 =	vor.u32 v3, v8;
	v28 =	vld [tilespmem:s20+$0xFFFFFF00];
	[tilespmem:v23+s31+$0x0] =	vst.idx.msk $0xffff, v25  }
0x2e7: {  	v7 =	vor.u32 v3, v7;
	v23 =	vand.u32 $0x7F, v27;
	v24 =	vmul.f32 $8.000000000e+00, v24;
	v25 =	vld [tilespmem:s20+$0xFFFFFF80];
	[tilespmem:v9+s31+$0x0] =	vst.idx.msk $0xffff, v26;
	s20 =	sadd.s32 $0x400, s20  }
0x2e8: {  	v6 =	vor.u32 v3, v6;
	v26 =	vld [tilespmem:s20+$0xFFFFFFD0];
	v9 =	vbroadcast v23, $0x0;
	[tilespmem:v18+s31+$0x0] =	vst.idx.msk $0xffff, v22;
	v18 =	vmul.f32 $8.000000000e+00, v19  }
0x2e9: {  	v12 =	vand.u32 $0x7E, v12;
	v5 =	vor.u32 v3, v5;
	v19 =	vld [tilespmem:s20+$0xFFFFFC50];
	[tilespmem:v11+s31+$0x0] =	vst.idx.msk $0xffff, v24;
	v20 =	vmul.f32 $8.000000000e+00, v20  }
0x2ea: {  	v11 =	vbroadcast v17, $0x0;
	v22 =	vld [tilespmem:s20+$0xFFFFFCD0];
	v17 =	vor.u32 v0, v9;
	[tilespmem:v10+s31+$0x0] =	vst.idx.msk $0xffff, v18;
	v18 =	vmul.f32 $8.000000000e+00, v21  }
0x2eb: {  	v21 =	vor.u32 v0, v4;
	v10 =	vbroadcast v14, $0x0;
	v23 =	vld [tilespmem:s20+$0xFFFFFD50];
	[tilespmem:v8+s31+$0x0] =	vst.idx.msk $0xffff, v20;
	v14 =	vmul.f32 $8.000000000e+00, v28  }
0x2ec: {  	v20 =	vor.u32 v0, v11;
	v8 =	vbroadcast v15, $0x0;
	v24 =	vld [tilespmem:s20+$0xFFFFFDD0];
	[tilespmem:v7+s31+$0x0] =	vst.idx.msk $0xffff, v18;
	v15 =	vmul.f32 $8.000000000e+00, v25  }
0x2ed: {  	v18 =	vor.u32 v0, v10;
	v7 =	vbroadcast v16, $0x0;
	v25 =	vld [tilespmem:s20+$0xFFFFFE50];
	v16 =	vmul.f32 $8.000000000e+00, v26;
	[tilespmem:v6+s31+$0x0] =	vst.idx.msk $0xffff, v14  }
0x2ee: {  	v6 =	vbroadcast v13, $0x0;
	v14 =	vmul.f32 $8.000000000e+00, v19;
	v19 =	vor.u32 v0, v8;
	v26 =	vld [tilespmem:s20+$0xFFFFFED0];
	[tilespmem:v5+s31+$0x0] =	vst.idx.msk $0xffff, v15  }
0x2ef: {  	v15 =	vor.u32 v0, v7;
	v5 =	vbroadcast v12, $0x0;
	v13 =	vmul.f32 $8.000000000e+00, v22;
	v22 =	vld [tilespmem:s20+$0xFFFFFF50];
	[tilespmem:v17+s31+$0x0] =	vst.idx.msk $0xffff, v16  }
0x2f0: {  	[tilespmem:v21+s31+$0x0] =	vst.idx.msk $0xffff, v14;
	v12 =	vmul.f32 $8.000000000e+00, v23;
	v14 =	vor.u32 v0, v6;
	v16 =	vld [tilespmem:s20+$0xFFFFFFE0]  }
0x2f1: {  	v17 =	vld [tilespmem:s20+$0xFFFFFC60];
	[tilespmem:v20+s31+$0x0] =	vst.idx.msk $0xffff, v13;
	v13 =	vmul.f32 $8.000000000e+00, v24;
	v20 =	vor.u32 v0, v5  }
0x2f2: {  	v21 =	vld [tilespmem:s20+$0xFFFFFCE0];
	[tilespmem:v18+s31+$0x0] =	vst.idx.msk $0xffff, v12;
	v12 =	vmul.f32 $8.000000000e+00, v25;
	v18 =	vor.u32 v1, v9  }
0x2f3: {  	v23 =	vor.u32 v1, v4;
	v24 =	vld [tilespmem:s20+$0xFFFFFD60];
	[tilespmem:v19+s31+$0x0] =	vst.idx.msk $0xffff, v13;
	v13 =	vmul.f32 $8.000000000e+00, v26  }
0x2f4: {  	v19 =	vor.u32 v1, v11;
	v25 =	vld [tilespmem:s20+$0xFFFFFDE0];
	[tilespmem:v15+s31+$0x0] =	vst.idx.msk $0xffff, v12;
	v12 =	vmul.f32 $8.000000000e+00, v22  }
0x2f5: {  	v15 =	vor.u32 v1, v10;
	v22 =	vld [tilespmem:s20+$0xFFFFFE60];
	[tilespmem:v14+s31+$0x0] =	vst.idx.msk $0xffff, v13;
	v13 =	vmul.f32 $8.000000000e+00, v16  }
0x2f6: {  	v16 =	vor.u32 v1, v8;
	v14 =	vmul.f32 $8.000000000e+00, v17;
	v17 =	vld [tilespmem:s20+$0xFFFFFEE0];
	[tilespmem:v20+s31+$0x0] =	vst.idx.msk $0xffff, v12  }
0x2f7: {  	v20 =	vor.u32 v1, v7;
	v12 =	vmul.f32 $8.000000000e+00, v21;
	v21 =	vld [tilespmem:s20+$0xFFFFFF60];
	[tilespmem:v18+s31+$0x0] =	vst.idx.msk $0xffff, v13  }
0x2f8: {  	v13 =	vmov s10;
	v18 =	vor.u32 v1, v6;
	[tilespmem:v23+s31+$0x0] =	vst.idx.msk $0xffff, v14;
	v14 =	vmul.f32 $8.000000000e+00, v24;
	v23 =	vld [tilespmem:s20+$0xFFFFFFF0]  }
0x2f9: {  	s11 =	sadd.s32 $0x1, s10;
	v13 =	vand.u32 $0x78, v13;
	v24 =	vld [tilespmem:s20+$0xFFFFFC70];
	[tilespmem:v19+s31+$0x0] =	vst.idx.msk $0xffff, v12;
	v12 =	vmul.f32 $8.000000000e+00, v25;
	v19 =	vor.u32 v1, v5  }
0x2fa: {  	v25 =	vmov s11;
	s11 =	sadd.s32 $0x2, s10;
	v26 =	vld [tilespmem:s20+$0xFFFFFCF0];
	[tilespmem:v15+s31+$0x0] =	vst.idx.msk $0xffff, v14;
	v14 =	vmul.f32 $8.000000000e+00, v22;
	v15 =	vor.u32 v2, v9  }
0x2fb: {  	v27 =	vmov s11;
	s11 =	sadd.s32 $0x3, s10;
	v22 =	vor.u32 v2, v4;
	v28 =	vld [tilespmem:s20+$0xFFFFFD70];
	[tilespmem:v16+s31+$0x0] =	vst.idx.msk $0xffff, v12;
	v12 =	vmul.f32 $8.000000000e+00, v17  }
0x2fc: {  	v29 =	vor.u32 v2, v11;
	v16 =	vmov s11;
	s11 =	sadd.s32 $0x4, s10;
	v30 =	vld [tilespmem:s20+$0xFFFFFDF0];
	[tilespmem:v20+s31+$0x0] =	vst.idx.msk $0xffff, v14;
	v14 =	vmul.f32 $8.000000000e+00, v21  }
0x2fd: {  	v20 =	vmov s11;
	s11 =	sadd.s32 $0x5, s10;
	v21 =	vor.u32 v2, v10;
	v31 =	vld [tilespmem:s20+$0xFFFFFE70];
	[tilespmem:v18+s31+$0x0] =	vst.idx.msk $0xffff, v12;
	v17 =	vmul.f32 $8.000000000e+00, v23  }
0x2fe: {  	v33 =	vor.u32 v2, v8;
	v32 =	vmov s11;
	s11 =	sadd.s32 $0x6, s10;
	v18 =	vmul.f32 $8.000000000e+00, v24;
	v34 =	vld [tilespmem:s20+$0xFFFFFEF0];
	[tilespmem:v19+s31+$0x0] =	vst.idx.msk $0xffff, v14  }
0x2ff: {  	v12 =	vmov s11;
	v14 =	vmul.f32 $8.000000000e+00, v26;
	v26 =	vor.u32 v2, v7;
	v35 =	vld [tilespmem:s20+$0xFFFFFF70];
	[tilespmem:v15+s31+$0x0] =	vst.idx.msk $0xffff, v17  }
0x300: {  	v13 =	vbroadcast v13, $0x0;
	[tilespmem:v22+s31+$0x0] =	vst.idx.msk $0xffff, v18;
	v15 =	vmul.f32 $8.000000000e+00, v28;
	v28 =	vor.u32 v2, v6;
	v36 =	vld [tilespmem:s20+$0x0]  }
.Ltmp7:
0x301: {  	v23 =	vor.u32 v2, v5;
	v17 =	vand.u32 $0x79, v25;
	v22 =	vld [tilespmem:s20+$0xFFFFFC80];
	[tilespmem:v29+s31+$0x0] =	vst.idx.msk $0xffff, v14;
	v25 =	vmul.f32 $8.000000000e+00, v30;
	(pc) =	sbr.rel @p0 .LBB2_17-.Ltmp7, $4  }
0x302: {  	v9 =	vor.u32 v3, v9;
	v14 =	vand.u32 $0x7A, v27;
	v24 =	vld [tilespmem:s20+$0xFFFFFD00];
	[tilespmem:v21+s31+$0x0] =	vst.idx.msk $0xffff, v15;
	v21 =	vmul.f32 $8.000000000e+00, v31  }
0x303: {  	v18 =	vor.u32 v3, v4;
	v4 =	vmovc v13;
	v15 =	vand.u32 $0x7B, v16;
	v19 =	vld [tilespmem:s20+$0xFFFFFD80];
	[tilespmem:v33+s31+$0x0] =	vst.idx.msk $0xffff, v25;
	v27 =	vmul.f32 $8.000000000e+00, v34  }
0x304: {  	v11 =	vor.u32 v3, v11;
	v16 =	vand.u32 $0x7C, v20;
	v20 =	vld [tilespmem:s20+$0xFFFFFE00];
	[tilespmem:v26+s31+$0x0] =	vst.idx.msk $0xffff, v21;
	v25 =	vmul.f32 $8.000000000e+00, v35  }
0x305: {  	v10 =	vor.u32 v3, v10;
	s11 =	sadd.s32 $0x7, s10;
	s10 =	sadd.s32 $0x8, s10;
	v13 =	vand.u32 $0x7D, v32;
	v21 =	vld [tilespmem:s20+$0xFFFFFE80];
	[tilespmem:v28+s31+$0x0] =	vst.idx.msk $0xffff, v27;
	v26 =	vmul.f32 $8.000000000e+00, v36  }
0x306: {  	_ =	sdelay $0x3  }
0x307: {  	v27 =	vmov s11;
	v22 =	vmul.f32 $8.000000000e+00, v22;
	v8 =	vor.u32 v3, v8;
	v28 =	vld [tilespmem:s20+$0xFFFFFF00];
	[tilespmem:v23+s31+$0x0] =	vst.idx.msk $0xffff, v25  }
0x308: {  	v7 =	vor.u32 v3, v7;
	s10 =	sadd.s32 $0x400, s20;
	v6 =	vor.u32 v3, v6;
	v24 =	vmul.f32 $8.000000000e+00, v24;
	v25 =	vld [tilespmem:s20+$0xFFFFFF80];
	[tilespmem:v9+s31+$0x0] =	vst.idx.msk $0xffff, v26  }
0x309: {  	v12 =	vand.u32 $0x7E, v12;
	v55 =	vand.u32 $0x7F, v27;
	v58 =	vld [tilespmem:s10+$0xFFFFFC50];
	[tilespmem:v18+s31+$0x0] =	vst.idx.msk $0xffff, v22;
	v57 =	vmul.f32 $8.000000000e+00, v19  }
0x30a: {  	v5 =	vor.u32 v3, v5;
	v56 =	vld [tilespmem:s10+$0xFFFFFFD0];
	v23 =	vbroadcast v55, $0x0;
	[tilespmem:v11+s31+$0x0] =	vst.idx.msk $0xffff, v24;
	v59 =	vmul.f32 $8.000000000e+00, v20  }
0x30b: {  	v17 =	vbroadcast v17, $0x0;
	v63 =	vor.u32 v0, v4;
	v60 =	vld [tilespmem:s10+$0xFFFFFCD0];
	[tilespmem:v10+s31+$0x0] =	vst.idx.msk $0xffff, v57;
	v62 =	vmul.f32 $8.000000000e+00, v21  }
0x30c: {  	v14 =	vbroadcast v14, $0x0;
	v29 =	vld [tilespmem:s10+$0xFFFFFD50];
	v61 =	vor.u32 v0, v23;
	[tilespmem:v8+s31+$0x0] =	vst.idx.msk $0xffff, v59;
	v30 =	vmul.f32 $8.000000000e+00, v28  }
0x30d: {  	v15 =	vbroadcast v15, $0x0;
	v32 =	vld [tilespmem:s10+$0xFFFFFDD0];
	v31 =	vor.u32 v0, v17;
	[tilespmem:v7+s31+$0x0] =	vst.idx.msk $0xffff, v62;
	v33 =	vmul.f32 $8.000000000e+00, v25  }
0x30e: {  	v16 =	vbroadcast v16, $0x0;
	v35 =	vld [tilespmem:s10+$0xFFFFFE50];
	v34 =	vor.u32 v0, v14;
	v36 =	vmul.f32 $8.000000000e+00, v58;
	[tilespmem:v6+s31+$0x0] =	vst.idx.msk $0xffff, v30  }
0x30f: {  	v13 =	vbroadcast v13, $0x0;
	v38 =	vld [tilespmem:s10+$0xFFFFFED0];
	v37 =	vor.u32 v0, v15;
	v9 =	vmul.f32 $8.000000000e+00, v56;
	[tilespmem:v5+s31+$0x0] =	vst.idx.msk $0xffff, v33  }
0x310: {  	v40 =	vld [tilespmem:s10+$0xFFFFFF50];
	v12 =	vbroadcast v12, $0x0;
	v39 =	vor.u32 v0, v16;
	v5 =	vmul.f32 $8.000000000e+00, v60;
	[tilespmem:v63+s31+$0x0] =	vst.idx.msk $0xffff, v36  }
0x311: {  	v42 =	vor.u32 v0, v13;
	v41 =	vmul.f32 $8.000000000e+00, v29;
	[tilespmem:v61+s31+$0x0] =	vst.idx.msk $0xffff, v9;
	v44 =	vld [tilespmem:s10+$0xFFFFFC60]  }
0x312: {  	v45 =	vor.u32 v0, v12;
	v43 =	vld [tilespmem:s10+$0xFFFFFFE0];
	[tilespmem:v31+s31+$0x0] =	vst.idx.msk $0xffff, v5;
	v5 =	vmul.f32 $8.000000000e+00, v32  }
0x313: {  	v49 =	vor.u32 v1, v4;
	v47 =	vmul.f32 $8.000000000e+00, v35;
	[tilespmem:v34+s31+$0x0] =	vst.idx.msk $0xffff, v41;
	v46 =	vld [tilespmem:s10+$0xFFFFFCE0]  }
0x314: {  	v48 =	vor.u32 v1, v23;
	v50 =	vld [tilespmem:s10+$0xFFFFFD60];
	[tilespmem:v37+s31+$0x0] =	vst.idx.msk $0xffff, v5;
	v5 =	vmul.f32 $8.000000000e+00, v38  }
0x315: {  	v51 =	vor.u32 v1, v17;
	v53 =	vmul.f32 $8.000000000e+00, v40;
	[tilespmem:v39+s31+$0x0] =	vst.idx.msk $0xffff, v47;
	v52 =	vld [tilespmem:s10+$0xFFFFFDE0]  }
0x316: {  	v54 =	vor.u32 v1, v14;
	v55 =	vld [tilespmem:s10+$0xFFFFFE60];
	[tilespmem:v42+s31+$0x0] =	vst.idx.msk $0xffff, v5;
	v56 =	vmul.f32 $8.000000000e+00, v44  }
0x317: {  	v57 =	vor.u32 v1, v15;
	[tilespmem:v45+s31+$0x0] =	vst.idx.msk $0xffff, v53;
	v5 =	vmul.f32 $8.000000000e+00, v43;
	v58 =	vld [tilespmem:s10+$0xFFFFFEE0]  }
0x318: {  	v60 =	vor.u32 v1, v16;
	v61 =	vld [tilespmem:s10+$0xFFFFFF60];
	v59 =	vmul.f32 $8.000000000e+00, v46;
	[tilespmem:v49+s31+$0x0] =	vst.idx.msk $0xffff, v56  }
0x319: {  	v62 =	vor.u32 v1, v13;
	[tilespmem:v48+s31+$0x0] =	vst.idx.msk $0xffff, v5;
	v5 =	vmul.f32 $8.000000000e+00, v50;
	v24 =	vld [tilespmem:s10+$0xFFFFFC70]  }
0x31a: {  	v28 =	vor.u32 v1, v12;
	v10 =	vld [tilespmem:s10+$0xFFFFFFF0];
	[tilespmem:v51+s31+$0x0] =	vst.idx.msk $0xffff, v59;
	v63 =	vmul.f32 $8.000000000e+00, v52  }
0x31b: {  	v31 =	vor.u32 v2, v4;
	v29 =	vld [tilespmem:s10+$0xFFFFFCF0];
	[tilespmem:v54+s31+$0x0] =	vst.idx.msk $0xffff, v5;
	v5 =	vmul.f32 $8.000000000e+00, v55  }
0x31c: {  	v30 =	vor.u32 v2, v23;
	v32 =	vld [tilespmem:s10+$0xFFFFFD70];
	[tilespmem:v57+s31+$0x0] =	vst.idx.msk $0xffff, v63;
	v33 =	vmul.f32 $8.000000000e+00, v58  }
0x31d: {  	v34 =	vor.u32 v2, v17;
	v35 =	vld [tilespmem:s10+$0xFFFFFDF0];
	[tilespmem:v60+s31+$0x0] =	vst.idx.msk $0xffff, v5;
	v5 =	vmul.f32 $8.000000000e+00, v61  }
0x31e: {  	v36 =	vor.u32 v2, v14;
	v37 =	vld [tilespmem:s10+$0xFFFFFE70];
	[tilespmem:v62+s31+$0x0] =	vst.idx.msk $0xffff, v33;
	v39 =	vmul.f32 $8.000000000e+00, v24  }
0x31f: {  	v40 =	vor.u32 v2, v15;
	v38 =	vmul.f32 $8.000000000e+00, v10;
	v41 =	vld [tilespmem:s10+$0xFFFFFEF0];
	[tilespmem:v28+s31+$0x0] =	vst.idx.msk $0xffff, v5  }
0x320: {  	v42 =	vor.u32 v2, v16;
	v5 =	vmul.f32 $8.000000000e+00, v29;
	v43 =	vld [tilespmem:s10+$0xFFFFFF70];
	[tilespmem:v31+s31+$0x0] =	vst.idx.msk $0xffff, v39  }
0x321: {  	v45 =	vor.u32 v2, v13;
	[tilespmem:v30+s31+$0x0] =	vst.idx.msk $0xffff, v38;
	v44 =	vmul.f32 $8.000000000e+00, v32;
	v20 =	vld [tilespmem:s10+$0xFFFFFC80]  }
0x322: {  	v47 =	vor.u32 v2, v12;
	v46 =	vld [tilespmem:s10+$0x0];
	[tilespmem:v34+s31+$0x0] =	vst.idx.msk $0xffff, v5;
	v5 =	vmul.f32 $8.000000000e+00, v35  }
0x323: {  	v4 =	vor.u32 v3, v4;
	v48 =	vld [tilespmem:s10+$0xFFFFFD00];
	[tilespmem:v36+s31+$0x0] =	vst.idx.msk $0xffff, v44;
	v49 =	vmul.f32 $8.000000000e+00, v37  }
0x324: {  	v50 =	vor.u32 v3, v23;
	v51 =	vld [tilespmem:s10+$0xFFFFFD80];
	[tilespmem:v40+s31+$0x0] =	vst.idx.msk $0xffff, v5;
	v5 =	vmul.f32 $8.000000000e+00, v41  }
0x325: {  	v52 =	vor.u32 v3, v17;
	v53 =	vld [tilespmem:s10+$0xFFFFFE00];
	[tilespmem:v42+s31+$0x0] =	vst.idx.msk $0xffff, v49;
	v54 =	vmul.f32 $8.000000000e+00, v43  }
0x326: {  	v55 =	vor.u32 v3, v14;
	v56 =	vld [tilespmem:s10+$0xFFFFFE80];
	[tilespmem:v45+s31+$0x0] =	vst.idx.msk $0xffff, v5;
	v57 =	vmul.f32 $8.000000000e+00, v20  }
0x327: {  	v58 =	vor.u32 v3, v15;
	v5 =	vmul.f32 $8.000000000e+00, v46;
	v59 =	vld [tilespmem:s10+$0xFFFFFF00];
	[tilespmem:v47+s31+$0x0] =	vst.idx.msk $0xffff, v54  }
0x328: {  	v16 =	vor.u32 v3, v16;
	v60 =	vmul.f32 $8.000000000e+00, v48;
	v18 =	vld [tilespmem:s10+$0xFFFFFF80];
	[tilespmem:v4+s31+$0x0] =	vst.idx.msk $0xffff, v57  }
0x329: {  	[tilespmem:v50+s31+$0x0] =	vst.idx.msk $0xffff, v5;
	v4 =	vmul.f32 $8.000000000e+00, v51;
	v5 =	vor.u32 v3, v13  }
0x32a: {  	v62 =	vor.u32 v3, v12;
	[tilespmem:v52+s31+$0x0] =	vst.idx.msk $0xffff, v60;
	v61 =	vmul.f32 $8.000000000e+00, v53  }
0x32b: {  	[tilespmem:v55+s31+$0x0] =	vst.idx.msk $0xffff, v4;
	v4 =	vmul.f32 $8.000000000e+00, v56  }
0x32c: {  	[tilespmem:v58+s31+$0x0] =	vst.idx.msk $0xffff, v61;
	v63 =	vmul.f32 $8.000000000e+00, v59  }
0x32d: {  	s20 =	sor.u32 s19, s22;
	[tilespmem:v16+s31+$0x0] =	vst.idx.msk $0xffff, v4;
	v4 =	vmul.f32 $8.000000000e+00, v18  }
0x32e: {  	s10 =	sshrl.u32 s20, $0x3;
	[tilespmem:v5+s31+$0x0] =	vst.idx.msk $0xffff, v63  }
0x32f: {  	s22 =	sadd.s32 s2, s10;
	s29 =	sor.u32 $0x4000, s10;
	[tilespmem:v62+s31+$0x0] =	vst.idx.msk $0xffff, v4  }
0x330: {  	[hbm4b:s22+s3] =	stream.linear.scatter [tilespmem:s31], [sflag:$0x8], $0x400, $0x38;
	[tilespmem:$0x1E400] =	vst v63  }
0x331: {  	s12 =	simm.s32 $0x1C800;
	s11 =	sadd.s32 s2, s29  }
0x332: {  	[hbm4b:s11+s3] =	stream.linear.scatter [tilespmem:s12], [sflag:$0x8], $0x400, $0x38;
	[tilespmem:$0x1E400] =	vst v63  }
0x333: {  	s1 =	sadd.s32 $0x1, s1;
	s12 =	sor.u32 $0x8000, s10  }
0x334: {  	s20 =	simm.s32 $0x1CC00;
	s22 =	sor.u32 $0xC000, s10;
	s11 =	sadd.s32 s2, s12  }
0x335: {  	[hbm4b:s11+s3] =	stream.linear.scatter [tilespmem:s20], [sflag:$0x8], $0x400, $0x38;
	[tilespmem:$0x1E400] =	vst v63  }
0x336: {  	s29 =	simm.s32 $0x1D000;
	s12 =	sor.u32 $0x10000, s10;
	s11 =	sadd.s32 s2, s22  }
0x337: {  	[hbm4b:s11+s3] =	stream.linear.scatter [tilespmem:s29], [sflag:$0x8], $0x400, $0x38;
	[tilespmem:$0x1E400] =	vst v63  }
0x338: {  	s20 =	simm.s32 $0x1D400;
	s22 =	sor.u32 $0x14000, s10;
	s11 =	sadd.s32 s2, s12  }
0x339: {  	[hbm4b:s11+s3] =	stream.linear.scatter [tilespmem:s20], [sflag:$0x8], $0x400, $0x38;
	[tilespmem:$0x1E400] =	vst v63  }
0x33a: {  	p0 =	sne.s32 s1, $0x32;
	s29 =	simm.s32 $0x1D800;
	s11 =	sadd.s32 s2, s22  }
0x33b: {  	[hbm4b:s11+s3] =	stream.linear.scatter [tilespmem:s29], [sflag:$0x8], $0x400, $0x38;
	[tilespmem:$0x1E400] =	vst v63  }
.Ltmp8:
0x33c: {  	s20 =	sor.u32 $0x18000, s10;
	(pc) =	sbr.rel @p0 .LBB2_10-.Ltmp8, $4  }
0x33d: {  	s22 =	simm.s32 $0x1DC00;
	s10 =	sor.u32 $0x1C000, s10;
	s11 =	sadd.s32 s2, s20  }
0x33e: {  	[hbm4b:s11+s3] =	stream.linear.scatter [tilespmem:s22], [sflag:$0x8], $0x400, $0x38;
	[tilespmem:$0x1E400] =	vst v63  }
0x33f: {  	s10 =	sadd.s32 s2, s10;
	s29 =	simm.s32 $0x1E000  }
0x340: {  	[hbm4b:s10+s3] =	stream.linear.scatter [tilespmem:s29], [sflag:$0x8], $0x400, $0x38;
	[tilespmem:$0x1E400] =	vst v63  }
0x341: {  	s1 =	simm.s32 $0x7  }
0x342: {  	_ =	swait.ge [sflag:s1], $0x400  }
0x343: {  	[sflag:s1] =	ssyncset.done $0x0  }
0x344: {  	[sflag:s1] =	ssyncadd.s32 $0xFFFFFC00  }
0x345: {  	_ =	swait.ge [sflag:s1], $0x400  }
0x346: {  	[sflag:s1] =	ssyncset.done $0x0  }
0x347: {  	[sflag:s1] =	ssyncadd.s32 $0xFFFFFC00  }
0x348: {  	_ =	swait.ge [sflag:s1], $0x400  }
0x349: {  	[sflag:s1] =	ssyncset.done $0x0  }
0x34a: {  	[sflag:s1] =	ssyncadd.s32 $0xFFFFFC00  }
0x34b: {  	_ =	swait.ge [sflag:s1], $0x400  }
0x34c: {  	[sflag:s1] =	ssyncset.done $0x0  }
0x34d: {  	[sflag:s1] =	ssyncadd.s32 $0xFFFFFC00  }
0x34e: {  	_ =	swait.ge [sflag:s1], $0x400  }
0x34f: {  	[sflag:s1] =	ssyncset.done $0x0  }
0x350: {  	[sflag:s1] =	ssyncadd.s32 $0xFFFFFC00  }
0x351: {  	_ =	swait.ge [sflag:s1], $0x400  }
0x352: {  	[sflag:s1] =	ssyncset.done $0x0  }
0x353: {  	[sflag:s1] =	ssyncadd.s32 $0xFFFFFC00  }
0x354: {  	_ =	swait.ge [sflag:s1], $0x400  }
0x355: {  	[sflag:s1] =	ssyncset.done $0x0  }
0x356: {  	[sflag:s1] =	ssyncadd.s32 $0xFFFFFC00  }
0x357: {  	_ =	swait.ge [sflag:s1], $0x400  }
0x358: {  	[sflag:s1] =	ssyncset.done $0x0  }
0x359: {  	s10 =	simm.s32 $0x8;
	[sflag:s1] =	ssyncadd.s32 $0xFFFFFC00  }
0x35a: {  	_ =	swait.ge [sflag:s10], $0x400  }
0x35b: {  	[sflag:s10] =	ssyncset.done $0x0  }
0x35c: {  	[sflag:s10] =	ssyncadd.s32 $0xFFFFFC00  }
0x35d: {  	_ =	swait.ge [sflag:s10], $0x400  }
0x35e: {  	[sflag:s10] =	ssyncset.done $0x0  }
0x35f: {  	[sflag:s10] =	ssyncadd.s32 $0xFFFFFC00  }
0x360: {  	_ =	swait.ge [sflag:s10], $0x400  }
0x361: {  	[sflag:s10] =	ssyncset.done $0x0  }
0x362: {  	[sflag:s10] =	ssyncadd.s32 $0xFFFFFC00  }
0x363: {  	_ =	swait.ge [sflag:s10], $0x400  }
0x364: {  	[sflag:s10] =	ssyncset.done $0x0  }
0x365: {  	[sflag:s10] =	ssyncadd.s32 $0xFFFFFC00  }
0x366: {  	_ =	swait.ge [sflag:s10], $0x400  }
0x367: {  	[sflag:s10] =	ssyncset.done $0x0  }
0x368: {  	[sflag:s10] =	ssyncadd.s32 $0xFFFFFC00  }
0x369: {  	_ =	swait.ge [sflag:s10], $0x400  }
0x36a: {  	[sflag:s10] =	ssyncset.done $0x0  }
0x36b: {  	[sflag:s10] =	ssyncadd.s32 $0xFFFFFC00  }
0x36c: {  	_ =	swait.ge [sflag:s10], $0x400  }
0x36d: {  	[sflag:s10] =	ssyncset.done $0x0  }
0x36e: {  	[sflag:s10] =	ssyncadd.s32 $0xFFFFFC00  }
0x36f: {  	_ =	swait.ge [sflag:s10], $0x400  }
0x370: {  	s11 =	rddreg [dreg:$0xa]  }
0x371: {  	s29 =	rddreg [dreg:$0x8];
	s11 =	sadd.s32 $0x1, s11  }
0x372: {  	p0 =	sne.s32 s11, s29  }
.Ltmp9:
0x373: {  	_ = 	snop;
	(pc) =	sbr.rel @p0 .LBB2_1-.Ltmp9, $3  }
0x374: {  	_ =	sdelay $0x1  }
0x375: {  	[sflag:s10] =	ssyncset.done $0x0  }
0x376: {  	[sflag:s10] =	ssyncadd.s32 $0xFFFFFC00  }
0x377: {  	_ =	sfence.sel $0x180000  }
0x378: {  	[bflag:$0x0] =	sbarrier.arrive $0xFFFF  }
0x379: {  	_ =	strace $0x90000047  }
0x37a: {  	s0 =	stileid.u32;
	[bflag:$0x2] =	sbarrier.arrive $0xFFFF  }
0x37b: {  	p0 =	sne.s32 s0, $0x0;
	s0 =	rddreg [dreg:$0x3]  }
0x37c: {  	s0 =	sadd.s32 @!p0 $0x100000, s0  }
0x37d: {  	[sflag:s0] =	ssyncadd.tile.s32 @!p0 $0x1;
	_ =	shalt  }
.Lfunc_end2:
_tile_overlayer_lowered:
.L_overlay_start_2:
0x37e: {  	(tag) =	ssettag $0x2  }
0x37f: {  	s0 =	rddreg [dreg:$0x0];
	s2 =	stileid.u32  }
0x380: {  	s1 =	rddreg [dreg:$0x1];
	p0 =	sne.s32 s2, $0x0  }
0x381: {  	s3 =	rddreg [dreg:$0x2];
	[bflag:$0x3] =	sbarrier.arrive $0xFFFF;
	s2 =	simm.s32 @!p0 $0x1C09  }
0x382: {  	[timem:s3], [sflag:s2] =	dma.local @!p0 [hbm:s0], s1  }
0x383: {  	s0 =	simm.s32 @!p0 $0x9  }
0x384: {  	_ =	swait.ge @!p0 [sflag:s0], s1  }
0x385: {  	s1 =	ssub.s32 @!p0 $0x0, s1;
	[sflag:s0] =	ssyncset.done @!p0 $0x0  }
0x386: {  	[sflag:s0] =	ssyncadd.s32 @!p0 s1  }
0x387: {  	[bflag:$0x3] =	sbarrier.arrive $0xFFFF  }
0x388: {  	_ =	shalt  }

</sc_bundles>
